<compile_context>
chip_gen: v7x
topology: tpu7x:2x2x1
jax: 0.10.2.dev20260603
libtpu: 0.0.44.dev20260713+nightly
codegen_flags: <defaults>
</compile_context>

<pallas_src>
import functools
import jax
import jax.numpy as jnp
from jax import lax
from jax.experimental import pallas as pl
from jax.experimental.pallas import tpu as pltpu
from jax.experimental.pallas import tpu_sc as plsc

NN = 10000
EE = 320000
DD = 128
NC = 2
NS = 16
NPAD = 10240
CHUNK = 64
CPT = 160
EPAD = NC * NS * CPT * CHUNK
RPT = NPAD // NS

_mesh = plsc.VectorSubcoreMesh(
    core_axis_name="c", subcore_axis_name="s", num_cores=NC, num_subcores=NS)


@functools.partial(
    pl.kernel,
    out_type=jax.ShapeDtypeStruct((NC, NPAD, DD), jnp.float32),
    mesh=_mesh,
    scratch_types=[
        pltpu.VMEM((CPT, CHUNK), jnp.int32),
        pltpu.VMEM((CHUNK, DD), jnp.float32),
        pltpu.VMEM_SHARED((NPAD, DD), jnp.float32),
        pltpu.SemaphoreType.DMA,
    ],
)
def _deg_kernel(dst_hbm, zeros_hbm, out_hbm, dstb, ones, acc, sem):
    c = lax.axis_index("c")
    s = lax.axis_index("s")
    wid = c * NS + s

    def _fill(i, _):
        def _col(j, _):
            ones[i, pl.ds(j * 16, 16)] = jnp.ones((16,), jnp.float32)
            return 0
        lax.fori_loop(0, DD // 16, _col, 0)
        return 0
    lax.fori_loop(0, CHUNK, _fill, 0)

    pltpu.sync_copy(zeros_hbm.at[pl.ds(s * RPT, RPT)],
                    acc.at[pl.ds(s * RPT, RPT)])
    plsc.subcore_barrier()

    pltpu.sync_copy(dst_hbm.at[pl.ds(wid * CPT, CPT)], dstb)

    def _edges(i, _):
        for k in range(4):
            pltpu.async_copy(ones, acc.at[dstb.at[i * 4 + k]], sem, add=True)
        for k in range(4):
            pltpu.make_async_copy(ones, acc.at[dstb.at[0]], sem).wait()
        return 0
    lax.fori_loop(0, CPT // 4, _edges, 0)

    plsc.subcore_barrier()
    pltpu.sync_copy(acc.at[pl.ds(s * RPT, RPT)],
                    out_hbm.at[c, pl.ds(s * RPT, RPT)])


_NBUF = 4
_PASSES = 4
_PCH = CPT // _PASSES


@functools.partial(
    pl.kernel,
    out_type=jax.ShapeDtypeStruct((NC, NPAD, DD), jnp.float32),
    mesh=_mesh,
    scratch_types=[
        pltpu.VMEM((_PCH, CHUNK), jnp.int32),
        pltpu.VMEM((_PCH, CHUNK), jnp.int32),
        pltpu.VMEM_SHARED((NPAD, DD), jnp.float32),
    ]
    + [pltpu.VMEM((CHUNK, DD), jnp.float32) for _ in range(_NBUF)]
    + [pltpu.SemaphoreType.DMA for _ in range(2 * _NBUF)],
)
def _prop_kernel(y_hbm, src_hbm, dst_hbm, zeros_hbm, out_hbm,
                 srcb, dstb, acc, *bufs_and_sems):
    rows = bufs_and_sems[:_NBUF]
    gsem = bufs_and_sems[_NBUF:2 * _NBUF]
    ssem = bufs_and_sems[2 * _NBUF:]
    c = lax.axis_index("c")
    s = lax.axis_index("s")
    wid = c * NS + s

    pltpu.sync_copy(zeros_hbm.at[pl.ds(s * RPT, RPT)],
                    acc.at[pl.ds(s * RPT, RPT)])
    plsc.subcore_barrier()

    def gstart(j, k):
        pltpu.async_copy(y_hbm.at[srcb.at[j]], rows[k], gsem[k])

    def gwait(k):
        pltpu.make_async_copy(y_hbm.at[srcb.at[0]], rows[k], gsem[k]).wait()

    def sstart(j, k):
        pltpu.async_copy(rows[k], acc.at[dstb.at[j]], ssem[k], add=True)

    def swait(k):
        pltpu.make_async_copy(rows[k], acc.at[dstb.at[0]], ssem[k]).wait()

    for p in range(_PASSES):
        pltpu.sync_copy(src_hbm.at[pl.ds(wid * CPT + p * _PCH, _PCH)], srcb)
        pltpu.sync_copy(dst_hbm.at[pl.ds(wid * CPT + p * _PCH, _PCH)], dstb)

        for k in range(_NBUF):
            gstart(k, k)

        ngrp = _PCH // _NBUF

        def _grp(i, _):
            base = i * _NBUF
            for k in range(_NBUF):
                gwait(k)
                sstart(base + k, k)
            for k in range(_NBUF):
                swait(k)
                gstart(base + _NBUF + k, k)
            return 0
        lax.fori_loop(0, ngrp - 1, _grp, 0)

        base = (ngrp - 1) * _NBUF
        for k in range(_NBUF):
            gwait(k)
            sstart(base + k, k)
        for k in range(_NBUF):
            swait(k)

    plsc.subcore_barrier()
    pltpu.sync_copy(acc.at[pl.ds(s * RPT, RPT)],
                    out_hbm.at[c, pl.ds(s * RPT, RPT)])


_BR = 1280


def _tcmm_body(x_ref, w_ref, y_ref):
    y_ref[...] = jnp.dot(x_ref[...], w_ref[...],
                         preferred_element_type=jnp.float32)


def _tcmm(x, w):
    return pl.pallas_call(
        _tcmm_body,
        grid=(NPAD // _BR,),
        in_specs=[
            pl.BlockSpec((_BR, DD), lambda i: (i, 0)),
            pl.BlockSpec((DD, DD), lambda i: (0, 0)),
        ],
        out_specs=pl.BlockSpec((_BR, DD), lambda i: (i, 0)),
        out_shape=jax.ShapeDtypeStruct((NPAD, DD), jnp.float32),
    )(x, w)


def _tcscale_body(x_ref, dv_ref, y_ref):
    y_ref[...] = x_ref[...] * dv_ref[...]


def _tcscale(x, dvb):
    return pl.pallas_call(
        _tcscale_body,
        grid=(NPAD // _BR,),
        in_specs=[
            pl.BlockSpec((_BR, DD), lambda i: (i, 0)),
            pl.BlockSpec((_BR, DD), lambda i: (i, 0)),
        ],
        out_specs=pl.BlockSpec((_BR, DD), lambda i: (i, 0)),
        out_shape=jax.ShapeDtypeStruct((NPAD, DD), jnp.float32),
    )(x, dvb)


def _tc2_body(p_ref, dv_ref, h1_ref, y1_ref):
    dv = dv_ref[...]
    h = (p_ref[0] + p_ref[1]) * dv
    h1_ref[...] = h
    y1_ref[...] = h * dv


def _tc2(p, dvb):
    return pl.pallas_call(
        _tc2_body,
        grid=(NPAD // _BR,),
        in_specs=[
            pl.BlockSpec((NC, _BR, DD), lambda i: (0, i, 0)),
            pl.BlockSpec((_BR, DD), lambda i: (i, 0)),
        ],
        out_specs=[
            pl.BlockSpec((_BR, DD), lambda i: (i, 0)),
            pl.BlockSpec((_BR, DD), lambda i: (i, 0)),
        ],
        out_shape=[
            jax.ShapeDtypeStruct((NPAD, DD), jnp.float32),
            jax.ShapeDtypeStruct((NPAD, DD), jnp.float32),
        ],
    )(p, dvb)


_BR3 = 1000


def _tc3_body(q_ref, h1_ref, dv_ref, al_ref, out_ref):
    h2 = (q_ref[0] + q_ref[1]) * dv_ref[...]
    out_ref[...] = al_ref[0] * h1_ref[...] + al_ref[1] * h2


def _tc3(q, h1, dvb, alphas):
    return pl.pallas_call(
        _tc3_body,
        grid=(NN // _BR3,),
        in_specs=[
            pl.BlockSpec((NC, _BR3, DD), lambda i: (0, i, 0)),
            pl.BlockSpec((_BR3, DD), lambda i: (i, 0)),
            pl.BlockSpec((_BR3, DD), lambda i: (i, 0)),
            pl.BlockSpec(memory_space=pltpu.SMEM),
        ],
        out_specs=pl.BlockSpec((_BR3, DD), lambda i: (i, 0)),
        out_shape=jax.ShapeDtypeStruct((NN, DD), jnp.float32),
    )(q, h1, dvb, alphas)


def kernel(edge_index, in_feat, W, alphas):
    src = edge_index[0]
    dst = edge_index[1]
    npad_e = EPAD - EE
    padidx = NN + (jnp.arange(npad_e, dtype=jnp.int32) % 16)
    srcp = jnp.concatenate([src, padidx]).reshape(-1, CHUNK)
    dstp = jnp.concatenate([dst, padidx]).reshape(-1, CHUNK)

    zerosd = jnp.zeros((NPAD, DD), jnp.float32)

    degp = _deg_kernel(dstp, zerosd)
    deg = jnp.maximum(degp[0, :, 0] + degp[1, :, 0], 1.0)
    dv = lax.rsqrt(deg)
    dvb = jnp.broadcast_to(dv[:, None], (NPAD, DD))

    in_pad = jnp.zeros((NPAD, DD), jnp.float32).at[:NN].set(in_feat)
    x0 = _tcmm(in_pad, W)
    y0 = _tcscale(x0, dvb)
    p = _prop_kernel(y0, srcp, dstp, zerosd)
    h1, y1 = _tc2(p, dvb)
    q = _prop_kernel(y1, srcp, dstp, zerosd)
    return _tc3(q, h1, dvb, alphas)

# --- scband reference (transcript-rebuilt; emitter-appended) ---
"""Pipeline reference for scband-light-gcn-39281770889757 (READ-ONLY COPY).

The authoritative reference and input builder live on the scoring server;
editing this copy changes nothing except your own understanding.
"""

import jax, jax.numpy as jnp
import numpy as np

N = 10000
E = 320000
D_IN = 128
D_H = 128
PROP = 2


def setup_inputs(seed: int = 0) -> dict:
    key = jax.random.key(seed)
    k1, k2, k3 = jax.random.split(key, 3)
    in_feat = jax.random.normal(k1, (N, D_IN), dtype=jnp.float32)
    edge_index = jax.random.randint(k2, (2, E), 0, N, dtype=jnp.int32)
    W = jax.random.normal(k3, (D_IN, D_H), dtype=jnp.float32) * (1.0 / np.sqrt(D_IN))
    alphas = jnp.ones((PROP,), dtype=jnp.float32)
    return {"edge_index": edge_index, "in_feat": in_feat, "W": W, "alphas": alphas}


def _propagate(x, src, dst, norm):
    # GCN message passing: gather from src, scale by sym-norm coeff, scatter-add to dst
    msg = jnp.take(x, src, axis=0) * norm[:, None]
    return jax.ops.segment_sum(msg, dst, num_segments=N)


def reference(edge_index, in_feat, W, alphas):
    src = edge_index[0]
    dst = edge_index[1]
    ones = jnp.ones((E,), dtype=jnp.float32)
    deg = jax.ops.segment_sum(ones, dst, num_segments=N)
    deg = jnp.maximum(deg, 1.0)
    # symmetric normalization D^{-1/2} A D^{-1/2}
    norm = jax.lax.rsqrt(jnp.take(deg, src) * jnp.take(deg, dst))
    # conv1: weight=True, bias=False -> linear transform then propagate
    h = _propagate(in_feat @ W, src, dst, norm)
    res = h * alphas[0]
    # conv2: weight=False -> pure propagation; norm=False, relu=False so no norm/act
    for i in range(1, PROP):
        h = _propagate(h, src, dst, norm)
        res = res + h * alphas[i]
    return res

if __name__ == "__main__":
    import jax
    _d = setup_inputs()
    print(jax.jit(kernel)(*tuple(_d.values())))

</pallas_src>

<mosaic_0001>
#map = affine_map<(d0, d1) -> (0, 0)>
#map1 = affine_map<(d0, d1) -> (0, 0, 0)>
module attributes {stable_mosaic.version = 14 : i64} {
  func.func @_prop_kernel(%arg0: i32, %arg1: i32, %arg2: memref<10240x128xf32, #tpu.memory_space<hbm>>, %arg3: memref<5120x64xi32, #tpu.memory_space<hbm>>, %arg4: memref<5120x64xi32, #tpu.memory_space<hbm>>, %arg5: memref<10240x128xf32, #tpu.memory_space<hbm>>, %arg6: memref<2x10240x128xf32, #tpu.memory_space<hbm>>, %arg7: memref<40x64xi32, #tpu.memory_space<vmem>>, %arg8: memref<40x64xi32, #tpu.memory_space<vmem>>, %arg9: memref<10240x128xf32, #tpu.memory_space<vmem_shared>>, %arg10: memref<64x128xf32, #tpu.memory_space<vmem>>, %arg11: memref<64x128xf32, #tpu.memory_space<vmem>>, %arg12: memref<64x128xf32, #tpu.memory_space<vmem>>, %arg13: memref<64x128xf32, #tpu.memory_space<vmem>>, %arg14: memref<!tpu.dma_semaphore, #tpu.memory_space<semaphore_mem>>, %arg15: memref<!tpu.dma_semaphore, #tpu.memory_space<semaphore_mem>>, %arg16: memref<!tpu.dma_semaphore, #tpu.memory_space<semaphore_mem>>, %arg17: memref<!tpu.dma_semaphore, #tpu.memory_space<semaphore_mem>>, %arg18: memref<!tpu.dma_semaphore, #tpu.memory_space<semaphore_mem>>, %arg19: memref<!tpu.dma_semaphore, #tpu.memory_space<semaphore_mem>>, %arg20: memref<!tpu.dma_semaphore, #tpu.memory_space<semaphore_mem>>, %arg21: memref<!tpu.dma_semaphore, #tpu.memory_space<semaphore_mem>>) attributes {dimension_semantics = [#tpu.dimension_semantics<core_parallel>, #tpu.dimension_semantics<subcore_parallel>], iteration_bounds = array<i64: 2, 16>, scalar_prefetch = 0 : i64, scratch_operands = 15 : i64, tpu.core_type = #tpu.core_type<sc_vector_subcore>, window_params = [{transform_indices = #map}, {transform_indices = #map}, {transform_indices = #map}, {transform_indices = #map}, {transform_indices = #map1}]} {
    %mul3A = arith.constant 16 : i32
    %mul3A_0 = arith.muli %arg0, %mul3A : i32
    %add3A = arith.addi %mul3A_0, %arg1 : i32
    %mul3A_1 = arith.constant 640 : i32
    %mul3A_2 = arith.muli %arg1, %mul3A_1 : i32
    %mul3A_3 = arith.constant 640 : i32
    %mul3A_4 = arith.muli %arg1, %mul3A_3 : i32
    "tpu.region"() ({
      %run_scoped3A = tpu.sem_alloc : memref<!tpu.dma_semaphore, #tpu.memory_space<semaphore_mem>>
      %dma_start3A_515 = arith.constant 0 : i32
      %dma_start3A_516 = tpu.memref_slice %arg9[%mul3A_4, %dma_start3A_515] : memref<10240x128xf32, #tpu.memory_space<vmem_shared>> -> memref<640x128xf32, #tpu.memory_space<vmem_shared>>
      %dma_start3A_517 = arith.constant 0 : i32
      %dma_start3A_518 = tpu.memref_slice %arg5[%mul3A_2, %dma_start3A_517] : memref<10240x128xf32, #tpu.memory_space<hbm>> -> memref<640x128xf32, #tpu.memory_space<hbm>>
      tpu.enqueue_dma source(%dma_start3A_518 : memref<640x128xf32, #tpu.memory_space<hbm>>) target(%dma_start3A_516 : memref<640x128xf32, #tpu.memory_space<vmem_shared>>) target_semaphore(%run_scoped3A : memref<!tpu.dma_semaphore, #tpu.memory_space<semaphore_mem>>)
      %dma_wait3A_519 = arith.constant 0 : i32
      %dma_wait3A_520 = tpu.memref_slice %arg9[%mul3A_4, %dma_wait3A_519] : memref<10240x128xf32, #tpu.memory_space<vmem_shared>> -> memref<640x128xf32, #tpu.memory_space<vmem_shared>>
      %dma_wait3A_521 = arith.constant 0 : i32
      %dma_wait3A_522 = tpu.memref_slice %arg5[%mul3A_2, %dma_wait3A_521] : memref<10240x128xf32, #tpu.memory_space<hbm>> -> memref<640x128xf32, #tpu.memory_space<hbm>>
      tpu.wait_dma2 semaphore(%run_scoped3A : memref<!tpu.dma_semaphore, #tpu.memory_space<semaphore_mem>>) src(%dma_wait3A_522 : memref<640x128xf32, #tpu.memory_space<hbm>>) dst(%dma_wait3A_520 : memref<640x128xf32, #tpu.memory_space<vmem_shared>>)
      tpu.yield
    }) : () -> ()
    %barrier3A = arith.constant 0 : index
    tpu.barrier barrier_id(%barrier3A)
    %mul3A_5 = arith.constant 160 : i32
    %mul3A_6 = arith.muli %add3A, %mul3A_5 : i32
    %add3A_7 = arith.constant 0 : i32
    %add3A_8 = arith.addi %mul3A_6, %add3A_7 : i32
    "tpu.region"() ({
      %run_scoped3A = tpu.sem_alloc : memref<!tpu.dma_semaphore, #tpu.memory_space<semaphore_mem>>
      %dma_start3A_515 = arith.constant 0 : i32
      %dma_start3A_516 = tpu.memref_slice %arg3[%add3A_8, %dma_start3A_515] : memref<5120x64xi32, #tpu.memory_space<hbm>> -> memref<40x64xi32, #tpu.memory_space<hbm>>
      %dma_start3A_517 = arith.constant 0 : i32
      %dma_start3A_518 = tpu.memref_slice %arg3[%add3A_8, %dma_start3A_517] : memref<5120x64xi32, #tpu.memory_space<hbm>> -> memref<40x64xi32, #tpu.memory_space<hbm>>
      tpu.enqueue_dma source(%dma_start3A_518 : memref<40x64xi32, #tpu.memory_space<hbm>>) target(%arg7 : memref<40x64xi32, #tpu.memory_space<vmem>>) target_semaphore(%run_scoped3A : memref<!tpu.dma_semaphore, #tpu.memory_space<semaphore_mem>>)
      %dma_wait3A_519 = arith.constant 0 : i32
      %dma_wait3A_520 = tpu.memref_slice %arg3[%add3A_8, %dma_wait3A_519] : memref<5120x64xi32, #tpu.memory_space<hbm>> -> memref<40x64xi32, #tpu.memory_space<hbm>>
      %dma_wait3A_521 = arith.constant 0 : i32
      %dma_wait3A_522 = tpu.memref_slice %arg3[%add3A_8, %dma_wait3A_521] : memref<5120x64xi32, #tpu.memory_space<hbm>> -> memref<40x64xi32, #tpu.memory_space<hbm>>
      tpu.wait_dma2 semaphore(%run_scoped3A : memref<!tpu.dma_semaphore, #tpu.memory_space<semaphore_mem>>) src(%dma_wait3A_522 : memref<40x64xi32, #tpu.memory_space<hbm>>) dst(%arg7 : memref<40x64xi32, #tpu.memory_space<vmem>>)
      tpu.yield
    }) : () -> ()
    %mul3A_9 = arith.constant 160 : i32
    %mul3A_10 = arith.muli %add3A, %mul3A_9 : i32
    %add3A_11 = arith.constant 0 : i32
    %add3A_12 = arith.addi %mul3A_10, %add3A_11 : i32
    "tpu.region"() ({
      %run_scoped3A = tpu.sem_alloc : memref<!tpu.dma_semaphore, #tpu.memory_space<semaphore_mem>>
      %dma_start3A_515 = arith.constant 0 : i32
      %dma_start3A_516 = tpu.memref_slice %arg4[%add3A_12, %dma_start3A_515] : memref<5120x64xi32, #tpu.memory_space<hbm>> -> memref<40x64xi32, #tpu.memory_space<hbm>>
      %dma_start3A_517 = arith.constant 0 : i32
      %dma_start3A_518 = tpu.memref_slice %arg4[%add3A_12, %dma_start3A_517] : memref<5120x64xi32, #tpu.memory_space<hbm>> -> memref<40x64xi32, #tpu.memory_space<hbm>>
      tpu.enqueue_dma source(%dma_start3A_518 : memref<40x64xi32, #tpu.memory_space<hbm>>) target(%arg8 : memref<40x64xi32, #tpu.memory_space<vmem>>) target_semaphore(%run_scoped3A : memref<!tpu.dma_semaphore, #tpu.memory_space<semaphore_mem>>)
      %dma_wait3A_519 = arith.constant 0 : i32
      %dma_wait3A_520 = tpu.memref_slice %arg4[%add3A_12, %dma_wait3A_519] : memref<5120x64xi32, #tpu.memory_space<hbm>> -> memref<40x64xi32, #tpu.memory_space<hbm>>
      %dma_wait3A_521 = arith.constant 0 : i32
      %dma_wait3A_522 = tpu.memref_slice %arg4[%add3A_12, %dma_wait3A_521] : memref<5120x64xi32, #tpu.memory_space<hbm>> -> memref<40x64xi32, #tpu.memory_space<hbm>>
      tpu.wait_dma2 semaphore(%run_scoped3A : memref<!tpu.dma_semaphore, #tpu.memory_space<semaphore_mem>>) src(%dma_wait3A_522 : memref<40x64xi32, #tpu.memory_space<hbm>>) dst(%arg8 : memref<40x64xi32, #tpu.memory_space<vmem>>)
      tpu.yield
    }) : () -> ()
    %dma_start3A = arith.constant 0 : i32
    %dma_start3A_13 = arith.constant 0 : i32
    %dma_start3A_14 = tpu.memref_slice %arg7[%dma_start3A, %dma_start3A_13] : memref<40x64xi32, #tpu.memory_space<vmem>> -> memref<1x64xi32, #tpu.memory_space<vmem>>
    %dma_start3A_15 = tpu.memref_squeeze %dma_start3A_14 : memref<1x64xi32, #tpu.memory_space<vmem>> -> memref<64xi32, #tpu.memory_space<vmem>>
    %dma_start3A_16 = arith.constant 0 : i32
    %dma_start3A_17 = arith.constant 0 : i32
    %dma_start3A_18 = tpu.memref_slice %arg2[%dma_start3A_16, %dma_start3A_17] : memref<10240x128xf32, #tpu.memory_space<hbm>> -> memref<10240x128xf32, #tpu.memory_space<hbm>>
    tpu.enqueue_indirect_dma source(%dma_start3A_18 : memref<10240x128xf32, #tpu.memory_space<hbm>>) target(%arg10 : memref<64x128xf32, #tpu.memory_space<vmem>>) offsets(%dma_start3A_15 : memref<64xi32, #tpu.memory_space<vmem>>) semaphore(%arg14 : memref<!tpu.dma_semaphore, #tpu.memory_space<semaphore_mem>>)
    %dma_start3A_19 = arith.constant 1 : i32
    %dma_start3A_20 = arith.constant 0 : i32
    %dma_start3A_21 = tpu.memref_slice %arg7[%dma_start3A_19, %dma_start3A_20] : memref<40x64xi32, #tpu.memory_space<vmem>> -> memref<1x64xi32, #tpu.memory_space<vmem>>
    %dma_start3A_22 = tpu.memref_squeeze %dma_start3A_21 : memref<1x64xi32, #tpu.memory_space<vmem>> -> memref<64xi32, #tpu.memory_space<vmem>>
    %dma_start3A_23 = arith.constant 0 : i32
    %dma_start3A_24 = arith.constant 0 : i32
    %dma_start3A_25 = tpu.memref_slice %arg2[%dma_start3A_23, %dma_start3A_24] : memref<10240x128xf32, #tpu.memory_space<hbm>> -> memref<10240x128xf32, #tpu.memory_space<hbm>>
    tpu.enqueue_indirect_dma source(%dma_start3A_25 : memref<10240x128xf32, #tpu.memory_space<hbm>>) target(%arg11 : memref<64x128xf32, #tpu.memory_space<vmem>>) offsets(%dma_start3A_22 : memref<64xi32, #tpu.memory_space<vmem>>) semaphore(%arg15 : memref<!tpu.dma_semaphore, #tpu.memory_space<semaphore_mem>>)
    %dma_start3A_26 = arith.constant 2 : i32
    %dma_start3A_27 = arith.constant 0 : i32
    %dma_start3A_28 = tpu.memref_slice %arg7[%dma_start3A_26, %dma_start3A_27] : memref<40x64xi32, #tpu.memory_space<vmem>> -> memref<1x64xi32, #tpu.memory_space<vmem>>
    %dma_start3A_29 = tpu.memref_squeeze %dma_start3A_28 : memref<1x64xi32, #tpu.memory_space<vmem>> -> memref<64xi32, #tpu.memory_space<vmem>>
    %dma_start3A_30 = arith.constant 0 : i32
    %dma_start3A_31 = arith.constant 0 : i32
    %dma_start3A_32 = tpu.memref_slice %arg2[%dma_start3A_30, %dma_start3A_31] : memref<10240x128xf32, #tpu.memory_space<hbm>> -> memref<10240x128xf32, #tpu.memory_space<hbm>>
    tpu.enqueue_indirect_dma source(%dma_start3A_32 : memref<10240x128xf32, #tpu.memory_space<hbm>>) target(%arg12 : memref<64x128xf32, #tpu.memory_space<vmem>>) offsets(%dma_start3A_29 : memref<64xi32, #tpu.memory_space<vmem>>) semaphore(%arg16 : memref<!tpu.dma_semaphore, #tpu.memory_space<semaphore_mem>>)
    %dma_start3A_33 = arith.constant 3 : i32
    %dma_start3A_34 = arith.constant 0 : i32
    %dma_start3A_35 = tpu.memref_slice %arg7[%dma_start3A_33, %dma_start3A_34] : memref<40x64xi32, #tpu.memory_space<vmem>> -> memref<1x64xi32, #tpu.memory_space<vmem>>
    %dma_start3A_36 = tpu.memref_squeeze %dma_start3A_35 : memref<1x64xi32, #tpu.memory_space<vmem>> -> memref<64xi32, #tpu.memory_space<vmem>>
    %dma_start3A_37 = arith.constant 0 : i32
    %dma_start3A_38 = arith.constant 0 : i32
    %dma_start3A_39 = tpu.memref_slice %arg2[%dma_start3A_37, %dma_start3A_38] : memref<10240x128xf32, #tpu.memory_space<hbm>> -> memref<10240x128xf32, #tpu.memory_space<hbm>>
    tpu.enqueue_indirect_dma source(%dma_start3A_39 : memref<10240x128xf32, #tpu.memory_space<hbm>>) target(%arg13 : memref<64x128xf32, #tpu.memory_space<vmem>>) offsets(%dma_start3A_36 : memref<64xi32, #tpu.memory_space<vmem>>) semaphore(%arg17 : memref<!tpu.dma_semaphore, #tpu.memory_space<semaphore_mem>>)
    %scan3A = arith.constant 0 : i32
    %scan3A_40 = arith.constant 0 : i32
    %scan3A_41 = arith.constant 9 : i32
    %scan3A_42 = arith.addi %scan3A_40, %scan3A_41 : i32
    %scan3A_43 = arith.constant 1 : i32
    %scan3A_44 = scf.for %scan3A_515 = %scan3A_40 to %scan3A_42 step %scan3A_43 iter_args(%scan3A_516 = %scan3A) -> (i32)  : i32 {
      %mul3A_517 = arith.constant 4 : i32
      %mul3A_518 = arith.muli %scan3A_515, %mul3A_517 : i32
      %dma_wait3A_519 = arith.constant 0 : i32
      %dma_wait3A_520 = arith.constant 0 : i32
      %dma_wait3A_521 = tpu.memref_slice %arg7[%dma_wait3A_519, %dma_wait3A_520] : memref<40x64xi32, #tpu.memory_space<vmem>> -> memref<1x64xi32, #tpu.memory_space<vmem>>
      %dma_wait3A_522 = tpu.memref_squeeze %dma_wait3A_521 : memref<1x64xi32, #tpu.memory_space<vmem>> -> memref<64xi32, #tpu.memory_space<vmem>>
      %dma_wait3A_523 = arith.constant 0 : i32
      %dma_wait3A_524 = arith.constant 0 : i32
      %dma_wait3A_525 = tpu.memref_slice %arg2[%dma_wait3A_523, %dma_wait3A_524] : memref<10240x128xf32, #tpu.memory_space<hbm>> -> memref<10240x128xf32, #tpu.memory_space<hbm>>
      tpu.wait_indirect_dma semaphore(%arg14 : memref<!tpu.dma_semaphore, #tpu.memory_space<semaphore_mem>>) src(%dma_wait3A_525 : memref<10240x128xf32, #tpu.memory_space<hbm>>) dst(%arg10 : memref<64x128xf32, #tpu.memory_space<vmem>>)
      %add3A_526 = arith.constant 0 : i32
      %add3A_527 = arith.addi %mul3A_518, %add3A_526 : i32
      %dma_start3A_528 = arith.constant 0 : i32
      %dma_start3A_529 = tpu.memref_slice %arg8[%add3A_527, %dma_start3A_528] : memref<40x64xi32, #tpu.memory_space<vmem>> -> memref<1x64xi32, #tpu.memory_space<vmem>>
      %dma_start3A_530 = tpu.memref_squeeze %dma_start3A_529 : memref<1x64xi32, #tpu.memory_space<vmem>> -> memref<64xi32, #tpu.memory_space<vmem>>
      %dma_start3A_531 = arith.constant 0 : i32
      %dma_start3A_532 = arith.constant 0 : i32
      %dma_start3A_533 = tpu.memref_slice %arg9[%dma_start3A_531, %dma_start3A_532] : memref<10240x128xf32, #tpu.memory_space<vmem_shared>> -> memref<10240x128xf32, #tpu.memory_space<vmem_shared>>
      tpu.enqueue_indirect_dma source(%arg10 : memref<64x128xf32, #tpu.memory_space<vmem>>) target(%dma_start3A_533 : memref<10240x128xf32, #tpu.memory_space<vmem_shared>>) offsets(%dma_start3A_530 : memref<64xi32, #tpu.memory_space<vmem>>) semaphore(%arg18 : memref<!tpu.dma_semaphore, #tpu.memory_space<semaphore_mem>>) {add = true}
      %dma_wait3A_534 = arith.constant 0 : i32
      %dma_wait3A_535 = arith.constant 0 : i32
      %dma_wait3A_536 = tpu.memref_slice %arg7[%dma_wait3A_534, %dma_wait3A_535] : memref<40x64xi32, #tpu.memory_space<vmem>> -> memref<1x64xi32, #tpu.memory_space<vmem>>
      %dma_wait3A_537 = tpu.memref_squeeze %dma_wait3A_536 : memref<1x64xi32, #tpu.memory_space<vmem>> -> memref<64xi32, #tpu.memory_space<vmem>>
      %dma_wait3A_538 = arith.constant 0 : i32
      %dma_wait3A_539 = arith.constant 0 : i32
      %dma_wait3A_540 = tpu.memref_slice %arg2[%dma_wait3A_538, %dma_wait3A_539] : memref<10240x128xf32, #tpu.memory_space<hbm>> -> memref<10240x128xf32, #tpu.memory_space<hbm>>
      tpu.wait_indirect_dma semaphore(%arg15 : memref<!tpu.dma_semaphore, #tpu.memory_space<semaphore_mem>>) src(%dma_wait3A_540 : memref<10240x128xf32, #tpu.memory_space<hbm>>) dst(%arg11 : memref<64x128xf32, #tpu.memory_space<vmem>>)
      %add3A_541 = arith.constant 1 : i32
      %add3A_542 = arith.addi %mul3A_518, %add3A_541 : i32
      %dma_start3A_543 = arith.constant 0 : i32
      %dma_start3A_544 = tpu.memref_slice %arg8[%add3A_542, %dma_start3A_543] : memref<40x64xi32, #tpu.memory_space<vmem>> -> memref<1x64xi32, #tpu.memory_space<vmem>>
      %dma_start3A_545 = tpu.memref_squeeze %dma_start3A_544 : memref<1x64xi32, #tpu.memory_space<vmem>> -> memref<64xi32, #tpu.memory_space<vmem>>
      %dma_start3A_546 = arith.constant 0 : i32
      %dma_start3A_547 = arith.constant 0 : i32
      %dma_start3A_548 = tpu.memref_slice %arg9[%dma_start3A_546, %dma_start3A_547] : memref<10240x128xf32, #tpu.memory_space<vmem_shared>> -> memref<10240x128xf32, #tpu.memory_space<vmem_shared>>
      tpu.enqueue_indirect_dma source(%arg11 : memref<64x128xf32, #tpu.memory_space<vmem>>) target(%dma_start3A_548 : memref<10240x128xf32, #tpu.memory_space<vmem_shared>>) offsets(%dma_start3A_545 : memref<64xi32, #tpu.memory_space<vmem>>) semaphore(%arg19 : memref<!tpu.dma_semaphore, #tpu.memory_space<semaphore_mem>>) {add = true}
      %dma_wait3A_549 = arith.constant 0 : i32
      %dma_wait3A_550 = arith.constant 0 : i32
      %dma_wait3A_551 = tpu.memref_slice %arg7[%dma_wait3A_549, %dma_wait3A_550] : memref<40x64xi32, #tpu.memory_space<vmem>> -> memref<1x64xi32, #tpu.memory_space<vmem>>
      %dma_wait3A_552 = tpu.memref_squeeze %dma_wait3A_551 : memref<1x64xi32, #tpu.memory_space<vmem>> -> memref<64xi32, #tpu.memory_space<vmem>>
      %dma_wait3A_553 = arith.constant 0 : i32
      %dma_wait3A_554 = arith.constant 0 : i32
      %dma_wait3A_555 = tpu.memref_slice %arg2[%dma_wait3A_553, %dma_wait3A_554] : memref<10240x128xf32, #tpu.memory_space<hbm>> -> memref<10240x128xf32, #tpu.memory_space<hbm>>
      tpu.wait_indirect_dma semaphore(%arg16 : memref<!tpu.dma_semaphore, #tpu.memory_space<semaphore_mem>>) src(%dma_wait3A_555 : memref<10240x128xf32, #tpu.memory_space<hbm>>) dst(%arg12 : memref<64x128xf32, #tpu.memory_space<vmem>>)
      %add3A_556 = arith.constant 2 : i32
      %add3A_557 = arith.addi %mul3A_518, %add3A_556 : i32
      %dma_start3A_558 = arith.constant 0 : i32
      %dma_start3A_559 = tpu.memref_slice %arg8[%add3A_557, %dma_start3A_558] : memref<40x64xi32, #tpu.memory_space<vmem>> -> memref<1x64xi32, #tpu.memory_space<vmem>>
      %dma_start3A_560 = tpu.memref_squeeze %dma_start3A_559 : memref<1x64xi32, #tpu.memory_space<vmem>> -> memref<64xi32, #tpu.memory_space<vmem>>
      %dma_start3A_561 = arith.constant 0 : i32
      %dma_start3A_562 = arith.constant 0 : i32
      %dma_start3A_563 = tpu.memref_slice %arg9[%dma_start3A_561, %dma_start3A_562] : memref<10240x128xf32, #tpu.memory_space<vmem_shared>> -> memref<10240x128xf32, #tpu.memory_space<vmem_shared>>
      tpu.enqueue_indirect_dma source(%arg12 : memref<64x128xf32, #tpu.memory_space<vmem>>) target(%dma_start3A_563 : memref<10240x128xf32, #tpu.memory_space<vmem_shared>>) offsets(%dma_start3A_560 : memref<64xi32, #tpu.memory_space<vmem>>) semaphore(%arg20 : memref<!tpu.dma_semaphore, #tpu.memory_space<semaphore_mem>>) {add = true}
      %dma_wait3A_564 = arith.constant 0 : i32
      %dma_wait3A_565 = arith.constant 0 : i32
      %dma_wait3A_566 = tpu.memref_slice %arg7[%dma_wait3A_564, %dma_wait3A_565] : memref<40x64xi32, #tpu.memory_space<vmem>> -> memref<1x64xi32, #tpu.memory_space<vmem>>
      %dma_wait3A_567 = tpu.memref_squeeze %dma_wait3A_566 : memref<1x64xi32, #tpu.memory_space<vmem>> -> memref<64xi32, #tpu.memory_space<vmem>>
      %dma_wait3A_568 = arith.constant 0 : i32
      %dma_wait3A_569 = arith.constant 0 : i32
      %dma_wait3A_570 = tpu.memref_slice %arg2[%dma_wait3A_568, %dma_wait3A_569] : memref<10240x128xf32, #tpu.memory_space<hbm>> -> memref<10240x128xf32, #tpu.memory_space<hbm>>
      tpu.wait_indirect_dma semaphore(%arg17 : memref<!tpu.dma_semaphore, #tpu.memory_space<semaphore_mem>>) src(%dma_wait3A_570 : memref<10240x128xf32, #tpu.memory_space<hbm>>) dst(%arg13 : memref<64x128xf32, #tpu.memory_space<vmem>>)
      %add3A_571 = arith.constant 3 : i32
      %add3A_572 = arith.addi %mul3A_518, %add3A_571 : i32
      %dma_start3A_573 = arith.constant 0 : i32
      %dma_start3A_574 = tpu.memref_slice %arg8[%add3A_572, %dma_start3A_573] : memref<40x64xi32, #tpu.memory_space<vmem>> -> memref<1x64xi32, #tpu.memory_space<vmem>>
      %dma_start3A_575 = tpu.memref_squeeze %dma_start3A_574 : memref<1x64xi32, #tpu.memory_space<vmem>> -> memref<64xi32, #tpu.memory_space<vmem>>
      %dma_start3A_576 = arith.constant 0 : i32
      %dma_start3A_577 = arith.constant 0 : i32
      %dma_start3A_578 = tpu.memref_slice %arg9[%dma_start3A_576, %dma_start3A_577] : memref<10240x128xf32, #tpu.memory_space<vmem_shared>> -> memref<10240x128xf32, #tpu.memory_space<vmem_shared>>
      tpu.enqueue_indirect_dma source(%arg13 : memref<64x128xf32, #tpu.memory_space<vmem>>) target(%dma_start3A_578 : memref<10240x128xf32, #tpu.memory_space<vmem_shared>>) offsets(%dma_start3A_575 : memref<64xi32, #tpu.memory_space<vmem>>) semaphore(%arg21 : memref<!tpu.dma_semaphore, #tpu.memory_space<semaphore_mem>>) {add = true}
      %dma_wait3A_579 = arith.constant 0 : i32
      %dma_wait3A_580 = arith.constant 0 : i32
      %dma_wait3A_581 = tpu.memref_slice %arg8[%dma_wait3A_579, %dma_wait3A_580] : memref<40x64xi32, #tpu.memory_space<vmem>> -> memref<1x64xi32, #tpu.memory_space<vmem>>
      %dma_wait3A_582 = tpu.memref_squeeze %dma_wait3A_581 : memref<1x64xi32, #tpu.memory_space<vmem>> -> memref<64xi32, #tpu.memory_space<vmem>>
      %dma_wait3A_583 = arith.constant 0 : i32
      %dma_wait3A_584 = arith.constant 0 : i32
      %dma_wait3A_585 = tpu.memref_slice %arg9[%dma_wait3A_583, %dma_wait3A_584] : memref<10240x128xf32, #tpu.memory_space<vmem_shared>> -> memref<10240x128xf32, #tpu.memory_space<vmem_shared>>
      tpu.wait_indirect_dma semaphore(%arg18 : memref<!tpu.dma_semaphore, #tpu.memory_space<semaphore_mem>>) src(%arg10 : memref<64x128xf32, #tpu.memory_space<vmem>>) dst(%dma_wait3A_585 : memref<10240x128xf32, #tpu.memory_space<vmem_shared>>)
      %add3A_586 = arith.constant 4 : i32
      %add3A_587 = arith.addi %mul3A_518, %add3A_586 : i32
      %add3A_588 = arith.constant 0 : i32
      %add3A_589 = arith.addi %add3A_587, %add3A_588 : i32
      %dma_start3A_590 = arith.constant 0 : i32
      %dma_start3A_591 = tpu.memref_slice %arg7[%add3A_589, %dma_start3A_590] : memref<40x64xi32, #tpu.memory_space<vmem>> -> memref<1x64xi32, #tpu.memory_space<vmem>>
      %dma_start3A_592 = tpu.memref_squeeze %dma_start3A_591 : memref<1x64xi32, #tpu.memory_space<vmem>> -> memref<64xi32, #tpu.memory_space<vmem>>
      %dma_start3A_593 = arith.constant 0 : i32
      %dma_start3A_594 = arith.constant 0 : i32
      %dma_start3A_595 = tpu.memref_slice %arg2[%dma_start3A_593, %dma_start3A_594] : memref<10240x128xf32, #tpu.memory_space<hbm>> -> memref<10240x128xf32, #tpu.memory_space<hbm>>
      tpu.enqueue_indirect_dma source(%dma_start3A_595 : memref<10240x128xf32, #tpu.memory_space<hbm>>) target(%arg10 : memref<64x128xf32, #tpu.memory_space<vmem>>) offsets(%dma_start3A_592 : memref<64xi32, #tpu.memory_space<vmem>>) semaphore(%arg14 : memref<!tpu.dma_semaphore, #tpu.memory_space<semaphore_mem>>)
      %dma_wait3A_596 = arith.constant 0 : i32
      %dma_wait3A_597 = arith.constant 0 : i32
      %dma_wait3A_598 = tpu.memref_slice %arg8[%dma_wait3A_596, %dma_wait3A_597] : memref<40x64xi32, #tpu.memory_space<vmem>> -> memref<1x64xi32, #tpu.memory_space<vmem>>
      %dma_wait3A_599 = tpu.memref_squeeze %dma_wait3A_598 : memref<1x64xi32, #tpu.memory_space<vmem>> -> memref<64xi32, #tpu.memory_space<vmem>>
      %dma_wait3A_600 = arith.constant 0 : i32
      %dma_wait3A_601 = arith.constant 0 : i32
      %dma_wait3A_602 = tpu.memref_slice %arg9[%dma_wait3A_600, %dma_wait3A_601] : memref<10240x128xf32, #tpu.memory_space<vmem_shared>> -> memref<10240x128xf32, #tpu.memory_space<vmem_shared>>
      tpu.wait_indirect_dma semaphore(%arg19 : memref<!tpu.dma_semaphore, #tpu.memory_space<semaphore_mem>>) src(%arg11 : memref<64x128xf32, #tpu.memory_space<vmem>>) dst(%dma_wait3A_602 : memref<10240x128xf32, #tpu.memory_space<vmem_shared>>)
      %add3A_603 = arith.constant 4 : i32
      %add3A_604 = arith.addi %mul3A_518, %add3A_603 : i32
      %add3A_605 = arith.constant 1 : i32
      %add3A_606 = arith.addi %add3A_604, %add3A_605 : i32
      %dma_start3A_607 = arith.constant 0 : i32
      %dma_start3A_608 = tpu.memref_slice %arg7[%add3A_606, %dma_start3A_607] : memref<40x64xi32, #tpu.memory_space<vmem>> -> memref<1x64xi32, #tpu.memory_space<vmem>>
      %dma_start3A_609 = tpu.memref_squeeze %dma_start3A_608 : memref<1x64xi32, #tpu.memory_space<vmem>> -> memref<64xi32, #tpu.memory_space<vmem>>
      %dma_start3A_610 = arith.constant 0 : i32
      %dma_start3A_611 = arith.constant 0 : i32
      %dma_start3A_612 = tpu.memref_slice %arg2[%dma_start3A_610, %dma_start3A_611] : memref<10240x128xf32, #tpu.memory_space<hbm>> -> memref<10240x128xf32, #tpu.memory_space<hbm>>
      tpu.enqueue_indirect_dma source(%dma_start3A_612 : memref<10240x128xf32, #tpu.memory_space<hbm>>) target(%arg11 : memref<64x128xf32, #tpu.memory_space<vmem>>) offsets(%dma_start3A_609 : memref<64xi32, #tpu.memory_space<vmem>>) semaphore(%arg15 : memref<!tpu.dma_semaphore, #tpu.memory_space<semaphore_mem>>)
      %dma_wait3A_613 = arith.constant 0 : i32
      %dma_wait3A_614 = arith.constant 0 : i32
      %dma_wait3A_615 = tpu.memref_slice %arg8[%dma_wait3A_613, %dma_wait3A_614] : memref<40x64xi32, #tpu.memory_space<vmem>> -> memref<1x64xi32, #tpu.memory_space<vmem>>
      %dma_wait3A_616 = tpu.memref_squeeze %dma_wait3A_615 : memref<1x64xi32, #tpu.memory_space<vmem>> -> memref<64xi32, #tpu.memory_space<vmem>>
      %dma_wait3A_617 = arith.constant 0 : i32
      %dma_wait3A_618 = arith.constant 0 : i32
      %dma_wait3A_619 = tpu.memref_slice %arg9[%dma_wait3A_617, %dma_wait3A_618] : memref<10240x128xf32, #tpu.memory_space<vmem_shared>> -> memref<10240x128xf32, #tpu.memory_space<vmem_shared>>
      tpu.wait_indirect_dma semaphore(%arg20 : memref<!tpu.dma_semaphore, #tpu.memory_space<semaphore_mem>>) src(%arg12 : memref<64x128xf32, #tpu.memory_space<vmem>>) dst(%dma_wait3A_619 : memref<10240x128xf32, #tpu.memory_space<vmem_shared>>)
      %add3A_620 = arith.constant 4 : i32
      %add3A_621 = arith.addi %mul3A_518, %add3A_620 : i32
      %add3A_622 = arith.constant 2 : i32
      %add3A_623 = arith.addi %add3A_621, %add3A_622 : i32
      %dma_start3A_624 = arith.constant 0 : i32
      %dma_start3A_625 = tpu.memref_slice %arg7[%add3A_623, %dma_start3A_624] : memref<40x64xi32, #tpu.memory_space<vmem>> -> memref<1x64xi32, #tpu.memory_space<vmem>>
      %dma_start3A_626 = tpu.memref_squeeze %dma_start3A_625 : memref<1x64xi32, #tpu.memory_space<vmem>> -> memref<64xi32, #tpu.memory_space<vmem>>
      %dma_start3A_627 = arith.constant 0 : i32
      %dma_start3A_628 = arith.constant 0 : i32
      %dma_start3A_629 = tpu.memref_slice %arg2[%dma_start3A_627, %dma_start3A_628] : memref<10240x128xf32, #tpu.memory_space<hbm>> -> memref<10240x128xf32, #tpu.memory_space<hbm>>
      tpu.enqueue_indirect_dma source(%dma_start3A_629 : memref<10240x128xf32, #tpu.memory_space<hbm>>) target(%arg12 : memref<64x128xf32, #tpu.memory_space<vmem>>) offsets(%dma_start3A_626 : memref<64xi32, #tpu.memory_space<vmem>>) semaphore(%arg16 : memref<!tpu.dma_semaphore, #tpu.memory_space<semaphore_mem>>)
      %dma_wait3A_630 = arith.constant 0 : i32
      %dma_wait3A_631 = arith.constant 0 : i32
      %dma_wait3A_632 = tpu.memref_slice %arg8[%dma_wait3A_630, %dma_wait3A_631] : memref<40x64xi32, #tpu.memory_space<vmem>> -> memref<1x64xi32, #tpu.memory_space<vmem>>
      %dma_wait3A_633 = tpu.memref_squeeze %dma_wait3A_632 : memref<1x64xi32, #tpu.memory_space<vmem>> -> memref<64xi32, #tpu.memory_space<vmem>>
      %dma_wait3A_634 = arith.constant 0 : i32
      %dma_wait3A_635 = arith.constant 0 : i32
      %dma_wait3A_636 = tpu.memref_slice %arg9[%dma_wait3A_634, %dma_wait3A_635] : memref<10240x128xf32, #tpu.memory_space<vmem_shared>> -> memref<10240x128xf32, #tpu.memory_space<vmem_shared>>
      tpu.wait_indirect_dma semaphore(%arg21 : memref<!tpu.dma_semaphore, #tpu.memory_space<semaphore_mem>>) src(%arg13 : memref<64x128xf32, #tpu.memory_space<vmem>>) dst(%dma_wait3A_636 : memref<10240x128xf32, #tpu.memory_space<vmem_shared>>)
      %add3A_637 = arith.constant 4 : i32
      %add3A_638 = arith.addi %mul3A_518, %add3A_637 : i32
      %add3A_639 = arith.constant 3 : i32
      %add3A_640 = arith.addi %add3A_638, %add3A_639 : i32
      %dma_start3A_641 = arith.constant 0 : i32
      %dma_start3A_642 = tpu.memref_slice %arg7[%add3A_640, %dma_start3A_641] : memref<40x64xi32, #tpu.memory_space<vmem>> -> memref<1x64xi32, #tpu.memory_space<vmem>>
      %dma_start3A_643 = tpu.memref_squeeze %dma_start3A_642 : memref<1x64xi32, #tpu.memory_space<vmem>> -> memref<64xi32, #tpu.memory_space<vmem>>
      %dma_start3A_644 = arith.constant 0 : i32
      %dma_start3A_645 = arith.constant 0 : i32
      %dma_start3A_646 = tpu.memref_slice %arg2[%dma_start3A_644, %dma_start3A_645] : memref<10240x128xf32, #tpu.memory_space<hbm>> -> memref<10240x128xf32, #tpu.memory_space<hbm>>
      tpu.enqueue_indirect_dma source(%dma_start3A_646 : memref<10240x128xf32, #tpu.memory_space<hbm>>) target(%arg13 : memref<64x128xf32, #tpu.memory_space<vmem>>) offsets(%dma_start3A_643 : memref<64xi32, #tpu.memory_space<vmem>>) semaphore(%arg17 : memref<!tpu.dma_semaphore, #tpu.memory_space<semaphore_mem>>)
      %scan3A_647 = arith.constant 0 : i32
      scf.yield %scan3A_647 : i32
    }
    %scan3A_45 = arith.constant 9 : i32
    %dma_wait3A = arith.constant 0 : i32
    %dma_wait3A_46 = arith.constant 0 : i32
    %dma_wait3A_47 = tpu.memref_slice %arg7[%dma_wait3A, %dma_wait3A_46] : memref<40x64xi32, #tpu.memory_space<vmem>> -> memref<1x64xi32, #tpu.memory_space<vmem>>
    %dma_wait3A_48 = tpu.memref_squeeze %dma_wait3A_47 : memref<1x64xi32, #tpu.memory_space<vmem>> -> memref<64xi32, #tpu.memory_space<vmem>>
    %dma_wait3A_49 = arith.constant 0 : i32
    %dma_wait3A_50 = arith.constant 0 : i32
    %dma_wait3A_51 = tpu.memref_slice %arg2[%dma_wait3A_49, %dma_wait3A_50] : memref<10240x128xf32, #tpu.memory_space<hbm>> -> memref<10240x128xf32, #tpu.memory_space<hbm>>
    tpu.wait_indirect_dma semaphore(%arg14 : memref<!tpu.dma_semaphore, #tpu.memory_space<semaphore_mem>>) src(%dma_wait3A_51 : memref<10240x128xf32, #tpu.memory_space<hbm>>) dst(%arg10 : memref<64x128xf32, #tpu.memory_space<vmem>>)
    %dma_start3A_52 = arith.constant 36 : i32
    %dma_start3A_53 = arith.constant 0 : i32
    %dma_start3A_54 = tpu.memref_slice %arg8[%dma_start3A_52, %dma_start3A_53] : memref<40x64xi32, #tpu.memory_space<vmem>> -> memref<1x64xi32, #tpu.memory_space<vmem>>
    %dma_start3A_55 = tpu.memref_squeeze %dma_start3A_54 : memref<1x64xi32, #tpu.memory_space<vmem>> -> memref<64xi32, #tpu.memory_space<vmem>>
    %dma_start3A_56 = arith.constant 0 : i32
    %dma_start3A_57 = arith.constant 0 : i32
    %dma_start3A_58 = tpu.memref_slice %arg9[%dma_start3A_56, %dma_start3A_57] : memref<10240x128xf32, #tpu.memory_space<vmem_shared>> -> memref<10240x128xf32, #tpu.memory_space<vmem_shared>>
    tpu.enqueue_indirect_dma source(%arg10 : memref<64x128xf32, #tpu.memory_space<vmem>>) target(%dma_start3A_58 : memref<10240x128xf32, #tpu.memory_space<vmem_shared>>) offsets(%dma_start3A_55 : memref<64xi32, #tpu.memory_space<vmem>>) semaphore(%arg18 : memref<!tpu.dma_semaphore, #tpu.memory_space<semaphore_mem>>) {add = true}
    %dma_wait3A_59 = arith.constant 0 : i32
    %dma_wait3A_60 = arith.constant 0 : i32
    %dma_wait3A_61 = tpu.memref_slice %arg7[%dma_wait3A_59, %dma_wait3A_60] : memref<40x64xi32, #tpu.memory_space<vmem>> -> memref<1x64xi32, #tpu.memory_space<vmem>>
    %dma_wait3A_62 = tpu.memref_squeeze %dma_wait3A_61 : memref<1x64xi32, #tpu.memory_space<vmem>> -> memref<64xi32, #tpu.memory_space<vmem>>
    %dma_wait3A_63 = arith.constant 0 : i32
    %dma_wait3A_64 = arith.constant 0 : i32
    %dma_wait3A_65 = tpu.memref_slice %arg2[%dma_wait3A_63, %dma_wait3A_64] : memref<10240x128xf32, #tpu.memory_space<hbm>> -> memref<10240x128xf32, #tpu.memory_space<hbm>>
    tpu.wait_indirect_dma semaphore(%arg15 : memref<!tpu.dma_semaphore, #tpu.memory_space<semaphore_mem>>) src(%dma_wait3A_65 : memref<10240x128xf32, #tpu.memory_space<hbm>>) dst(%arg11 : memref<64x128xf32, #tpu.memory_space<vmem>>)
    %dma_start3A_66 = arith.constant 37 : i32
    %dma_start3A_67 = arith.constant 0 : i32
    %dma_start3A_68 = tpu.memref_slice %arg8[%dma_start3A_66, %dma_start3A_67] : memref<40x64xi32, #tpu.memory_space<vmem>> -> memref<1x64xi32, #tpu.memory_space<vmem>>
    %dma_start3A_69 = tpu.memref_squeeze %dma_start3A_68 : memref<1x64xi32, #tpu.memory_space<vmem>> -> memref<64xi32, #tpu.memory_space<vmem>>
    %dma_start3A_70 = arith.constant 0 : i32
    %dma_start3A_71 = arith.constant 0 : i32
    %dma_start3A_72 = tpu.memref_slice %arg9[%dma_start3A_70, %dma_start3A_71] : memref<10240x128xf32, #tpu.memory_space<vmem_shared>> -> memref<10240x128xf32, #tpu.memory_space<vmem_shared>>
    tpu.enqueue_indirect_dma source(%arg11 : memref<64x128xf32, #tpu.memory_space<vmem>>) target(%dma_start3A_72 : memref<10240x128xf32, #tpu.memory_space<vmem_shared>>) offsets(%dma_start3A_69 : memref<64xi32, #tpu.memory_space<vmem>>) semaphore(%arg19 : memref<!tpu.dma_semaphore, #tpu.memory_space<semaphore_mem>>) {add = true}
    %dma_wait3A_73 = arith.constant 0 : i32
    %dma_wait3A_74 = arith.constant 0 : i32
    %dma_wait3A_75 = tpu.memref_slice %arg7[%dma_wait3A_73, %dma_wait3A_74] : memref<40x64xi32, #tpu.memory_space<vmem>> -> memref<1x64xi32, #tpu.memory_space<vmem>>
    %dma_wait3A_76 = tpu.memref_squeeze %dma_wait3A_75 : memref<1x64xi32, #tpu.memory_space<vmem>> -> memref<64xi32, #tpu.memory_space<vmem>>
    %dma_wait3A_77 = arith.constant 0 : i32
    %dma_wait3A_78 = arith.constant 0 : i32
    %dma_wait3A_79 = tpu.memref_slice %arg2[%dma_wait3A_77, %dma_wait3A_78] : memref<10240x128xf32, #tpu.memory_space<hbm>> -> memref<10240x128xf32, #tpu.memory_space<hbm>>
    tpu.wait_indirect_dma semaphore(%arg16 : memref<!tpu.dma_semaphore, #tpu.memory_space<semaphore_mem>>) src(%dma_wait3A_79 : memref<10240x128xf32, #tpu.memory_space<hbm>>) dst(%arg12 : memref<64x128xf32, #tpu.memory_space<vmem>>)
    %dma_start3A_80 = arith.constant 38 : i32
    %dma_start3A_81 = arith.constant 0 : i32
    %dma_start3A_82 = tpu.memref_slice %arg8[%dma_start3A_80, %dma_start3A_81] : memref<40x64xi32, #tpu.memory_space<vmem>> -> memref<1x64xi32, #tpu.memory_space<vmem>>
    %dma_start3A_83 = tpu.memref_squeeze %dma_start3A_82 : memref<1x64xi32, #tpu.memory_space<vmem>> -> memref<64xi32, #tpu.memory_space<vmem>>
    %dma_start3A_84 = arith.constant 0 : i32
    %dma_start3A_85 = arith.constant 0 : i32
    %dma_start3A_86 = tpu.memref_slice %arg9[%dma_start3A_84, %dma_start3A_85] : memref<10240x128xf32, #tpu.memory_space<vmem_shared>> -> memref<10240x128xf32, #tpu.memory_space<vmem_shared>>
    tpu.enqueue_indirect_dma source(%arg12 : memref<64x128xf32, #tpu.memory_space<vmem>>) target(%dma_start3A_86 : memref<10240x128xf32, #tpu.memory_space<vmem_shared>>) offsets(%dma_start3A_83 : memref<64xi32, #tpu.memory_space<vmem>>) semaphore(%arg20 : memref<!tpu.dma_semaphore, #tpu.memory_space<semaphore_mem>>) {add = true}
    %dma_wait3A_87 = arith.constant 0 : i32
    %dma_wait3A_88 = arith.constant 0 : i32
    %dma_wait3A_89 = tpu.memref_slice %arg7[%dma_wait3A_87, %dma_wait3A_88] : memref<40x64xi32, #tpu.memory_space<vmem>> -> memref<1x64xi32, #tpu.memory_space<vmem>>
    %dma_wait3A_90 = tpu.memref_squeeze %dma_wait3A_89 : memref<1x64xi32, #tpu.memory_space<vmem>> -> memref<64xi32, #tpu.memory_space<vmem>>
    %dma_wait3A_91 = arith.constant 0 : i32
    %dma_wait3A_92 = arith.constant 0 : i32
    %dma_wait3A_93 = tpu.memref_slice %arg2[%dma_wait3A_91, %dma_wait3A_92] : memref<10240x128xf32, #tpu.memory_space<hbm>> -> memref<10240x128xf32, #tpu.memory_space<hbm>>
    tpu.wait_indirect_dma semaphore(%arg17 : memref<!tpu.dma_semaphore, #tpu.memory_space<semaphore_mem>>) src(%dma_wait3A_93 : memref<10240x128xf32, #tpu.memory_space<hbm>>) dst(%arg13 : memref<64x128xf32, #tpu.memory_space<vmem>>)
    %dma_start3A_94 = arith.constant 39 : i32
    %dma_start3A_95 = arith.constant 0 : i32
    %dma_start3A_96 = tpu.memref_slice %arg8[%dma_start3A_94, %dma_start3A_95] : memref<40x64xi32, #tpu.memory_space<vmem>> -> memref<1x64xi32, #tpu.memory_space<vmem>>
    %dma_start3A_97 = tpu.memref_squeeze %dma_start3A_96 : memref<1x64xi32, #tpu.memory_space<vmem>> -> memref<64xi32, #tpu.memory_space<vmem>>
    %dma_start3A_98 = arith.constant 0 : i32
    %dma_start3A_99 = arith.constant 0 : i32
    %dma_start3A_100 = tpu.memref_slice %arg9[%dma_start3A_98, %dma_start3A_99] : memref<10240x128xf32, #tpu.memory_space<vmem_shared>> -> memref<10240x128xf32, #tpu.memory_space<vmem_shared>>
    tpu.enqueue_indirect_dma source(%arg13 : memref<64x128xf32, #tpu.memory_space<vmem>>) target(%dma_start3A_100 : memref<10240x128xf32, #tpu.memory_space<vmem_shared>>) offsets(%dma_start3A_97 : memref<64xi32, #tpu.memory_space<vmem>>) semaphore(%arg21 : memref<!tpu.dma_semaphore, #tpu.memory_space<semaphore_mem>>) {add = true}
    %dma_wait3A_101 = arith.constant 0 : i32
    %dma_wait3A_102 = arith.constant 0 : i32
    %dma_wait3A_103 = tpu.memref_slice %arg8[%dma_wait3A_101, %dma_wait3A_102] : memref<40x64xi32, #tpu.memory_space<vmem>> -> memref<1x64xi32, #tpu.memory_space<vmem>>
    %dma_wait3A_104 = tpu.memref_squeeze %dma_wait3A_103 : memref<1x64xi32, #tpu.memory_space<vmem>> -> memref<64xi32, #tpu.memory_space<vmem>>
    %dma_wait3A_105 = arith.constant 0 : i32
    %dma_wait3A_106 = arith.constant 0 : i32
    %dma_wait3A_107 = tpu.memref_slice %arg9[%dma_wait3A_105, %dma_wait3A_106] : memref<10240x128xf32, #tpu.memory_space<vmem_shared>> -> memref<10240x128xf32, #tpu.memory_space<vmem_shared>>
    tpu.wait_indirect_dma semaphore(%arg18 : memref<!tpu.dma_semaphore, #tpu.memory_space<semaphore_mem>>) src(%arg10 : memref<64x128xf32, #tpu.memory_space<vmem>>) dst(%dma_wait3A_107 : memref<10240x128xf32, #tpu.memory_space<vmem_shared>>)
    %dma_wait3A_108 = arith.constant 0 : i32
    %dma_wait3A_109 = arith.constant 0 : i32
    %dma_wait3A_110 = tpu.memref_slice %arg8[%dma_wait3A_108, %dma_wait3A_109] : memref<40x64xi32, #tpu.memory_space<vmem>> -> memref<1x64xi32, #tpu.memory_space<vmem>>
    %dma_wait3A_111 = tpu.memref_squeeze %dma_wait3A_110 : memref<1x64xi32, #tpu.memory_space<vmem>> -> memref<64xi32, #tpu.memory_space<vmem>>
    %dma_wait3A_112 = arith.constant 0 : i32
    %dma_wait3A_113 = arith.constant 0 : i32
    %dma_wait3A_114 = tpu.memref_slice %arg9[%dma_wait3A_112, %dma_wait3A_113] : memref<10240x128xf32, #tpu.memory_space<vmem_shared>> -> memref<10240x128xf32, #tpu.memory_space<vmem_shared>>
    tpu.wait_indirect_dma semaphore(%arg19 : memref<!tpu.dma_semaphore, #tpu.memory_space<semaphore_mem>>) src(%arg11 : memref<64x128xf32, #tpu.memory_space<vmem>>) dst(%dma_wait3A_114 : memref<10240x128xf32, #tpu.memory_space<vmem_shared>>)
    %dma_wait3A_115 = arith.constant 0 : i32
    %dma_wait3A_116 = arith.constant 0 : i32
    %dma_wait3A_117 = tpu.memref_slice %arg8[%dma_wait3A_115, %dma_wait3A_116] : memref<40x64xi32, #tpu.memory_space<vmem>> -> memref<1x64xi32, #tpu.memory_space<vmem>>
    %dma_wait3A_118 = tpu.memref_squeeze %dma_wait3A_117 : memref<1x64xi32, #tpu.memory_space<vmem>> -> memref<64xi32, #tpu.memory_space<vmem>>
    %dma_wait3A_119 = arith.constant 0 : i32
    %dma_wait3A_120 = arith.constant 0 : i32
    %dma_wait3A_121 = tpu.memref_slice %arg9[%dma_wait3A_119, %dma_wait3A_120] : memref<10240x128xf32, #tpu.memory_space<vmem_shared>> -> memref<10240x128xf32, #tpu.memory_space<vmem_shared>>
    tpu.wait_indirect_dma semaphore(%arg20 : memref<!tpu.dma_semaphore, #tpu.memory_space<semaphore_mem>>) src(%arg12 : memref<64x128xf32, #tpu.memory_space<vmem>>) dst(%dma_wait3A_121 : memref<10240x128xf32, #tpu.memory_space<vmem_shared>>)
    %dma_wait3A_122 = arith.constant 0 : i32
    %dma_wait3A_123 = arith.constant 0 : i32
    %dma_wait3A_124 = tpu.memref_slice %arg8[%dma_wait3A_122, %dma_wait3A_123] : memref<40x64xi32, #tpu.memory_space<vmem>> -> memref<1x64xi32, #tpu.memory_space<vmem>>
    %dma_wait3A_125 = tpu.memref_squeeze %dma_wait3A_124 : memref<1x64xi32, #tpu.memory_space<vmem>> -> memref<64xi32, #tpu.memory_space<vmem>>
    %dma_wait3A_126 = arith.constant 0 : i32
    %dma_wait3A_127 = arith.constant 0 : i32
    %dma_wait3A_128 = tpu.memref_slice %arg9[%dma_wait3A_126, %dma_wait3A_127] : memref<10240x128xf32, #tpu.memory_space<vmem_shared>> -> memref<10240x128xf32, #tpu.memory_space<vmem_shared>>
    tpu.wait_indirect_dma semaphore(%arg21 : memref<!tpu.dma_semaphore, #tpu.memory_space<semaphore_mem>>) src(%arg13 : memref<64x128xf32, #tpu.memory_space<vmem>>) dst(%dma_wait3A_128 : memref<10240x128xf32, #tpu.memory_space<vmem_shared>>)
    %mul3A_129 = arith.constant 160 : i32
    %mul3A_130 = arith.muli %add3A, %mul3A_129 : i32
    %add3A_131 = arith.constant 40 : i32
    %add3A_132 = arith.addi %mul3A_130, %add3A_131 : i32
    "tpu.region"() ({
      %run_scoped3A = tpu.sem_alloc : memref<!tpu.dma_semaphore, #tpu.memory_space<semaphore_mem>>
      %dma_start3A_515 = arith.constant 0 : i32
      %dma_start3A_516 = tpu.memref_slice %arg3[%add3A_132, %dma_start3A_515] : memref<5120x64xi32, #tpu.memory_space<hbm>> -> memref<40x64xi32, #tpu.memory_space<hbm>>
      %dma_start3A_517 = arith.constant 0 : i32
      %dma_start3A_518 = tpu.memref_slice %arg3[%add3A_132, %dma_start3A_517] : memref<5120x64xi32, #tpu.memory_space<hbm>> -> memref<40x64xi32, #tpu.memory_space<hbm>>
      tpu.enqueue_dma source(%dma_start3A_518 : memref<40x64xi32, #tpu.memory_space<hbm>>) target(%arg7 : memref<40x64xi32, #tpu.memory_space<vmem>>) target_semaphore(%run_scoped3A : memref<!tpu.dma_semaphore, #tpu.memory_space<semaphore_mem>>)
      %dma_wait3A_519 = arith.constant 0 : i32
      %dma_wait3A_520 = tpu.memref_slice %arg3[%add3A_132, %dma_wait3A_519] : memref<5120x64xi32, #tpu.memory_space<hbm>> -> memref<40x64xi32, #tpu.memory_space<hbm>>
      %dma_wait3A_521 = arith.constant 0 : i32
      %dma_wait3A_522 = tpu.memref_slice %arg3[%add3A_132, %dma_wait3A_521] : memref<5120x64xi32, #tpu.memory_space<hbm>> -> memref<40x64xi32, #tpu.memory_space<hbm>>
      tpu.wait_dma2 semaphore(%run_scoped3A : memref<!tpu.dma_semaphore, #tpu.memory_space<semaphore_mem>>) src(%dma_wait3A_522 : memref<40x64xi32, #tpu.memory_space<hbm>>) dst(%arg7 : memref<40x64xi32, #tpu.memory_space<vmem>>)
      tpu.yield
    }) : () -> ()
    %mul3A_133 = arith.constant 160 : i32
    %mul3A_134 = arith.muli %add3A, %mul3A_133 : i32
    %add3A_135 = arith.constant 40 : i32
    %add3A_136 = arith.addi %mul3A_134, %add3A_135 : i32
    "tpu.region"() ({
      %run_scoped3A = tpu.sem_alloc : memref<!tpu.dma_semaphore, #tpu.memory_space<semaphore_mem>>
      %dma_start3A_515 = arith.constant 0 : i32
      %dma_start3A_516 = tpu.memref_slice %arg4[%add3A_136, %dma_start3A_515] : memref<5120x64xi32, #tpu.memory_space<hbm>> -> memref<40x64xi32, #tpu.memory_space<hbm>>
      %dma_start3A_517 = arith.constant 0 : i32
      %dma_start3A_518 = tpu.memref_slice %arg4[%add3A_136, %dma_start3A_517] : memref<5120x64xi32, #tpu.memory_space<hbm>> -> memref<40x64xi32, #tpu.memory_space<hbm>>
      tpu.enqueue_dma source(%dma_start3A_518 : memref<40x64xi32, #tpu.memory_space<hbm>>) target(%arg8 : memref<40x64xi32, #tpu.memory_space<vmem>>) target_semaphore(%run_scoped3A : memref<!tpu.dma_semaphore, #tpu.memory_space<semaphore_mem>>)
      %dma_wait3A_519 = arith.constant 0 : i32
      %dma_wait3A_520 = tpu.memref_slice %arg4[%add3A_136, %dma_wait3A_519] : memref<5120x64xi32, #tpu.memory_space<hbm>> -> memref<40x64xi32, #tpu.memory_space<hbm>>
      %dma_wait3A_521 = arith.constant 0 : i32
      %dma_wait3A_522 = tpu.memref_slice %arg4[%add3A_136, %dma_wait3A_521] : memref<5120x64xi32, #tpu.memory_space<hbm>> -> memref<40x64xi32, #tpu.memory_space<hbm>>
      tpu.wait_dma2 semaphore(%run_scoped3A : memref<!tpu.dma_semaphore, #tpu.memory_space<semaphore_mem>>) src(%dma_wait3A_522 : memref<40x64xi32, #tpu.memory_space<hbm>>) dst(%arg8 : memref<40x64xi32, #tpu.memory_space<vmem>>)
      tpu.yield
    }) : () -> ()
    %dma_start3A_137 = arith.constant 0 : i32
    %dma_start3A_138 = arith.constant 0 : i32
    %dma_start3A_139 = tpu.memref_slice %arg7[%dma_start3A_137, %dma_start3A_138] : memref<40x64xi32, #tpu.memory_space<vmem>> -> memref<1x64xi32, #tpu.memory_space<vmem>>
    %dma_start3A_140 = tpu.memref_squeeze %dma_start3A_139 : memref<1x64xi32, #tpu.memory_space<vmem>> -> memref<64xi32, #tpu.memory_space<vmem>>
    %dma_start3A_141 = arith.constant 0 : i32
    %dma_start3A_142 = arith.constant 0 : i32
    %dma_start3A_143 = tpu.memref_slice %arg2[%dma_start3A_141, %dma_start3A_142] : memref<10240x128xf32, #tpu.memory_space<hbm>> -> memref<10240x128xf32, #tpu.memory_space<hbm>>
    tpu.enqueue_indirect_dma source(%dma_start3A_143 : memref<10240x128xf32, #tpu.memory_space<hbm>>) target(%arg10 : memref<64x128xf32, #tpu.memory_space<vmem>>) offsets(%dma_start3A_140 : memref<64xi32, #tpu.memory_space<vmem>>) semaphore(%arg14 : memref<!tpu.dma_semaphore, #tpu.memory_space<semaphore_mem>>)
    %dma_start3A_144 = arith.constant 1 : i32
    %dma_start3A_145 = arith.constant 0 : i32
    %dma_start3A_146 = tpu.memref_slice %arg7[%dma_start3A_144, %dma_start3A_145] : memref<40x64xi32, #tpu.memory_space<vmem>> -> memref<1x64xi32, #tpu.memory_space<vmem>>
    %dma_start3A_147 = tpu.memref_squeeze %dma_start3A_146 : memref<1x64xi32, #tpu.memory_space<vmem>> -> memref<64xi32, #tpu.memory_space<vmem>>
    %dma_start3A_148 = arith.constant 0 : i32
    %dma_start3A_149 = arith.constant 0 : i32
    %dma_start3A_150 = tpu.memref_slice %arg2[%dma_start3A_148, %dma_start3A_149] : memref<10240x128xf32, #tpu.memory_space<hbm>> -> memref<10240x128xf32, #tpu.memory_space<hbm>>
    tpu.enqueue_indirect_dma source(%dma_start3A_150 : memref<10240x128xf32, #tpu.memory_space<hbm>>) target(%arg11 : memref<64x128xf32, #tpu.memory_space<vmem>>) offsets(%dma_start3A_147 : memref<64xi32, #tpu.memory_space<vmem>>) semaphore(%arg15 : memref<!tpu.dma_semaphore, #tpu.memory_space<semaphore_mem>>)
    %dma_start3A_151 = arith.constant 2 : i32
    %dma_start3A_152 = arith.constant 0 : i32
    %dma_start3A_153 = tpu.memref_slice %arg7[%dma_start3A_151, %dma_start3A_152] : memref<40x64xi32, #tpu.memory_space<vmem>> -> memref<1x64xi32, #tpu.memory_space<vmem>>
    %dma_start3A_154 = tpu.memref_squeeze %dma_start3A_153 : memref<1x64xi32, #tpu.memory_space<vmem>> -> memref<64xi32, #tpu.memory_space<vmem>>
    %dma_start3A_155 = arith.constant 0 : i32
    %dma_start3A_156 = arith.constant 0 : i32
    %dma_start3A_157 = tpu.memref_slice %arg2[%dma_start3A_155, %dma_start3A_156] : memref<10240x128xf32, #tpu.memory_space<hbm>> -> memref<10240x128xf32, #tpu.memory_space<hbm>>
    tpu.enqueue_indirect_dma source(%dma_start3A_157 : memref<10240x128xf32, #tpu.memory_space<hbm>>) target(%arg12 : memref<64x128xf32, #tpu.memory_space<vmem>>) offsets(%dma_start3A_154 : memref<64xi32, #tpu.memory_space<vmem>>) semaphore(%arg16 : memref<!tpu.dma_semaphore, #tpu.memory_space<semaphore_mem>>)
    %dma_start3A_158 = arith.constant 3 : i32
    %dma_start3A_159 = arith.constant 0 : i32
    %dma_start3A_160 = tpu.memref_slice %arg7[%dma_start3A_158, %dma_start3A_159] : memref<40x64xi32, #tpu.memory_space<vmem>> -> memref<1x64xi32, #tpu.memory_space<vmem>>
    %dma_start3A_161 = tpu.memref_squeeze %dma_start3A_160 : memref<1x64xi32, #tpu.memory_space<vmem>> -> memref<64xi32, #tpu.memory_space<vmem>>
    %dma_start3A_162 = arith.constant 0 : i32
    %dma_start3A_163 = arith.constant 0 : i32
    %dma_start3A_164 = tpu.memref_slice %arg2[%dma_start3A_162, %dma_start3A_163] : memref<10240x128xf32, #tpu.memory_space<hbm>> -> memref<10240x128xf32, #tpu.memory_space<hbm>>
    tpu.enqueue_indirect_dma source(%dma_start3A_164 : memref<10240x128xf32, #tpu.memory_space<hbm>>) target(%arg13 : memref<64x128xf32, #tpu.memory_space<vmem>>) offsets(%dma_start3A_161 : memref<64xi32, #tpu.memory_space<vmem>>) semaphore(%arg17 : memref<!tpu.dma_semaphore, #tpu.memory_space<semaphore_mem>>)
    %scan3A_165 = arith.constant 0 : i32
    %scan3A_166 = arith.constant 0 : i32
    %scan3A_167 = arith.constant 9 : i32
    %scan3A_168 = arith.addi %scan3A_166, %scan3A_167 : i32
    %scan3A_169 = arith.constant 1 : i32
    %scan3A_170 = scf.for %scan3A_515 = %scan3A_166 to %scan3A_168 step %scan3A_169 iter_args(%scan3A_516 = %scan3A_165) -> (i32)  : i32 {
      %mul3A_517 = arith.constant 4 : i32
      %mul3A_518 = arith.muli %scan3A_515, %mul3A_517 : i32
      %dma_wait3A_519 = arith.constant 0 : i32
      %dma_wait3A_520 = arith.constant 0 : i32
      %dma_wait3A_521 = tpu.memref_slice %arg7[%dma_wait3A_519, %dma_wait3A_520] : memref<40x64xi32, #tpu.memory_space<vmem>> -> memref<1x64xi32, #tpu.memory_space<vmem>>
      %dma_wait3A_522 = tpu.memref_squeeze %dma_wait3A_521 : memref<1x64xi32, #tpu.memory_space<vmem>> -> memref<64xi32, #tpu.memory_space<vmem>>
      %dma_wait3A_523 = arith.constant 0 : i32
      %dma_wait3A_524 = arith.constant 0 : i32
      %dma_wait3A_525 = tpu.memref_slice %arg2[%dma_wait3A_523, %dma_wait3A_524] : memref<10240x128xf32, #tpu.memory_space<hbm>> -> memref<10240x128xf32, #tpu.memory_space<hbm>>
      tpu.wait_indirect_dma semaphore(%arg14 : memref<!tpu.dma_semaphore, #tpu.memory_space<semaphore_mem>>) src(%dma_wait3A_525 : memref<10240x128xf32, #tpu.memory_space<hbm>>) dst(%arg10 : memref<64x128xf32, #tpu.memory_space<vmem>>)
      %add3A_526 = arith.constant 0 : i32
      %add3A_527 = arith.addi %mul3A_518, %add3A_526 : i32
      %dma_start3A_528 = arith.constant 0 : i32
      %dma_start3A_529 = tpu.memref_slice %arg8[%add3A_527, %dma_start3A_528] : memref<40x64xi32, #tpu.memory_space<vmem>> -> memref<1x64xi32, #tpu.memory_space<vmem>>
      %dma_start3A_530 = tpu.memref_squeeze %dma_start3A_529 : memref<1x64xi32, #tpu.memory_space<vmem>> -> memref<64xi32, #tpu.memory_space<vmem>>
      %dma_start3A_531 = arith.constant 0 : i32
      %dma_start3A_532 = arith.constant 0 : i32
      %dma_start3A_533 = tpu.memref_slice %arg9[%dma_start3A_531, %dma_start3A_532] : memref<10240x128xf32, #tpu.memory_space<vmem_shared>> -> memref<10240x128xf32, #tpu.memory_space<vmem_shared>>
      tpu.enqueue_indirect_dma source(%arg10 : memref<64x128xf32, #tpu.memory_space<vmem>>) target(%dma_start3A_533 : memref<10240x128xf32, #tpu.memory_space<vmem_shared>>) offsets(%dma_start3A_530 : memref<64xi32, #tpu.memory_space<vmem>>) semaphore(%arg18 : memref<!tpu.dma_semaphore, #tpu.memory_space<semaphore_mem>>) {add = true}
      %dma_wait3A_534 = arith.constant 0 : i32
      %dma_wait3A_535 = arith.constant 0 : i32
      %dma_wait3A_536 = tpu.memref_slice %arg7[%dma_wait3A_534, %dma_wait3A_535] : memref<40x64xi32, #tpu.memory_space<vmem>> -> memref<1x64xi32, #tpu.memory_space<vmem>>
      %dma_wait3A_537 = tpu.memref_squeeze %dma_wait3A_536 : memref<1x64xi32, #tpu.memory_space<vmem>> -> memref<64xi32, #tpu.memory_space<vmem>>
      %dma_wait3A_538 = arith.constant 0 : i32
      %dma_wait3A_539 = arith.constant 0 : i32
      %dma_wait3A_540 = tpu.memref_slice %arg2[%dma_wait3A_538, %dma_wait3A_539] : memref<10240x128xf32, #tpu.memory_space<hbm>> -> memref<10240x128xf32, #tpu.memory_space<hbm>>
      tpu.wait_indirect_dma semaphore(%arg15 : memref<!tpu.dma_semaphore, #tpu.memory_space<semaphore_mem>>) src(%dma_wait3A_540 : memref<10240x128xf32, #tpu.memory_space<hbm>>) dst(%arg11 : memref<64x128xf32, #tpu.memory_space<vmem>>)
      %add3A_541 = arith.constant 1 : i32
      %add3A_542 = arith.addi %mul3A_518, %add3A_541 : i32
      %dma_start3A_543 = arith.constant 0 : i32
      %dma_start3A_544 = tpu.memref_slice %arg8[%add3A_542, %dma_start3A_543] : memref<40x64xi32, #tpu.memory_space<vmem>> -> memref<1x64xi32, #tpu.memory_space<vmem>>
      %dma_start3A_545 = tpu.memref_squeeze %dma_start3A_544 : memref<1x64xi32, #tpu.memory_space<vmem>> -> memref<64xi32, #tpu.memory_space<vmem>>
      %dma_start3A_546 = arith.constant 0 : i32
      %dma_start3A_547 = arith.constant 0 : i32
      %dma_start3A_548 = tpu.memref_slice %arg9[%dma_start3A_546, %dma_start3A_547] : memref<10240x128xf32, #tpu.memory_space<vmem_shared>> -> memref<10240x128xf32, #tpu.memory_space<vmem_shared>>
      tpu.enqueue_indirect_dma source(%arg11 : memref<64x128xf32, #tpu.memory_space<vmem>>) target(%dma_start3A_548 : memref<10240x128xf32, #tpu.memory_space<vmem_shared>>) offsets(%dma_start3A_545 : memref<64xi32, #tpu.memory_space<vmem>>) semaphore(%arg19 : memref<!tpu.dma_semaphore, #tpu.memory_space<semaphore_mem>>) {add = true}
      %dma_wait3A_549 = arith.constant 0 : i32
      %dma_wait3A_550 = arith.constant 0 : i32
      %dma_wait3A_551 = tpu.memref_slice %arg7[%dma_wait3A_549, %dma_wait3A_550] : memref<40x64xi32, #tpu.memory_space<vmem>> -> memref<1x64xi32, #tpu.memory_space<vmem>>
      %dma_wait3A_552 = tpu.memref_squeeze %dma_wait3A_551 : memref<1x64xi32, #tpu.memory_space<vmem>> -> memref<64xi32, #tpu.memory_space<vmem>>
      %dma_wait3A_553 = arith.constant 0 : i32
      %dma_wait3A_554 = arith.constant 0 : i32
      %dma_wait3A_555 = tpu.memref_slice %arg2[%dma_wait3A_553, %dma_wait3A_554] : memref<10240x128xf32, #tpu.memory_space<hbm>> -> memref<10240x128xf32, #tpu.memory_space<hbm>>
      tpu.wait_indirect_dma semaphore(%arg16 : memref<!tpu.dma_semaphore, #tpu.memory_space<semaphore_mem>>) src(%dma_wait3A_555 : memref<10240x128xf32, #tpu.memory_space<hbm>>) dst(%arg12 : memref<64x128xf32, #tpu.memory_space<vmem>>)
      %add3A_556 = arith.constant 2 : i32
      %add3A_557 = arith.addi %mul3A_518, %add3A_556 : i32
      %dma_start3A_558 = arith.constant 0 : i32
      %dma_start3A_559 = tpu.memref_slice %arg8[%add3A_557, %dma_start3A_558] : memref<40x64xi32, #tpu.memory_space<vmem>> -> memref<1x64xi32, #tpu.memory_space<vmem>>
      %dma_start3A_560 = tpu.memref_squeeze %dma_start3A_559 : memref<1x64xi32, #tpu.memory_space<vmem>> -> memref<64xi32, #tpu.memory_space<vmem>>
      %dma_start3A_561 = arith.constant 0 : i32
      %dma_start3A_562 = arith.constant 0 : i32
      %dma_start3A_563 = tpu.memref_slice %arg9[%dma_start3A_561, %dma_start3A_562] : memref<10240x128xf32, #tpu.memory_space<vmem_shared>> -> memref<10240x128xf32, #tpu.memory_space<vmem_shared>>
      tpu.enqueue_indirect_dma source(%arg12 : memref<64x128xf32, #tpu.memory_space<vmem>>) target(%dma_start3A_563 : memref<10240x128xf32, #tpu.memory_space<vmem_shared>>) offsets(%dma_start3A_560 : memref<64xi32, #tpu.memory_space<vmem>>) semaphore(%arg20 : memref<!tpu.dma_semaphore, #tpu.memory_space<semaphore_mem>>) {add = true}
      %dma_wait3A_564 = arith.constant 0 : i32
      %dma_wait3A_565 = arith.constant 0 : i32
      %dma_wait3A_566 = tpu.memref_slice %arg7[%dma_wait3A_564, %dma_wait3A_565] : memref<40x64xi32, #tpu.memory_space<vmem>> -> memref<1x64xi32, #tpu.memory_space<vmem>>
      %dma_wait3A_567 = tpu.memref_squeeze %dma_wait3A_566 : memref<1x64xi32, #tpu.memory_space<vmem>> -> memref<64xi32, #tpu.memory_space<vmem>>
      %dma_wait3A_568 = arith.constant 0 : i32
      %dma_wait3A_569 = arith.constant 0 : i32
      %dma_wait3A_570 = tpu.memref_slice %arg2[%dma_wait3A_568, %dma_wait3A_569] : memref<10240x128xf32, #tpu.memory_space<hbm>> -> memref<10240x128xf32, #tpu.memory_space<hbm>>
      tpu.wait_indirect_dma semaphore(%arg17 : memref<!tpu.dma_semaphore, #tpu.memory_space<semaphore_mem>>) src(%dma_wait3A_570 : memref<10240x128xf32, #tpu.memory_space<hbm>>) dst(%arg13 : memref<64x128xf32, #tpu.memory_space<vmem>>)
      %add3A_571 = arith.constant 3 : i32
      %add3A_572 = arith.addi %mul3A_518, %add3A_571 : i32
      %dma_start3A_573 = arith.constant 0 : i32
      %dma_start3A_574 = tpu.memref_slice %arg8[%add3A_572, %dma_start3A_573] : memref<40x64xi32, #tpu.memory_space<vmem>> -> memref<1x64xi32, #tpu.memory_space<vmem>>
      %dma_start3A_575 = tpu.memref_squeeze %dma_start3A_574 : memref<1x64xi32, #tpu.memory_space<vmem>> -> memref<64xi32, #tpu.memory_space<vmem>>
      %dma_start3A_576 = arith.constant 0 : i32
      %dma_start3A_577 = arith.constant 0 : i32
      %dma_start3A_578 = tpu.memref_slice %arg9[%dma_start3A_576, %dma_start3A_577] : memref<10240x128xf32, #tpu.memory_space<vmem_shared>> -> memref<10240x128xf32, #tpu.memory_space<vmem_shared>>
      tpu.enqueue_indirect_dma source(%arg13 : memref<64x128xf32, #tpu.memory_space<vmem>>) target(%dma_start3A_578 : memref<10240x128xf32, #tpu.memory_space<vmem_shared>>) offsets(%dma_start3A_575 : memref<64xi32, #tpu.memory_space<vmem>>) semaphore(%arg21 : memref<!tpu.dma_semaphore, #tpu.memory_space<semaphore_mem>>) {add = true}
      %dma_wait3A_579 = arith.constant 0 : i32
      %dma_wait3A_580 = arith.constant 0 : i32
      %dma_wait3A_581 = tpu.memref_slice %arg8[%dma_wait3A_579, %dma_wait3A_580] : memref<40x64xi32, #tpu.memory_space<vmem>> -> memref<1x64xi32, #tpu.memory_space<vmem>>
      %dma_wait3A_582 = tpu.memref_squeeze %dma_wait3A_581 : memref<1x64xi32, #tpu.memory_space<vmem>> -> memref<64xi32, #tpu.memory_space<vmem>>
      %dma_wait3A_583 = arith.constant 0 : i32
      %dma_wait3A_584 = arith.constant 0 : i32
      %dma_wait3A_585 = tpu.memref_slice %arg9[%dma_wait3A_583, %dma_wait3A_584] : memref<10240x128xf32, #tpu.memory_space<vmem_shared>> -> memref<10240x128xf32, #tpu.memory_space<vmem_shared>>
      tpu.wait_indirect_dma semaphore(%arg18 : memref<!tpu.dma_semaphore, #tpu.memory_space<semaphore_mem>>) src(%arg10 : memref<64x128xf32, #tpu.memory_space<vmem>>) dst(%dma_wait3A_585 : memref<10240x128xf32, #tpu.memory_space<vmem_shared>>)
      %add3A_586 = arith.constant 4 : i32
      %add3A_587 = arith.addi %mul3A_518, %add3A_586 : i32
      %add3A_588 = arith.constant 0 : i32
      %add3A_589 = arith.addi %add3A_587, %add3A_588 : i32
      %dma_start3A_590 = arith.constant 0 : i32
      %dma_start3A_591 = tpu.memref_slice %arg7[%add3A_589, %dma_start3A_590] : memref<40x64xi32, #tpu.memory_space<vmem>> -> memref<1x64xi32, #tpu.memory_space<vmem>>
      %dma_start3A_592 = tpu.memref_squeeze %dma_start3A_591 : memref<1x64xi32, #tpu.memory_space<vmem>> -> memref<64xi32, #tpu.memory_space<vmem>>
      %dma_start3A_593 = arith.constant 0 : i32
      %dma_start3A_594 = arith.constant 0 : i32
      %dma_start3A_595 = tpu.memref_slice %arg2[%dma_start3A_593, %dma_start3A_594] : memref<10240x128xf32, #tpu.memory_space<hbm>> -> memref<10240x128xf32, #tpu.memory_space<hbm>>
      tpu.enqueue_indirect_dma source(%dma_start3A_595 : memref<10240x128xf32, #tpu.memory_space<hbm>>) target(%arg10 : memref<64x128xf32, #tpu.memory_space<vmem>>) offsets(%dma_start3A_592 : memref<64xi32, #tpu.memory_space<vmem>>) semaphore(%arg14 : memref<!tpu.dma_semaphore, #tpu.memory_space<semaphore_mem>>)
      %dma_wait3A_596 = arith.constant 0 : i32
      %dma_wait3A_597 = arith.constant 0 : i32
      %dma_wait3A_598 = tpu.memref_slice %arg8[%dma_wait3A_596, %dma_wait3A_597] : memref<40x64xi32, #tpu.memory_space<vmem>> -> memref<1x64xi32, #tpu.memory_space<vmem>>
      %dma_wait3A_599 = tpu.memref_squeeze %dma_wait3A_598 : memref<1x64xi32, #tpu.memory_space<vmem>> -> memref<64xi32, #tpu.memory_space<vmem>>
      %dma_wait3A_600 = arith.constant 0 : i32
      %dma_wait3A_601 = arith.constant 0 : i32
      %dma_wait3A_602 = tpu.memref_slice %arg9[%dma_wait3A_600, %dma_wait3A_601] : memref<10240x128xf32, #tpu.memory_space<vmem_shared>> -> memref<10240x128xf32, #tpu.memory_space<vmem_shared>>
      tpu.wait_indirect_dma semaphore(%arg19 : memref<!tpu.dma_semaphore, #tpu.memory_space<semaphore_mem>>) src(%arg11 : memref<64x128xf32, #tpu.memory_space<vmem>>) dst(%dma_wait3A_602 : memref<10240x128xf32, #tpu.memory_space<vmem_shared>>)
      %add3A_603 = arith.constant 4 : i32
      %add3A_604 = arith.addi %mul3A_518, %add3A_603 : i32
      %add3A_605 = arith.constant 1 : i32
      %add3A_606 = arith.addi %add3A_604, %add3A_605 : i32
      %dma_start3A_607 = arith.constant 0 : i32
      %dma_start3A_608 = tpu.memref_slice %arg7[%add3A_606, %dma_start3A_607] : memref<40x64xi32, #tpu.memory_space<vmem>> -> memref<1x64xi32, #tpu.memory_space<vmem>>
      %dma_start3A_609 = tpu.memref_squeeze %dma_start3A_608 : memref<1x64xi32, #tpu.memory_space<vmem>> -> memref<64xi32, #tpu.memory_space<vmem>>
      %dma_start3A_610 = arith.constant 0 : i32
      %dma_start3A_611 = arith.constant 0 : i32
      %dma_start3A_612 = tpu.memref_slice %arg2[%dma_start3A_610, %dma_start3A_611] : memref<10240x128xf32, #tpu.memory_space<hbm>> -> memref<10240x128xf32, #tpu.memory_space<hbm>>
      tpu.enqueue_indirect_dma source(%dma_start3A_612 : memref<10240x128xf32, #tpu.memory_space<hbm>>) target(%arg11 : memref<64x128xf32, #tpu.memory_space<vmem>>) offsets(%dma_start3A_609 : memref<64xi32, #tpu.memory_space<vmem>>) semaphore(%arg15 : memref<!tpu.dma_semaphore, #tpu.memory_space<semaphore_mem>>)
      %dma_wait3A_613 = arith.constant 0 : i32
      %dma_wait3A_614 = arith.constant 0 : i32
      %dma_wait3A_615 = tpu.memref_slice %arg8[%dma_wait3A_613, %dma_wait3A_614] : memref<40x64xi32, #tpu.memory_space<vmem>> -> memref<1x64xi32, #tpu.memory_space<vmem>>
      %dma_wait3A_616 = tpu.memref_squeeze %dma_wait3A_615 : memref<1x64xi32, #tpu.memory_space<vmem>> -> memref<64xi32, #tpu.memory_space<vmem>>
      %dma_wait3A_617 = arith.constant 0 : i32
      %dma_wait3A_618 = arith.constant 0 : i32
      %dma_wait3A_619 = tpu.memref_slice %arg9[%dma_wait3A_617, %dma_wait3A_618] : memref<10240x128xf32, #tpu.memory_space<vmem_shared>> -> memref<10240x128xf32, #tpu.memory_space<vmem_shared>>
      tpu.wait_indirect_dma semaphore(%arg20 : memref<!tpu.dma_semaphore, #tpu.memory_space<semaphore_mem>>) src(%arg12 : memref<64x128xf32, #tpu.memory_space<vmem>>) dst(%dma_wait3A_619 : memref<10240x128xf32, #tpu.memory_space<vmem_shared>>)
      %add3A_620 = arith.constant 4 : i32
      %add3A_621 = arith.addi %mul3A_518, %add3A_620 : i32
      %add3A_622 = arith.constant 2 : i32
      %add3A_623 = arith.addi %add3A_621, %add3A_622 : i32
      %dma_start3A_624 = arith.constant 0 : i32
      %dma_start3A_625 = tpu.memref_slice %arg7[%add3A_623, %dma_start3A_624] : memref<40x64xi32, #tpu.memory_space<vmem>> -> memref<1x64xi32, #tpu.memory_space<vmem>>
      %dma_start3A_626 = tpu.memref_squeeze %dma_start3A_625 : memref<1x64xi32, #tpu.memory_space<vmem>> -> memref<64xi32, #tpu.memory_space<vmem>>
      %dma_start3A_627 = arith.constant 0 : i32
      %dma_start3A_628 = arith.constant 0 : i32
      %dma_start3A_629 = tpu.memref_slice %arg2[%dma_start3A_627, %dma_start3A_628] : memref<10240x128xf32, #tpu.memory_space<hbm>> -> memref<10240x128xf32, #tpu.memory_space<hbm>>
      tpu.enqueue_indirect_dma source(%dma_start3A_629 : memref<10240x128xf32, #tpu.memory_space<hbm>>) target(%arg12 : memref<64x128xf32, #tpu.memory_space<vmem>>) offsets(%dma_start3A_626 : memref<64xi32, #tpu.memory_space<vmem>>) semaphore(%arg16 : memref<!tpu.dma_semaphore, #tpu.memory_space<semaphore_mem>>)
      %dma_wait3A_630 = arith.constant 0 : i32
      %dma_wait3A_631 = arith.constant 0 : i32
      %dma_wait3A_632 = tpu.memref_slice %arg8[%dma_wait3A_630, %dma_wait3A_631] : memref<40x64xi32, #tpu.memory_space<vmem>> -> memref<1x64xi32, #tpu.memory_space<vmem>>
      %dma_wait3A_633 = tpu.memref_squeeze %dma_wait3A_632 : memref<1x64xi32, #tpu.memory_space<vmem>> -> memref<64xi32, #tpu.memory_space<vmem>>
      %dma_wait3A_634 = arith.constant 0 : i32
      %dma_wait3A_635 = arith.constant 0 : i32
      %dma_wait3A_636 = tpu.memref_slice %arg9[%dma_wait3A_634, %dma_wait3A_635] : memref<10240x128xf32, #tpu.memory_space<vmem_shared>> -> memref<10240x128xf32, #tpu.memory_space<vmem_shared>>
      tpu.wait_indirect_dma semaphore(%arg21 : memref<!tpu.dma_semaphore, #tpu.memory_space<semaphore_mem>>) src(%arg13 : memref<64x128xf32, #tpu.memory_space<vmem>>) dst(%dma_wait3A_636 : memref<10240x128xf32, #tpu.memory_space<vmem_shared>>)
      %add3A_637 = arith.constant 4 : i32
      %add3A_638 = arith.addi %mul3A_518, %add3A_637 : i32
      %add3A_639 = arith.constant 3 : i32
      %add3A_640 = arith.addi %add3A_638, %add3A_639 : i32
      %dma_start3A_641 = arith.constant 0 : i32
      %dma_start3A_642 = tpu.memref_slice %arg7[%add3A_640, %dma_start3A_641] : memref<40x64xi32, #tpu.memory_space<vmem>> -> memref<1x64xi32, #tpu.memory_space<vmem>>
      %dma_start3A_643 = tpu.memref_squeeze %dma_start3A_642 : memref<1x64xi32, #tpu.memory_space<vmem>> -> memref<64xi32, #tpu.memory_space<vmem>>
      %dma_start3A_644 = arith.constant 0 : i32
      %dma_start3A_645 = arith.constant 0 : i32
      %dma_start3A_646 = tpu.memref_slice %arg2[%dma_start3A_644, %dma_start3A_645] : memref<10240x128xf32, #tpu.memory_space<hbm>> -> memref<10240x128xf32, #tpu.memory_space<hbm>>
      tpu.enqueue_indirect_dma source(%dma_start3A_646 : memref<10240x128xf32, #tpu.memory_space<hbm>>) target(%arg13 : memref<64x128xf32, #tpu.memory_space<vmem>>) offsets(%dma_start3A_643 : memref<64xi32, #tpu.memory_space<vmem>>) semaphore(%arg17 : memref<!tpu.dma_semaphore, #tpu.memory_space<semaphore_mem>>)
      %scan3A_647 = arith.constant 0 : i32
      scf.yield %scan3A_647 : i32
    }
    %scan3A_171 = arith.constant 9 : i32
    %dma_wait3A_172 = arith.constant 0 : i32
    %dma_wait3A_173 = arith.constant 0 : i32
    %dma_wait3A_174 = tpu.memref_slice %arg7[%dma_wait3A_172, %dma_wait3A_173] : memref<40x64xi32, #tpu.memory_space<vmem>> -> memref<1x64xi32, #tpu.memory_space<vmem>>
    %dma_wait3A_175 = tpu.memref_squeeze %dma_wait3A_174 : memref<1x64xi32, #tpu.memory_space<vmem>> -> memref<64xi32, #tpu.memory_space<vmem>>
    %dma_wait3A_176 = arith.constant 0 : i32
    %dma_wait3A_177 = arith.constant 0 : i32
    %dma_wait3A_178 = tpu.memref_slice %arg2[%dma_wait3A_176, %dma_wait3A_177] : memref<10240x128xf32, #tpu.memory_space<hbm>> -> memref<10240x128xf32, #tpu.memory_space<hbm>>
    tpu.wait_indirect_dma semaphore(%arg14 : memref<!tpu.dma_semaphore, #tpu.memory_space<semaphore_mem>>) src(%dma_wait3A_178 : memref<10240x128xf32, #tpu.memory_space<hbm>>) dst(%arg10 : memref<64x128xf32, #tpu.memory_space<vmem>>)
    %dma_start3A_179 = arith.constant 36 : i32
    %dma_start3A_180 = arith.constant 0 : i32
    %dma_start3A_181 = tpu.memref_slice %arg8[%dma_start3A_179, %dma_start3A_180] : memref<40x64xi32, #tpu.memory_space<vmem>> -> memref<1x64xi32, #tpu.memory_space<vmem>>
    %dma_start3A_182 = tpu.memref_squeeze %dma_start3A_181 : memref<1x64xi32, #tpu.memory_space<vmem>> -> memref<64xi32, #tpu.memory_space<vmem>>
    %dma_start3A_183 = arith.constant 0 : i32
    %dma_start3A_184 = arith.constant 0 : i32
    %dma_start3A_185 = tpu.memref_slice %arg9[%dma_start3A_183, %dma_start3A_184] : memref<10240x128xf32, #tpu.memory_space<vmem_shared>> -> memref<10240x128xf32, #tpu.memory_space<vmem_shared>>
    tpu.enqueue_indirect_dma source(%arg10 : memref<64x128xf32, #tpu.memory_space<vmem>>) target(%dma_start3A_185 : memref<10240x128xf32, #tpu.memory_space<vmem_shared>>) offsets(%dma_start3A_182 : memref<64xi32, #tpu.memory_space<vmem>>) semaphore(%arg18 : memref<!tpu.dma_semaphore, #tpu.memory_space<semaphore_mem>>) {add = true}
    %dma_wait3A_186 = arith.constant 0 : i32
    %dma_wait3A_187 = arith.constant 0 : i32
    %dma_wait3A_188 = tpu.memref_slice %arg7[%dma_wait3A_186, %dma_wait3A_187] : memref<40x64xi32, #tpu.memory_space<vmem>> -> memref<1x64xi32, #tpu.memory_space<vmem>>
    %dma_wait3A_189 = tpu.memref_squeeze %dma_wait3A_188 : memref<1x64xi32, #tpu.memory_space<vmem>> -> memref<64xi32, #tpu.memory_space<vmem>>
    %dma_wait3A_190 = arith.constant 0 : i32
    %dma_wait3A_191 = arith.constant 0 : i32
    %dma_wait3A_192 = tpu.memref_slice %arg2[%dma_wait3A_190, %dma_wait3A_191] : memref<10240x128xf32, #tpu.memory_space<hbm>> -> memref<10240x128xf32, #tpu.memory_space<hbm>>
    tpu.wait_indirect_dma semaphore(%arg15 : memref<!tpu.dma_semaphore, #tpu.memory_space<semaphore_mem>>) src(%dma_wait3A_192 : memref<10240x128xf32, #tpu.memory_space<hbm>>) dst(%arg11 : memref<64x128xf32, #tpu.memory_space<vmem>>)
    %dma_start3A_193 = arith.constant 37 : i32
    %dma_start3A_194 = arith.constant 0 : i32
    %dma_start3A_195 = tpu.memref_slice %arg8[%dma_start3A_193, %dma_start3A_194] : memref<40x64xi32, #tpu.memory_space<vmem>> -> memref<1x64xi32, #tpu.memory_space<vmem>>
    %dma_start3A_196 = tpu.memref_squeeze %dma_start3A_195 : memref<1x64xi32, #tpu.memory_space<vmem>> -> memref<64xi32, #tpu.memory_space<vmem>>
    %dma_start3A_197 = arith.constant 0 : i32
    %dma_start3A_198 = arith.constant 0 : i32
    %dma_start3A_199 = tpu.memref_slice %arg9[%dma_start3A_197, %dma_start3A_198] : memref<10240x128xf32, #tpu.memory_space<vmem_shared>> -> memref<10240x128xf32, #tpu.memory_space<vmem_shared>>
    tpu.enqueue_indirect_dma source(%arg11 : memref<64x128xf32, #tpu.memory_space<vmem>>) target(%dma_start3A_199 : memref<10240x128xf32, #tpu.memory_space<vmem_shared>>) offsets(%dma_start3A_196 : memref<64xi32, #tpu.memory_space<vmem>>) semaphore(%arg19 : memref<!tpu.dma_semaphore, #tpu.memory_space<semaphore_mem>>) {add = true}
    %dma_wait3A_200 = arith.constant 0 : i32
    %dma_wait3A_201 = arith.constant 0 : i32
    %dma_wait3A_202 = tpu.memref_slice %arg7[%dma_wait3A_200, %dma_wait3A_201] : memref<40x64xi32, #tpu.memory_space<vmem>> -> memref<1x64xi32, #tpu.memory_space<vmem>>
    %dma_wait3A_203 = tpu.memref_squeeze %dma_wait3A_202 : memref<1x64xi32, #tpu.memory_space<vmem>> -> memref<64xi32, #tpu.memory_space<vmem>>
    %dma_wait3A_204 = arith.constant 0 : i32
    %dma_wait3A_205 = arith.constant 0 : i32
    %dma_wait3A_206 = tpu.memref_slice %arg2[%dma_wait3A_204, %dma_wait3A_205] : memref<10240x128xf32, #tpu.memory_space<hbm>> -> memref<10240x128xf32, #tpu.memory_space<hbm>>
    tpu.wait_indirect_dma semaphore(%arg16 : memref<!tpu.dma_semaphore, #tpu.memory_space<semaphore_mem>>) src(%dma_wait3A_206 : memref<10240x128xf32, #tpu.memory_space<hbm>>) dst(%arg12 : memref<64x128xf32, #tpu.memory_space<vmem>>)
    %dma_start3A_207 = arith.constant 38 : i32
    %dma_start3A_208 = arith.constant 0 : i32
    %dma_start3A_209 = tpu.memref_slice %arg8[%dma_start3A_207, %dma_start3A_208] : memref<40x64xi32, #tpu.memory_space<vmem>> -> memref<1x64xi32, #tpu.memory_space<vmem>>
    %dma_start3A_210 = tpu.memref_squeeze %dma_start3A_209 : memref<1x64xi32, #tpu.memory_space<vmem>> -> memref<64xi32, #tpu.memory_space<vmem>>
    %dma_start3A_211 = arith.constant 0 : i32
    %dma_start3A_212 = arith.constant 0 : i32
    %dma_start3A_213 = tpu.memref_slice %arg9[%dma_start3A_211, %dma_start3A_212] : memref<10240x128xf32, #tpu.memory_space<vmem_shared>> -> memref<10240x128xf32, #tpu.memory_space<vmem_shared>>
    tpu.enqueue_indirect_dma source(%arg12 : memref<64x128xf32, #tpu.memory_space<vmem>>) target(%dma_start3A_213 : memref<10240x128xf32, #tpu.memory_space<vmem_shared>>) offsets(%dma_start3A_210 : memref<64xi32, #tpu.memory_space<vmem>>) semaphore(%arg20 : memref<!tpu.dma_semaphore, #tpu.memory_space<semaphore_mem>>) {add = true}
    %dma_wait3A_214 = arith.constant 0 : i32
    %dma_wait3A_215 = arith.constant 0 : i32
    %dma_wait3A_216 = tpu.memref_slice %arg7[%dma_wait3A_214, %dma_wait3A_215] : memref<40x64xi32, #tpu.memory_space<vmem>> -> memref<1x64xi32, #tpu.memory_space<vmem>>
    %dma_wait3A_217 = tpu.memref_squeeze %dma_wait3A_216 : memref<1x64xi32, #tpu.memory_space<vmem>> -> memref<64xi32, #tpu.memory_space<vmem>>
    %dma_wait3A_218 = arith.constant 0 : i32
    %dma_wait3A_219 = arith.constant 0 : i32
    %dma_wait3A_220 = tpu.memref_slice %arg2[%dma_wait3A_218, %dma_wait3A_219] : memref<10240x128xf32, #tpu.memory_space<hbm>> -> memref<10240x128xf32, #tpu.memory_space<hbm>>
    tpu.wait_indirect_dma semaphore(%arg17 : memref<!tpu.dma_semaphore, #tpu.memory_space<semaphore_mem>>) src(%dma_wait3A_220 : memref<10240x128xf32, #tpu.memory_space<hbm>>) dst(%arg13 : memref<64x128xf32, #tpu.memory_space<vmem>>)
    %dma_start3A_221 = arith.constant 39 : i32
    %dma_start3A_222 = arith.constant 0 : i32
    %dma_start3A_223 = tpu.memref_slice %arg8[%dma_start3A_221, %dma_start3A_222] : memref<40x64xi32, #tpu.memory_space<vmem>> -> memref<1x64xi32, #tpu.memory_space<vmem>>
    %dma_start3A_224 = tpu.memref_squeeze %dma_start3A_223 : memref<1x64xi32, #tpu.memory_space<vmem>> -> memref<64xi32, #tpu.memory_space<vmem>>
    %dma_start3A_225 = arith.constant 0 : i32
    %dma_start3A_226 = arith.constant 0 : i32
    %dma_start3A_227 = tpu.memref_slice %arg9[%dma_start3A_225, %dma_start3A_226] : memref<10240x128xf32, #tpu.memory_space<vmem_shared>> -> memref<10240x128xf32, #tpu.memory_space<vmem_shared>>
    tpu.enqueue_indirect_dma source(%arg13 : memref<64x128xf32, #tpu.memory_space<vmem>>) target(%dma_start3A_227 : memref<10240x128xf32, #tpu.memory_space<vmem_shared>>) offsets(%dma_start3A_224 : memref<64xi32, #tpu.memory_space<vmem>>) semaphore(%arg21 : memref<!tpu.dma_semaphore, #tpu.memory_space<semaphore_mem>>) {add = true}
    %dma_wait3A_228 = arith.constant 0 : i32
    %dma_wait3A_229 = arith.constant 0 : i32
    %dma_wait3A_230 = tpu.memref_slice %arg8[%dma_wait3A_228, %dma_wait3A_229] : memref<40x64xi32, #tpu.memory_space<vmem>> -> memref<1x64xi32, #tpu.memory_space<vmem>>
    %dma_wait3A_231 = tpu.memref_squeeze %dma_wait3A_230 : memref<1x64xi32, #tpu.memory_space<vmem>> -> memref<64xi32, #tpu.memory_space<vmem>>
    %dma_wait3A_232 = arith.constant 0 : i32
    %dma_wait3A_233 = arith.constant 0 : i32
    %dma_wait3A_234 = tpu.memref_slice %arg9[%dma_wait3A_232, %dma_wait3A_233] : memref<10240x128xf32, #tpu.memory_space<vmem_shared>> -> memref<10240x128xf32, #tpu.memory_space<vmem_shared>>
    tpu.wait_indirect_dma semaphore(%arg18 : memref<!tpu.dma_semaphore, #tpu.memory_space<semaphore_mem>>) src(%arg10 : memref<64x128xf32, #tpu.memory_space<vmem>>) dst(%dma_wait3A_234 : memref<10240x128xf32, #tpu.memory_space<vmem_shared>>)
    %dma_wait3A_235 = arith.constant 0 : i32
    %dma_wait3A_236 = arith.constant 0 : i32
    %dma_wait3A_237 = tpu.memref_slice %arg8[%dma_wait3A_235, %dma_wait3A_236] : memref<40x64xi32, #tpu.memory_space<vmem>> -> memref<1x64xi32, #tpu.memory_space<vmem>>
    %dma_wait3A_238 = tpu.memref_squeeze %dma_wait3A_237 : memref<1x64xi32, #tpu.memory_space<vmem>> -> memref<64xi32, #tpu.memory_space<vmem>>
    %dma_wait3A_239 = arith.constant 0 : i32
    %dma_wait3A_240 = arith.constant 0 : i32
    %dma_wait3A_241 = tpu.memref_slice %arg9[%dma_wait3A_239, %dma_wait3A_240] : memref<10240x128xf32, #tpu.memory_space<vmem_shared>> -> memref<10240x128xf32, #tpu.memory_space<vmem_shared>>
    tpu.wait_indirect_dma semaphore(%arg19 : memref<!tpu.dma_semaphore, #tpu.memory_space<semaphore_mem>>) src(%arg11 : memref<64x128xf32, #tpu.memory_space<vmem>>) dst(%dma_wait3A_241 : memref<10240x128xf32, #tpu.memory_space<vmem_shared>>)
    %dma_wait3A_242 = arith.constant 0 : i32
    %dma_wait3A_243 = arith.constant 0 : i32
    %dma_wait3A_244 = tpu.memref_slice %arg8[%dma_wait3A_242, %dma_wait3A_243] : memref<40x64xi32, #tpu.memory_space<vmem>> -> memref<1x64xi32, #tpu.memory_space<vmem>>
    %dma_wait3A_245 = tpu.memref_squeeze %dma_wait3A_244 : memref<1x64xi32, #tpu.memory_space<vmem>> -> memref<64xi32, #tpu.memory_space<vmem>>
    %dma_wait3A_246 = arith.constant 0 : i32
    %dma_wait3A_247 = arith.constant 0 : i32
    %dma_wait3A_248 = tpu.memref_slice %arg9[%dma_wait3A_246, %dma_wait3A_247] : memref<10240x128xf32, #tpu.memory_space<vmem_shared>> -> memref<10240x128xf32, #tpu.memory_space<vmem_shared>>
    tpu.wait_indirect_dma semaphore(%arg20 : memref<!tpu.dma_semaphore, #tpu.memory_space<semaphore_mem>>) src(%arg12 : memref<64x128xf32, #tpu.memory_space<vmem>>) dst(%dma_wait3A_248 : memref<10240x128xf32, #tpu.memory_space<vmem_shared>>)
    %dma_wait3A_249 = arith.constant 0 : i32
    %dma_wait3A_250 = arith.constant 0 : i32
    %dma_wait3A_251 = tpu.memref_slice %arg8[%dma_wait3A_249, %dma_wait3A_250] : memref<40x64xi32, #tpu.memory_space<vmem>> -> memref<1x64xi32, #tpu.memory_space<vmem>>
    %dma_wait3A_252 = tpu.memref_squeeze %dma_wait3A_251 : memref<1x64xi32, #tpu.memory_space<vmem>> -> memref<64xi32, #tpu.memory_space<vmem>>
    %dma_wait3A_253 = arith.constant 0 : i32
    %dma_wait3A_254 = arith.constant 0 : i32
    %dma_wait3A_255 = tpu.memref_slice %arg9[%dma_wait3A_253, %dma_wait3A_254] : memref<10240x128xf32, #tpu.memory_space<vmem_shared>> -> memref<10240x128xf32, #tpu.memory_space<vmem_shared>>
    tpu.wait_indirect_dma semaphore(%arg21 : memref<!tpu.dma_semaphore, #tpu.memory_space<semaphore_mem>>) src(%arg13 : memref<64x128xf32, #tpu.memory_space<vmem>>) dst(%dma_wait3A_255 : memref<10240x128xf32, #tpu.memory_space<vmem_shared>>)
    %mul3A_256 = arith.constant 160 : i32
    %mul3A_257 = arith.muli %add3A, %mul3A_256 : i32
    %add3A_258 = arith.constant 80 : i32
    %add3A_259 = arith.addi %mul3A_257, %add3A_258 : i32
    "tpu.region"() ({
      %run_scoped3A = tpu.sem_alloc : memref<!tpu.dma_semaphore, #tpu.memory_space<semaphore_mem>>
      %dma_start3A_515 = arith.constant 0 : i32
      %dma_start3A_516 = tpu.memref_slice %arg3[%add3A_259, %dma_start3A_515] : memref<5120x64xi32, #tpu.memory_space<hbm>> -> memref<40x64xi32, #tpu.memory_space<hbm>>
      %dma_start3A_517 = arith.constant 0 : i32
      %dma_start3A_518 = tpu.memref_slice %arg3[%add3A_259, %dma_start3A_517] : memref<5120x64xi32, #tpu.memory_space<hbm>> -> memref<40x64xi32, #tpu.memory_space<hbm>>
      tpu.enqueue_dma source(%dma_start3A_518 : memref<40x64xi32, #tpu.memory_space<hbm>>) target(%arg7 : memref<40x64xi32, #tpu.memory_space<vmem>>) target_semaphore(%run_scoped3A : memref<!tpu.dma_semaphore, #tpu.memory_space<semaphore_mem>>)
      %dma_wait3A_519 = arith.constant 0 : i32
      %dma_wait3A_520 = tpu.memref_slice %arg3[%add3A_259, %dma_wait3A_519] : memref<5120x64xi32, #tpu.memory_space<hbm>> -> memref<40x64xi32, #tpu.memory_space<hbm>>
      %dma_wait3A_521 = arith.constant 0 : i32
      %dma_wait3A_522 = tpu.memref_slice %arg3[%add3A_259, %dma_wait3A_521] : memref<5120x64xi32, #tpu.memory_space<hbm>> -> memref<40x64xi32, #tpu.memory_space<hbm>>
      tpu.wait_dma2 semaphore(%run_scoped3A : memref<!tpu.dma_semaphore, #tpu.memory_space<semaphore_mem>>) src(%dma_wait3A_522 : memref<40x64xi32, #tpu.memory_space<hbm>>) dst(%arg7 : memref<40x64xi32, #tpu.memory_space<vmem>>)
      tpu.yield
    }) : () -> ()
    %mul3A_260 = arith.constant 160 : i32
    %mul3A_261 = arith.muli %add3A, %mul3A_260 : i32
    %add3A_262 = arith.constant 80 : i32
    %add3A_263 = arith.addi %mul3A_261, %add3A_262 : i32
    "tpu.region"() ({
      %run_scoped3A = tpu.sem_alloc : memref<!tpu.dma_semaphore, #tpu.memory_space<semaphore_mem>>
      %dma_start3A_515 = arith.constant 0 : i32
      %dma_start3A_516 = tpu.memref_slice %arg4[%add3A_263, %dma_start3A_515] : memref<5120x64xi32, #tpu.memory_space<hbm>> -> memref<40x64xi32, #tpu.memory_space<hbm>>
      %dma_start3A_517 = arith.constant 0 : i32
      %dma_start3A_518 = tpu.memref_slice %arg4[%add3A_263, %dma_start3A_517] : memref<5120x64xi32, #tpu.memory_space<hbm>> -> memref<40x64xi32, #tpu.memory_space<hbm>>
      tpu.enqueue_dma source(%dma_start3A_518 : memref<40x64xi32, #tpu.memory_space<hbm>>) target(%arg8 : memref<40x64xi32, #tpu.memory_space<vmem>>) target_semaphore(%run_scoped3A : memref<!tpu.dma_semaphore, #tpu.memory_space<semaphore_mem>>)
      %dma_wait3A_519 = arith.constant 0 : i32
      %dma_wait3A_520 = tpu.memref_slice %arg4[%add3A_263, %dma_wait3A_519] : memref<5120x64xi32, #tpu.memory_space<hbm>> -> memref<40x64xi32, #tpu.memory_space<hbm>>
      %dma_wait3A_521 = arith.constant 0 : i32
      %dma_wait3A_522 = tpu.memref_slice %arg4[%add3A_263, %dma_wait3A_521] : memref<5120x64xi32, #tpu.memory_space<hbm>> -> memref<40x64xi32, #tpu.memory_space<hbm>>
      tpu.wait_dma2 semaphore(%run_scoped3A : memref<!tpu.dma_semaphore, #tpu.memory_space<semaphore_mem>>) src(%dma_wait3A_522 : memref<40x64xi32, #tpu.memory_space<hbm>>) dst(%arg8 : memref<40x64xi32, #tpu.memory_space<vmem>>)
      tpu.yield
    }) : () -> ()
    %dma_start3A_264 = arith.constant 0 : i32
    %dma_start3A_265 = arith.constant 0 : i32
    %dma_start3A_266 = tpu.memref_slice %arg7[%dma_start3A_264, %dma_start3A_265] : memref<40x64xi32, #tpu.memory_space<vmem>> -> memref<1x64xi32, #tpu.memory_space<vmem>>
    %dma_start3A_267 = tpu.memref_squeeze %dma_start3A_266 : memref<1x64xi32, #tpu.memory_space<vmem>> -> memref<64xi32, #tpu.memory_space<vmem>>
    %dma_start3A_268 = arith.constant 0 : i32
    %dma_start3A_269 = arith.constant 0 : i32
    %dma_start3A_270 = tpu.memref_slice %arg2[%dma_start3A_268, %dma_start3A_269] : memref<10240x128xf32, #tpu.memory_space<hbm>> -> memref<10240x128xf32, #tpu.memory_space<hbm>>
    tpu.enqueue_indirect_dma source(%dma_start3A_270 : memref<10240x128xf32, #tpu.memory_space<hbm>>) target(%arg10 : memref<64x128xf32, #tpu.memory_space<vmem>>) offsets(%dma_start3A_267 : memref<64xi32, #tpu.memory_space<vmem>>) semaphore(%arg14 : memref<!tpu.dma_semaphore, #tpu.memory_space<semaphore_mem>>)
    %dma_start3A_271 = arith.constant 1 : i32
    %dma_start3A_272 = arith.constant 0 : i32
    %dma_start3A_273 = tpu.memref_slice %arg7[%dma_start3A_271, %dma_start3A_272] : memref<40x64xi32, #tpu.memory_space<vmem>> -> memref<1x64xi32, #tpu.memory_space<vmem>>
    %dma_start3A_274 = tpu.memref_squeeze %dma_start3A_273 : memref<1x64xi32, #tpu.memory_space<vmem>> -> memref<64xi32, #tpu.memory_space<vmem>>
    %dma_start3A_275 = arith.constant 0 : i32
    %dma_start3A_276 = arith.constant 0 : i32
    %dma_start3A_277 = tpu.memref_slice %arg2[%dma_start3A_275, %dma_start3A_276] : memref<10240x128xf32, #tpu.memory_space<hbm>> -> memref<10240x128xf32, #tpu.memory_space<hbm>>
    tpu.enqueue_indirect_dma source(%dma_start3A_277 : memref<10240x128xf32, #tpu.memory_space<hbm>>) target(%arg11 : memref<64x128xf32, #tpu.memory_space<vmem>>) offsets(%dma_start3A_274 : memref<64xi32, #tpu.memory_space<vmem>>) semaphore(%arg15 : memref<!tpu.dma_semaphore, #tpu.memory_space<semaphore_mem>>)
    %dma_start3A_278 = arith.constant 2 : i32
    %dma_start3A_279 = arith.constant 0 : i32
    %dma_start3A_280 = tpu.memref_slice %arg7[%dma_start3A_278, %dma_start3A_279] : memref<40x64xi32, #tpu.memory_space<vmem>> -> memref<1x64xi32, #tpu.memory_space<vmem>>
    %dma_start3A_281 = tpu.memref_squeeze %dma_start3A_280 : memref<1x64xi32, #tpu.memory_space<vmem>> -> memref<64xi32, #tpu.memory_space<vmem>>
    %dma_start3A_282 = arith.constant 0 : i32
    %dma_start3A_283 = arith.constant 0 : i32
    %dma_start3A_284 = tpu.memref_slice %arg2[%dma_start3A_282, %dma_start3A_283] : memref<10240x128xf32, #tpu.memory_space<hbm>> -> memref<10240x128xf32, #tpu.memory_space<hbm>>
    tpu.enqueue_indirect_dma source(%dma_start3A_284 : memref<10240x128xf32, #tpu.memory_space<hbm>>) target(%arg12 : memref<64x128xf32, #tpu.memory_space<vmem>>) offsets(%dma_start3A_281 : memref<64xi32, #tpu.memory_space<vmem>>) semaphore(%arg16 : memref<!tpu.dma_semaphore, #tpu.memory_space<semaphore_mem>>)
    %dma_start3A_285 = arith.constant 3 : i32
    %dma_start3A_286 = arith.constant 0 : i32
    %dma_start3A_287 = tpu.memref_slice %arg7[%dma_start3A_285, %dma_start3A_286] : memref<40x64xi32, #tpu.memory_space<vmem>> -> memref<1x64xi32, #tpu.memory_space<vmem>>
    %dma_start3A_288 = tpu.memref_squeeze %dma_start3A_287 : memref<1x64xi32, #tpu.memory_space<vmem>> -> memref<64xi32, #tpu.memory_space<vmem>>
    %dma_start3A_289 = arith.constant 0 : i32
    %dma_start3A_290 = arith.constant 0 : i32
    %dma_start3A_291 = tpu.memref_slice %arg2[%dma_start3A_289, %dma_start3A_290] : memref<10240x128xf32, #tpu.memory_space<hbm>> -> memref<10240x128xf32, #tpu.memory_space<hbm>>
    tpu.enqueue_indirect_dma source(%dma_start3A_291 : memref<10240x128xf32, #tpu.memory_space<hbm>>) target(%arg13 : memref<64x128xf32, #tpu.memory_space<vmem>>) offsets(%dma_start3A_288 : memref<64xi32, #tpu.memory_space<vmem>>) semaphore(%arg17 : memref<!tpu.dma_semaphore, #tpu.memory_space<semaphore_mem>>)
    %scan3A_292 = arith.constant 0 : i32
    %scan3A_293 = arith.constant 0 : i32
    %scan3A_294 = arith.constant 9 : i32
    %scan3A_295 = arith.addi %scan3A_293, %scan3A_294 : i32
    %scan3A_296 = arith.constant 1 : i32
    %scan3A_297 = scf.for %scan3A_515 = %scan3A_293 to %scan3A_295 step %scan3A_296 iter_args(%scan3A_516 = %scan3A_292) -> (i32)  : i32 {
      %mul3A_517 = arith.constant 4 : i32
      %mul3A_518 = arith.muli %scan3A_515, %mul3A_517 : i32
      %dma_wait3A_519 = arith.constant 0 : i32
      %dma_wait3A_520 = arith.constant 0 : i32
      %dma_wait3A_521 = tpu.memref_slice %arg7[%dma_wait3A_519, %dma_wait3A_520] : memref<40x64xi32, #tpu.memory_space<vmem>> -> memref<1x64xi32, #tpu.memory_space<vmem>>
      %dma_wait3A_522 = tpu.memref_squeeze %dma_wait3A_521 : memref<1x64xi32, #tpu.memory_space<vmem>> -> memref<64xi32, #tpu.memory_space<vmem>>
      %dma_wait3A_523 = arith.constant 0 : i32
      %dma_wait3A_524 = arith.constant 0 : i32
      %dma_wait3A_525 = tpu.memref_slice %arg2[%dma_wait3A_523, %dma_wait3A_524] : memref<10240x128xf32, #tpu.memory_space<hbm>> -> memref<10240x128xf32, #tpu.memory_space<hbm>>
      tpu.wait_indirect_dma semaphore(%arg14 : memref<!tpu.dma_semaphore, #tpu.memory_space<semaphore_mem>>) src(%dma_wait3A_525 : memref<10240x128xf32, #tpu.memory_space<hbm>>) dst(%arg10 : memref<64x128xf32, #tpu.memory_space<vmem>>)
      %add3A_526 = arith.constant 0 : i32
      %add3A_527 = arith.addi %mul3A_518, %add3A_526 : i32
      %dma_start3A_528 = arith.constant 0 : i32
      %dma_start3A_529 = tpu.memref_slice %arg8[%add3A_527, %dma_start3A_528] : memref<40x64xi32, #tpu.memory_space<vmem>> -> memref<1x64xi32, #tpu.memory_space<vmem>>
      %dma_start3A_530 = tpu.memref_squeeze %dma_start3A_529 : memref<1x64xi32, #tpu.memory_space<vmem>> -> memref<64xi32, #tpu.memory_space<vmem>>
      %dma_start3A_531 = arith.constant 0 : i32
      %dma_start3A_532 = arith.constant 0 : i32
      %dma_start3A_533 = tpu.memref_slice %arg9[%dma_start3A_531, %dma_start3A_532] : memref<10240x128xf32, #tpu.memory_space<vmem_shared>> -> memref<10240x128xf32, #tpu.memory_space<vmem_shared>>
      tpu.enqueue_indirect_dma source(%arg10 : memref<64x128xf32, #tpu.memory_space<vmem>>) target(%dma_start3A_533 : memref<10240x128xf32, #tpu.memory_space<vmem_shared>>) offsets(%dma_start3A_530 : memref<64xi32, #tpu.memory_space<vmem>>) semaphore(%arg18 : memref<!tpu.dma_semaphore, #tpu.memory_space<semaphore_mem>>) {add = true}
      %dma_wait3A_534 = arith.constant 0 : i32
      %dma_wait3A_535 = arith.constant 0 : i32
      %dma_wait3A_536 = tpu.memref_slice %arg7[%dma_wait3A_534, %dma_wait3A_535] : memref<40x64xi32, #tpu.memory_space<vmem>> -> memref<1x64xi32, #tpu.memory_space<vmem>>
      %dma_wait3A_537 = tpu.memref_squeeze %dma_wait3A_536 : memref<1x64xi32, #tpu.memory_space<vmem>> -> memref<64xi32, #tpu.memory_space<vmem>>
      %dma_wait3A_538 = arith.constant 0 : i32
      %dma_wait3A_539 = arith.constant 0 : i32
      %dma_wait3A_540 = tpu.memref_slice %arg2[%dma_wait3A_538, %dma_wait3A_539] : memref<10240x128xf32, #tpu.memory_space<hbm>> -> memref<10240x128xf32, #tpu.memory_space<hbm>>
      tpu.wait_indirect_dma semaphore(%arg15 : memref<!tpu.dma_semaphore, #tpu.memory_space<semaphore_mem>>) src(%dma_wait3A_540 : memref<10240x128xf32, #tpu.memory_space<hbm>>) dst(%arg11 : memref<64x128xf32, #tpu.memory_space<vmem>>)
      %add3A_541 = arith.constant 1 : i32
      %add3A_542 = arith.addi %mul3A_518, %add3A_541 : i32
      %dma_start3A_543 = arith.constant 0 : i32
      %dma_start3A_544 = tpu.memref_slice %arg8[%add3A_542, %dma_start3A_543] : memref<40x64xi32, #tpu.memory_space<vmem>> -> memref<1x64xi32, #tpu.memory_space<vmem>>
      %dma_start3A_545 = tpu.memref_squeeze %dma_start3A_544 : memref<1x64xi32, #tpu.memory_space<vmem>> -> memref<64xi32, #tpu.memory_space<vmem>>
      %dma_start3A_546 = arith.constant 0 : i32
      %dma_start3A_547 = arith.constant 0 : i32
      %dma_start3A_548 = tpu.memref_slice %arg9[%dma_start3A_546, %dma_start3A_547] : memref<10240x128xf32, #tpu.memory_space<vmem_shared>> -> memref<10240x128xf32, #tpu.memory_space<vmem_shared>>
      tpu.enqueue_indirect_dma source(%arg11 : memref<64x128xf32, #tpu.memory_space<vmem>>) target(%dma_start3A_548 : memref<10240x128xf32, #tpu.memory_space<vmem_shared>>) offsets(%dma_start3A_545 : memref<64xi32, #tpu.memory_space<vmem>>) semaphore(%arg19 : memref<!tpu.dma_semaphore, #tpu.memory_space<semaphore_mem>>) {add = true}
      %dma_wait3A_549 = arith.constant 0 : i32
      %dma_wait3A_550 = arith.constant 0 : i32
      %dma_wait3A_551 = tpu.memref_slice %arg7[%dma_wait3A_549, %dma_wait3A_550] : memref<40x64xi32, #tpu.memory_space<vmem>> -> memref<1x64xi32, #tpu.memory_space<vmem>>
      %dma_wait3A_552 = tpu.memref_squeeze %dma_wait3A_551 : memref<1x64xi32, #tpu.memory_space<vmem>> -> memref<64xi32, #tpu.memory_space<vmem>>
      %dma_wait3A_553 = arith.constant 0 : i32
      %dma_wait3A_554 = arith.constant 0 : i32
      %dma_wait3A_555 = tpu.memref_slice %arg2[%dma_wait3A_553, %dma_wait3A_554] : memref<10240x128xf32, #tpu.memory_space<hbm>> -> memref<10240x128xf32, #tpu.memory_space<hbm>>
      tpu.wait_indirect_dma semaphore(%arg16 : memref<!tpu.dma_semaphore, #tpu.memory_space<semaphore_mem>>) src(%dma_wait3A_555 : memref<10240x128xf32, #tpu.memory_space<hbm>>) dst(%arg12 : memref<64x128xf32, #tpu.memory_space<vmem>>)
      %add3A_556 = arith.constant 2 : i32
      %add3A_557 = arith.addi %mul3A_518, %add3A_556 : i32
      %dma_start3A_558 = arith.constant 0 : i32
      %dma_start3A_559 = tpu.memref_slice %arg8[%add3A_557, %dma_start3A_558] : memref<40x64xi32, #tpu.memory_space<vmem>> -> memref<1x64xi32, #tpu.memory_space<vmem>>
      %dma_start3A_560 = tpu.memref_squeeze %dma_start3A_559 : memref<1x64xi32, #tpu.memory_space<vmem>> -> memref<64xi32, #tpu.memory_space<vmem>>
      %dma_start3A_561 = arith.constant 0 : i32
      %dma_start3A_562 = arith.constant 0 : i32
      %dma_start3A_563 = tpu.memref_slice %arg9[%dma_start3A_561, %dma_start3A_562] : memref<10240x128xf32, #tpu.memory_space<vmem_shared>> -> memref<10240x128xf32, #tpu.memory_space<vmem_shared>>
      tpu.enqueue_indirect_dma source(%arg12 : memref<64x128xf32, #tpu.memory_space<vmem>>) target(%dma_start3A_563 : memref<10240x128xf32, #tpu.memory_space<vmem_shared>>) offsets(%dma_start3A_560 : memref<64xi32, #tpu.memory_space<vmem>>) semaphore(%arg20 : memref<!tpu.dma_semaphore, #tpu.memory_space<semaphore_mem>>) {add = true}
      %dma_wait3A_564 = arith.constant 0 : i32
      %dma_wait3A_565 = arith.constant 0 : i32
      %dma_wait3A_566 = tpu.memref_slice %arg7[%dma_wait3A_564, %dma_wait3A_565] : memref<40x64xi32, #tpu.memory_space<vmem>> -> memref<1x64xi32, #tpu.memory_space<vmem>>
      %dma_wait3A_567 = tpu.memref_squeeze %dma_wait3A_566 : memref<1x64xi32, #tpu.memory_space<vmem>> -> memref<64xi32, #tpu.memory_space<vmem>>
      %dma_wait3A_568 = arith.constant 0 : i32
      %dma_wait3A_569 = arith.constant 0 : i32
      %dma_wait3A_570 = tpu.memref_slice %arg2[%dma_wait3A_568, %dma_wait3A_569] : memref<10240x128xf32, #tpu.memory_space<hbm>> -> memref<10240x128xf32, #tpu.memory_space<hbm>>
      tpu.wait_indirect_dma semaphore(%arg17 : memref<!tpu.dma_semaphore, #tpu.memory_space<semaphore_mem>>) src(%dma_wait3A_570 : memref<10240x128xf32, #tpu.memory_space<hbm>>) dst(%arg13 : memref<64x128xf32, #tpu.memory_space<vmem>>)
      %add3A_571 = arith.constant 3 : i32
      %add3A_572 = arith.addi %mul3A_518, %add3A_571 : i32
      %dma_start3A_573 = arith.constant 0 : i32
      %dma_start3A_574 = tpu.memref_slice %arg8[%add3A_572, %dma_start3A_573] : memref<40x64xi32, #tpu.memory_space<vmem>> -> memref<1x64xi32, #tpu.memory_space<vmem>>
      %dma_start3A_575 = tpu.memref_squeeze %dma_start3A_574 : memref<1x64xi32, #tpu.memory_space<vmem>> -> memref<64xi32, #tpu.memory_space<vmem>>
      %dma_start3A_576 = arith.constant 0 : i32
      %dma_start3A_577 = arith.constant 0 : i32
      %dma_start3A_578 = tpu.memref_slice %arg9[%dma_start3A_576, %dma_start3A_577] : memref<10240x128xf32, #tpu.memory_space<vmem_shared>> -> memref<10240x128xf32, #tpu.memory_space<vmem_shared>>
      tpu.enqueue_indirect_dma source(%arg13 : memref<64x128xf32, #tpu.memory_space<vmem>>) target(%dma_start3A_578 : memref<10240x128xf32, #tpu.memory_space<vmem_shared>>) offsets(%dma_start3A_575 : memref<64xi32, #tpu.memory_space<vmem>>) semaphore(%arg21 : memref<!tpu.dma_semaphore, #tpu.memory_space<semaphore_mem>>) {add = true}
      %dma_wait3A_579 = arith.constant 0 : i32
      %dma_wait3A_580 = arith.constant 0 : i32
      %dma_wait3A_581 = tpu.memref_slice %arg8[%dma_wait3A_579, %dma_wait3A_580] : memref<40x64xi32, #tpu.memory_space<vmem>> -> memref<1x64xi32, #tpu.memory_space<vmem>>
      %dma_wait3A_582 = tpu.memref_squeeze %dma_wait3A_581 : memref<1x64xi32, #tpu.memory_space<vmem>> -> memref<64xi32, #tpu.memory_space<vmem>>
      %dma_wait3A_583 = arith.constant 0 : i32
      %dma_wait3A_584 = arith.constant 0 : i32
      %dma_wait3A_585 = tpu.memref_slice %arg9[%dma_wait3A_583, %dma_wait3A_584] : memref<10240x128xf32, #tpu.memory_space<vmem_shared>> -> memref<10240x128xf32, #tpu.memory_space<vmem_shared>>
      tpu.wait_indirect_dma semaphore(%arg18 : memref<!tpu.dma_semaphore, #tpu.memory_space<semaphore_mem>>) src(%arg10 : memref<64x128xf32, #tpu.memory_space<vmem>>) dst(%dma_wait3A_585 : memref<10240x128xf32, #tpu.memory_space<vmem_shared>>)
      %add3A_586 = arith.constant 4 : i32
      %add3A_587 = arith.addi %mul3A_518, %add3A_586 : i32
      %add3A_588 = arith.constant 0 : i32
      %add3A_589 = arith.addi %add3A_587, %add3A_588 : i32
      %dma_start3A_590 = arith.constant 0 : i32
      %dma_start3A_591 = tpu.memref_slice %arg7[%add3A_589, %dma_start3A_590] : memref<40x64xi32, #tpu.memory_space<vmem>> -> memref<1x64xi32, #tpu.memory_space<vmem>>
      %dma_start3A_592 = tpu.memref_squeeze %dma_start3A_591 : memref<1x64xi32, #tpu.memory_space<vmem>> -> memref<64xi32, #tpu.memory_space<vmem>>
      %dma_start3A_593 = arith.constant 0 : i32
      %dma_start3A_594 = arith.constant 0 : i32
      %dma_start3A_595 = tpu.memref_slice %arg2[%dma_start3A_593, %dma_start3A_594] : memref<10240x128xf32, #tpu.memory_space<hbm>> -> memref<10240x128xf32, #tpu.memory_space<hbm>>
      tpu.enqueue_indirect_dma source(%dma_start3A_595 : memref<10240x128xf32, #tpu.memory_space<hbm>>) target(%arg10 : memref<64x128xf32, #tpu.memory_space<vmem>>) offsets(%dma_start3A_592 : memref<64xi32, #tpu.memory_space<vmem>>) semaphore(%arg14 : memref<!tpu.dma_semaphore, #tpu.memory_space<semaphore_mem>>)
      %dma_wait3A_596 = arith.constant 0 : i32
      %dma_wait3A_597 = arith.constant 0 : i32
      %dma_wait3A_598 = tpu.memref_slice %arg8[%dma_wait3A_596, %dma_wait3A_597] : memref<40x64xi32, #tpu.memory_space<vmem>> -> memref<1x64xi32, #tpu.memory_space<vmem>>
      %dma_wait3A_599 = tpu.memref_squeeze %dma_wait3A_598 : memref<1x64xi32, #tpu.memory_space<vmem>> -> memref<64xi32, #tpu.memory_space<vmem>>
      %dma_wait3A_600 = arith.constant 0 : i32
      %dma_wait3A_601 = arith.constant 0 : i32
      %dma_wait3A_602 = tpu.memref_slice %arg9[%dma_wait3A_600, %dma_wait3A_601] : memref<10240x128xf32, #tpu.memory_space<vmem_shared>> -> memref<10240x128xf32, #tpu.memory_space<vmem_shared>>
      tpu.wait_indirect_dma semaphore(%arg19 : memref<!tpu.dma_semaphore, #tpu.memory_space<semaphore_mem>>) src(%arg11 : memref<64x128xf32, #tpu.memory_space<vmem>>) dst(%dma_wait3A_602 : memref<10240x128xf32, #tpu.memory_space<vmem_shared>>)
      %add3A_603 = arith.constant 4 : i32
      %add3A_604 = arith.addi %mul3A_518, %add3A_603 : i32
      %add3A_605 = arith.constant 1 : i32
      %add3A_606 = arith.addi %add3A_604, %add3A_605 : i32
      %dma_start3A_607 = arith.constant 0 : i32
      %dma_start3A_608 = tpu.memref_slice %arg7[%add3A_606, %dma_start3A_607] : memref<40x64xi32, #tpu.memory_space<vmem>> -> memref<1x64xi32, #tpu.memory_space<vmem>>
      %dma_start3A_609 = tpu.memref_squeeze %dma_start3A_608 : memref<1x64xi32, #tpu.memory_space<vmem>> -> memref<64xi32, #tpu.memory_space<vmem>>
      %dma_start3A_610 = arith.constant 0 : i32
      %dma_start3A_611 = arith.constant 0 : i32
      %dma_start3A_612 = tpu.memref_slice %arg2[%dma_start3A_610, %dma_start3A_611] : memref<10240x128xf32, #tpu.memory_space<hbm>> -> memref<10240x128xf32, #tpu.memory_space<hbm>>
      tpu.enqueue_indirect_dma source(%dma_start3A_612 : memref<10240x128xf32, #tpu.memory_space<hbm>>) target(%arg11 : memref<64x128xf32, #tpu.memory_space<vmem>>) offsets(%dma_start3A_609 : memref<64xi32, #tpu.memory_space<vmem>>) semaphore(%arg15 : memref<!tpu.dma_semaphore, #tpu.memory_space<semaphore_mem>>)
      %dma_wait3A_613 = arith.constant 0 : i32
      %dma_wait3A_614 = arith.constant 0 : i32
      %dma_wait3A_615 = tpu.memref_slice %arg8[%dma_wait3A_613, %dma_wait3A_614] : memref<40x64xi32, #tpu.memory_space<vmem>> -> memref<1x64xi32, #tpu.memory_space<vmem>>
      %dma_wait3A_616 = tpu.memref_squeeze %dma_wait3A_615 : memref<1x64xi32, #tpu.memory_space<vmem>> -> memref<64xi32, #tpu.memory_space<vmem>>
      %dma_wait3A_617 = arith.constant 0 : i32
      %dma_wait3A_618 = arith.constant 0 : i32
      %dma_wait3A_619 = tpu.memref_slice %arg9[%dma_wait3A_617, %dma_wait3A_618] : memref<10240x128xf32, #tpu.memory_space<vmem_shared>> -> memref<10240x128xf32, #tpu.memory_space<vmem_shared>>
      tpu.wait_indirect_dma semaphore(%arg20 : memref<!tpu.dma_semaphore, #tpu.memory_space<semaphore_mem>>) src(%arg12 : memref<64x128xf32, #tpu.memory_space<vmem>>) dst(%dma_wait3A_619 : memref<10240x128xf32, #tpu.memory_space<vmem_shared>>)
      %add3A_620 = arith.constant 4 : i32
      %add3A_621 = arith.addi %mul3A_518, %add3A_620 : i32
      %add3A_622 = arith.constant 2 : i32
      %add3A_623 = arith.addi %add3A_621, %add3A_622 : i32
      %dma_start3A_624 = arith.constant 0 : i32
      %dma_start3A_625 = tpu.memref_slice %arg7[%add3A_623, %dma_start3A_624] : memref<40x64xi32, #tpu.memory_space<vmem>> -> memref<1x64xi32, #tpu.memory_space<vmem>>
      %dma_start3A_626 = tpu.memref_squeeze %dma_start3A_625 : memref<1x64xi32, #tpu.memory_space<vmem>> -> memref<64xi32, #tpu.memory_space<vmem>>
      %dma_start3A_627 = arith.constant 0 : i32
      %dma_start3A_628 = arith.constant 0 : i32
      %dma_start3A_629 = tpu.memref_slice %arg2[%dma_start3A_627, %dma_start3A_628] : memref<10240x128xf32, #tpu.memory_space<hbm>> -> memref<10240x128xf32, #tpu.memory_space<hbm>>
      tpu.enqueue_indirect_dma source(%dma_start3A_629 : memref<10240x128xf32, #tpu.memory_space<hbm>>) target(%arg12 : memref<64x128xf32, #tpu.memory_space<vmem>>) offsets(%dma_start3A_626 : memref<64xi32, #tpu.memory_space<vmem>>) semaphore(%arg16 : memref<!tpu.dma_semaphore, #tpu.memory_space<semaphore_mem>>)
      %dma_wait3A_630 = arith.constant 0 : i32
      %dma_wait3A_631 = arith.constant 0 : i32
      %dma_wait3A_632 = tpu.memref_slice %arg8[%dma_wait3A_630, %dma_wait3A_631] : memref<40x64xi32, #tpu.memory_space<vmem>> -> memref<1x64xi32, #tpu.memory_space<vmem>>
      %dma_wait3A_633 = tpu.memref_squeeze %dma_wait3A_632 : memref<1x64xi32, #tpu.memory_space<vmem>> -> memref<64xi32, #tpu.memory_space<vmem>>
      %dma_wait3A_634 = arith.constant 0 : i32
      %dma_wait3A_635 = arith.constant 0 : i32
      %dma_wait3A_636 = tpu.memref_slice %arg9[%dma_wait3A_634, %dma_wait3A_635] : memref<10240x128xf32, #tpu.memory_space<vmem_shared>> -> memref<10240x128xf32, #tpu.memory_space<vmem_shared>>
      tpu.wait_indirect_dma semaphore(%arg21 : memref<!tpu.dma_semaphore, #tpu.memory_space<semaphore_mem>>) src(%arg13 : memref<64x128xf32, #tpu.memory_space<vmem>>) dst(%dma_wait3A_636 : memref<10240x128xf32, #tpu.memory_space<vmem_shared>>)
      %add3A_637 = arith.constant 4 : i32
      %add3A_638 = arith.addi %mul3A_518, %add3A_637 : i32
      %add3A_639 = arith.constant 3 : i32
      %add3A_640 = arith.addi %add3A_638, %add3A_639 : i32
      %dma_start3A_641 = arith.constant 0 : i32
      %dma_start3A_642 = tpu.memref_slice %arg7[%add3A_640, %dma_start3A_641] : memref<40x64xi32, #tpu.memory_space<vmem>> -> memref<1x64xi32, #tpu.memory_space<vmem>>
      %dma_start3A_643 = tpu.memref_squeeze %dma_start3A_642 : memref<1x64xi32, #tpu.memory_space<vmem>> -> memref<64xi32, #tpu.memory_space<vmem>>
      %dma_start3A_644 = arith.constant 0 : i32
      %dma_start3A_645 = arith.constant 0 : i32
      %dma_start3A_646 = tpu.memref_slice %arg2[%dma_start3A_644, %dma_start3A_645] : memref<10240x128xf32, #tpu.memory_space<hbm>> -> memref<10240x128xf32, #tpu.memory_space<hbm>>
      tpu.enqueue_indirect_dma source(%dma_start3A_646 : memref<10240x128xf32, #tpu.memory_space<hbm>>) target(%arg13 : memref<64x128xf32, #tpu.memory_space<vmem>>) offsets(%dma_start3A_643 : memref<64xi32, #tpu.memory_space<vmem>>) semaphore(%arg17 : memref<!tpu.dma_semaphore, #tpu.memory_space<semaphore_mem>>)
      %scan3A_647 = arith.constant 0 : i32
      scf.yield %scan3A_647 : i32
    }
    %scan3A_298 = arith.constant 9 : i32
    %dma_wait3A_299 = arith.constant 0 : i32
    %dma_wait3A_300 = arith.constant 0 : i32
    %dma_wait3A_301 = tpu.memref_slice %arg7[%dma_wait3A_299, %dma_wait3A_300] : memref<40x64xi32, #tpu.memory_space<vmem>> -> memref<1x64xi32, #tpu.memory_space<vmem>>
    %dma_wait3A_302 = tpu.memref_squeeze %dma_wait3A_301 : memref<1x64xi32, #tpu.memory_space<vmem>> -> memref<64xi32, #tpu.memory_space<vmem>>
    %dma_wait3A_303 = arith.constant 0 : i32
    %dma_wait3A_304 = arith.constant 0 : i32
    %dma_wait3A_305 = tpu.memref_slice %arg2[%dma_wait3A_303, %dma_wait3A_304] : memref<10240x128xf32, #tpu.memory_space<hbm>> -> memref<10240x128xf32, #tpu.memory_space<hbm>>
    tpu.wait_indirect_dma semaphore(%arg14 : memref<!tpu.dma_semaphore, #tpu.memory_space<semaphore_mem>>) src(%dma_wait3A_305 : memref<10240x128xf32, #tpu.memory_space<hbm>>) dst(%arg10 : memref<64x128xf32, #tpu.memory_space<vmem>>)
    %dma_start3A_306 = arith.constant 36 : i32
    %dma_start3A_307 = arith.constant 0 : i32
    %dma_start3A_308 = tpu.memref_slice %arg8[%dma_start3A_306, %dma_start3A_307] : memref<40x64xi32, #tpu.memory_space<vmem>> -> memref<1x64xi32, #tpu.memory_space<vmem>>
    %dma_start3A_309 = tpu.memref_squeeze %dma_start3A_308 : memref<1x64xi32, #tpu.memory_space<vmem>> -> memref<64xi32, #tpu.memory_space<vmem>>
    %dma_start3A_310 = arith.constant 0 : i32
    %dma_start3A_311 = arith.constant 0 : i32
    %dma_start3A_312 = tpu.memref_slice %arg9[%dma_start3A_310, %dma_start3A_311] : memref<10240x128xf32, #tpu.memory_space<vmem_shared>> -> memref<10240x128xf32, #tpu.memory_space<vmem_shared>>
    tpu.enqueue_indirect_dma source(%arg10 : memref<64x128xf32, #tpu.memory_space<vmem>>) target(%dma_start3A_312 : memref<10240x128xf32, #tpu.memory_space<vmem_shared>>) offsets(%dma_start3A_309 : memref<64xi32, #tpu.memory_space<vmem>>) semaphore(%arg18 : memref<!tpu.dma_semaphore, #tpu.memory_space<semaphore_mem>>) {add = true}
    %dma_wait3A_313 = arith.constant 0 : i32
    %dma_wait3A_314 = arith.constant 0 : i32
    %dma_wait3A_315 = tpu.memref_slice %arg7[%dma_wait3A_313, %dma_wait3A_314] : memref<40x64xi32, #tpu.memory_space<vmem>> -> memref<1x64xi32, #tpu.memory_space<vmem>>
    %dma_wait3A_316 = tpu.memref_squeeze %dma_wait3A_315 : memref<1x64xi32, #tpu.memory_space<vmem>> -> memref<64xi32, #tpu.memory_space<vmem>>
    %dma_wait3A_317 = arith.constant 0 : i32
    %dma_wait3A_318 = arith.constant 0 : i32
    %dma_wait3A_319 = tpu.memref_slice %arg2[%dma_wait3A_317, %dma_wait3A_318] : memref<10240x128xf32, #tpu.memory_space<hbm>> -> memref<10240x128xf32, #tpu.memory_space<hbm>>
    tpu.wait_indirect_dma semaphore(%arg15 : memref<!tpu.dma_semaphore, #tpu.memory_space<semaphore_mem>>) src(%dma_wait3A_319 : memref<10240x128xf32, #tpu.memory_space<hbm>>) dst(%arg11 : memref<64x128xf32, #tpu.memory_space<vmem>>)
    %dma_start3A_320 = arith.constant 37 : i32
    %dma_start3A_321 = arith.constant 0 : i32
    %dma_start3A_322 = tpu.memref_slice %arg8[%dma_start3A_320, %dma_start3A_321] : memref<40x64xi32, #tpu.memory_space<vmem>> -> memref<1x64xi32, #tpu.memory_space<vmem>>
    %dma_start3A_323 = tpu.memref_squeeze %dma_start3A_322 : memref<1x64xi32, #tpu.memory_space<vmem>> -> memref<64xi32, #tpu.memory_space<vmem>>
    %dma_start3A_324 = arith.constant 0 : i32
    %dma_start3A_325 = arith.constant 0 : i32
    %dma_start3A_326 = tpu.memref_slice %arg9[%dma_start3A_324, %dma_start3A_325] : memref<10240x128xf32, #tpu.memory_space<vmem_shared>> -> memref<10240x128xf32, #tpu.memory_space<vmem_shared>>
    tpu.enqueue_indirect_dma source(%arg11 : memref<64x128xf32, #tpu.memory_space<vmem>>) target(%dma_start3A_326 : memref<10240x128xf32, #tpu.memory_space<vmem_shared>>) offsets(%dma_start3A_323 : memref<64xi32, #tpu.memory_space<vmem>>) semaphore(%arg19 : memref<!tpu.dma_semaphore, #tpu.memory_space<semaphore_mem>>) {add = true}
    %dma_wait3A_327 = arith.constant 0 : i32
    %dma_wait3A_328 = arith.constant 0 : i32
    %dma_wait3A_329 = tpu.memref_slice %arg7[%dma_wait3A_327, %dma_wait3A_328] : memref<40x64xi32, #tpu.memory_space<vmem>> -> memref<1x64xi32, #tpu.memory_space<vmem>>
    %dma_wait3A_330 = tpu.memref_squeeze %dma_wait3A_329 : memref<1x64xi32, #tpu.memory_space<vmem>> -> memref<64xi32, #tpu.memory_space<vmem>>
    %dma_wait3A_331 = arith.constant 0 : i32
    %dma_wait3A_332 = arith.constant 0 : i32
    %dma_wait3A_333 = tpu.memref_slice %arg2[%dma_wait3A_331, %dma_wait3A_332] : memref<10240x128xf32, #tpu.memory_space<hbm>> -> memref<10240x128xf32, #tpu.memory_space<hbm>>
    tpu.wait_indirect_dma semaphore(%arg16 : memref<!tpu.dma_semaphore, #tpu.memory_space<semaphore_mem>>) src(%dma_wait3A_333 : memref<10240x128xf32, #tpu.memory_space<hbm>>) dst(%arg12 : memref<64x128xf32, #tpu.memory_space<vmem>>)
    %dma_start3A_334 = arith.constant 38 : i32
    %dma_start3A_335 = arith.constant 0 : i32
    %dma_start3A_336 = tpu.memref_slice %arg8[%dma_start3A_334, %dma_start3A_335] : memref<40x64xi32, #tpu.memory_space<vmem>> -> memref<1x64xi32, #tpu.memory_space<vmem>>
    %dma_start3A_337 = tpu.memref_squeeze %dma_start3A_336 : memref<1x64xi32, #tpu.memory_space<vmem>> -> memref<64xi32, #tpu.memory_space<vmem>>
    %dma_start3A_338 = arith.constant 0 : i32
    %dma_start3A_339 = arith.constant 0 : i32
    %dma_start3A_340 = tpu.memref_slice %arg9[%dma_start3A_338, %dma_start3A_339] : memref<10240x128xf32, #tpu.memory_space<vmem_shared>> -> memref<10240x128xf32, #tpu.memory_space<vmem_shared>>
    tpu.enqueue_indirect_dma source(%arg12 : memref<64x128xf32, #tpu.memory_space<vmem>>) target(%dma_start3A_340 : memref<10240x128xf32, #tpu.memory_space<vmem_shared>>) offsets(%dma_start3A_337 : memref<64xi32, #tpu.memory_space<vmem>>) semaphore(%arg20 : memref<!tpu.dma_semaphore, #tpu.memory_space<semaphore_mem>>) {add = true}
    %dma_wait3A_341 = arith.constant 0 : i32
    %dma_wait3A_342 = arith.constant 0 : i32
    %dma_wait3A_343 = tpu.memref_slice %arg7[%dma_wait3A_341, %dma_wait3A_342] : memref<40x64xi32, #tpu.memory_space<vmem>> -> memref<1x64xi32, #tpu.memory_space<vmem>>
    %dma_wait3A_344 = tpu.memref_squeeze %dma_wait3A_343 : memref<1x64xi32, #tpu.memory_space<vmem>> -> memref<64xi32, #tpu.memory_space<vmem>>
    %dma_wait3A_345 = arith.constant 0 : i32
    %dma_wait3A_346 = arith.constant 0 : i32
    %dma_wait3A_347 = tpu.memref_slice %arg2[%dma_wait3A_345, %dma_wait3A_346] : memref<10240x128xf32, #tpu.memory_space<hbm>> -> memref<10240x128xf32, #tpu.memory_space<hbm>>
    tpu.wait_indirect_dma semaphore(%arg17 : memref<!tpu.dma_semaphore, #tpu.memory_space<semaphore_mem>>) src(%dma_wait3A_347 : memref<10240x128xf32, #tpu.memory_space<hbm>>) dst(%arg13 : memref<64x128xf32, #tpu.memory_space<vmem>>)
    %dma_start3A_348 = arith.constant 39 : i32
    %dma_start3A_349 = arith.constant 0 : i32
    %dma_start3A_350 = tpu.memref_slice %arg8[%dma_start3A_348, %dma_start3A_349] : memref<40x64xi32, #tpu.memory_space<vmem>> -> memref<1x64xi32, #tpu.memory_space<vmem>>
    %dma_start3A_351 = tpu.memref_squeeze %dma_start3A_350 : memref<1x64xi32, #tpu.memory_space<vmem>> -> memref<64xi32, #tpu.memory_space<vmem>>
    %dma_start3A_352 = arith.constant 0 : i32
    %dma_start3A_353 = arith.constant 0 : i32
    %dma_start3A_354 = tpu.memref_slice %arg9[%dma_start3A_352, %dma_start3A_353] : memref<10240x128xf32, #tpu.memory_space<vmem_shared>> -> memref<10240x128xf32, #tpu.memory_space<vmem_shared>>
    tpu.enqueue_indirect_dma source(%arg13 : memref<64x128xf32, #tpu.memory_space<vmem>>) target(%dma_start3A_354 : memref<10240x128xf32, #tpu.memory_space<vmem_shared>>) offsets(%dma_start3A_351 : memref<64xi32, #tpu.memory_space<vmem>>) semaphore(%arg21 : memref<!tpu.dma_semaphore, #tpu.memory_space<semaphore_mem>>) {add = true}
    %dma_wait3A_355 = arith.constant 0 : i32
    %dma_wait3A_356 = arith.constant 0 : i32
    %dma_wait3A_357 = tpu.memref_slice %arg8[%dma_wait3A_355, %dma_wait3A_356] : memref<40x64xi32, #tpu.memory_space<vmem>> -> memref<1x64xi32, #tpu.memory_space<vmem>>
    %dma_wait3A_358 = tpu.memref_squeeze %dma_wait3A_357 : memref<1x64xi32, #tpu.memory_space<vmem>> -> memref<64xi32, #tpu.memory_space<vmem>>
    %dma_wait3A_359 = arith.constant 0 : i32
    %dma_wait3A_360 = arith.constant 0 : i32
    %dma_wait3A_361 = tpu.memref_slice %arg9[%dma_wait3A_359, %dma_wait3A_360] : memref<10240x128xf32, #tpu.memory_space<vmem_shared>> -> memref<10240x128xf32, #tpu.memory_space<vmem_shared>>
    tpu.wait_indirect_dma semaphore(%arg18 : memref<!tpu.dma_semaphore, #tpu.memory_space<semaphore_mem>>) src(%arg10 : memref<64x128xf32, #tpu.memory_space<vmem>>) dst(%dma_wait3A_361 : memref<10240x128xf32, #tpu.memory_space<vmem_shared>>)
    %dma_wait3A_362 = arith.constant 0 : i32
    %dma_wait3A_363 = arith.constant 0 : i32
    %dma_wait3A_364 = tpu.memref_slice %arg8[%dma_wait3A_362, %dma_wait3A_363] : memref<40x64xi32, #tpu.memory_space<vmem>> -> memref<1x64xi32, #tpu.memory_space<vmem>>
    %dma_wait3A_365 = tpu.memref_squeeze %dma_wait3A_364 : memref<1x64xi32, #tpu.memory_space<vmem>> -> memref<64xi32, #tpu.memory_space<vmem>>
    %dma_wait3A_366 = arith.constant 0 : i32
    %dma_wait3A_367 = arith.constant 0 : i32
    %dma_wait3A_368 = tpu.memref_slice %arg9[%dma_wait3A_366, %dma_wait3A_367] : memref<10240x128xf32, #tpu.memory_space<vmem_shared>> -> memref<10240x128xf32, #tpu.memory_space<vmem_shared>>
    tpu.wait_indirect_dma semaphore(%arg19 : memref<!tpu.dma_semaphore, #tpu.memory_space<semaphore_mem>>) src(%arg11 : memref<64x128xf32, #tpu.memory_space<vmem>>) dst(%dma_wait3A_368 : memref<10240x128xf32, #tpu.memory_space<vmem_shared>>)
    %dma_wait3A_369 = arith.constant 0 : i32
    %dma_wait3A_370 = arith.constant 0 : i32
    %dma_wait3A_371 = tpu.memref_slice %arg8[%dma_wait3A_369, %dma_wait3A_370] : memref<40x64xi32, #tpu.memory_space<vmem>> -> memref<1x64xi32, #tpu.memory_space<vmem>>
    %dma_wait3A_372 = tpu.memref_squeeze %dma_wait3A_371 : memref<1x64xi32, #tpu.memory_space<vmem>> -> memref<64xi32, #tpu.memory_space<vmem>>
    %dma_wait3A_373 = arith.constant 0 : i32
    %dma_wait3A_374 = arith.constant 0 : i32
    %dma_wait3A_375 = tpu.memref_slice %arg9[%dma_wait3A_373, %dma_wait3A_374] : memref<10240x128xf32, #tpu.memory_space<vmem_shared>> -> memref<10240x128xf32, #tpu.memory_space<vmem_shared>>
    tpu.wait_indirect_dma semaphore(%arg20 : memref<!tpu.dma_semaphore, #tpu.memory_space<semaphore_mem>>) src(%arg12 : memref<64x128xf32, #tpu.memory_space<vmem>>) dst(%dma_wait3A_375 : memref<10240x128xf32, #tpu.memory_space<vmem_shared>>)
    %dma_wait3A_376 = arith.constant 0 : i32
    %dma_wait3A_377 = arith.constant 0 : i32
    %dma_wait3A_378 = tpu.memref_slice %arg8[%dma_wait3A_376, %dma_wait3A_377] : memref<40x64xi32, #tpu.memory_space<vmem>> -> memref<1x64xi32, #tpu.memory_space<vmem>>
    %dma_wait3A_379 = tpu.memref_squeeze %dma_wait3A_378 : memref<1x64xi32, #tpu.memory_space<vmem>> -> memref<64xi32, #tpu.memory_space<vmem>>
    %dma_wait3A_380 = arith.constant 0 : i32
    %dma_wait3A_381 = arith.constant 0 : i32
    %dma_wait3A_382 = tpu.memref_slice %arg9[%dma_wait3A_380, %dma_wait3A_381] : memref<10240x128xf32, #tpu.memory_space<vmem_shared>> -> memref<10240x128xf32, #tpu.memory_space<vmem_shared>>
    tpu.wait_indirect_dma semaphore(%arg21 : memref<!tpu.dma_semaphore, #tpu.memory_space<semaphore_mem>>) src(%arg13 : memref<64x128xf32, #tpu.memory_space<vmem>>) dst(%dma_wait3A_382 : memref<10240x128xf32, #tpu.memory_space<vmem_shared>>)
    %mul3A_383 = arith.constant 160 : i32
    %mul3A_384 = arith.muli %add3A, %mul3A_383 : i32
    %add3A_385 = arith.constant 120 : i32
    %add3A_386 = arith.addi %mul3A_384, %add3A_385 : i32
    "tpu.region"() ({
      %run_scoped3A = tpu.sem_alloc : memref<!tpu.dma_semaphore, #tpu.memory_space<semaphore_mem>>
      %dma_start3A_515 = arith.constant 0 : i32
      %dma_start3A_516 = tpu.memref_slice %arg3[%add3A_386, %dma_start3A_515] : memref<5120x64xi32, #tpu.memory_space<hbm>> -> memref<40x64xi32, #tpu.memory_space<hbm>>
      %dma_start3A_517 = arith.constant 0 : i32
      %dma_start3A_518 = tpu.memref_slice %arg3[%add3A_386, %dma_start3A_517] : memref<5120x64xi32, #tpu.memory_space<hbm>> -> memref<40x64xi32, #tpu.memory_space<hbm>>
      tpu.enqueue_dma source(%dma_start3A_518 : memref<40x64xi32, #tpu.memory_space<hbm>>) target(%arg7 : memref<40x64xi32, #tpu.memory_space<vmem>>) target_semaphore(%run_scoped3A : memref<!tpu.dma_semaphore, #tpu.memory_space<semaphore_mem>>)
      %dma_wait3A_519 = arith.constant 0 : i32
      %dma_wait3A_520 = tpu.memref_slice %arg3[%add3A_386, %dma_wait3A_519] : memref<5120x64xi32, #tpu.memory_space<hbm>> -> memref<40x64xi32, #tpu.memory_space<hbm>>
      %dma_wait3A_521 = arith.constant 0 : i32
      %dma_wait3A_522 = tpu.memref_slice %arg3[%add3A_386, %dma_wait3A_521] : memref<5120x64xi32, #tpu.memory_space<hbm>> -> memref<40x64xi32, #tpu.memory_space<hbm>>
      tpu.wait_dma2 semaphore(%run_scoped3A : memref<!tpu.dma_semaphore, #tpu.memory_space<semaphore_mem>>) src(%dma_wait3A_522 : memref<40x64xi32, #tpu.memory_space<hbm>>) dst(%arg7 : memref<40x64xi32, #tpu.memory_space<vmem>>)
      tpu.yield
    }) : () -> ()
    %mul3A_387 = arith.constant 160 : i32
    %mul3A_388 = arith.muli %add3A, %mul3A_387 : i32
    %add3A_389 = arith.constant 120 : i32
    %add3A_390 = arith.addi %mul3A_388, %add3A_389 : i32
    "tpu.region"() ({
      %run_scoped3A = tpu.sem_alloc : memref<!tpu.dma_semaphore, #tpu.memory_space<semaphore_mem>>
      %dma_start3A_515 = arith.constant 0 : i32
      %dma_start3A_516 = tpu.memref_slice %arg4[%add3A_390, %dma_start3A_515] : memref<5120x64xi32, #tpu.memory_space<hbm>> -> memref<40x64xi32, #tpu.memory_space<hbm>>
      %dma_start3A_517 = arith.constant 0 : i32
      %dma_start3A_518 = tpu.memref_slice %arg4[%add3A_390, %dma_start3A_517] : memref<5120x64xi32, #tpu.memory_space<hbm>> -> memref<40x64xi32, #tpu.memory_space<hbm>>
      tpu.enqueue_dma source(%dma_start3A_518 : memref<40x64xi32, #tpu.memory_space<hbm>>) target(%arg8 : memref<40x64xi32, #tpu.memory_space<vmem>>) target_semaphore(%run_scoped3A : memref<!tpu.dma_semaphore, #tpu.memory_space<semaphore_mem>>)
      %dma_wait3A_519 = arith.constant 0 : i32
      %dma_wait3A_520 = tpu.memref_slice %arg4[%add3A_390, %dma_wait3A_519] : memref<5120x64xi32, #tpu.memory_space<hbm>> -> memref<40x64xi32, #tpu.memory_space<hbm>>
      %dma_wait3A_521 = arith.constant 0 : i32
      %dma_wait3A_522 = tpu.memref_slice %arg4[%add3A_390, %dma_wait3A_521] : memref<5120x64xi32, #tpu.memory_space<hbm>> -> memref<40x64xi32, #tpu.memory_space<hbm>>
      tpu.wait_dma2 semaphore(%run_scoped3A : memref<!tpu.dma_semaphore, #tpu.memory_space<semaphore_mem>>) src(%dma_wait3A_522 : memref<40x64xi32, #tpu.memory_space<hbm>>) dst(%arg8 : memref<40x64xi32, #tpu.memory_space<vmem>>)
      tpu.yield
    }) : () -> ()
    %dma_start3A_391 = arith.constant 0 : i32
    %dma_start3A_392 = arith.constant 0 : i32
    %dma_start3A_393 = tpu.memref_slice %arg7[%dma_start3A_391, %dma_start3A_392] : memref<40x64xi32, #tpu.memory_space<vmem>> -> memref<1x64xi32, #tpu.memory_space<vmem>>
    %dma_start3A_394 = tpu.memref_squeeze %dma_start3A_393 : memref<1x64xi32, #tpu.memory_space<vmem>> -> memref<64xi32, #tpu.memory_space<vmem>>
    %dma_start3A_395 = arith.constant 0 : i32
    %dma_start3A_396 = arith.constant 0 : i32
    %dma_start3A_397 = tpu.memref_slice %arg2[%dma_start3A_395, %dma_start3A_396] : memref<10240x128xf32, #tpu.memory_space<hbm>> -> memref<10240x128xf32, #tpu.memory_space<hbm>>
    tpu.enqueue_indirect_dma source(%dma_start3A_397 : memref<10240x128xf32, #tpu.memory_space<hbm>>) target(%arg10 : memref<64x128xf32, #tpu.memory_space<vmem>>) offsets(%dma_start3A_394 : memref<64xi32, #tpu.memory_space<vmem>>) semaphore(%arg14 : memref<!tpu.dma_semaphore, #tpu.memory_space<semaphore_mem>>)
    %dma_start3A_398 = arith.constant 1 : i32
    %dma_start3A_399 = arith.constant 0 : i32
    %dma_start3A_400 = tpu.memref_slice %arg7[%dma_start3A_398, %dma_start3A_399] : memref<40x64xi32, #tpu.memory_space<vmem>> -> memref<1x64xi32, #tpu.memory_space<vmem>>
    %dma_start3A_401 = tpu.memref_squeeze %dma_start3A_400 : memref<1x64xi32, #tpu.memory_space<vmem>> -> memref<64xi32, #tpu.memory_space<vmem>>
    %dma_start3A_402 = arith.constant 0 : i32
    %dma_start3A_403 = arith.constant 0 : i32
    %dma_start3A_404 = tpu.memref_slice %arg2[%dma_start3A_402, %dma_start3A_403] : memref<10240x128xf32, #tpu.memory_space<hbm>> -> memref<10240x128xf32, #tpu.memory_space<hbm>>
    tpu.enqueue_indirect_dma source(%dma_start3A_404 : memref<10240x128xf32, #tpu.memory_space<hbm>>) target(%arg11 : memref<64x128xf32, #tpu.memory_space<vmem>>) offsets(%dma_start3A_401 : memref<64xi32, #tpu.memory_space<vmem>>) semaphore(%arg15 : memref<!tpu.dma_semaphore, #tpu.memory_space<semaphore_mem>>)
    %dma_start3A_405 = arith.constant 2 : i32
    %dma_start3A_406 = arith.constant 0 : i32
    %dma_start3A_407 = tpu.memref_slice %arg7[%dma_start3A_405, %dma_start3A_406] : memref<40x64xi32, #tpu.memory_space<vmem>> -> memref<1x64xi32, #tpu.memory_space<vmem>>
    %dma_start3A_408 = tpu.memref_squeeze %dma_start3A_407 : memref<1x64xi32, #tpu.memory_space<vmem>> -> memref<64xi32, #tpu.memory_space<vmem>>
    %dma_start3A_409 = arith.constant 0 : i32
    %dma_start3A_410 = arith.constant 0 : i32
    %dma_start3A_411 = tpu.memref_slice %arg2[%dma_start3A_409, %dma_start3A_410] : memref<10240x128xf32, #tpu.memory_space<hbm>> -> memref<10240x128xf32, #tpu.memory_space<hbm>>
    tpu.enqueue_indirect_dma source(%dma_start3A_411 : memref<10240x128xf32, #tpu.memory_space<hbm>>) target(%arg12 : memref<64x128xf32, #tpu.memory_space<vmem>>) offsets(%dma_start3A_408 : memref<64xi32, #tpu.memory_space<vmem>>) semaphore(%arg16 : memref<!tpu.dma_semaphore, #tpu.memory_space<semaphore_mem>>)
    %dma_start3A_412 = arith.constant 3 : i32
    %dma_start3A_413 = arith.constant 0 : i32
    %dma_start3A_414 = tpu.memref_slice %arg7[%dma_start3A_412, %dma_start3A_413] : memref<40x64xi32, #tpu.memory_space<vmem>> -> memref<1x64xi32, #tpu.memory_space<vmem>>
    %dma_start3A_415 = tpu.memref_squeeze %dma_start3A_414 : memref<1x64xi32, #tpu.memory_space<vmem>> -> memref<64xi32, #tpu.memory_space<vmem>>
    %dma_start3A_416 = arith.constant 0 : i32
    %dma_start3A_417 = arith.constant 0 : i32
    %dma_start3A_418 = tpu.memref_slice %arg2[%dma_start3A_416, %dma_start3A_417] : memref<10240x128xf32, #tpu.memory_space<hbm>> -> memref<10240x128xf32, #tpu.memory_space<hbm>>
    tpu.enqueue_indirect_dma source(%dma_start3A_418 : memref<10240x128xf32, #tpu.memory_space<hbm>>) target(%arg13 : memref<64x128xf32, #tpu.memory_space<vmem>>) offsets(%dma_start3A_415 : memref<64xi32, #tpu.memory_space<vmem>>) semaphore(%arg17 : memref<!tpu.dma_semaphore, #tpu.memory_space<semaphore_mem>>)
    %scan3A_419 = arith.constant 0 : i32
    %scan3A_420 = arith.constant 0 : i32
    %scan3A_421 = arith.constant 9 : i32
    %scan3A_422 = arith.addi %scan3A_420, %scan3A_421 : i32
    %scan3A_423 = arith.constant 1 : i32
    %scan3A_424 = scf.for %scan3A_515 = %scan3A_420 to %scan3A_422 step %scan3A_423 iter_args(%scan3A_516 = %scan3A_419) -> (i32)  : i32 {
      %mul3A_517 = arith.constant 4 : i32
      %mul3A_518 = arith.muli %scan3A_515, %mul3A_517 : i32
      %dma_wait3A_519 = arith.constant 0 : i32
      %dma_wait3A_520 = arith.constant 0 : i32
      %dma_wait3A_521 = tpu.memref_slice %arg7[%dma_wait3A_519, %dma_wait3A_520] : memref<40x64xi32, #tpu.memory_space<vmem>> -> memref<1x64xi32, #tpu.memory_space<vmem>>
      %dma_wait3A_522 = tpu.memref_squeeze %dma_wait3A_521 : memref<1x64xi32, #tpu.memory_space<vmem>> -> memref<64xi32, #tpu.memory_space<vmem>>
      %dma_wait3A_523 = arith.constant 0 : i32
      %dma_wait3A_524 = arith.constant 0 : i32
      %dma_wait3A_525 = tpu.memref_slice %arg2[%dma_wait3A_523, %dma_wait3A_524] : memref<10240x128xf32, #tpu.memory_space<hbm>> -> memref<10240x128xf32, #tpu.memory_space<hbm>>
      tpu.wait_indirect_dma semaphore(%arg14 : memref<!tpu.dma_semaphore, #tpu.memory_space<semaphore_mem>>) src(%dma_wait3A_525 : memref<10240x128xf32, #tpu.memory_space<hbm>>) dst(%arg10 : memref<64x128xf32, #tpu.memory_space<vmem>>)
      %add3A_526 = arith.constant 0 : i32
      %add3A_527 = arith.addi %mul3A_518, %add3A_526 : i32
      %dma_start3A_528 = arith.constant 0 : i32
      %dma_start3A_529 = tpu.memref_slice %arg8[%add3A_527, %dma_start3A_528] : memref<40x64xi32, #tpu.memory_space<vmem>> -> memref<1x64xi32, #tpu.memory_space<vmem>>
      %dma_start3A_530 = tpu.memref_squeeze %dma_start3A_529 : memref<1x64xi32, #tpu.memory_space<vmem>> -> memref<64xi32, #tpu.memory_space<vmem>>
      %dma_start3A_531 = arith.constant 0 : i32
      %dma_start3A_532 = arith.constant 0 : i32
      %dma_start3A_533 = tpu.memref_slice %arg9[%dma_start3A_531, %dma_start3A_532] : memref<10240x128xf32, #tpu.memory_space<vmem_shared>> -> memref<10240x128xf32, #tpu.memory_space<vmem_shared>>
      tpu.enqueue_indirect_dma source(%arg10 : memref<64x128xf32, #tpu.memory_space<vmem>>) target(%dma_start3A_533 : memref<10240x128xf32, #tpu.memory_space<vmem_shared>>) offsets(%dma_start3A_530 : memref<64xi32, #tpu.memory_space<vmem>>) semaphore(%arg18 : memref<!tpu.dma_semaphore, #tpu.memory_space<semaphore_mem>>) {add = true}
      %dma_wait3A_534 = arith.constant 0 : i32
      %dma_wait3A_535 = arith.constant 0 : i32
      %dma_wait3A_536 = tpu.memref_slice %arg7[%dma_wait3A_534, %dma_wait3A_535] : memref<40x64xi32, #tpu.memory_space<vmem>> -> memref<1x64xi32, #tpu.memory_space<vmem>>
      %dma_wait3A_537 = tpu.memref_squeeze %dma_wait3A_536 : memref<1x64xi32, #tpu.memory_space<vmem>> -> memref<64xi32, #tpu.memory_space<vmem>>
      %dma_wait3A_538 = arith.constant 0 : i32
      %dma_wait3A_539 = arith.constant 0 : i32
      %dma_wait3A_540 = tpu.memref_slice %arg2[%dma_wait3A_538, %dma_wait3A_539] : memref<10240x128xf32, #tpu.memory_space<hbm>> -> memref<10240x128xf32, #tpu.memory_space<hbm>>
      tpu.wait_indirect_dma semaphore(%arg15 : memref<!tpu.dma_semaphore, #tpu.memory_space<semaphore_mem>>) src(%dma_wait3A_540 : memref<10240x128xf32, #tpu.memory_space<hbm>>) dst(%arg11 : memref<64x128xf32, #tpu.memory_space<vmem>>)
      %add3A_541 = arith.constant 1 : i32
      %add3A_542 = arith.addi %mul3A_518, %add3A_541 : i32
      %dma_start3A_543 = arith.constant 0 : i32
      %dma_start3A_544 = tpu.memref_slice %arg8[%add3A_542, %dma_start3A_543] : memref<40x64xi32, #tpu.memory_space<vmem>> -> memref<1x64xi32, #tpu.memory_space<vmem>>
      %dma_start3A_545 = tpu.memref_squeeze %dma_start3A_544 : memref<1x64xi32, #tpu.memory_space<vmem>> -> memref<64xi32, #tpu.memory_space<vmem>>
      %dma_start3A_546 = arith.constant 0 : i32
      %dma_start3A_547 = arith.constant 0 : i32
      %dma_start3A_548 = tpu.memref_slice %arg9[%dma_start3A_546, %dma_start3A_547] : memref<10240x128xf32, #tpu.memory_space<vmem_shared>> -> memref<10240x128xf32, #tpu.memory_space<vmem_shared>>
      tpu.enqueue_indirect_dma source(%arg11 : memref<64x128xf32, #tpu.memory_space<vmem>>) target(%dma_start3A_548 : memref<10240x128xf32, #tpu.memory_space<vmem_shared>>) offsets(%dma_start3A_545 : memref<64xi32, #tpu.memory_space<vmem>>) semaphore(%arg19 : memref<!tpu.dma_semaphore, #tpu.memory_space<semaphore_mem>>) {add = true}
      %dma_wait3A_549 = arith.constant 0 : i32
      %dma_wait3A_550 = arith.constant 0 : i32
      %dma_wait3A_551 = tpu.memref_slice %arg7[%dma_wait3A_549, %dma_wait3A_550] : memref<40x64xi32, #tpu.memory_space<vmem>> -> memref<1x64xi32, #tpu.memory_space<vmem>>
      %dma_wait3A_552 = tpu.memref_squeeze %dma_wait3A_551 : memref<1x64xi32, #tpu.memory_space<vmem>> -> memref<64xi32, #tpu.memory_space<vmem>>
      %dma_wait3A_553 = arith.constant 0 : i32
      %dma_wait3A_554 = arith.constant 0 : i32
      %dma_wait3A_555 = tpu.memref_slice %arg2[%dma_wait3A_553, %dma_wait3A_554] : memref<10240x128xf32, #tpu.memory_space<hbm>> -> memref<10240x128xf32, #tpu.memory_space<hbm>>
      tpu.wait_indirect_dma semaphore(%arg16 : memref<!tpu.dma_semaphore, #tpu.memory_space<semaphore_mem>>) src(%dma_wait3A_555 : memref<10240x128xf32, #tpu.memory_space<hbm>>) dst(%arg12 : memref<64x128xf32, #tpu.memory_space<vmem>>)
      %add3A_556 = arith.constant 2 : i32
      %add3A_557 = arith.addi %mul3A_518, %add3A_556 : i32
      %dma_start3A_558 = arith.constant 0 : i32
      %dma_start3A_559 = tpu.memref_slice %arg8[%add3A_557, %dma_start3A_558] : memref<40x64xi32, #tpu.memory_space<vmem>> -> memref<1x64xi32, #tpu.memory_space<vmem>>
      %dma_start3A_560 = tpu.memref_squeeze %dma_start3A_559 : memref<1x64xi32, #tpu.memory_space<vmem>> -> memref<64xi32, #tpu.memory_space<vmem>>
      %dma_start3A_561 = arith.constant 0 : i32
      %dma_start3A_562 = arith.constant 0 : i32
      %dma_start3A_563 = tpu.memref_slice %arg9[%dma_start3A_561, %dma_start3A_562] : memref<10240x128xf32, #tpu.memory_space<vmem_shared>> -> memref<10240x128xf32, #tpu.memory_space<vmem_shared>>
      tpu.enqueue_indirect_dma source(%arg12 : memref<64x128xf32, #tpu.memory_space<vmem>>) target(%dma_start3A_563 : memref<10240x128xf32, #tpu.memory_space<vmem_shared>>) offsets(%dma_start3A_560 : memref<64xi32, #tpu.memory_space<vmem>>) semaphore(%arg20 : memref<!tpu.dma_semaphore, #tpu.memory_space<semaphore_mem>>) {add = true}
      %dma_wait3A_564 = arith.constant 0 : i32
      %dma_wait3A_565 = arith.constant 0 : i32
      %dma_wait3A_566 = tpu.memref_slice %arg7[%dma_wait3A_564, %dma_wait3A_565] : memref<40x64xi32, #tpu.memory_space<vmem>> -> memref<1x64xi32, #tpu.memory_space<vmem>>
      %dma_wait3A_567 = tpu.memref_squeeze %dma_wait3A_566 : memref<1x64xi32, #tpu.memory_space<vmem>> -> memref<64xi32, #tpu.memory_space<vmem>>
      %dma_wait3A_568 = arith.constant 0 : i32
      %dma_wait3A_569 = arith.constant 0 : i32
      %dma_wait3A_570 = tpu.memref_slice %arg2[%dma_wait3A_568, %dma_wait3A_569] : memref<10240x128xf32, #tpu.memory_space<hbm>> -> memref<10240x128xf32, #tpu.memory_space<hbm>>
      tpu.wait_indirect_dma semaphore(%arg17 : memref<!tpu.dma_semaphore, #tpu.memory_space<semaphore_mem>>) src(%dma_wait3A_570 : memref<10240x128xf32, #tpu.memory_space<hbm>>) dst(%arg13 : memref<64x128xf32, #tpu.memory_space<vmem>>)
      %add3A_571 = arith.constant 3 : i32
      %add3A_572 = arith.addi %mul3A_518, %add3A_571 : i32
      %dma_start3A_573 = arith.constant 0 : i32
      %dma_start3A_574 = tpu.memref_slice %arg8[%add3A_572, %dma_start3A_573] : memref<40x64xi32, #tpu.memory_space<vmem>> -> memref<1x64xi32, #tpu.memory_space<vmem>>
      %dma_start3A_575 = tpu.memref_squeeze %dma_start3A_574 : memref<1x64xi32, #tpu.memory_space<vmem>> -> memref<64xi32, #tpu.memory_space<vmem>>
      %dma_start3A_576 = arith.constant 0 : i32
      %dma_start3A_577 = arith.constant 0 : i32
      %dma_start3A_578 = tpu.memref_slice %arg9[%dma_start3A_576, %dma_start3A_577] : memref<10240x128xf32, #tpu.memory_space<vmem_shared>> -> memref<10240x128xf32, #tpu.memory_space<vmem_shared>>
      tpu.enqueue_indirect_dma source(%arg13 : memref<64x128xf32, #tpu.memory_space<vmem>>) target(%dma_start3A_578 : memref<10240x128xf32, #tpu.memory_space<vmem_shared>>) offsets(%dma_start3A_575 : memref<64xi32, #tpu.memory_space<vmem>>) semaphore(%arg21 : memref<!tpu.dma_semaphore, #tpu.memory_space<semaphore_mem>>) {add = true}
      %dma_wait3A_579 = arith.constant 0 : i32
      %dma_wait3A_580 = arith.constant 0 : i32
      %dma_wait3A_581 = tpu.memref_slice %arg8[%dma_wait3A_579, %dma_wait3A_580] : memref<40x64xi32, #tpu.memory_space<vmem>> -> memref<1x64xi32, #tpu.memory_space<vmem>>
      %dma_wait3A_582 = tpu.memref_squeeze %dma_wait3A_581 : memref<1x64xi32, #tpu.memory_space<vmem>> -> memref<64xi32, #tpu.memory_space<vmem>>
      %dma_wait3A_583 = arith.constant 0 : i32
      %dma_wait3A_584 = arith.constant 0 : i32
      %dma_wait3A_585 = tpu.memref_slice %arg9[%dma_wait3A_583, %dma_wait3A_584] : memref<10240x128xf32, #tpu.memory_space<vmem_shared>> -> memref<10240x128xf32, #tpu.memory_space<vmem_shared>>
      tpu.wait_indirect_dma semaphore(%arg18 : memref<!tpu.dma_semaphore, #tpu.memory_space<semaphore_mem>>) src(%arg10 : memref<64x128xf32, #tpu.memory_space<vmem>>) dst(%dma_wait3A_585 : memref<10240x128xf32, #tpu.memory_space<vmem_shared>>)
      %add3A_586 = arith.constant 4 : i32
      %add3A_587 = arith.addi %mul3A_518, %add3A_586 : i32
      %add3A_588 = arith.constant 0 : i32
      %add3A_589 = arith.addi %add3A_587, %add3A_588 : i32
      %dma_start3A_590 = arith.constant 0 : i32
      %dma_start3A_591 = tpu.memref_slice %arg7[%add3A_589, %dma_start3A_590] : memref<40x64xi32, #tpu.memory_space<vmem>> -> memref<1x64xi32, #tpu.memory_space<vmem>>
      %dma_start3A_592 = tpu.memref_squeeze %dma_start3A_591 : memref<1x64xi32, #tpu.memory_space<vmem>> -> memref<64xi32, #tpu.memory_space<vmem>>
      %dma_start3A_593 = arith.constant 0 : i32
      %dma_start3A_594 = arith.constant 0 : i32
      %dma_start3A_595 = tpu.memref_slice %arg2[%dma_start3A_593, %dma_start3A_594] : memref<10240x128xf32, #tpu.memory_space<hbm>> -> memref<10240x128xf32, #tpu.memory_space<hbm>>
      tpu.enqueue_indirect_dma source(%dma_start3A_595 : memref<10240x128xf32, #tpu.memory_space<hbm>>) target(%arg10 : memref<64x128xf32, #tpu.memory_space<vmem>>) offsets(%dma_start3A_592 : memref<64xi32, #tpu.memory_space<vmem>>) semaphore(%arg14 : memref<!tpu.dma_semaphore, #tpu.memory_space<semaphore_mem>>)
      %dma_wait3A_596 = arith.constant 0 : i32
      %dma_wait3A_597 = arith.constant 0 : i32
      %dma_wait3A_598 = tpu.memref_slice %arg8[%dma_wait3A_596, %dma_wait3A_597] : memref<40x64xi32, #tpu.memory_space<vmem>> -> memref<1x64xi32, #tpu.memory_space<vmem>>
      %dma_wait3A_599 = tpu.memref_squeeze %dma_wait3A_598 : memref<1x64xi32, #tpu.memory_space<vmem>> -> memref<64xi32, #tpu.memory_space<vmem>>
      %dma_wait3A_600 = arith.constant 0 : i32
      %dma_wait3A_601 = arith.constant 0 : i32
      %dma_wait3A_602 = tpu.memref_slice %arg9[%dma_wait3A_600, %dma_wait3A_601] : memref<10240x128xf32, #tpu.memory_space<vmem_shared>> -> memref<10240x128xf32, #tpu.memory_space<vmem_shared>>
      tpu.wait_indirect_dma semaphore(%arg19 : memref<!tpu.dma_semaphore, #tpu.memory_space<semaphore_mem>>) src(%arg11 : memref<64x128xf32, #tpu.memory_space<vmem>>) dst(%dma_wait3A_602 : memref<10240x128xf32, #tpu.memory_space<vmem_shared>>)
      %add3A_603 = arith.constant 4 : i32
      %add3A_604 = arith.addi %mul3A_518, %add3A_603 : i32
      %add3A_605 = arith.constant 1 : i32
      %add3A_606 = arith.addi %add3A_604, %add3A_605 : i32
      %dma_start3A_607 = arith.constant 0 : i32
      %dma_start3A_608 = tpu.memref_slice %arg7[%add3A_606, %dma_start3A_607] : memref<40x64xi32, #tpu.memory_space<vmem>> -> memref<1x64xi32, #tpu.memory_space<vmem>>
      %dma_start3A_609 = tpu.memref_squeeze %dma_start3A_608 : memref<1x64xi32, #tpu.memory_space<vmem>> -> memref<64xi32, #tpu.memory_space<vmem>>
      %dma_start3A_610 = arith.constant 0 : i32
      %dma_start3A_611 = arith.constant 0 : i32
      %dma_start3A_612 = tpu.memref_slice %arg2[%dma_start3A_610, %dma_start3A_611] : memref<10240x128xf32, #tpu.memory_space<hbm>> -> memref<10240x128xf32, #tpu.memory_space<hbm>>
      tpu.enqueue_indirect_dma source(%dma_start3A_612 : memref<10240x128xf32, #tpu.memory_space<hbm>>) target(%arg11 : memref<64x128xf32, #tpu.memory_space<vmem>>) offsets(%dma_start3A_609 : memref<64xi32, #tpu.memory_space<vmem>>) semaphore(%arg15 : memref<!tpu.dma_semaphore, #tpu.memory_space<semaphore_mem>>)
      %dma_wait3A_613 = arith.constant 0 : i32
      %dma_wait3A_614 = arith.constant 0 : i32
      %dma_wait3A_615 = tpu.memref_slice %arg8[%dma_wait3A_613, %dma_wait3A_614] : memref<40x64xi32, #tpu.memory_space<vmem>> -> memref<1x64xi32, #tpu.memory_space<vmem>>
      %dma_wait3A_616 = tpu.memref_squeeze %dma_wait3A_615 : memref<1x64xi32, #tpu.memory_space<vmem>> -> memref<64xi32, #tpu.memory_space<vmem>>
      %dma_wait3A_617 = arith.constant 0 : i32
      %dma_wait3A_618 = arith.constant 0 : i32
      %dma_wait3A_619 = tpu.memref_slice %arg9[%dma_wait3A_617, %dma_wait3A_618] : memref<10240x128xf32, #tpu.memory_space<vmem_shared>> -> memref<10240x128xf32, #tpu.memory_space<vmem_shared>>
      tpu.wait_indirect_dma semaphore(%arg20 : memref<!tpu.dma_semaphore, #tpu.memory_space<semaphore_mem>>) src(%arg12 : memref<64x128xf32, #tpu.memory_space<vmem>>) dst(%dma_wait3A_619 : memref<10240x128xf32, #tpu.memory_space<vmem_shared>>)
      %add3A_620 = arith.constant 4 : i32
      %add3A_621 = arith.addi %mul3A_518, %add3A_620 : i32
      %add3A_622 = arith.constant 2 : i32
      %add3A_623 = arith.addi %add3A_621, %add3A_622 : i32
      %dma_start3A_624 = arith.constant 0 : i32
      %dma_start3A_625 = tpu.memref_slice %arg7[%add3A_623, %dma_start3A_624] : memref<40x64xi32, #tpu.memory_space<vmem>> -> memref<1x64xi32, #tpu.memory_space<vmem>>
      %dma_start3A_626 = tpu.memref_squeeze %dma_start3A_625 : memref<1x64xi32, #tpu.memory_space<vmem>> -> memref<64xi32, #tpu.memory_space<vmem>>
      %dma_start3A_627 = arith.constant 0 : i32
      %dma_start3A_628 = arith.constant 0 : i32
      %dma_start3A_629 = tpu.memref_slice %arg2[%dma_start3A_627, %dma_start3A_628] : memref<10240x128xf32, #tpu.memory_space<hbm>> -> memref<10240x128xf32, #tpu.memory_space<hbm>>
      tpu.enqueue_indirect_dma source(%dma_start3A_629 : memref<10240x128xf32, #tpu.memory_space<hbm>>) target(%arg12 : memref<64x128xf32, #tpu.memory_space<vmem>>) offsets(%dma_start3A_626 : memref<64xi32, #tpu.memory_space<vmem>>) semaphore(%arg16 : memref<!tpu.dma_semaphore, #tpu.memory_space<semaphore_mem>>)
      %dma_wait3A_630 = arith.constant 0 : i32
      %dma_wait3A_631 = arith.constant 0 : i32
      %dma_wait3A_632 = tpu.memref_slice %arg8[%dma_wait3A_630, %dma_wait3A_631] : memref<40x64xi32, #tpu.memory_space<vmem>> -> memref<1x64xi32, #tpu.memory_space<vmem>>
      %dma_wait3A_633 = tpu.memref_squeeze %dma_wait3A_632 : memref<1x64xi32, #tpu.memory_space<vmem>> -> memref<64xi32, #tpu.memory_space<vmem>>
      %dma_wait3A_634 = arith.constant 0 : i32
      %dma_wait3A_635 = arith.constant 0 : i32
      %dma_wait3A_636 = tpu.memref_slice %arg9[%dma_wait3A_634, %dma_wait3A_635] : memref<10240x128xf32, #tpu.memory_space<vmem_shared>> -> memref<10240x128xf32, #tpu.memory_space<vmem_shared>>
      tpu.wait_indirect_dma semaphore(%arg21 : memref<!tpu.dma_semaphore, #tpu.memory_space<semaphore_mem>>) src(%arg13 : memref<64x128xf32, #tpu.memory_space<vmem>>) dst(%dma_wait3A_636 : memref<10240x128xf32, #tpu.memory_space<vmem_shared>>)
      %add3A_637 = arith.constant 4 : i32
      %add3A_638 = arith.addi %mul3A_518, %add3A_637 : i32
      %add3A_639 = arith.constant 3 : i32
      %add3A_640 = arith.addi %add3A_638, %add3A_639 : i32
      %dma_start3A_641 = arith.constant 0 : i32
      %dma_start3A_642 = tpu.memref_slice %arg7[%add3A_640, %dma_start3A_641] : memref<40x64xi32, #tpu.memory_space<vmem>> -> memref<1x64xi32, #tpu.memory_space<vmem>>
      %dma_start3A_643 = tpu.memref_squeeze %dma_start3A_642 : memref<1x64xi32, #tpu.memory_space<vmem>> -> memref<64xi32, #tpu.memory_space<vmem>>
      %dma_start3A_644 = arith.constant 0 : i32
      %dma_start3A_645 = arith.constant 0 : i32
      %dma_start3A_646 = tpu.memref_slice %arg2[%dma_start3A_644, %dma_start3A_645] : memref<10240x128xf32, #tpu.memory_space<hbm>> -> memref<10240x128xf32, #tpu.memory_space<hbm>>
      tpu.enqueue_indirect_dma source(%dma_start3A_646 : memref<10240x128xf32, #tpu.memory_space<hbm>>) target(%arg13 : memref<64x128xf32, #tpu.memory_space<vmem>>) offsets(%dma_start3A_643 : memref<64xi32, #tpu.memory_space<vmem>>) semaphore(%arg17 : memref<!tpu.dma_semaphore, #tpu.memory_space<semaphore_mem>>)
      %scan3A_647 = arith.constant 0 : i32
      scf.yield %scan3A_647 : i32
    }
    %scan3A_425 = arith.constant 9 : i32
    %dma_wait3A_426 = arith.constant 0 : i32
    %dma_wait3A_427 = arith.constant 0 : i32
    %dma_wait3A_428 = tpu.memref_slice %arg7[%dma_wait3A_426, %dma_wait3A_427] : memref<40x64xi32, #tpu.memory_space<vmem>> -> memref<1x64xi32, #tpu.memory_space<vmem>>
    %dma_wait3A_429 = tpu.memref_squeeze %dma_wait3A_428 : memref<1x64xi32, #tpu.memory_space<vmem>> -> memref<64xi32, #tpu.memory_space<vmem>>
    %dma_wait3A_430 = arith.constant 0 : i32
    %dma_wait3A_431 = arith.constant 0 : i32
    %dma_wait3A_432 = tpu.memref_slice %arg2[%dma_wait3A_430, %dma_wait3A_431] : memref<10240x128xf32, #tpu.memory_space<hbm>> -> memref<10240x128xf32, #tpu.memory_space<hbm>>
    tpu.wait_indirect_dma semaphore(%arg14 : memref<!tpu.dma_semaphore, #tpu.memory_space<semaphore_mem>>) src(%dma_wait3A_432 : memref<10240x128xf32, #tpu.memory_space<hbm>>) dst(%arg10 : memref<64x128xf32, #tpu.memory_space<vmem>>)
    %dma_start3A_433 = arith.constant 36 : i32
    %dma_start3A_434 = arith.constant 0 : i32
    %dma_start3A_435 = tpu.memref_slice %arg8[%dma_start3A_433, %dma_start3A_434] : memref<40x64xi32, #tpu.memory_space<vmem>> -> memref<1x64xi32, #tpu.memory_space<vmem>>
    %dma_start3A_436 = tpu.memref_squeeze %dma_start3A_435 : memref<1x64xi32, #tpu.memory_space<vmem>> -> memref<64xi32, #tpu.memory_space<vmem>>
    %dma_start3A_437 = arith.constant 0 : i32
    %dma_start3A_438 = arith.constant 0 : i32
    %dma_start3A_439 = tpu.memref_slice %arg9[%dma_start3A_437, %dma_start3A_438] : memref<10240x128xf32, #tpu.memory_space<vmem_shared>> -> memref<10240x128xf32, #tpu.memory_space<vmem_shared>>
    tpu.enqueue_indirect_dma source(%arg10 : memref<64x128xf32, #tpu.memory_space<vmem>>) target(%dma_start3A_439 : memref<10240x128xf32, #tpu.memory_space<vmem_shared>>) offsets(%dma_start3A_436 : memref<64xi32, #tpu.memory_space<vmem>>) semaphore(%arg18 : memref<!tpu.dma_semaphore, #tpu.memory_space<semaphore_mem>>) {add = true}
    %dma_wait3A_440 = arith.constant 0 : i32
    %dma_wait3A_441 = arith.constant 0 : i32
    %dma_wait3A_442 = tpu.memref_slice %arg7[%dma_wait3A_440, %dma_wait3A_441] : memref<40x64xi32, #tpu.memory_space<vmem>> -> memref<1x64xi32, #tpu.memory_space<vmem>>
    %dma_wait3A_443 = tpu.memref_squeeze %dma_wait3A_442 : memref<1x64xi32, #tpu.memory_space<vmem>> -> memref<64xi32, #tpu.memory_space<vmem>>
    %dma_wait3A_444 = arith.constant 0 : i32
    %dma_wait3A_445 = arith.constant 0 : i32
    %dma_wait3A_446 = tpu.memref_slice %arg2[%dma_wait3A_444, %dma_wait3A_445] : memref<10240x128xf32, #tpu.memory_space<hbm>> -> memref<10240x128xf32, #tpu.memory_space<hbm>>
    tpu.wait_indirect_dma semaphore(%arg15 : memref<!tpu.dma_semaphore, #tpu.memory_space<semaphore_mem>>) src(%dma_wait3A_446 : memref<10240x128xf32, #tpu.memory_space<hbm>>) dst(%arg11 : memref<64x128xf32, #tpu.memory_space<vmem>>)
    %dma_start3A_447 = arith.constant 37 : i32
    %dma_start3A_448 = arith.constant 0 : i32
    %dma_start3A_449 = tpu.memref_slice %arg8[%dma_start3A_447, %dma_start3A_448] : memref<40x64xi32, #tpu.memory_space<vmem>> -> memref<1x64xi32, #tpu.memory_space<vmem>>
    %dma_start3A_450 = tpu.memref_squeeze %dma_start3A_449 : memref<1x64xi32, #tpu.memory_space<vmem>> -> memref<64xi32, #tpu.memory_space<vmem>>
    %dma_start3A_451 = arith.constant 0 : i32
    %dma_start3A_452 = arith.constant 0 : i32
    %dma_start3A_453 = tpu.memref_slice %arg9[%dma_start3A_451, %dma_start3A_452] : memref<10240x128xf32, #tpu.memory_space<vmem_shared>> -> memref<10240x128xf32, #tpu.memory_space<vmem_shared>>
    tpu.enqueue_indirect_dma source(%arg11 : memref<64x128xf32, #tpu.memory_space<vmem>>) target(%dma_start3A_453 : memref<10240x128xf32, #tpu.memory_space<vmem_shared>>) offsets(%dma_start3A_450 : memref<64xi32, #tpu.memory_space<vmem>>) semaphore(%arg19 : memref<!tpu.dma_semaphore, #tpu.memory_space<semaphore_mem>>) {add = true}
    %dma_wait3A_454 = arith.constant 0 : i32
    %dma_wait3A_455 = arith.constant 0 : i32
    %dma_wait3A_456 = tpu.memref_slice %arg7[%dma_wait3A_454, %dma_wait3A_455] : memref<40x64xi32, #tpu.memory_space<vmem>> -> memref<1x64xi32, #tpu.memory_space<vmem>>
    %dma_wait3A_457 = tpu.memref_squeeze %dma_wait3A_456 : memref<1x64xi32, #tpu.memory_space<vmem>> -> memref<64xi32, #tpu.memory_space<vmem>>
    %dma_wait3A_458 = arith.constant 0 : i32
    %dma_wait3A_459 = arith.constant 0 : i32
    %dma_wait3A_460 = tpu.memref_slice %arg2[%dma_wait3A_458, %dma_wait3A_459] : memref<10240x128xf32, #tpu.memory_space<hbm>> -> memref<10240x128xf32, #tpu.memory_space<hbm>>
    tpu.wait_indirect_dma semaphore(%arg16 : memref<!tpu.dma_semaphore, #tpu.memory_space<semaphore_mem>>) src(%dma_wait3A_460 : memref<10240x128xf32, #tpu.memory_space<hbm>>) dst(%arg12 : memref<64x128xf32, #tpu.memory_space<vmem>>)
    %dma_start3A_461 = arith.constant 38 : i32
    %dma_start3A_462 = arith.constant 0 : i32
    %dma_start3A_463 = tpu.memref_slice %arg8[%dma_start3A_461, %dma_start3A_462] : memref<40x64xi32, #tpu.memory_space<vmem>> -> memref<1x64xi32, #tpu.memory_space<vmem>>
    %dma_start3A_464 = tpu.memref_squeeze %dma_start3A_463 : memref<1x64xi32, #tpu.memory_space<vmem>> -> memref<64xi32, #tpu.memory_space<vmem>>
    %dma_start3A_465 = arith.constant 0 : i32
    %dma_start3A_466 = arith.constant 0 : i32
    %dma_start3A_467 = tpu.memref_slice %arg9[%dma_start3A_465, %dma_start3A_466] : memref<10240x128xf32, #tpu.memory_space<vmem_shared>> -> memref<10240x128xf32, #tpu.memory_space<vmem_shared>>
    tpu.enqueue_indirect_dma source(%arg12 : memref<64x128xf32, #tpu.memory_space<vmem>>) target(%dma_start3A_467 : memref<10240x128xf32, #tpu.memory_space<vmem_shared>>) offsets(%dma_start3A_464 : memref<64xi32, #tpu.memory_space<vmem>>) semaphore(%arg20 : memref<!tpu.dma_semaphore, #tpu.memory_space<semaphore_mem>>) {add = true}
    %dma_wait3A_468 = arith.constant 0 : i32
    %dma_wait3A_469 = arith.constant 0 : i32
    %dma_wait3A_470 = tpu.memref_slice %arg7[%dma_wait3A_468, %dma_wait3A_469] : memref<40x64xi32, #tpu.memory_space<vmem>> -> memref<1x64xi32, #tpu.memory_space<vmem>>
    %dma_wait3A_471 = tpu.memref_squeeze %dma_wait3A_470 : memref<1x64xi32, #tpu.memory_space<vmem>> -> memref<64xi32, #tpu.memory_space<vmem>>
    %dma_wait3A_472 = arith.constant 0 : i32
    %dma_wait3A_473 = arith.constant 0 : i32
    %dma_wait3A_474 = tpu.memref_slice %arg2[%dma_wait3A_472, %dma_wait3A_473] : memref<10240x128xf32, #tpu.memory_space<hbm>> -> memref<10240x128xf32, #tpu.memory_space<hbm>>
    tpu.wait_indirect_dma semaphore(%arg17 : memref<!tpu.dma_semaphore, #tpu.memory_space<semaphore_mem>>) src(%dma_wait3A_474 : memref<10240x128xf32, #tpu.memory_space<hbm>>) dst(%arg13 : memref<64x128xf32, #tpu.memory_space<vmem>>)
    %dma_start3A_475 = arith.constant 39 : i32
    %dma_start3A_476 = arith.constant 0 : i32
    %dma_start3A_477 = tpu.memref_slice %arg8[%dma_start3A_475, %dma_start3A_476] : memref<40x64xi32, #tpu.memory_space<vmem>> -> memref<1x64xi32, #tpu.memory_space<vmem>>
    %dma_start3A_478 = tpu.memref_squeeze %dma_start3A_477 : memref<1x64xi32, #tpu.memory_space<vmem>> -> memref<64xi32, #tpu.memory_space<vmem>>
    %dma_start3A_479 = arith.constant 0 : i32
    %dma_start3A_480 = arith.constant 0 : i32
    %dma_start3A_481 = tpu.memref_slice %arg9[%dma_start3A_479, %dma_start3A_480] : memref<10240x128xf32, #tpu.memory_space<vmem_shared>> -> memref<10240x128xf32, #tpu.memory_space<vmem_shared>>
    tpu.enqueue_indirect_dma source(%arg13 : memref<64x128xf32, #tpu.memory_space<vmem>>) target(%dma_start3A_481 : memref<10240x128xf32, #tpu.memory_space<vmem_shared>>) offsets(%dma_start3A_478 : memref<64xi32, #tpu.memory_space<vmem>>) semaphore(%arg21 : memref<!tpu.dma_semaphore, #tpu.memory_space<semaphore_mem>>) {add = true}
    %dma_wait3A_482 = arith.constant 0 : i32
    %dma_wait3A_483 = arith.constant 0 : i32
    %dma_wait3A_484 = tpu.memref_slice %arg8[%dma_wait3A_482, %dma_wait3A_483] : memref<40x64xi32, #tpu.memory_space<vmem>> -> memref<1x64xi32, #tpu.memory_space<vmem>>
    %dma_wait3A_485 = tpu.memref_squeeze %dma_wait3A_484 : memref<1x64xi32, #tpu.memory_space<vmem>> -> memref<64xi32, #tpu.memory_space<vmem>>
    %dma_wait3A_486 = arith.constant 0 : i32
    %dma_wait3A_487 = arith.constant 0 : i32
    %dma_wait3A_488 = tpu.memref_slice %arg9[%dma_wait3A_486, %dma_wait3A_487] : memref<10240x128xf32, #tpu.memory_space<vmem_shared>> -> memref<10240x128xf32, #tpu.memory_space<vmem_shared>>
    tpu.wait_indirect_dma semaphore(%arg18 : memref<!tpu.dma_semaphore, #tpu.memory_space<semaphore_mem>>) src(%arg10 : memref<64x128xf32, #tpu.memory_space<vmem>>) dst(%dma_wait3A_488 : memref<10240x128xf32, #tpu.memory_space<vmem_shared>>)
    %dma_wait3A_489 = arith.constant 0 : i32
    %dma_wait3A_490 = arith.constant 0 : i32
    %dma_wait3A_491 = tpu.memref_slice %arg8[%dma_wait3A_489, %dma_wait3A_490] : memref<40x64xi32, #tpu.memory_space<vmem>> -> memref<1x64xi32, #tpu.memory_space<vmem>>
    %dma_wait3A_492 = tpu.memref_squeeze %dma_wait3A_491 : memref<1x64xi32, #tpu.memory_space<vmem>> -> memref<64xi32, #tpu.memory_space<vmem>>
    %dma_wait3A_493 = arith.constant 0 : i32
    %dma_wait3A_494 = arith.constant 0 : i32
    %dma_wait3A_495 = tpu.memref_slice %arg9[%dma_wait3A_493, %dma_wait3A_494] : memref<10240x128xf32, #tpu.memory_space<vmem_shared>> -> memref<10240x128xf32, #tpu.memory_space<vmem_shared>>
    tpu.wait_indirect_dma semaphore(%arg19 : memref<!tpu.dma_semaphore, #tpu.memory_space<semaphore_mem>>) src(%arg11 : memref<64x128xf32, #tpu.memory_space<vmem>>) dst(%dma_wait3A_495 : memref<10240x128xf32, #tpu.memory_space<vmem_shared>>)
    %dma_wait3A_496 = arith.constant 0 : i32
    %dma_wait3A_497 = arith.constant 0 : i32
    %dma_wait3A_498 = tpu.memref_slice %arg8[%dma_wait3A_496, %dma_wait3A_497] : memref<40x64xi32, #tpu.memory_space<vmem>> -> memref<1x64xi32, #tpu.memory_space<vmem>>
    %dma_wait3A_499 = tpu.memref_squeeze %dma_wait3A_498 : memref<1x64xi32, #tpu.memory_space<vmem>> -> memref<64xi32, #tpu.memory_space<vmem>>
    %dma_wait3A_500 = arith.constant 0 : i32
    %dma_wait3A_501 = arith.constant 0 : i32
    %dma_wait3A_502 = tpu.memref_slice %arg9[%dma_wait3A_500, %dma_wait3A_501] : memref<10240x128xf32, #tpu.memory_space<vmem_shared>> -> memref<10240x128xf32, #tpu.memory_space<vmem_shared>>
    tpu.wait_indirect_dma semaphore(%arg20 : memref<!tpu.dma_semaphore, #tpu.memory_space<semaphore_mem>>) src(%arg12 : memref<64x128xf32, #tpu.memory_space<vmem>>) dst(%dma_wait3A_502 : memref<10240x128xf32, #tpu.memory_space<vmem_shared>>)
    %dma_wait3A_503 = arith.constant 0 : i32
    %dma_wait3A_504 = arith.constant 0 : i32
    %dma_wait3A_505 = tpu.memref_slice %arg8[%dma_wait3A_503, %dma_wait3A_504] : memref<40x64xi32, #tpu.memory_space<vmem>> -> memref<1x64xi32, #tpu.memory_space<vmem>>
    %dma_wait3A_506 = tpu.memref_squeeze %dma_wait3A_505 : memref<1x64xi32, #tpu.memory_space<vmem>> -> memref<64xi32, #tpu.memory_space<vmem>>
    %dma_wait3A_507 = arith.constant 0 : i32
    %dma_wait3A_508 = arith.constant 0 : i32
    %dma_wait3A_509 = tpu.memref_slice %arg9[%dma_wait3A_507, %dma_wait3A_508] : memref<10240x128xf32, #tpu.memory_space<vmem_shared>> -> memref<10240x128xf32, #tpu.memory_space<vmem_shared>>
    tpu.wait_indirect_dma semaphore(%arg21 : memref<!tpu.dma_semaphore, #tpu.memory_space<semaphore_mem>>) src(%arg13 : memref<64x128xf32, #tpu.memory_space<vmem>>) dst(%dma_wait3A_509 : memref<10240x128xf32, #tpu.memory_space<vmem_shared>>)
    %barrier3A_510 = arith.constant 0 : index
    tpu.barrier barrier_id(%barrier3A_510)
    %mul3A_511 = arith.constant 640 : i32
    %mul3A_512 = arith.muli %arg1, %mul3A_511 : i32
    %mul3A_513 = arith.constant 640 : i32
    %mul3A_514 = arith.muli %arg1, %mul3A_513 : i32
    "tpu.region"() ({
      %run_scoped3A = tpu.sem_alloc : memref<!tpu.dma_semaphore, #tpu.memory_space<semaphore_mem>>
      %dma_start3A_515 = arith.constant 0 : i32
      %dma_start3A_516 = tpu.memref_slice %arg6[%arg0, %mul3A_514, %dma_start3A_515] : memref<2x10240x128xf32, #tpu.memory_space<hbm>> -> memref<1x640x128xf32, #tpu.memory_space<hbm>>
      %dma_start3A_517 = tpu.memref_squeeze %dma_start3A_516 : memref<1x640x128xf32, #tpu.memory_space<hbm>> -> memref<640x128xf32, #tpu.memory_space<hbm>>
      %dma_start3A_518 = arith.constant 0 : i32
      %dma_start3A_519 = tpu.memref_slice %arg9[%mul3A_512, %dma_start3A_518] : memref<10240x128xf32, #tpu.memory_space<vmem_shared>> -> memref<640x128xf32, #tpu.memory_space<vmem_shared>>
      tpu.enqueue_dma source(%dma_start3A_519 : memref<640x128xf32, #tpu.memory_space<vmem_shared>>) target(%dma_start3A_517 : memref<640x128xf32, #tpu.memory_space<hbm>>) target_semaphore(%run_scoped3A : memref<!tpu.dma_semaphore, #tpu.memory_space<semaphore_mem>>)
      %dma_wait3A_520 = arith.constant 0 : i32
      %dma_wait3A_521 = tpu.memref_slice %arg6[%arg0, %mul3A_514, %dma_wait3A_520] : memref<2x10240x128xf32, #tpu.memory_space<hbm>> -> memref<1x640x128xf32, #tpu.memory_space<hbm>>
      %dma_wait3A_522 = tpu.memref_squeeze %dma_wait3A_521 : memref<1x640x128xf32, #tpu.memory_space<hbm>> -> memref<640x128xf32, #tpu.memory_space<hbm>>
      %dma_wait3A_523 = arith.constant 0 : i32
      %dma_wait3A_524 = tpu.memref_slice %arg9[%mul3A_512, %dma_wait3A_523] : memref<10240x128xf32, #tpu.memory_space<vmem_shared>> -> memref<640x128xf32, #tpu.memory_space<vmem_shared>>
      tpu.wait_dma2 semaphore(%run_scoped3A : memref<!tpu.dma_semaphore, #tpu.memory_space<semaphore_mem>>) src(%dma_wait3A_524 : memref<640x128xf32, #tpu.memory_space<vmem_shared>>) dst(%dma_wait3A_522 : memref<640x128xf32, #tpu.memory_space<hbm>>)
      tpu.yield
    }) : () -> ()
    return
  }
}

#map = affine_map<(d0, d1) -> (0, 0)>
#map1 = affine_map<(d0, d1) -> (0, 0, 0)>
module attributes {stable_mosaic.version = 14 : i64} {
  func.func @_deg_kernel(%arg0: i32, %arg1: i32, %arg2: memref<5120x64xi32, #tpu.memory_space<hbm>>, %arg3: memref<10240x128xf32, #tpu.memory_space<hbm>>, %arg4: memref<2x10240x128xf32, #tpu.memory_space<hbm>>, %arg5: memref<160x64xi32, #tpu.memory_space<vmem>>, %arg6: memref<64x128xf32, #tpu.memory_space<vmem>>, %arg7: memref<10240x128xf32, #tpu.memory_space<vmem_shared>>, %arg8: memref<!tpu.dma_semaphore, #tpu.memory_space<semaphore_mem>>) attributes {dimension_semantics = [#tpu.dimension_semantics<core_parallel>, #tpu.dimension_semantics<subcore_parallel>], iteration_bounds = array<i64: 2, 16>, scalar_prefetch = 0 : i64, scratch_operands = 4 : i64, tpu.core_type = #tpu.core_type<sc_vector_subcore>, window_params = [{transform_indices = #map}, {transform_indices = #map}, {transform_indices = #map1}]} {
    %mul3A = arith.constant 16 : i32
    %mul3A_0 = arith.muli %arg0, %mul3A : i32
    %add3A = arith.addi %mul3A_0, %arg1 : i32
    %scan3A = arith.constant 0 : i32
    %scan3A_1 = arith.constant 0 : i32
    %scan3A_2 = arith.constant 64 : i32
    %scan3A_3 = arith.addi %scan3A_1, %scan3A_2 : i32
    %scan3A_4 = arith.constant 1 : i32
    %scan3A_5 = scf.for %scan3A_25 = %scan3A_1 to %scan3A_3 step %scan3A_4 iter_args(%scan3A_26 = %scan3A) -> (i32)  : i32 {
      %scan3A_27 = arith.constant 0 : i32
      %scan3A_28 = arith.constant 0 : i32
      %scan3A_29 = arith.constant 8 : i32
      %scan3A_30 = arith.addi %scan3A_28, %scan3A_29 : i32
      %scan3A_31 = arith.constant 1 : i32
      %scan3A_32 = scf.for %scan3A_35 = %scan3A_28 to %scan3A_30 step %scan3A_31 iter_args(%scan3A_36 = %scan3A_27) -> (i32)  : i32 {
        %broadcast_in_dim3A = arith.constant 1.000000e+00 : f32
        %broadcast_in_dim3A_37 = vector.broadcast %broadcast_in_dim3A : f32 to vector<16xf32>
        %mul3A_38 = arith.constant 16 : i32
        %mul3A_39 = arith.muli %scan3A_35, %mul3A_38 : i32
        %swap3A = arith.index_cast %scan3A_25 : i32 to index
        %swap3A_40 = arith.index_cast %mul3A_39 : i32 to index
        %swap3A_41 = tpu.vector_load %arg6[%swap3A, %swap3A_40] {strides = array<i32>} : memref<64x128xf32, #tpu.memory_space<vmem>>, vector<1x16xf32>,
        %swap3A_42 = vector.shape_cast %swap3A_41 : vector<1x16xf32> to vector<16xf32>
        %swap3A_43 = vector.shape_cast %broadcast_in_dim3A_37 : vector<16xf32> to vector<1x16xf32>
        tpu.vector_store %arg6[%swap3A, %swap3A_40], %swap3A_43 {strides = array<i32>} : memref<64x128xf32, #tpu.memory_space<vmem>>, vector<1x16xf32>,
        %scan3A_44 = arith.constant 0 : i32
        scf.yield %scan3A_44 : i32
      }
      %scan3A_33 = arith.constant 8 : i32
      %scan3A_34 = arith.constant 0 : i32
      scf.yield %scan3A_34 : i32
    }
    %scan3A_6 = arith.constant 64 : i32
    %mul3A_7 = arith.constant 640 : i32
    %mul3A_8 = arith.muli %arg1, %mul3A_7 : i32
    %mul3A_9 = arith.constant 640 : i32
    %mul3A_10 = arith.muli %arg1, %mul3A_9 : i32
    "tpu.region"() ({
      %run_scoped3A = tpu.sem_alloc : memref<!tpu.dma_semaphore, #tpu.memory_space<semaphore_mem>>
      %dma_start3A = arith.constant 0 : i32
      %dma_start3A_25 = tpu.memref_slice %arg7[%mul3A_10, %dma_start3A] : memref<10240x128xf32, #tpu.memory_space<vmem_shared>> -> memref<640x128xf32, #tpu.memory_space<vmem_shared>>
      %dma_start3A_26 = arith.constant 0 : i32
      %dma_start3A_27 = tpu.memref_slice %arg3[%mul3A_8, %dma_start3A_26] : memref<10240x128xf32, #tpu.memory_space<hbm>> -> memref<640x128xf32, #tpu.memory_space<hbm>>
      tpu.enqueue_dma source(%dma_start3A_27 : memref<640x128xf32, #tpu.memory_space<hbm>>) target(%dma_start3A_25 : memref<640x128xf32, #tpu.memory_space<vmem_shared>>) target_semaphore(%run_scoped3A : memref<!tpu.dma_semaphore, #tpu.memory_space<semaphore_mem>>)
      %dma_wait3A = arith.constant 0 : i32
      %dma_wait3A_28 = tpu.memref_slice %arg7[%mul3A_10, %dma_wait3A] : memref<10240x128xf32, #tpu.memory_space<vmem_shared>> -> memref<640x128xf32, #tpu.memory_space<vmem_shared>>
      %dma_wait3A_29 = arith.constant 0 : i32
      %dma_wait3A_30 = tpu.memref_slice %arg3[%mul3A_8, %dma_wait3A_29] : memref<10240x128xf32, #tpu.memory_space<hbm>> -> memref<640x128xf32, #tpu.memory_space<hbm>>
      tpu.wait_dma2 semaphore(%run_scoped3A : memref<!tpu.dma_semaphore, #tpu.memory_space<semaphore_mem>>) src(%dma_wait3A_30 : memref<640x128xf32, #tpu.memory_space<hbm>>) dst(%dma_wait3A_28 : memref<640x128xf32, #tpu.memory_space<vmem_shared>>)
      tpu.yield
    }) : () -> ()
    %barrier3A = arith.constant 0 : index
    tpu.barrier barrier_id(%barrier3A)
    %mul3A_11 = arith.constant 160 : i32
    %mul3A_12 = arith.muli %add3A, %mul3A_11 : i32
    "tpu.region"() ({
      %run_scoped3A = tpu.sem_alloc : memref<!tpu.dma_semaphore, #tpu.memory_space<semaphore_mem>>
      %dma_start3A = arith.constant 0 : i32
      %dma_start3A_25 = tpu.memref_slice %arg2[%mul3A_12, %dma_start3A] : memref<5120x64xi32, #tpu.memory_space<hbm>> -> memref<160x64xi32, #tpu.memory_space<hbm>>
      %dma_start3A_26 = arith.constant 0 : i32
      %dma_start3A_27 = tpu.memref_slice %arg2[%mul3A_12, %dma_start3A_26] : memref<5120x64xi32, #tpu.memory_space<hbm>> -> memref<160x64xi32, #tpu.memory_space<hbm>>
      tpu.enqueue_dma source(%dma_start3A_27 : memref<160x64xi32, #tpu.memory_space<hbm>>) target(%arg5 : memref<160x64xi32, #tpu.memory_space<vmem>>) target_semaphore(%run_scoped3A : memref<!tpu.dma_semaphore, #tpu.memory_space<semaphore_mem>>)
      %dma_wait3A = arith.constant 0 : i32
      %dma_wait3A_28 = tpu.memref_slice %arg2[%mul3A_12, %dma_wait3A] : memref<5120x64xi32, #tpu.memory_space<hbm>> -> memref<160x64xi32, #tpu.memory_space<hbm>>
      %dma_wait3A_29 = arith.constant 0 : i32
      %dma_wait3A_30 = tpu.memref_slice %arg2[%mul3A_12, %dma_wait3A_29] : memref<5120x64xi32, #tpu.memory_space<hbm>> -> memref<160x64xi32, #tpu.memory_space<hbm>>
      tpu.wait_dma2 semaphore(%run_scoped3A : memref<!tpu.dma_semaphore, #tpu.memory_space<semaphore_mem>>) src(%dma_wait3A_30 : memref<160x64xi32, #tpu.memory_space<hbm>>) dst(%arg5 : memref<160x64xi32, #tpu.memory_space<vmem>>)
      tpu.yield
    }) : () -> ()
    %scan3A_13 = arith.constant 0 : i32
    %scan3A_14 = arith.constant 0 : i32
    %scan3A_15 = arith.constant 40 : i32
    %scan3A_16 = arith.addi %scan3A_14, %scan3A_15 : i32
    %scan3A_17 = arith.constant 1 : i32
    %scan3A_18 = scf.for %scan3A_25 = %scan3A_14 to %scan3A_16 step %scan3A_17 iter_args(%scan3A_26 = %scan3A_13) -> (i32)  : i32 {
      %mul3A_27 = arith.constant 4 : i32
      %mul3A_28 = arith.muli %scan3A_25, %mul3A_27 : i32
      %add3A_29 = arith.constant 0 : i32
      %add3A_30 = arith.addi %mul3A_28, %add3A_29 : i32
      %dma_start3A = arith.constant 0 : i32
      %dma_start3A_31 = tpu.memref_slice %arg5[%add3A_30, %dma_start3A] : memref<160x64xi32, #tpu.memory_space<vmem>> -> memref<1x64xi32, #tpu.memory_space<vmem>>
      %dma_start3A_32 = tpu.memref_squeeze %dma_start3A_31 : memref<1x64xi32, #tpu.memory_space<vmem>> -> memref<64xi32, #tpu.memory_space<vmem>>
      %dma_start3A_33 = arith.constant 0 : i32
      %dma_start3A_34 = arith.constant 0 : i32
      %dma_start3A_35 = tpu.memref_slice %arg7[%dma_start3A_33, %dma_start3A_34] : memref<10240x128xf32, #tpu.memory_space<vmem_shared>> -> memref<10240x128xf32, #tpu.memory_space<vmem_shared>>
      tpu.enqueue_indirect_dma source(%arg6 : memref<64x128xf32, #tpu.memory_space<vmem>>) target(%dma_start3A_35 : memref<10240x128xf32, #tpu.memory_space<vmem_shared>>) offsets(%dma_start3A_32 : memref<64xi32, #tpu.memory_space<vmem>>) semaphore(%arg8 : memref<!tpu.dma_semaphore, #tpu.memory_space<semaphore_mem>>) {add = true}
      %mul3A_36 = arith.constant 4 : i32
      %mul3A_37 = arith.muli %scan3A_25, %mul3A_36 : i32
      %add3A_38 = arith.constant 1 : i32
      %add3A_39 = arith.addi %mul3A_37, %add3A_38 : i32
      %dma_start3A_40 = arith.constant 0 : i32
      %dma_start3A_41 = tpu.memref_slice %arg5[%add3A_39, %dma_start3A_40] : memref<160x64xi32, #tpu.memory_space<vmem>> -> memref<1x64xi32, #tpu.memory_space<vmem>>
      %dma_start3A_42 = tpu.memref_squeeze %dma_start3A_41 : memref<1x64xi32, #tpu.memory_space<vmem>> -> memref<64xi32, #tpu.memory_space<vmem>>
      %dma_start3A_43 = arith.constant 0 : i32
      %dma_start3A_44 = arith.constant 0 : i32
      %dma_start3A_45 = tpu.memref_slice %arg7[%dma_start3A_43, %dma_start3A_44] : memref<10240x128xf32, #tpu.memory_space<vmem_shared>> -> memref<10240x128xf32, #tpu.memory_space<vmem_shared>>
      tpu.enqueue_indirect_dma source(%arg6 : memref<64x128xf32, #tpu.memory_space<vmem>>) target(%dma_start3A_45 : memref<10240x128xf32, #tpu.memory_space<vmem_shared>>) offsets(%dma_start3A_42 : memref<64xi32, #tpu.memory_space<vmem>>) semaphore(%arg8 : memref<!tpu.dma_semaphore, #tpu.memory_space<semaphore_mem>>) {add = true}
      %mul3A_46 = arith.constant 4 : i32
      %mul3A_47 = arith.muli %scan3A_25, %mul3A_46 : i32
      %add3A_48 = arith.constant 2 : i32
      %add3A_49 = arith.addi %mul3A_47, %add3A_48 : i32
      %dma_start3A_50 = arith.constant 0 : i32
      %dma_start3A_51 = tpu.memref_slice %arg5[%add3A_49, %dma_start3A_50] : memref<160x64xi32, #tpu.memory_space<vmem>> -> memref<1x64xi32, #tpu.memory_space<vmem>>
      %dma_start3A_52 = tpu.memref_squeeze %dma_start3A_51 : memref<1x64xi32, #tpu.memory_space<vmem>> -> memref<64xi32, #tpu.memory_space<vmem>>
      %dma_start3A_53 = arith.constant 0 : i32
      %dma_start3A_54 = arith.constant 0 : i32
      %dma_start3A_55 = tpu.memref_slice %arg7[%dma_start3A_53, %dma_start3A_54] : memref<10240x128xf32, #tpu.memory_space<vmem_shared>> -> memref<10240x128xf32, #tpu.memory_space<vmem_shared>>
      tpu.enqueue_indirect_dma source(%arg6 : memref<64x128xf32, #tpu.memory_space<vmem>>) target(%dma_start3A_55 : memref<10240x128xf32, #tpu.memory_space<vmem_shared>>) offsets(%dma_start3A_52 : memref<64xi32, #tpu.memory_space<vmem>>) semaphore(%arg8 : memref<!tpu.dma_semaphore, #tpu.memory_space<semaphore_mem>>) {add = true}
      %mul3A_56 = arith.constant 4 : i32
      %mul3A_57 = arith.muli %scan3A_25, %mul3A_56 : i32
      %add3A_58 = arith.constant 3 : i32
      %add3A_59 = arith.addi %mul3A_57, %add3A_58 : i32
      %dma_start3A_60 = arith.constant 0 : i32
      %dma_start3A_61 = tpu.memref_slice %arg5[%add3A_59, %dma_start3A_60] : memref<160x64xi32, #tpu.memory_space<vmem>> -> memref<1x64xi32, #tpu.memory_space<vmem>>
      %dma_start3A_62 = tpu.memref_squeeze %dma_start3A_61 : memref<1x64xi32, #tpu.memory_space<vmem>> -> memref<64xi32, #tpu.memory_space<vmem>>
      %dma_start3A_63 = arith.constant 0 : i32
      %dma_start3A_64 = arith.constant 0 : i32
      %dma_start3A_65 = tpu.memref_slice %arg7[%dma_start3A_63, %dma_start3A_64] : memref<10240x128xf32, #tpu.memory_space<vmem_shared>> -> memref<10240x128xf32, #tpu.memory_space<vmem_shared>>
      tpu.enqueue_indirect_dma source(%arg6 : memref<64x128xf32, #tpu.memory_space<vmem>>) target(%dma_start3A_65 : memref<10240x128xf32, #tpu.memory_space<vmem_shared>>) offsets(%dma_start3A_62 : memref<64xi32, #tpu.memory_space<vmem>>) semaphore(%arg8 : memref<!tpu.dma_semaphore, #tpu.memory_space<semaphore_mem>>) {add = true}
      %dma_wait3A = arith.constant 0 : i32
      %dma_wait3A_66 = arith.constant 0 : i32
      %dma_wait3A_67 = tpu.memref_slice %arg5[%dma_wait3A, %dma_wait3A_66] : memref<160x64xi32, #tpu.memory_space<vmem>> -> memref<1x64xi32, #tpu.memory_space<vmem>>
      %dma_wait3A_68 = tpu.memref_squeeze %dma_wait3A_67 : memref<1x64xi32, #tpu.memory_space<vmem>> -> memref<64xi32, #tpu.memory_space<vmem>>
      %dma_wait3A_69 = arith.constant 0 : i32
      %dma_wait3A_70 = arith.constant 0 : i32
      %dma_wait3A_71 = tpu.memref_slice %arg7[%dma_wait3A_69, %dma_wait3A_70] : memref<10240x128xf32, #tpu.memory_space<vmem_shared>> -> memref<10240x128xf32, #tpu.memory_space<vmem_shared>>
      tpu.wait_indirect_dma semaphore(%arg8 : memref<!tpu.dma_semaphore, #tpu.memory_space<semaphore_mem>>) src(%arg6 : memref<64x128xf32, #tpu.memory_space<vmem>>) dst(%dma_wait3A_71 : memref<10240x128xf32, #tpu.memory_space<vmem_shared>>)
      %dma_wait3A_72 = arith.constant 0 : i32
      %dma_wait3A_73 = arith.constant 0 : i32
      %dma_wait3A_74 = tpu.memref_slice %arg5[%dma_wait3A_72, %dma_wait3A_73] : memref<160x64xi32, #tpu.memory_space<vmem>> -> memref<1x64xi32, #tpu.memory_space<vmem>>
      %dma_wait3A_75 = tpu.memref_squeeze %dma_wait3A_74 : memref<1x64xi32, #tpu.memory_space<vmem>> -> memref<64xi32, #tpu.memory_space<vmem>>
      %dma_wait3A_76 = arith.constant 0 : i32
      %dma_wait3A_77 = arith.constant 0 : i32
      %dma_wait3A_78 = tpu.memref_slice %arg7[%dma_wait3A_76, %dma_wait3A_77] : memref<10240x128xf32, #tpu.memory_space<vmem_shared>> -> memref<10240x128xf32, #tpu.memory_space<vmem_shared>>
      tpu.wait_indirect_dma semaphore(%arg8 : memref<!tpu.dma_semaphore, #tpu.memory_space<semaphore_mem>>) src(%arg6 : memref<64x128xf32, #tpu.memory_space<vmem>>) dst(%dma_wait3A_78 : memref<10240x128xf32, #tpu.memory_space<vmem_shared>>)
      %dma_wait3A_79 = arith.constant 0 : i32
      %dma_wait3A_80 = arith.constant 0 : i32
      %dma_wait3A_81 = tpu.memref_slice %arg5[%dma_wait3A_79, %dma_wait3A_80] : memref<160x64xi32, #tpu.memory_space<vmem>> -> memref<1x64xi32, #tpu.memory_space<vmem>>
      %dma_wait3A_82 = tpu.memref_squeeze %dma_wait3A_81 : memref<1x64xi32, #tpu.memory_space<vmem>> -> memref<64xi32, #tpu.memory_space<vmem>>
      %dma_wait3A_83 = arith.constant 0 : i32
      %dma_wait3A_84 = arith.constant 0 : i32
      %dma_wait3A_85 = tpu.memref_slice %arg7[%dma_wait3A_83, %dma_wait3A_84] : memref<10240x128xf32, #tpu.memory_space<vmem_shared>> -> memref<10240x128xf32, #tpu.memory_space<vmem_shared>>
      tpu.wait_indirect_dma semaphore(%arg8 : memref<!tpu.dma_semaphore, #tpu.memory_space<semaphore_mem>>) src(%arg6 : memref<64x128xf32, #tpu.memory_space<vmem>>) dst(%dma_wait3A_85 : memref<10240x128xf32, #tpu.memory_space<vmem_shared>>)
      %dma_wait3A_86 = arith.constant 0 : i32
      %dma_wait3A_87 = arith.constant 0 : i32
      %dma_wait3A_88 = tpu.memref_slice %arg5[%dma_wait3A_86, %dma_wait3A_87] : memref<160x64xi32, #tpu.memory_space<vmem>> -> memref<1x64xi32, #tpu.memory_space<vmem>>
      %dma_wait3A_89 = tpu.memref_squeeze %dma_wait3A_88 : memref<1x64xi32, #tpu.memory_space<vmem>> -> memref<64xi32, #tpu.memory_space<vmem>>
      %dma_wait3A_90 = arith.constant 0 : i32
      %dma_wait3A_91 = arith.constant 0 : i32
      %dma_wait3A_92 = tpu.memref_slice %arg7[%dma_wait3A_90, %dma_wait3A_91] : memref<10240x128xf32, #tpu.memory_space<vmem_shared>> -> memref<10240x128xf32, #tpu.memory_space<vmem_shared>>
      tpu.wait_indirect_dma semaphore(%arg8 : memref<!tpu.dma_semaphore, #tpu.memory_space<semaphore_mem>>) src(%arg6 : memref<64x128xf32, #tpu.memory_space<vmem>>) dst(%dma_wait3A_92 : memref<10240x128xf32, #tpu.memory_space<vmem_shared>>)
      %scan3A_93 = arith.constant 0 : i32
      scf.yield %scan3A_93 : i32
    }
    %scan3A_19 = arith.constant 40 : i32
    %barrier3A_20 = arith.constant 0 : index
    tpu.barrier barrier_id(%barrier3A_20)
    %mul3A_21 = arith.constant 640 : i32
    %mul3A_22 = arith.muli %arg1, %mul3A_21 : i32
    %mul3A_23 = arith.constant 640 : i32
    %mul3A_24 = arith.muli %arg1, %mul3A_23 : i32
    "tpu.region"() ({
      %run_scoped3A = tpu.sem_alloc : memref<!tpu.dma_semaphore, #tpu.memory_space<semaphore_mem>>
      %dma_start3A = arith.constant 0 : i32
      %dma_start3A_25 = tpu.memref_slice %arg4[%arg0, %mul3A_24, %dma_start3A] : memref<2x10240x128xf32, #tpu.memory_space<hbm>> -> memref<1x640x128xf32, #tpu.memory_space<hbm>>
      %dma_start3A_26 = tpu.memref_squeeze %dma_start3A_25 : memref<1x640x128xf32, #tpu.memory_space<hbm>> -> memref<640x128xf32, #tpu.memory_space<hbm>>
      %dma_start3A_27 = arith.constant 0 : i32
      %dma_start3A_28 = tpu.memref_slice %arg7[%mul3A_22, %dma_start3A_27] : memref<10240x128xf32, #tpu.memory_space<vmem_shared>> -> memref<640x128xf32, #tpu.memory_space<vmem_shared>>
      tpu.enqueue_dma source(%dma_start3A_28 : memref<640x128xf32, #tpu.memory_space<vmem_shared>>) target(%dma_start3A_26 : memref<640x128xf32, #tpu.memory_space<hbm>>) target_semaphore(%run_scoped3A : memref<!tpu.dma_semaphore, #tpu.memory_space<semaphore_mem>>)
      %dma_wait3A = arith.constant 0 : i32
      %dma_wait3A_29 = tpu.memref_slice %arg4[%arg0, %mul3A_24, %dma_wait3A] : memref<2x10240x128xf32, #tpu.memory_space<hbm>> -> memref<1x640x128xf32, #tpu.memory_space<hbm>>
      %dma_wait3A_30 = tpu.memref_squeeze %dma_wait3A_29 : memref<1x640x128xf32, #tpu.memory_space<hbm>> -> memref<640x128xf32, #tpu.memory_space<hbm>>
      %dma_wait3A_31 = arith.constant 0 : i32
      %dma_wait3A_32 = tpu.memref_slice %arg7[%mul3A_22, %dma_wait3A_31] : memref<10240x128xf32, #tpu.memory_space<vmem_shared>> -> memref<640x128xf32, #tpu.memory_space<vmem_shared>>
      tpu.wait_dma2 semaphore(%run_scoped3A : memref<!tpu.dma_semaphore, #tpu.memory_space<semaphore_mem>>) src(%dma_wait3A_32 : memref<640x128xf32, #tpu.memory_space<vmem_shared>>) dst(%dma_wait3A_30 : memref<640x128xf32, #tpu.memory_space<hbm>>)
      tpu.yield
    }) : () -> ()
    return
  }
}

#map = affine_map<(d0, d1) -> (0, 0)>
#map1 = affine_map<(d0, d1) -> (0, 0, 0)>
module attributes {stable_mosaic.version = 14 : i64} {
  func.func @_prop_kernel(%arg0: i32, %arg1: i32, %arg2: memref<10240x128xf32, #tpu.memory_space<hbm>>, %arg3: memref<5120x64xi32, #tpu.memory_space<hbm>>, %arg4: memref<5120x64xi32, #tpu.memory_space<hbm>>, %arg5: memref<10240x128xf32, #tpu.memory_space<hbm>>, %arg6: memref<2x10240x128xf32, #tpu.memory_space<hbm>>, %arg7: memref<40x64xi32, #tpu.memory_space<vmem>>, %arg8: memref<40x64xi32, #tpu.memory_space<vmem>>, %arg9: memref<10240x128xf32, #tpu.memory_space<vmem_shared>>, %arg10: memref<64x128xf32, #tpu.memory_space<vmem>>, %arg11: memref<64x128xf32, #tpu.memory_space<vmem>>, %arg12: memref<64x128xf32, #tpu.memory_space<vmem>>, %arg13: memref<64x128xf32, #tpu.memory_space<vmem>>, %arg14: memref<!tpu.dma_semaphore, #tpu.memory_space<semaphore_mem>>, %arg15: memref<!tpu.dma_semaphore, #tpu.memory_space<semaphore_mem>>, %arg16: memref<!tpu.dma_semaphore, #tpu.memory_space<semaphore_mem>>, %arg17: memref<!tpu.dma_semaphore, #tpu.memory_space<semaphore_mem>>, %arg18: memref<!tpu.dma_semaphore, #tpu.memory_space<semaphore_mem>>, %arg19: memref<!tpu.dma_semaphore, #tpu.memory_space<semaphore_mem>>, %arg20: memref<!tpu.dma_semaphore, #tpu.memory_space<semaphore_mem>>, %arg21: memref<!tpu.dma_semaphore, #tpu.memory_space<semaphore_mem>>) attributes {dimension_semantics = [#tpu.dimension_semantics<core_parallel>, #tpu.dimension_semantics<subcore_parallel>], iteration_bounds = array<i64: 2, 16>, scalar_prefetch = 0 : i64, scratch_operands = 15 : i64, tpu.core_type = #tpu.core_type<sc_vector_subcore>, window_params = [{transform_indices = #map}, {transform_indices = #map}, {transform_indices = #map}, {transform_indices = #map}, {transform_indices = #map1}]} {
    %mul3A = arith.constant 16 : i32
    %mul3A_0 = arith.muli %arg0, %mul3A : i32
    %add3A = arith.addi %mul3A_0, %arg1 : i32
    %mul3A_1 = arith.constant 640 : i32
    %mul3A_2 = arith.muli %arg1, %mul3A_1 : i32
    %mul3A_3 = arith.constant 640 : i32
    %mul3A_4 = arith.muli %arg1, %mul3A_3 : i32
    "tpu.region"() ({
      %run_scoped3A = tpu.sem_alloc : memref<!tpu.dma_semaphore, #tpu.memory_space<semaphore_mem>>
      %dma_start3A_515 = arith.constant 0 : i32
      %dma_start3A_516 = tpu.memref_slice %arg9[%mul3A_4, %dma_start3A_515] : memref<10240x128xf32, #tpu.memory_space<vmem_shared>> -> memref<640x128xf32, #tpu.memory_space<vmem_shared>>
      %dma_start3A_517 = arith.constant 0 : i32
      %dma_start3A_518 = tpu.memref_slice %arg5[%mul3A_2, %dma_start3A_517] : memref<10240x128xf32, #tpu.memory_space<hbm>> -> memref<640x128xf32, #tpu.memory_space<hbm>>
      tpu.enqueue_dma source(%dma_start3A_518 : memref<640x128xf32, #tpu.memory_space<hbm>>) target(%dma_start3A_516 : memref<640x128xf32, #tpu.memory_space<vmem_shared>>) target_semaphore(%run_scoped3A : memref<!tpu.dma_semaphore, #tpu.memory_space<semaphore_mem>>)
      %dma_wait3A_519 = arith.constant 0 : i32
      %dma_wait3A_520 = tpu.memref_slice %arg9[%mul3A_4, %dma_wait3A_519] : memref<10240x128xf32, #tpu.memory_space<vmem_shared>> -> memref<640x128xf32, #tpu.memory_space<vmem_shared>>
      %dma_wait3A_521 = arith.constant 0 : i32
      %dma_wait3A_522 = tpu.memref_slice %arg5[%mul3A_2, %dma_wait3A_521] : memref<10240x128xf32, #tpu.memory_space<hbm>> -> memref<640x128xf32, #tpu.memory_space<hbm>>
      tpu.wait_dma2 semaphore(%run_scoped3A : memref<!tpu.dma_semaphore, #tpu.memory_space<semaphore_mem>>) src(%dma_wait3A_522 : memref<640x128xf32, #tpu.memory_space<hbm>>) dst(%dma_wait3A_520 : memref<640x128xf32, #tpu.memory_space<vmem_shared>>)
      tpu.yield
    }) : () -> ()
    %barrier3A = arith.constant 0 : index
    tpu.barrier barrier_id(%barrier3A)
    %mul3A_5 = arith.constant 160 : i32
    %mul3A_6 = arith.muli %add3A, %mul3A_5 : i32
    %add3A_7 = arith.constant 0 : i32
    %add3A_8 = arith.addi %mul3A_6, %add3A_7 : i32
    "tpu.region"() ({
      %run_scoped3A = tpu.sem_alloc : memref<!tpu.dma_semaphore, #tpu.memory_space<semaphore_mem>>
      %dma_start3A_515 = arith.constant 0 : i32
      %dma_start3A_516 = tpu.memref_slice %arg3[%add3A_8, %dma_start3A_515] : memref<5120x64xi32, #tpu.memory_space<hbm>> -> memref<40x64xi32, #tpu.memory_space<hbm>>
      %dma_start3A_517 = arith.constant 0 : i32
      %dma_start3A_518 = tpu.memref_slice %arg3[%add3A_8, %dma_start3A_517] : memref<5120x64xi32, #tpu.memory_space<hbm>> -> memref<40x64xi32, #tpu.memory_space<hbm>>
      tpu.enqueue_dma source(%dma_start3A_518 : memref<40x64xi32, #tpu.memory_space<hbm>>) target(%arg7 : memref<40x64xi32, #tpu.memory_space<vmem>>) target_semaphore(%run_scoped3A : memref<!tpu.dma_semaphore, #tpu.memory_space<semaphore_mem>>)
      %dma_wait3A_519 = arith.constant 0 : i32
      %dma_wait3A_520 = tpu.memref_slice %arg3[%add3A_8, %dma_wait3A_519] : memref<5120x64xi32, #tpu.memory_space<hbm>> -> memref<40x64xi32, #tpu.memory_space<hbm>>
      %dma_wait3A_521 = arith.constant 0 : i32
      %dma_wait3A_522 = tpu.memref_slice %arg3[%add3A_8, %dma_wait3A_521] : memref<5120x64xi32, #tpu.memory_space<hbm>> -> memref<40x64xi32, #tpu.memory_space<hbm>>
      tpu.wait_dma2 semaphore(%run_scoped3A : memref<!tpu.dma_semaphore, #tpu.memory_space<semaphore_mem>>) src(%dma_wait3A_522 : memref<40x64xi32, #tpu.memory_space<hbm>>) dst(%arg7 : memref<40x64xi32, #tpu.memory_space<vmem>>)
      tpu.yield
    }) : () -> ()
    %mul3A_9 = arith.constant 160 : i32
    %mul3A_10 = arith.muli %add3A, %mul3A_9 : i32
    %add3A_11 = arith.constant 0 : i32
    %add3A_12 = arith.addi %mul3A_10, %add3A_11 : i32
    "tpu.region"() ({
      %run_scoped3A = tpu.sem_alloc : memref<!tpu.dma_semaphore, #tpu.memory_space<semaphore_mem>>
      %dma_start3A_515 = arith.constant 0 : i32
      %dma_start3A_516 = tpu.memref_slice %arg4[%add3A_12, %dma_start3A_515] : memref<5120x64xi32, #tpu.memory_space<hbm>> -> memref<40x64xi32, #tpu.memory_space<hbm>>
      %dma_start3A_517 = arith.constant 0 : i32
      %dma_start3A_518 = tpu.memref_slice %arg4[%add3A_12, %dma_start3A_517] : memref<5120x64xi32, #tpu.memory_space<hbm>> -> memref<40x64xi32, #tpu.memory_space<hbm>>
      tpu.enqueue_dma source(%dma_start3A_518 : memref<40x64xi32, #tpu.memory_space<hbm>>) target(%arg8 : memref<40x64xi32, #tpu.memory_space<vmem>>) target_semaphore(%run_scoped3A : memref<!tpu.dma_semaphore, #tpu.memory_space<semaphore_mem>>)
      %dma_wait3A_519 = arith.constant 0 : i32
      %dma_wait3A_520 = tpu.memref_slice %arg4[%add3A_12, %dma_wait3A_519] : memref<5120x64xi32, #tpu.memory_space<hbm>> -> memref<40x64xi32, #tpu.memory_space<hbm>>
      %dma_wait3A_521 = arith.constant 0 : i32
      %dma_wait3A_522 = tpu.memref_slice %arg4[%add3A_12, %dma_wait3A_521] : memref<5120x64xi32, #tpu.memory_space<hbm>> -> memref<40x64xi32, #tpu.memory_space<hbm>>
      tpu.wait_dma2 semaphore(%run_scoped3A : memref<!tpu.dma_semaphore, #tpu.memory_space<semaphore_mem>>) src(%dma_wait3A_522 : memref<40x64xi32, #tpu.memory_space<hbm>>) dst(%arg8 : memref<40x64xi32, #tpu.memory_space<vmem>>)
      tpu.yield
    }) : () -> ()
    %dma_start3A = arith.constant 0 : i32
    %dma_start3A_13 = arith.constant 0 : i32
    %dma_start3A_14 = tpu.memref_slice %arg7[%dma_start3A, %dma_start3A_13] : memref<40x64xi32, #tpu.memory_space<vmem>> -> memref<1x64xi32, #tpu.memory_space<vmem>>
    %dma_start3A_15 = tpu.memref_squeeze %dma_start3A_14 : memref<1x64xi32, #tpu.memory_space<vmem>> -> memref<64xi32, #tpu.memory_space<vmem>>
    %dma_start3A_16 = arith.constant 0 : i32
    %dma_start3A_17 = arith.constant 0 : i32
    %dma_start3A_18 = tpu.memref_slice %arg2[%dma_start3A_16, %dma_start3A_17] : memref<10240x128xf32, #tpu.memory_space<hbm>> -> memref<10240x128xf32, #tpu.memory_space<hbm>>
    tpu.enqueue_indirect_dma source(%dma_start3A_18 : memref<10240x128xf32, #tpu.memory_space<hbm>>) target(%arg10 : memref<64x128xf32, #tpu.memory_space<vmem>>) offsets(%dma_start3A_15 : memref<64xi32, #tpu.memory_space<vmem>>) semaphore(%arg14 : memref<!tpu.dma_semaphore, #tpu.memory_space<semaphore_mem>>)
    %dma_start3A_19 = arith.constant 1 : i32
    %dma_start3A_20 = arith.constant 0 : i32
    %dma_start3A_21 = tpu.memref_slice %arg7[%dma_start3A_19, %dma_start3A_20] : memref<40x64xi32, #tpu.memory_space<vmem>> -> memref<1x64xi32, #tpu.memory_space<vmem>>
    %dma_start3A_22 = tpu.memref_squeeze %dma_start3A_21 : memref<1x64xi32, #tpu.memory_space<vmem>> -> memref<64xi32, #tpu.memory_space<vmem>>
    %dma_start3A_23 = arith.constant 0 : i32
    %dma_start3A_24 = arith.constant 0 : i32
    %dma_start3A_25 = tpu.memref_slice %arg2[%dma_start3A_23, %dma_start3A_24] : memref<10240x128xf32, #tpu.memory_space<hbm>> -> memref<10240x128xf32, #tpu.memory_space<hbm>>
    tpu.enqueue_indirect_dma source(%dma_start3A_25 : memref<10240x128xf32, #tpu.memory_space<hbm>>) target(%arg11 : memref<64x128xf32, #tpu.memory_space<vmem>>) offsets(%dma_start3A_22 : memref<64xi32, #tpu.memory_space<vmem>>) semaphore(%arg15 : memref<!tpu.dma_semaphore, #tpu.memory_space<semaphore_mem>>)
    %dma_start3A_26 = arith.constant 2 : i32
    %dma_start3A_27 = arith.constant 0 : i32
    %dma_start3A_28 = tpu.memref_slice %arg7[%dma_start3A_26, %dma_start3A_27] : memref<40x64xi32, #tpu.memory_space<vmem>> -> memref<1x64xi32, #tpu.memory_space<vmem>>
    %dma_start3A_29 = tpu.memref_squeeze %dma_start3A_28 : memref<1x64xi32, #tpu.memory_space<vmem>> -> memref<64xi32, #tpu.memory_space<vmem>>
    %dma_start3A_30 = arith.constant 0 : i32
    %dma_start3A_31 = arith.constant 0 : i32
    %dma_start3A_32 = tpu.memref_slice %arg2[%dma_start3A_30, %dma_start3A_31] : memref<10240x128xf32, #tpu.memory_space<hbm>> -> memref<10240x128xf32, #tpu.memory_space<hbm>>
    tpu.enqueue_indirect_dma source(%dma_start3A_32 : memref<10240x128xf32, #tpu.memory_space<hbm>>) target(%arg12 : memref<64x128xf32, #tpu.memory_space<vmem>>) offsets(%dma_start3A_29 : memref<64xi32, #tpu.memory_space<vmem>>) semaphore(%arg16 : memref<!tpu.dma_semaphore, #tpu.memory_space<semaphore_mem>>)
    %dma_start3A_33 = arith.constant 3 : i32
    %dma_start3A_34 = arith.constant 0 : i32
    %dma_start3A_35 = tpu.memref_slice %arg7[%dma_start3A_33, %dma_start3A_34] : memref<40x64xi32, #tpu.memory_space<vmem>> -> memref<1x64xi32, #tpu.memory_space<vmem>>
    %dma_start3A_36 = tpu.memref_squeeze %dma_start3A_35 : memref<1x64xi32, #tpu.memory_space<vmem>> -> memref<64xi32, #tpu.memory_space<vmem>>
    %dma_start3A_37 = arith.constant 0 : i32
    %dma_start3A_38 = arith.constant 0 : i32
    %dma_start3A_39 = tpu.memref_slice %arg2[%dma_start3A_37, %dma_start3A_38] : memref<10240x128xf32, #tpu.memory_space<hbm>> -> memref<10240x128xf32, #tpu.memory_space<hbm>>
    tpu.enqueue_indirect_dma source(%dma_start3A_39 : memref<10240x128xf32, #tpu.memory_space<hbm>>) target(%arg13 : memref<64x128xf32, #tpu.memory_space<vmem>>) offsets(%dma_start3A_36 : memref<64xi32, #tpu.memory_space<vmem>>) semaphore(%arg17 : memref<!tpu.dma_semaphore, #tpu.memory_space<semaphore_mem>>)
    %scan3A = arith.constant 0 : i32
    %scan3A_40 = arith.constant 0 : i32
    %scan3A_41 = arith.constant 9 : i32
    %scan3A_42 = arith.addi %scan3A_40, %scan3A_41 : i32
    %scan3A_43 = arith.constant 1 : i32
    %scan3A_44 = scf.for %scan3A_515 = %scan3A_40 to %scan3A_42 step %scan3A_43 iter_args(%scan3A_516 = %scan3A) -> (i32)  : i32 {
      %mul3A_517 = arith.constant 4 : i32
      %mul3A_518 = arith.muli %scan3A_515, %mul3A_517 : i32
      %dma_wait3A_519 = arith.constant 0 : i32
      %dma_wait3A_520 = arith.constant 0 : i32
      %dma_wait3A_521 = tpu.memref_slice %arg7[%dma_wait3A_519, %dma_wait3A_520] : memref<40x64xi32, #tpu.memory_space<vmem>> -> memref<1x64xi32, #tpu.memory_space<vmem>>
      %dma_wait3A_522 = tpu.memref_squeeze %dma_wait3A_521 : memref<1x64xi32, #tpu.memory_space<vmem>> -> memref<64xi32, #tpu.memory_space<vmem>>
      %dma_wait3A_523 = arith.constant 0 : i32
      %dma_wait3A_524 = arith.constant 0 : i32
      %dma_wait3A_525 = tpu.memref_slice %arg2[%dma_wait3A_523, %dma_wait3A_524] : memref<10240x128xf32, #tpu.memory_space<hbm>> -> memref<10240x128xf32, #tpu.memory_space<hbm>>
      tpu.wait_indirect_dma semaphore(%arg14 : memref<!tpu.dma_semaphore, #tpu.memory_space<semaphore_mem>>) src(%dma_wait3A_525 : memref<10240x128xf32, #tpu.memory_space<hbm>>) dst(%arg10 : memref<64x128xf32, #tpu.memory_space<vmem>>)
      %add3A_526 = arith.constant 0 : i32
      %add3A_527 = arith.addi %mul3A_518, %add3A_526 : i32
      %dma_start3A_528 = arith.constant 0 : i32
      %dma_start3A_529 = tpu.memref_slice %arg8[%add3A_527, %dma_start3A_528] : memref<40x64xi32, #tpu.memory_space<vmem>> -> memref<1x64xi32, #tpu.memory_space<vmem>>
      %dma_start3A_530 = tpu.memref_squeeze %dma_start3A_529 : memref<1x64xi32, #tpu.memory_space<vmem>> -> memref<64xi32, #tpu.memory_space<vmem>>
      %dma_start3A_531 = arith.constant 0 : i32
      %dma_start3A_532 = arith.constant 0 : i32
      %dma_start3A_533 = tpu.memref_slice %arg9[%dma_start3A_531, %dma_start3A_532] : memref<10240x128xf32, #tpu.memory_space<vmem_shared>> -> memref<10240x128xf32, #tpu.memory_space<vmem_shared>>
      tpu.enqueue_indirect_dma source(%arg10 : memref<64x128xf32, #tpu.memory_space<vmem>>) target(%dma_start3A_533 : memref<10240x128xf32, #tpu.memory_space<vmem_shared>>) offsets(%dma_start3A_530 : memref<64xi32, #tpu.memory_space<vmem>>) semaphore(%arg18 : memref<!tpu.dma_semaphore, #tpu.memory_space<semaphore_mem>>) {add = true}
      %dma_wait3A_534 = arith.constant 0 : i32
      %dma_wait3A_535 = arith.constant 0 : i32
      %dma_wait3A_536 = tpu.memref_slice %arg7[%dma_wait3A_534, %dma_wait3A_535] : memref<40x64xi32, #tpu.memory_space<vmem>> -> memref<1x64xi32, #tpu.memory_space<vmem>>
      %dma_wait3A_537 = tpu.memref_squeeze %dma_wait3A_536 : memref<1x64xi32, #tpu.memory_space<vmem>> -> memref<64xi32, #tpu.memory_space<vmem>>
      %dma_wait3A_538 = arith.constant 0 : i32
      %dma_wait3A_539 = arith.constant 0 : i32
      %dma_wait3A_540 = tpu.memref_slice %arg2[%dma_wait3A_538, %dma_wait3A_539] : memref<10240x128xf32, #tpu.memory_space<hbm>> -> memref<10240x128xf32, #tpu.memory_space<hbm>>
      tpu.wait_indirect_dma semaphore(%arg15 : memref<!tpu.dma_semaphore, #tpu.memory_space<semaphore_mem>>) src(%dma_wait3A_540 : memref<10240x128xf32, #tpu.memory_space<hbm>>) dst(%arg11 : memref<64x128xf32, #tpu.memory_space<vmem>>)
      %add3A_541 = arith.constant 1 : i32
      %add3A_542 = arith.addi %mul3A_518, %add3A_541 : i32
      %dma_start3A_543 = arith.constant 0 : i32
      %dma_start3A_544 = tpu.memref_slice %arg8[%add3A_542, %dma_start3A_543] : memref<40x64xi32, #tpu.memory_space<vmem>> -> memref<1x64xi32, #tpu.memory_space<vmem>>
      %dma_start3A_545 = tpu.memref_squeeze %dma_start3A_544 : memref<1x64xi32, #tpu.memory_space<vmem>> -> memref<64xi32, #tpu.memory_space<vmem>>
      %dma_start3A_546 = arith.constant 0 : i32
      %dma_start3A_547 = arith.constant 0 : i32
      %dma_start3A_548 = tpu.memref_slice %arg9[%dma_start3A_546, %dma_start3A_547] : memref<10240x128xf32, #tpu.memory_space<vmem_shared>> -> memref<10240x128xf32, #tpu.memory_space<vmem_shared>>
      tpu.enqueue_indirect_dma source(%arg11 : memref<64x128xf32, #tpu.memory_space<vmem>>) target(%dma_start3A_548 : memref<10240x128xf32, #tpu.memory_space<vmem_shared>>) offsets(%dma_start3A_545 : memref<64xi32, #tpu.memory_space<vmem>>) semaphore(%arg19 : memref<!tpu.dma_semaphore, #tpu.memory_space<semaphore_mem>>) {add = true}
      %dma_wait3A_549 = arith.constant 0 : i32
      %dma_wait3A_550 = arith.constant 0 : i32
      %dma_wait3A_551 = tpu.memref_slice %arg7[%dma_wait3A_549, %dma_wait3A_550] : memref<40x64xi32, #tpu.memory_space<vmem>> -> memref<1x64xi32, #tpu.memory_space<vmem>>
      %dma_wait3A_552 = tpu.memref_squeeze %dma_wait3A_551 : memref<1x64xi32, #tpu.memory_space<vmem>> -> memref<64xi32, #tpu.memory_space<vmem>>
      %dma_wait3A_553 = arith.constant 0 : i32
      %dma_wait3A_554 = arith.constant 0 : i32
      %dma_wait3A_555 = tpu.memref_slice %arg2[%dma_wait3A_553, %dma_wait3A_554] : memref<10240x128xf32, #tpu.memory_space<hbm>> -> memref<10240x128xf32, #tpu.memory_space<hbm>>
      tpu.wait_indirect_dma semaphore(%arg16 : memref<!tpu.dma_semaphore, #tpu.memory_space<semaphore_mem>>) src(%dma_wait3A_555 : memref<10240x128xf32, #tpu.memory_space<hbm>>) dst(%arg12 : memref<64x128xf32, #tpu.memory_space<vmem>>)
      %add3A_556 = arith.constant 2 : i32
      %add3A_557 = arith.addi %mul3A_518, %add3A_556 : i32
      %dma_start3A_558 = arith.constant 0 : i32
      %dma_start3A_559 = tpu.memref_slice %arg8[%add3A_557, %dma_start3A_558] : memref<40x64xi32, #tpu.memory_space<vmem>> -> memref<1x64xi32, #tpu.memory_space<vmem>>
      %dma_start3A_560 = tpu.memref_squeeze %dma_start3A_559 : memref<1x64xi32, #tpu.memory_space<vmem>> -> memref<64xi32, #tpu.memory_space<vmem>>
      %dma_start3A_561 = arith.constant 0 : i32
      %dma_start3A_562 = arith.constant 0 : i32
      %dma_start3A_563 = tpu.memref_slice %arg9[%dma_start3A_561, %dma_start3A_562] : memref<10240x128xf32, #tpu.memory_space<vmem_shared>> -> memref<10240x128xf32, #tpu.memory_space<vmem_shared>>
      tpu.enqueue_indirect_dma source(%arg12 : memref<64x128xf32, #tpu.memory_space<vmem>>) target(%dma_start3A_563 : memref<10240x128xf32, #tpu.memory_space<vmem_shared>>) offsets(%dma_start3A_560 : memref<64xi32, #tpu.memory_space<vmem>>) semaphore(%arg20 : memref<!tpu.dma_semaphore, #tpu.memory_space<semaphore_mem>>) {add = true}
      %dma_wait3A_564 = arith.constant 0 : i32
      %dma_wait3A_565 = arith.constant 0 : i32
      %dma_wait3A_566 = tpu.memref_slice %arg7[%dma_wait3A_564, %dma_wait3A_565] : memref<40x64xi32, #tpu.memory_space<vmem>> -> memref<1x64xi32, #tpu.memory_space<vmem>>
      %dma_wait3A_567 = tpu.memref_squeeze %dma_wait3A_566 : memref<1x64xi32, #tpu.memory_space<vmem>> -> memref<64xi32, #tpu.memory_space<vmem>>
      %dma_wait3A_568 = arith.constant 0 : i32
      %dma_wait3A_569 = arith.constant 0 : i32
      %dma_wait3A_570 = tpu.memref_slice %arg2[%dma_wait3A_568, %dma_wait3A_569] : memref<10240x128xf32, #tpu.memory_space<hbm>> -> memref<10240x128xf32, #tpu.memory_space<hbm>>
      tpu.wait_indirect_dma semaphore(%arg17 : memref<!tpu.dma_semaphore, #tpu.memory_space<semaphore_mem>>) src(%dma_wait3A_570 : memref<10240x128xf32, #tpu.memory_space<hbm>>) dst(%arg13 : memref<64x128xf32, #tpu.memory_space<vmem>>)
      %add3A_571 = arith.constant 3 : i32
      %add3A_572 = arith.addi %mul3A_518, %add3A_571 : i32
      %dma_start3A_573 = arith.constant 0 : i32
      %dma_start3A_574 = tpu.memref_slice %arg8[%add3A_572, %dma_start3A_573] : memref<40x64xi32, #tpu.memory_space<vmem>> -> memref<1x64xi32, #tpu.memory_space<vmem>>
      %dma_start3A_575 = tpu.memref_squeeze %dma_start3A_574 : memref<1x64xi32, #tpu.memory_space<vmem>> -> memref<64xi32, #tpu.memory_space<vmem>>
      %dma_start3A_576 = arith.constant 0 : i32
      %dma_start3A_577 = arith.constant 0 : i32
      %dma_start3A_578 = tpu.memref_slice %arg9[%dma_start3A_576, %dma_start3A_577] : memref<10240x128xf32, #tpu.memory_space<vmem_shared>> -> memref<10240x128xf32, #tpu.memory_space<vmem_shared>>
      tpu.enqueue_indirect_dma source(%arg13 : memref<64x128xf32, #tpu.memory_space<vmem>>) target(%dma_start3A_578 : memref<10240x128xf32, #tpu.memory_space<vmem_shared>>) offsets(%dma_start3A_575 : memref<64xi32, #tpu.memory_space<vmem>>) semaphore(%arg21 : memref<!tpu.dma_semaphore, #tpu.memory_space<semaphore_mem>>) {add = true}
      %dma_wait3A_579 = arith.constant 0 : i32
      %dma_wait3A_580 = arith.constant 0 : i32
      %dma_wait3A_581 = tpu.memref_slice %arg8[%dma_wait3A_579, %dma_wait3A_580] : memref<40x64xi32, #tpu.memory_space<vmem>> -> memref<1x64xi32, #tpu.memory_space<vmem>>
      %dma_wait3A_582 = tpu.memref_squeeze %dma_wait3A_581 : memref<1x64xi32, #tpu.memory_space<vmem>> -> memref<64xi32, #tpu.memory_space<vmem>>
      %dma_wait3A_583 = arith.constant 0 : i32
      %dma_wait3A_584 = arith.constant 0 : i32
      %dma_wait3A_585 = tpu.memref_slice %arg9[%dma_wait3A_583, %dma_wait3A_584] : memref<10240x128xf32, #tpu.memory_space<vmem_shared>> -> memref<10240x128xf32, #tpu.memory_space<vmem_shared>>
      tpu.wait_indirect_dma semaphore(%arg18 : memref<!tpu.dma_semaphore, #tpu.memory_space<semaphore_mem>>) src(%arg10 : memref<64x128xf32, #tpu.memory_space<vmem>>) dst(%dma_wait3A_585 : memref<10240x128xf32, #tpu.memory_space<vmem_shared>>)
      %add3A_586 = arith.constant 4 : i32
      %add3A_587 = arith.addi %mul3A_518, %add3A_586 : i32
      %add3A_588 = arith.constant 0 : i32
      %add3A_589 = arith.addi %add3A_587, %add3A_588 : i32
      %dma_start3A_590 = arith.constant 0 : i32
      %dma_start3A_591 = tpu.memref_slice %arg7[%add3A_589, %dma_start3A_590] : memref<40x64xi32, #tpu.memory_space<vmem>> -> memref<1x64xi32, #tpu.memory_space<vmem>>
      %dma_start3A_592 = tpu.memref_squeeze %dma_start3A_591 : memref<1x64xi32, #tpu.memory_space<vmem>> -> memref<64xi32, #tpu.memory_space<vmem>>
      %dma_start3A_593 = arith.constant 0 : i32
      %dma_start3A_594 = arith.constant 0 : i32
      %dma_start3A_595 = tpu.memref_slice %arg2[%dma_start3A_593, %dma_start3A_594] : memref<10240x128xf32, #tpu.memory_space<hbm>> -> memref<10240x128xf32, #tpu.memory_space<hbm>>
      tpu.enqueue_indirect_dma source(%dma_start3A_595 : memref<10240x128xf32, #tpu.memory_space<hbm>>) target(%arg10 : memref<64x128xf32, #tpu.memory_space<vmem>>) offsets(%dma_start3A_592 : memref<64xi32, #tpu.memory_space<vmem>>) semaphore(%arg14 : memref<!tpu.dma_semaphore, #tpu.memory_space<semaphore_mem>>)
      %dma_wait3A_596 = arith.constant 0 : i32
      %dma_wait3A_597 = arith.constant 0 : i32
      %dma_wait3A_598 = tpu.memref_slice %arg8[%dma_wait3A_596, %dma_wait3A_597] : memref<40x64xi32, #tpu.memory_space<vmem>> -> memref<1x64xi32, #tpu.memory_space<vmem>>
      %dma_wait3A_599 = tpu.memref_squeeze %dma_wait3A_598 : memref<1x64xi32, #tpu.memory_space<vmem>> -> memref<64xi32, #tpu.memory_space<vmem>>
      %dma_wait3A_600 = arith.constant 0 : i32
      %dma_wait3A_601 = arith.constant 0 : i32
      %dma_wait3A_602 = tpu.memref_slice %arg9[%dma_wait3A_600, %dma_wait3A_601] : memref<10240x128xf32, #tpu.memory_space<vmem_shared>> -> memref<10240x128xf32, #tpu.memory_space<vmem_shared>>
      tpu.wait_indirect_dma semaphore(%arg19 : memref<!tpu.dma_semaphore, #tpu.memory_space<semaphore_mem>>) src(%arg11 : memref<64x128xf32, #tpu.memory_space<vmem>>) dst(%dma_wait3A_602 : memref<10240x128xf32, #tpu.memory_space<vmem_shared>>)
      %add3A_603 = arith.constant 4 : i32
      %add3A_604 = arith.addi %mul3A_518, %add3A_603 : i32
      %add3A_605 = arith.constant 1 : i32
      %add3A_606 = arith.addi %add3A_604, %add3A_605 : i32
      %dma_start3A_607 = arith.constant 0 : i32
      %dma_start3A_608 = tpu.memref_slice %arg7[%add3A_606, %dma_start3A_607] : memref<40x64xi32, #tpu.memory_space<vmem>> -> memref<1x64xi32, #tpu.memory_space<vmem>>
      %dma_start3A_609 = tpu.memref_squeeze %dma_start3A_608 : memref<1x64xi32, #tpu.memory_space<vmem>> -> memref<64xi32, #tpu.memory_space<vmem>>
      %dma_start3A_610 = arith.constant 0 : i32
      %dma_start3A_611 = arith.constant 0 : i32
      %dma_start3A_612 = tpu.memref_slice %arg2[%dma_start3A_610, %dma_start3A_611] : memref<10240x128xf32, #tpu.memory_space<hbm>> -> memref<10240x128xf32, #tpu.memory_space<hbm>>
      tpu.enqueue_indirect_dma source(%dma_start3A_612 : memref<10240x128xf32, #tpu.memory_space<hbm>>) target(%arg11 : memref<64x128xf32, #tpu.memory_space<vmem>>) offsets(%dma_start3A_609 : memref<64xi32, #tpu.memory_space<vmem>>) semaphore(%arg15 : memref<!tpu.dma_semaphore, #tpu.memory_space<semaphore_mem>>)
      %dma_wait3A_613 = arith.constant 0 : i32
      %dma_wait3A_614 = arith.constant 0 : i32
      %dma_wait3A_615 = tpu.memref_slice %arg8[%dma_wait3A_613, %dma_wait3A_614] : memref<40x64xi32, #tpu.memory_space<vmem>> -> memref<1x64xi32, #tpu.memory_space<vmem>>
      %dma_wait3A_616 = tpu.memref_squeeze %dma_wait3A_615 : memref<1x64xi32, #tpu.memory_space<vmem>> -> memref<64xi32, #tpu.memory_space<vmem>>
      %dma_wait3A_617 = arith.constant 0 : i32
      %dma_wait3A_618 = arith.constant 0 : i32
      %dma_wait3A_619 = tpu.memref_slice %arg9[%dma_wait3A_617, %dma_wait3A_618] : memref<10240x128xf32, #tpu.memory_space<vmem_shared>> -> memref<10240x128xf32, #tpu.memory_space<vmem_shared>>
      tpu.wait_indirect_dma semaphore(%arg20 : memref<!tpu.dma_semaphore, #tpu.memory_space<semaphore_mem>>) src(%arg12 : memref<64x128xf32, #tpu.memory_space<vmem>>) dst(%dma_wait3A_619 : memref<10240x128xf32, #tpu.memory_space<vmem_shared>>)
      %add3A_620 = arith.constant 4 : i32
      %add3A_621 = arith.addi %mul3A_518, %add3A_620 : i32
      %add3A_622 = arith.constant 2 : i32
      %add3A_623 = arith.addi %add3A_621, %add3A_622 : i32
      %dma_start3A_624 = arith.constant 0 : i32
      %dma_start3A_625 = tpu.memref_slice %arg7[%add3A_623, %dma_start3A_624] : memref<40x64xi32, #tpu.memory_space<vmem>> -> memref<1x64xi32, #tpu.memory_space<vmem>>
      %dma_start3A_626 = tpu.memref_squeeze %dma_start3A_625 : memref<1x64xi32, #tpu.memory_space<vmem>> -> memref<64xi32, #tpu.memory_space<vmem>>
      %dma_start3A_627 = arith.constant 0 : i32
      %dma_start3A_628 = arith.constant 0 : i32
      %dma_start3A_629 = tpu.memref_slice %arg2[%dma_start3A_627, %dma_start3A_628] : memref<10240x128xf32, #tpu.memory_space<hbm>> -> memref<10240x128xf32, #tpu.memory_space<hbm>>
      tpu.enqueue_indirect_dma source(%dma_start3A_629 : memref<10240x128xf32, #tpu.memory_space<hbm>>) target(%arg12 : memref<64x128xf32, #tpu.memory_space<vmem>>) offsets(%dma_start3A_626 : memref<64xi32, #tpu.memory_space<vmem>>) semaphore(%arg16 : memref<!tpu.dma_semaphore, #tpu.memory_space<semaphore_mem>>)
      %dma_wait3A_630 = arith.constant 0 : i32
      %dma_wait3A_631 = arith.constant 0 : i32
      %dma_wait3A_632 = tpu.memref_slice %arg8[%dma_wait3A_630, %dma_wait3A_631] : memref<40x64xi32, #tpu.memory_space<vmem>> -> memref<1x64xi32, #tpu.memory_space<vmem>>
      %dma_wait3A_633 = tpu.memref_squeeze %dma_wait3A_632 : memref<1x64xi32, #tpu.memory_space<vmem>> -> memref<64xi32, #tpu.memory_space<vmem>>
      %dma_wait3A_634 = arith.constant 0 : i32
      %dma_wait3A_635 = arith.constant 0 : i32
      %dma_wait3A_636 = tpu.memref_slice %arg9[%dma_wait3A_634, %dma_wait3A_635] : memref<10240x128xf32, #tpu.memory_space<vmem_shared>> -> memref<10240x128xf32, #tpu.memory_space<vmem_shared>>
      tpu.wait_indirect_dma semaphore(%arg21 : memref<!tpu.dma_semaphore, #tpu.memory_space<semaphore_mem>>) src(%arg13 : memref<64x128xf32, #tpu.memory_space<vmem>>) dst(%dma_wait3A_636 : memref<10240x128xf32, #tpu.memory_space<vmem_shared>>)
      %add3A_637 = arith.constant 4 : i32
      %add3A_638 = arith.addi %mul3A_518, %add3A_637 : i32
      %add3A_639 = arith.constant 3 : i32
      %add3A_640 = arith.addi %add3A_638, %add3A_639 : i32
      %dma_start3A_641 = arith.constant 0 : i32
      %dma_start3A_642 = tpu.memref_slice %arg7[%add3A_640, %dma_start3A_641] : memref<40x64xi32, #tpu.memory_space<vmem>> -> memref<1x64xi32, #tpu.memory_space<vmem>>
      %dma_start3A_643 = tpu.memref_squeeze %dma_start3A_642 : memref<1x64xi32, #tpu.memory_space<vmem>> -> memref<64xi32, #tpu.memory_space<vmem>>
      %dma_start3A_644 = arith.constant 0 : i32
      %dma_start3A_645 = arith.constant 0 : i32
      %dma_start3A_646 = tpu.memref_slice %arg2[%dma_start3A_644, %dma_start3A_645] : memref<10240x128xf32, #tpu.memory_space<hbm>> -> memref<10240x128xf32, #tpu.memory_space<hbm>>
      tpu.enqueue_indirect_dma source(%dma_start3A_646 : memref<10240x128xf32, #tpu.memory_space<hbm>>) target(%arg13 : memref<64x128xf32, #tpu.memory_space<vmem>>) offsets(%dma_start3A_643 : memref<64xi32, #tpu.memory_space<vmem>>) semaphore(%arg17 : memref<!tpu.dma_semaphore, #tpu.memory_space<semaphore_mem>>)
      %scan3A_647 = arith.constant 0 : i32
      scf.yield %scan3A_647 : i32
    }
    %scan3A_45 = arith.constant 9 : i32
    %dma_wait3A = arith.constant 0 : i32
    %dma_wait3A_46 = arith.constant 0 : i32
    %dma_wait3A_47 = tpu.memref_slice %arg7[%dma_wait3A, %dma_wait3A_46] : memref<40x64xi32, #tpu.memory_space<vmem>> -> memref<1x64xi32, #tpu.memory_space<vmem>>
    %dma_wait3A_48 = tpu.memref_squeeze %dma_wait3A_47 : memref<1x64xi32, #tpu.memory_space<vmem>> -> memref<64xi32, #tpu.memory_space<vmem>>
    %dma_wait3A_49 = arith.constant 0 : i32
    %dma_wait3A_50 = arith.constant 0 : i32
    %dma_wait3A_51 = tpu.memref_slice %arg2[%dma_wait3A_49, %dma_wait3A_50] : memref<10240x128xf32, #tpu.memory_space<hbm>> -> memref<10240x128xf32, #tpu.memory_space<hbm>>
    tpu.wait_indirect_dma semaphore(%arg14 : memref<!tpu.dma_semaphore, #tpu.memory_space<semaphore_mem>>) src(%dma_wait3A_51 : memref<10240x128xf32, #tpu.memory_space<hbm>>) dst(%arg10 : memref<64x128xf32, #tpu.memory_space<vmem>>)
    %dma_start3A_52 = arith.constant 36 : i32
    %dma_start3A_53 = arith.constant 0 : i32
    %dma_start3A_54 = tpu.memref_slice %arg8[%dma_start3A_52, %dma_start3A_53] : memref<40x64xi32, #tpu.memory_space<vmem>> -> memref<1x64xi32, #tpu.memory_space<vmem>>
    %dma_start3A_55 = tpu.memref_squeeze %dma_start3A_54 : memref<1x64xi32, #tpu.memory_space<vmem>> -> memref<64xi32, #tpu.memory_space<vmem>>
    %dma_start3A_56 = arith.constant 0 : i32
    %dma_start3A_57 = arith.constant 0 : i32
    %dma_start3A_58 = tpu.memref_slice %arg9[%dma_start3A_56, %dma_start3A_57] : memref<10240x128xf32, #tpu.memory_space<vmem_shared>> -> memref<10240x128xf32, #tpu.memory_space<vmem_shared>>
    tpu.enqueue_indirect_dma source(%arg10 : memref<64x128xf32, #tpu.memory_space<vmem>>) target(%dma_start3A_58 : memref<10240x128xf32, #tpu.memory_space<vmem_shared>>) offsets(%dma_start3A_55 : memref<64xi32, #tpu.memory_space<vmem>>) semaphore(%arg18 : memref<!tpu.dma_semaphore, #tpu.memory_space<semaphore_mem>>) {add = true}
    %dma_wait3A_59 = arith.constant 0 : i32
    %dma_wait3A_60 = arith.constant 0 : i32
    %dma_wait3A_61 = tpu.memref_slice %arg7[%dma_wait3A_59, %dma_wait3A_60] : memref<40x64xi32, #tpu.memory_space<vmem>> -> memref<1x64xi32, #tpu.memory_space<vmem>>
    %dma_wait3A_62 = tpu.memref_squeeze %dma_wait3A_61 : memref<1x64xi32, #tpu.memory_space<vmem>> -> memref<64xi32, #tpu.memory_space<vmem>>
    %dma_wait3A_63 = arith.constant 0 : i32
    %dma_wait3A_64 = arith.constant 0 : i32
    %dma_wait3A_65 = tpu.memref_slice %arg2[%dma_wait3A_63, %dma_wait3A_64] : memref<10240x128xf32, #tpu.memory_space<hbm>> -> memref<10240x128xf32, #tpu.memory_space<hbm>>
    tpu.wait_indirect_dma semaphore(%arg15 : memref<!tpu.dma_semaphore, #tpu.memory_space<semaphore_mem>>) src(%dma_wait3A_65 : memref<10240x128xf32, #tpu.memory_space<hbm>>) dst(%arg11 : memref<64x128xf32, #tpu.memory_space<vmem>>)
    %dma_start3A_66 = arith.constant 37 : i32
    %dma_start3A_67 = arith.constant 0 : i32
    %dma_start3A_68 = tpu.memref_slice %arg8[%dma_start3A_66, %dma_start3A_67] : memref<40x64xi32, #tpu.memory_space<vmem>> -> memref<1x64xi32, #tpu.memory_space<vmem>>
    %dma_start3A_69 = tpu.memref_squeeze %dma_start3A_68 : memref<1x64xi32, #tpu.memory_space<vmem>> -> memref<64xi32, #tpu.memory_space<vmem>>
    %dma_start3A_70 = arith.constant 0 : i32
    %dma_start3A_71 = arith.constant 0 : i32
    %dma_start3A_72 = tpu.memref_slice %arg9[%dma_start3A_70, %dma_start3A_71] : memref<10240x128xf32, #tpu.memory_space<vmem_shared>> -> memref<10240x128xf32, #tpu.memory_space<vmem_shared>>
    tpu.enqueue_indirect_dma source(%arg11 : memref<64x128xf32, #tpu.memory_space<vmem>>) target(%dma_start3A_72 : memref<10240x128xf32, #tpu.memory_space<vmem_shared>>) offsets(%dma_start3A_69 : memref<64xi32, #tpu.memory_space<vmem>>) semaphore(%arg19 : memref<!tpu.dma_semaphore, #tpu.memory_space<semaphore_mem>>) {add = true}
    %dma_wait3A_73 = arith.constant 0 : i32
    %dma_wait3A_74 = arith.constant 0 : i32
    %dma_wait3A_75 = tpu.memref_slice %arg7[%dma_wait3A_73, %dma_wait3A_74] : memref<40x64xi32, #tpu.memory_space<vmem>> -> memref<1x64xi32, #tpu.memory_space<vmem>>
    %dma_wait3A_76 = tpu.memref_squeeze %dma_wait3A_75 : memref<1x64xi32, #tpu.memory_space<vmem>> -> memref<64xi32, #tpu.memory_space<vmem>>
    %dma_wait3A_77 = arith.constant 0 : i32
    %dma_wait3A_78 = arith.constant 0 : i32
    %dma_wait3A_79 = tpu.memref_slice %arg2[%dma_wait3A_77, %dma_wait3A_78] : memref<10240x128xf32, #tpu.memory_space<hbm>> -> memref<10240x128xf32, #tpu.memory_space<hbm>>
    tpu.wait_indirect_dma semaphore(%arg16 : memref<!tpu.dma_semaphore, #tpu.memory_space<semaphore_mem>>) src(%dma_wait3A_79 : memref<10240x128xf32, #tpu.memory_space<hbm>>) dst(%arg12 : memref<64x128xf32, #tpu.memory_space<vmem>>)
    %dma_start3A_80 = arith.constant 38 : i32
    %dma_start3A_81 = arith.constant 0 : i32
    %dma_start3A_82 = tpu.memref_slice %arg8[%dma_start3A_80, %dma_start3A_81] : memref<40x64xi32, #tpu.memory_space<vmem>> -> memref<1x64xi32, #tpu.memory_space<vmem>>
    %dma_start3A_83 = tpu.memref_squeeze %dma_start3A_82 : memref<1x64xi32, #tpu.memory_space<vmem>> -> memref<64xi32, #tpu.memory_space<vmem>>
    %dma_start3A_84 = arith.constant 0 : i32
    %dma_start3A_85 = arith.constant 0 : i32
    %dma_start3A_86 = tpu.memref_slice %arg9[%dma_start3A_84, %dma_start3A_85] : memref<10240x128xf32, #tpu.memory_space<vmem_shared>> -> memref<10240x128xf32, #tpu.memory_space<vmem_shared>>
    tpu.enqueue_indirect_dma source(%arg12 : memref<64x128xf32, #tpu.memory_space<vmem>>) target(%dma_start3A_86 : memref<10240x128xf32, #tpu.memory_space<vmem_shared>>) offsets(%dma_start3A_83 : memref<64xi32, #tpu.memory_space<vmem>>) semaphore(%arg20 : memref<!tpu.dma_semaphore, #tpu.memory_space<semaphore_mem>>) {add = true}
    %dma_wait3A_87 = arith.constant 0 : i32
    %dma_wait3A_88 = arith.constant 0 : i32
    %dma_wait3A_89 = tpu.memref_slice %arg7[%dma_wait3A_87, %dma_wait3A_88] : memref<40x64xi32, #tpu.memory_space<vmem>> -> memref<1x64xi32, #tpu.memory_space<vmem>>
    %dma_wait3A_90 = tpu.memref_squeeze %dma_wait3A_89 : memref<1x64xi32, #tpu.memory_space<vmem>> -> memref<64xi32, #tpu.memory_space<vmem>>
    %dma_wait3A_91 = arith.constant 0 : i32
    %dma_wait3A_92 = arith.constant 0 : i32
    %dma_wait3A_93 = tpu.memref_slice %arg2[%dma_wait3A_91, %dma_wait3A_92] : memref<10240x128xf32, #tpu.memory_space<hbm>> -> memref<10240x128xf32, #tpu.memory_space<hbm>>
    tpu.wait_indirect_dma semaphore(%arg17 : memref<!tpu.dma_semaphore, #tpu.memory_space<semaphore_mem>>) src(%dma_wait3A_93 : memref<10240x128xf32, #tpu.memory_space<hbm>>) dst(%arg13 : memref<64x128xf32, #tpu.memory_space<vmem>>)
    %dma_start3A_94 = arith.constant 39 : i32
    %dma_start3A_95 = arith.constant 0 : i32
    %dma_start3A_96 = tpu.memref_slice %arg8[%dma_start3A_94, %dma_start3A_95] : memref<40x64xi32, #tpu.memory_space<vmem>> -> memref<1x64xi32, #tpu.memory_space<vmem>>
    %dma_start3A_97 = tpu.memref_squeeze %dma_start3A_96 : memref<1x64xi32, #tpu.memory_space<vmem>> -> memref<64xi32, #tpu.memory_space<vmem>>
    %dma_start3A_98 = arith.constant 0 : i32
    %dma_start3A_99 = arith.constant 0 : i32
    %dma_start3A_100 = tpu.memref_slice %arg9[%dma_start3A_98, %dma_start3A_99] : memref<10240x128xf32, #tpu.memory_space<vmem_shared>> -> memref<10240x128xf32, #tpu.memory_space<vmem_shared>>
    tpu.enqueue_indirect_dma source(%arg13 : memref<64x128xf32, #tpu.memory_space<vmem>>) target(%dma_start3A_100 : memref<10240x128xf32, #tpu.memory_space<vmem_shared>>) offsets(%dma_start3A_97 : memref<64xi32, #tpu.memory_space<vmem>>) semaphore(%arg21 : memref<!tpu.dma_semaphore, #tpu.memory_space<semaphore_mem>>) {add = true}
    %dma_wait3A_101 = arith.constant 0 : i32
    %dma_wait3A_102 = arith.constant 0 : i32
    %dma_wait3A_103 = tpu.memref_slice %arg8[%dma_wait3A_101, %dma_wait3A_102] : memref<40x64xi32, #tpu.memory_space<vmem>> -> memref<1x64xi32, #tpu.memory_space<vmem>>
    %dma_wait3A_104 = tpu.memref_squeeze %dma_wait3A_103 : memref<1x64xi32, #tpu.memory_space<vmem>> -> memref<64xi32, #tpu.memory_space<vmem>>
    %dma_wait3A_105 = arith.constant 0 : i32
    %dma_wait3A_106 = arith.constant 0 : i32
    %dma_wait3A_107 = tpu.memref_slice %arg9[%dma_wait3A_105, %dma_wait3A_106] : memref<10240x128xf32, #tpu.memory_space<vmem_shared>> -> memref<10240x128xf32, #tpu.memory_space<vmem_shared>>
    tpu.wait_indirect_dma semaphore(%arg18 : memref<!tpu.dma_semaphore, #tpu.memory_space<semaphore_mem>>) src(%arg10 : memref<64x128xf32, #tpu.memory_space<vmem>>) dst(%dma_wait3A_107 : memref<10240x128xf32, #tpu.memory_space<vmem_shared>>)
    %dma_wait3A_108 = arith.constant 0 : i32
    %dma_wait3A_109 = arith.constant 0 : i32
    %dma_wait3A_110 = tpu.memref_slice %arg8[%dma_wait3A_108, %dma_wait3A_109] : memref<40x64xi32, #tpu.memory_space<vmem>> -> memref<1x64xi32, #tpu.memory_space<vmem>>
    %dma_wait3A_111 = tpu.memref_squeeze %dma_wait3A_110 : memref<1x64xi32, #tpu.memory_space<vmem>> -> memref<64xi32, #tpu.memory_space<vmem>>
    %dma_wait3A_112 = arith.constant 0 : i32
    %dma_wait3A_113 = arith.constant 0 : i32
    %dma_wait3A_114 = tpu.memref_slice %arg9[%dma_wait3A_112, %dma_wait3A_113] : memref<10240x128xf32, #tpu.memory_space<vmem_shared>> -> memref<10240x128xf32, #tpu.memory_space<vmem_shared>>
    tpu.wait_indirect_dma semaphore(%arg19 : memref<!tpu.dma_semaphore, #tpu.memory_space<semaphore_mem>>) src(%arg11 : memref<64x128xf32, #tpu.memory_space<vmem>>) dst(%dma_wait3A_114 : memref<10240x128xf32, #tpu.memory_space<vmem_shared>>)
    %dma_wait3A_115 = arith.constant 0 : i32
    %dma_wait3A_116 = arith.constant 0 : i32
    %dma_wait3A_117 = tpu.memref_slice %arg8[%dma_wait3A_115, %dma_wait3A_116] : memref<40x64xi32, #tpu.memory_space<vmem>> -> memref<1x64xi32, #tpu.memory_space<vmem>>
    %dma_wait3A_118 = tpu.memref_squeeze %dma_wait3A_117 : memref<1x64xi32, #tpu.memory_space<vmem>> -> memref<64xi32, #tpu.memory_space<vmem>>
    %dma_wait3A_119 = arith.constant 0 : i32
    %dma_wait3A_120 = arith.constant 0 : i32
    %dma_wait3A_121 = tpu.memref_slice %arg9[%dma_wait3A_119, %dma_wait3A_120] : memref<10240x128xf32, #tpu.memory_space<vmem_shared>> -> memref<10240x128xf32, #tpu.memory_space<vmem_shared>>
    tpu.wait_indirect_dma semaphore(%arg20 : memref<!tpu.dma_semaphore, #tpu.memory_space<semaphore_mem>>) src(%arg12 : memref<64x128xf32, #tpu.memory_space<vmem>>) dst(%dma_wait3A_121 : memref<10240x128xf32, #tpu.memory_space<vmem_shared>>)
    %dma_wait3A_122 = arith.constant 0 : i32
    %dma_wait3A_123 = arith.constant 0 : i32
    %dma_wait3A_124 = tpu.memref_slice %arg8[%dma_wait3A_122, %dma_wait3A_123] : memref<40x64xi32, #tpu.memory_space<vmem>> -> memref<1x64xi32, #tpu.memory_space<vmem>>
    %dma_wait3A_125 = tpu.memref_squeeze %dma_wait3A_124 : memref<1x64xi32, #tpu.memory_space<vmem>> -> memref<64xi32, #tpu.memory_space<vmem>>
    %dma_wait3A_126 = arith.constant 0 : i32
    %dma_wait3A_127 = arith.constant 0 : i32
    %dma_wait3A_128 = tpu.memref_slice %arg9[%dma_wait3A_126, %dma_wait3A_127] : memref<10240x128xf32, #tpu.memory_space<vmem_shared>> -> memref<10240x128xf32, #tpu.memory_space<vmem_shared>>
    tpu.wait_indirect_dma semaphore(%arg21 : memref<!tpu.dma_semaphore, #tpu.memory_space<semaphore_mem>>) src(%arg13 : memref<64x128xf32, #tpu.memory_space<vmem>>) dst(%dma_wait3A_128 : memref<10240x128xf32, #tpu.memory_space<vmem_shared>>)
    %mul3A_129 = arith.constant 160 : i32
    %mul3A_130 = arith.muli %add3A, %mul3A_129 : i32
    %add3A_131 = arith.constant 40 : i32
    %add3A_132 = arith.addi %mul3A_130, %add3A_131 : i32
    "tpu.region"() ({
      %run_scoped3A = tpu.sem_alloc : memref<!tpu.dma_semaphore, #tpu.memory_space<semaphore_mem>>
      %dma_start3A_515 = arith.constant 0 : i32
      %dma_start3A_516 = tpu.memref_slice %arg3[%add3A_132, %dma_start3A_515] : memref<5120x64xi32, #tpu.memory_space<hbm>> -> memref<40x64xi32, #tpu.memory_space<hbm>>
      %dma_start3A_517 = arith.constant 0 : i32
      %dma_start3A_518 = tpu.memref_slice %arg3[%add3A_132, %dma_start3A_517] : memref<5120x64xi32, #tpu.memory_space<hbm>> -> memref<40x64xi32, #tpu.memory_space<hbm>>
      tpu.enqueue_dma source(%dma_start3A_518 : memref<40x64xi32, #tpu.memory_space<hbm>>) target(%arg7 : memref<40x64xi32, #tpu.memory_space<vmem>>) target_semaphore(%run_scoped3A : memref<!tpu.dma_semaphore, #tpu.memory_space<semaphore_mem>>)
      %dma_wait3A_519 = arith.constant 0 : i32
      %dma_wait3A_520 = tpu.memref_slice %arg3[%add3A_132, %dma_wait3A_519] : memref<5120x64xi32, #tpu.memory_space<hbm>> -> memref<40x64xi32, #tpu.memory_space<hbm>>
      %dma_wait3A_521 = arith.constant 0 : i32
      %dma_wait3A_522 = tpu.memref_slice %arg3[%add3A_132, %dma_wait3A_521] : memref<5120x64xi32, #tpu.memory_space<hbm>> -> memref<40x64xi32, #tpu.memory_space<hbm>>
      tpu.wait_dma2 semaphore(%run_scoped3A : memref<!tpu.dma_semaphore, #tpu.memory_space<semaphore_mem>>) src(%dma_wait3A_522 : memref<40x64xi32, #tpu.memory_space<hbm>>) dst(%arg7 : memref<40x64xi32, #tpu.memory_space<vmem>>)
      tpu.yield
    }) : () -> ()
    %mul3A_133 = arith.constant 160 : i32
    %mul3A_134 = arith.muli %add3A, %mul3A_133 : i32
    %add3A_135 = arith.constant 40 : i32
    %add3A_136 = arith.addi %mul3A_134, %add3A_135 : i32
    "tpu.region"() ({
      %run_scoped3A = tpu.sem_alloc : memref<!tpu.dma_semaphore, #tpu.memory_space<semaphore_mem>>
      %dma_start3A_515 = arith.constant 0 : i32
      %dma_start3A_516 = tpu.memref_slice %arg4[%add3A_136, %dma_start3A_515] : memref<5120x64xi32, #tpu.memory_space<hbm>> -> memref<40x64xi32, #tpu.memory_space<hbm>>
      %dma_start3A_517 = arith.constant 0 : i32
      %dma_start3A_518 = tpu.memref_slice %arg4[%add3A_136, %dma_start3A_517] : memref<5120x64xi32, #tpu.memory_space<hbm>> -> memref<40x64xi32, #tpu.memory_space<hbm>>
      tpu.enqueue_dma source(%dma_start3A_518 : memref<40x64xi32, #tpu.memory_space<hbm>>) target(%arg8 : memref<40x64xi32, #tpu.memory_space<vmem>>) target_semaphore(%run_scoped3A : memref<!tpu.dma_semaphore, #tpu.memory_space<semaphore_mem>>)
      %dma_wait3A_519 = arith.constant 0 : i32
      %dma_wait3A_520 = tpu.memref_slice %arg4[%add3A_136, %dma_wait3A_519] : memref<5120x64xi32, #tpu.memory_space<hbm>> -> memref<40x64xi32, #tpu.memory_space<hbm>>
      %dma_wait3A_521 = arith.constant 0 : i32
      %dma_wait3A_522 = tpu.memref_slice %arg4[%add3A_136, %dma_wait3A_521] : memref<5120x64xi32, #tpu.memory_space<hbm>> -> memref<40x64xi32, #tpu.memory_space<hbm>>
      tpu.wait_dma2 semaphore(%run_scoped3A : memref<!tpu.dma_semaphore, #tpu.memory_space<semaphore_mem>>) src(%dma_wait3A_522 : memref<40x64xi32, #tpu.memory_space<hbm>>) dst(%arg8 : memref<40x64xi32, #tpu.memory_space<vmem>>)
      tpu.yield
    }) : () -> ()
    %dma_start3A_137 = arith.constant 0 : i32
    %dma_start3A_138 = arith.constant 0 : i32
    %dma_start3A_139 = tpu.memref_slice %arg7[%dma_start3A_137, %dma_start3A_138] : memref<40x64xi32, #tpu.memory_space<vmem>> -> memref<1x64xi32, #tpu.memory_space<vmem>>
    %dma_start3A_140 = tpu.memref_squeeze %dma_start3A_139 : memref<1x64xi32, #tpu.memory_space<vmem>> -> memref<64xi32, #tpu.memory_space<vmem>>
    %dma_start3A_141 = arith.constant 0 : i32
    %dma_start3A_142 = arith.constant 0 : i32
    %dma_start3A_143 = tpu.memref_slice %arg2[%dma_start3A_141, %dma_start3A_142] : memref<10240x128xf32, #tpu.memory_space<hbm>> -> memref<10240x128xf32, #tpu.memory_space<hbm>>
    tpu.enqueue_indirect_dma source(%dma_start3A_143 : memref<10240x128xf32, #tpu.memory_space<hbm>>) target(%arg10 : memref<64x128xf32, #tpu.memory_space<vmem>>) offsets(%dma_start3A_140 : memref<64xi32, #tpu.memory_space<vmem>>) semaphore(%arg14 : memref<!tpu.dma_semaphore, #tpu.memory_space<semaphore_mem>>)
    %dma_start3A_144 = arith.constant 1 : i32
    %dma_start3A_145 = arith.constant 0 : i32
    %dma_start3A_146 = tpu.memref_slice %arg7[%dma_start3A_144, %dma_start3A_145] : memref<40x64xi32, #tpu.memory_space<vmem>> -> memref<1x64xi32, #tpu.memory_space<vmem>>
    %dma_start3A_147 = tpu.memref_squeeze %dma_start3A_146 : memref<1x64xi32, #tpu.memory_space<vmem>> -> memref<64xi32, #tpu.memory_space<vmem>>
    %dma_start3A_148 = arith.constant 0 : i32
    %dma_start3A_149 = arith.constant 0 : i32
    %dma_start3A_150 = tpu.memref_slice %arg2[%dma_start3A_148, %dma_start3A_149] : memref<10240x128xf32, #tpu.memory_space<hbm>> -> memref<10240x128xf32, #tpu.memory_space<hbm>>
    tpu.enqueue_indirect_dma source(%dma_start3A_150 : memref<10240x128xf32, #tpu.memory_space<hbm>>) target(%arg11 : memref<64x128xf32, #tpu.memory_space<vmem>>) offsets(%dma_start3A_147 : memref<64xi32, #tpu.memory_space<vmem>>) semaphore(%arg15 : memref<!tpu.dma_semaphore, #tpu.memory_space<semaphore_mem>>)
    %dma_start3A_151 = arith.constant 2 : i32
    %dma_start3A_152 = arith.constant 0 : i32
    %dma_start3A_153 = tpu.memref_slice %arg7[%dma_start3A_151, %dma_start3A_152] : memref<40x64xi32, #tpu.memory_space<vmem>> -> memref<1x64xi32, #tpu.memory_space<vmem>>
    %dma_start3A_154 = tpu.memref_squeeze %dma_start3A_153 : memref<1x64xi32, #tpu.memory_space<vmem>> -> memref<64xi32, #tpu.memory_space<vmem>>
    %dma_start3A_155 = arith.constant 0 : i32
    %dma_start3A_156 = arith.constant 0 : i32
    %dma_start3A_157 = tpu.memref_slice %arg2[%dma_start3A_155, %dma_start3A_156] : memref<10240x128xf32, #tpu.memory_space<hbm>> -> memref<10240x128xf32, #tpu.memory_space<hbm>>
    tpu.enqueue_indirect_dma source(%dma_start3A_157 : memref<10240x128xf32, #tpu.memory_space<hbm>>) target(%arg12 : memref<64x128xf32, #tpu.memory_space<vmem>>) offsets(%dma_start3A_154 : memref<64xi32, #tpu.memory_space<vmem>>) semaphore(%arg16 : memref<!tpu.dma_semaphore, #tpu.memory_space<semaphore_mem>>)
    %dma_start3A_158 = arith.constant 3 : i32
    %dma_start3A_159 = arith.constant 0 : i32
    %dma_start3A_160 = tpu.memref_slice %arg7[%dma_start3A_158, %dma_start3A_159] : memref<40x64xi32, #tpu.memory_space<vmem>> -> memref<1x64xi32, #tpu.memory_space<vmem>>
    %dma_start3A_161 = tpu.memref_squeeze %dma_start3A_160 : memref<1x64xi32, #tpu.memory_space<vmem>> -> memref<64xi32, #tpu.memory_space<vmem>>
    %dma_start3A_162 = arith.constant 0 : i32
    %dma_start3A_163 = arith.constant 0 : i32
    %dma_start3A_164 = tpu.memref_slice %arg2[%dma_start3A_162, %dma_start3A_163] : memref<10240x128xf32, #tpu.memory_space<hbm>> -> memref<10240x128xf32, #tpu.memory_space<hbm>>
    tpu.enqueue_indirect_dma source(%dma_start3A_164 : memref<10240x128xf32, #tpu.memory_space<hbm>>) target(%arg13 : memref<64x128xf32, #tpu.memory_space<vmem>>) offsets(%dma_start3A_161 : memref<64xi32, #tpu.memory_space<vmem>>) semaphore(%arg17 : memref<!tpu.dma_semaphore, #tpu.memory_space<semaphore_mem>>)
    %scan3A_165 = arith.constant 0 : i32
    %scan3A_166 = arith.constant 0 : i32
    %scan3A_167 = arith.constant 9 : i32
    %scan3A_168 = arith.addi %scan3A_166, %scan3A_167 : i32
    %scan3A_169 = arith.constant 1 : i32
    %scan3A_170 = scf.for %scan3A_515 = %scan3A_166 to %scan3A_168 step %scan3A_169 iter_args(%scan3A_516 = %scan3A_165) -> (i32)  : i32 {
      %mul3A_517 = arith.constant 4 : i32
      %mul3A_518 = arith.muli %scan3A_515, %mul3A_517 : i32
      %dma_wait3A_519 = arith.constant 0 : i32
      %dma_wait3A_520 = arith.constant 0 : i32
      %dma_wait3A_521 = tpu.memref_slice %arg7[%dma_wait3A_519, %dma_wait3A_520] : memref<40x64xi32, #tpu.memory_space<vmem>> -> memref<1x64xi32, #tpu.memory_space<vmem>>
      %dma_wait3A_522 = tpu.memref_squeeze %dma_wait3A_521 : memref<1x64xi32, #tpu.memory_space<vmem>> -> memref<64xi32, #tpu.memory_space<vmem>>
      %dma_wait3A_523 = arith.constant 0 : i32
      %dma_wait3A_524 = arith.constant 0 : i32
      %dma_wait3A_525 = tpu.memref_slice %arg2[%dma_wait3A_523, %dma_wait3A_524] : memref<10240x128xf32, #tpu.memory_space<hbm>> -> memref<10240x128xf32, #tpu.memory_space<hbm>>
      tpu.wait_indirect_dma semaphore(%arg14 : memref<!tpu.dma_semaphore, #tpu.memory_space<semaphore_mem>>) src(%dma_wait3A_525 : memref<10240x128xf32, #tpu.memory_space<hbm>>) dst(%arg10 : memref<64x128xf32, #tpu.memory_space<vmem>>)
      %add3A_526 = arith.constant 0 : i32
      %add3A_527 = arith.addi %mul3A_518, %add3A_526 : i32
      %dma_start3A_528 = arith.constant 0 : i32
      %dma_start3A_529 = tpu.memref_slice %arg8[%add3A_527, %dma_start3A_528] : memref<40x64xi32, #tpu.memory_space<vmem>> -> memref<1x64xi32, #tpu.memory_space<vmem>>
      %dma_start3A_530 = tpu.memref_squeeze %dma_start3A_529 : memref<1x64xi32, #tpu.memory_space<vmem>> -> memref<64xi32, #tpu.memory_space<vmem>>
      %dma_start3A_531 = arith.constant 0 : i32
      %dma_start3A_532 = arith.constant 0 : i32
      %dma_start3A_533 = tpu.memref_slice %arg9[%dma_start3A_531, %dma_start3A_532] : memref<10240x128xf32, #tpu.memory_space<vmem_shared>> -> memref<10240x128xf32, #tpu.memory_space<vmem_shared>>
      tpu.enqueue_indirect_dma source(%arg10 : memref<64x128xf32, #tpu.memory_space<vmem>>) target(%dma_start3A_533 : memref<10240x128xf32, #tpu.memory_space<vmem_shared>>) offsets(%dma_start3A_530 : memref<64xi32, #tpu.memory_space<vmem>>) semaphore(%arg18 : memref<!tpu.dma_semaphore, #tpu.memory_space<semaphore_mem>>) {add = true}
      %dma_wait3A_534 = arith.constant 0 : i32
      %dma_wait3A_535 = arith.constant 0 : i32
      %dma_wait3A_536 = tpu.memref_slice %arg7[%dma_wait3A_534, %dma_wait3A_535] : memref<40x64xi32, #tpu.memory_space<vmem>> -> memref<1x64xi32, #tpu.memory_space<vmem>>
      %dma_wait3A_537 = tpu.memref_squeeze %dma_wait3A_536 : memref<1x64xi32, #tpu.memory_space<vmem>> -> memref<64xi32, #tpu.memory_space<vmem>>
      %dma_wait3A_538 = arith.constant 0 : i32
      %dma_wait3A_539 = arith.constant 0 : i32
      %dma_wait3A_540 = tpu.memref_slice %arg2[%dma_wait3A_538, %dma_wait3A_539] : memref<10240x128xf32, #tpu.memory_space<hbm>> -> memref<10240x128xf32, #tpu.memory_space<hbm>>
      tpu.wait_indirect_dma semaphore(%arg15 : memref<!tpu.dma_semaphore, #tpu.memory_space<semaphore_mem>>) src(%dma_wait3A_540 : memref<10240x128xf32, #tpu.memory_space<hbm>>) dst(%arg11 : memref<64x128xf32, #tpu.memory_space<vmem>>)
      %add3A_541 = arith.constant 1 : i32
      %add3A_542 = arith.addi %mul3A_518, %add3A_541 : i32
      %dma_start3A_543 = arith.constant 0 : i32
      %dma_start3A_544 = tpu.memref_slice %arg8[%add3A_542, %dma_start3A_543] : memref<40x64xi32, #tpu.memory_space<vmem>> -> memref<1x64xi32, #tpu.memory_space<vmem>>
      %dma_start3A_545 = tpu.memref_squeeze %dma_start3A_544 : memref<1x64xi32, #tpu.memory_space<vmem>> -> memref<64xi32, #tpu.memory_space<vmem>>
      %dma_start3A_546 = arith.constant 0 : i32
      %dma_start3A_547 = arith.constant 0 : i32
      %dma_start3A_548 = tpu.memref_slice %arg9[%dma_start3A_546, %dma_start3A_547] : memref<10240x128xf32, #tpu.memory_space<vmem_shared>> -> memref<10240x128xf32, #tpu.memory_space<vmem_shared>>
      tpu.enqueue_indirect_dma source(%arg11 : memref<64x128xf32, #tpu.memory_space<vmem>>) target(%dma_start3A_548 : memref<10240x128xf32, #tpu.memory_space<vmem_shared>>) offsets(%dma_start3A_545 : memref<64xi32, #tpu.memory_space<vmem>>) semaphore(%arg19 : memref<!tpu.dma_semaphore, #tpu.memory_space<semaphore_mem>>) {add = true}
      %dma_wait3A_549 = arith.constant 0 : i32
      %dma_wait3A_550 = arith.constant 0 : i32
      %dma_wait3A_551 = tpu.memref_slice %arg7[%dma_wait3A_549, %dma_wait3A_550] : memref<40x64xi32, #tpu.memory_space<vmem>> -> memref<1x64xi32, #tpu.memory_space<vmem>>
      %dma_wait3A_552 = tpu.memref_squeeze %dma_wait3A_551 : memref<1x64xi32, #tpu.memory_space<vmem>> -> memref<64xi32, #tpu.memory_space<vmem>>
      %dma_wait3A_553 = arith.constant 0 : i32
      %dma_wait3A_554 = arith.constant 0 : i32
      %dma_wait3A_555 = tpu.memref_slice %arg2[%dma_wait3A_553, %dma_wait3A_554] : memref<10240x128xf32, #tpu.memory_space<hbm>> -> memref<10240x128xf32, #tpu.memory_space<hbm>>
      tpu.wait_indirect_dma semaphore(%arg16 : memref<!tpu.dma_semaphore, #tpu.memory_space<semaphore_mem>>) src(%dma_wait3A_555 : memref<10240x128xf32, #tpu.memory_space<hbm>>) dst(%arg12 : memref<64x128xf32, #tpu.memory_space<vmem>>)
      %add3A_556 = arith.constant 2 : i32
      %add3A_557 = arith.addi %mul3A_518, %add3A_556 : i32
      %dma_start3A_558 = arith.constant 0 : i32
      %dma_start3A_559 = tpu.memref_slice %arg8[%add3A_557, %dma_start3A_558] : memref<40x64xi32, #tpu.memory_space<vmem>> -> memref<1x64xi32, #tpu.memory_space<vmem>>
      %dma_start3A_560 = tpu.memref_squeeze %dma_start3A_559 : memref<1x64xi32, #tpu.memory_space<vmem>> -> memref<64xi32, #tpu.memory_space<vmem>>
      %dma_start3A_561 = arith.constant 0 : i32
      %dma_start3A_562 = arith.constant 0 : i32
      %dma_start3A_563 = tpu.memref_slice %arg9[%dma_start3A_561, %dma_start3A_562] : memref<10240x128xf32, #tpu.memory_space<vmem_shared>> -> memref<10240x128xf32, #tpu.memory_space<vmem_shared>>
      tpu.enqueue_indirect_dma source(%arg12 : memref<64x128xf32, #tpu.memory_space<vmem>>) target(%dma_start3A_563 : memref<10240x128xf32, #tpu.memory_space<vmem_shared>>) offsets(%dma_start3A_560 : memref<64xi32, #tpu.memory_space<vmem>>) semaphore(%arg20 : memref<!tpu.dma_semaphore, #tpu.memory_space<semaphore_mem>>) {add = true}
      %dma_wait3A_564 = arith.constant 0 : i32
      %dma_wait3A_565 = arith.constant 0 : i32
      %dma_wait3A_566 = tpu.memref_slice %arg7[%dma_wait3A_564, %dma_wait3A_565] : memref<40x64xi32, #tpu.memory_space<vmem>> -> memref<1x64xi32, #tpu.memory_space<vmem>>
      %dma_wait3A_567 = tpu.memref_squeeze %dma_wait3A_566 : memref<1x64xi32, #tpu.memory_space<vmem>> -> memref<64xi32, #tpu.memory_space<vmem>>
      %dma_wait3A_568 = arith.constant 0 : i32
      %dma_wait3A_569 = arith.constant 0 : i32
      %dma_wait3A_570 = tpu.memref_slice %arg2[%dma_wait3A_568, %dma_wait3A_569] : memref<10240x128xf32, #tpu.memory_space<hbm>> -> memref<10240x128xf32, #tpu.memory_space<hbm>>
      tpu.wait_indirect_dma semaphore(%arg17 : memref<!tpu.dma_semaphore, #tpu.memory_space<semaphore_mem>>) src(%dma_wait3A_570 : memref<10240x128xf32, #tpu.memory_space<hbm>>) dst(%arg13 : memref<64x128xf32, #tpu.memory_space<vmem>>)
      %add3A_571 = arith.constant 3 : i32
      %add3A_572 = arith.addi %mul3A_518, %add3A_571 : i32
      %dma_start3A_573 = arith.constant 0 : i32
      %dma_start3A_574 = tpu.memref_slice %arg8[%add3A_572, %dma_start3A_573] : memref<40x64xi32, #tpu.memory_space<vmem>> -> memref<1x64xi32, #tpu.memory_space<vmem>>
      %dma_start3A_575 = tpu.memref_squeeze %dma_start3A_574 : memref<1x64xi32, #tpu.memory_space<vmem>> -> memref<64xi32, #tpu.memory_space<vmem>>
      %dma_start3A_576 = arith.constant 0 : i32
      %dma_start3A_577 = arith.constant 0 : i32
      %dma_start3A_578 = tpu.memref_slice %arg9[%dma_start3A_576, %dma_start3A_577] : memref<10240x128xf32, #tpu.memory_space<vmem_shared>> -> memref<10240x128xf32, #tpu.memory_space<vmem_shared>>
      tpu.enqueue_indirect_dma source(%arg13 : memref<64x128xf32, #tpu.memory_space<vmem>>) target(%dma_start3A_578 : memref<10240x128xf32, #tpu.memory_space<vmem_shared>>) offsets(%dma_start3A_575 : memref<64xi32, #tpu.memory_space<vmem>>) semaphore(%arg21 : memref<!tpu.dma_semaphore, #tpu.memory_space<semaphore_mem>>) {add = true}
      %dma_wait3A_579 = arith.constant 0 : i32
      %dma_wait3A_580 = arith.constant 0 : i32
      %dma_wait3A_581 = tpu.memref_slice %arg8[%dma_wait3A_579, %dma_wait3A_580] : memref<40x64xi32, #tpu.memory_space<vmem>> -> memref<1x64xi32, #tpu.memory_space<vmem>>
      %dma_wait3A_582 = tpu.memref_squeeze %dma_wait3A_581 : memref<1x64xi32, #tpu.memory_space<vmem>> -> memref<64xi32, #tpu.memory_space<vmem>>
      %dma_wait3A_583 = arith.constant 0 : i32
      %dma_wait3A_584 = arith.constant 0 : i32
      %dma_wait3A_585 = tpu.memref_slice %arg9[%dma_wait3A_583, %dma_wait3A_584] : memref<10240x128xf32, #tpu.memory_space<vmem_shared>> -> memref<10240x128xf32, #tpu.memory_space<vmem_shared>>
      tpu.wait_indirect_dma semaphore(%arg18 : memref<!tpu.dma_semaphore, #tpu.memory_space<semaphore_mem>>) src(%arg10 : memref<64x128xf32, #tpu.memory_space<vmem>>) dst(%dma_wait3A_585 : memref<10240x128xf32, #tpu.memory_space<vmem_shared>>)
      %add3A_586 = arith.constant 4 : i32
      %add3A_587 = arith.addi %mul3A_518, %add3A_586 : i32
      %add3A_588 = arith.constant 0 : i32
      %add3A_589 = arith.addi %add3A_587, %add3A_588 : i32
      %dma_start3A_590 = arith.constant 0 : i32
      %dma_start3A_591 = tpu.memref_slice %arg7[%add3A_589, %dma_start3A_590] : memref<40x64xi32, #tpu.memory_space<vmem>> -> memref<1x64xi32, #tpu.memory_space<vmem>>
      %dma_start3A_592 = tpu.memref_squeeze %dma_start3A_591 : memref<1x64xi32, #tpu.memory_space<vmem>> -> memref<64xi32, #tpu.memory_space<vmem>>
      %dma_start3A_593 = arith.constant 0 : i32
      %dma_start3A_594 = arith.constant 0 : i32
      %dma_start3A_595 = tpu.memref_slice %arg2[%dma_start3A_593, %dma_start3A_594] : memref<10240x128xf32, #tpu.memory_space<hbm>> -> memref<10240x128xf32, #tpu.memory_space<hbm>>
      tpu.enqueue_indirect_dma source(%dma_start3A_595 : memref<10240x128xf32, #tpu.memory_space<hbm>>) target(%arg10 : memref<64x128xf32, #tpu.memory_space<vmem>>) offsets(%dma_start3A_592 : memref<64xi32, #tpu.memory_space<vmem>>) semaphore(%arg14 : memref<!tpu.dma_semaphore, #tpu.memory_space<semaphore_mem>>)
      %dma_wait3A_596 = arith.constant 0 : i32
      %dma_wait3A_597 = arith.constant 0 : i32
      %dma_wait3A_598 = tpu.memref_slice %arg8[%dma_wait3A_596, %dma_wait3A_597] : memref<40x64xi32, #tpu.memory_space<vmem>> -> memref<1x64xi32, #tpu.memory_space<vmem>>
      %dma_wait3A_599 = tpu.memref_squeeze %dma_wait3A_598 : memref<1x64xi32, #tpu.memory_space<vmem>> -> memref<64xi32, #tpu.memory_space<vmem>>
      %dma_wait3A_600 = arith.constant 0 : i32
      %dma_wait3A_601 = arith.constant 0 : i32
      %dma_wait3A_602 = tpu.memref_slice %arg9[%dma_wait3A_600, %dma_wait3A_601] : memref<10240x128xf32, #tpu.memory_space<vmem_shared>> -> memref<10240x128xf32, #tpu.memory_space<vmem_shared>>
      tpu.wait_indirect_dma semaphore(%arg19 : memref<!tpu.dma_semaphore, #tpu.memory_space<semaphore_mem>>) src(%arg11 : memref<64x128xf32, #tpu.memory_space<vmem>>) dst(%dma_wait3A_602 : memref<10240x128xf32, #tpu.memory_space<vmem_shared>>)
      %add3A_603 = arith.constant 4 : i32
      %add3A_604 = arith.addi %mul3A_518, %add3A_603 : i32
      %add3A_605 = arith.constant 1 : i32
      %add3A_606 = arith.addi %add3A_604, %add3A_605 : i32
      %dma_start3A_607 = arith.constant 0 : i32
      %dma_start3A_608 = tpu.memref_slice %arg7[%add3A_606, %dma_start3A_607] : memref<40x64xi32, #tpu.memory_space<vmem>> -> memref<1x64xi32, #tpu.memory_space<vmem>>
      %dma_start3A_609 = tpu.memref_squeeze %dma_start3A_608 : memref<1x64xi32, #tpu.memory_space<vmem>> -> memref<64xi32, #tpu.memory_space<vmem>>
      %dma_start3A_610 = arith.constant 0 : i32
      %dma_start3A_611 = arith.constant 0 : i32
      %dma_start3A_612 = tpu.memref_slice %arg2[%dma_start3A_610, %dma_start3A_611] : memref<10240x128xf32, #tpu.memory_space<hbm>> -> memref<10240x128xf32, #tpu.memory_space<hbm>>
      tpu.enqueue_indirect_dma source(%dma_start3A_612 : memref<10240x128xf32, #tpu.memory_space<hbm>>) target(%arg11 : memref<64x128xf32, #tpu.memory_space<vmem>>) offsets(%dma_start3A_609 : memref<64xi32, #tpu.memory_space<vmem>>) semaphore(%arg15 : memref<!tpu.dma_semaphore, #tpu.memory_space<semaphore_mem>>)
      %dma_wait3A_613 = arith.constant 0 : i32
      %dma_wait3A_614 = arith.constant 0 : i32
      %dma_wait3A_615 = tpu.memref_slice %arg8[%dma_wait3A_613, %dma_wait3A_614] : memref<40x64xi32, #tpu.memory_space<vmem>> -> memref<1x64xi32, #tpu.memory_space<vmem>>
      %dma_wait3A_616 = tpu.memref_squeeze %dma_wait3A_615 : memref<1x64xi32, #tpu.memory_space<vmem>> -> memref<64xi32, #tpu.memory_space<vmem>>
      %dma_wait3A_617 = arith.constant 0 : i32
      %dma_wait3A_618 = arith.constant 0 : i32
      %dma_wait3A_619 = tpu.memref_slice %arg9[%dma_wait3A_617, %dma_wait3A_618] : memref<10240x128xf32, #tpu.memory_space<vmem_shared>> -> memref<10240x128xf32, #tpu.memory_space<vmem_shared>>
      tpu.wait_indirect_dma semaphore(%arg20 : memref<!tpu.dma_semaphore, #tpu.memory_space<semaphore_mem>>) src(%arg12 : memref<64x128xf32, #tpu.memory_space<vmem>>) dst(%dma_wait3A_619 : memref<10240x128xf32, #tpu.memory_space<vmem_shared>>)
      %add3A_620 = arith.constant 4 : i32
      %add3A_621 = arith.addi %mul3A_518, %add3A_620 : i32
      %add3A_622 = arith.constant 2 : i32
      %add3A_623 = arith.addi %add3A_621, %add3A_622 : i32
      %dma_start3A_624 = arith.constant 0 : i32
      %dma_start3A_625 = tpu.memref_slice %arg7[%add3A_623, %dma_start3A_624] : memref<40x64xi32, #tpu.memory_space<vmem>> -> memref<1x64xi32, #tpu.memory_space<vmem>>
      %dma_start3A_626 = tpu.memref_squeeze %dma_start3A_625 : memref<1x64xi32, #tpu.memory_space<vmem>> -> memref<64xi32, #tpu.memory_space<vmem>>
      %dma_start3A_627 = arith.constant 0 : i32
      %dma_start3A_628 = arith.constant 0 : i32
      %dma_start3A_629 = tpu.memref_slice %arg2[%dma_start3A_627, %dma_start3A_628] : memref<10240x128xf32, #tpu.memory_space<hbm>> -> memref<10240x128xf32, #tpu.memory_space<hbm>>
      tpu.enqueue_indirect_dma source(%dma_start3A_629 : memref<10240x128xf32, #tpu.memory_space<hbm>>) target(%arg12 : memref<64x128xf32, #tpu.memory_space<vmem>>) offsets(%dma_start3A_626 : memref<64xi32, #tpu.memory_space<vmem>>) semaphore(%arg16 : memref<!tpu.dma_semaphore, #tpu.memory_space<semaphore_mem>>)
      %dma_wait3A_630 = arith.constant 0 : i32
      %dma_wait3A_631 = arith.constant 0 : i32
      %dma_wait3A_632 = tpu.memref_slice %arg8[%dma_wait3A_630, %dma_wait3A_631] : memref<40x64xi32, #tpu.memory_space<vmem>> -> memref<1x64xi32, #tpu.memory_space<vmem>>
      %dma_wait3A_633 = tpu.memref_squeeze %dma_wait3A_632 : memref<1x64xi32, #tpu.memory_space<vmem>> -> memref<64xi32, #tpu.memory_space<vmem>>
      %dma_wait3A_634 = arith.constant 0 : i32
      %dma_wait3A_635 = arith.constant 0 : i32
      %dma_wait3A_636 = tpu.memref_slice %arg9[%dma_wait3A_634, %dma_wait3A_635] : memref<10240x128xf32, #tpu.memory_space<vmem_shared>> -> memref<10240x128xf32, #tpu.memory_space<vmem_shared>>
      tpu.wait_indirect_dma semaphore(%arg21 : memref<!tpu.dma_semaphore, #tpu.memory_space<semaphore_mem>>) src(%arg13 : memref<64x128xf32, #tpu.memory_space<vmem>>) dst(%dma_wait3A_636 : memref<10240x128xf32, #tpu.memory_space<vmem_shared>>)
      %add3A_637 = arith.constant 4 : i32
      %add3A_638 = arith.addi %mul3A_518, %add3A_637 : i32
      %add3A_639 = arith.constant 3 : i32
      %add3A_640 = arith.addi %add3A_638, %add3A_639 : i32
      %dma_start3A_641 = arith.constant 0 : i32
      %dma_start3A_642 = tpu.memref_slice %arg7[%add3A_640, %dma_start3A_641] : memref<40x64xi32, #tpu.memory_space<vmem>> -> memref<1x64xi32, #tpu.memory_space<vmem>>
      %dma_start3A_643 = tpu.memref_squeeze %dma_start3A_642 : memref<1x64xi32, #tpu.memory_space<vmem>> -> memref<64xi32, #tpu.memory_space<vmem>>
      %dma_start3A_644 = arith.constant 0 : i32
      %dma_start3A_645 = arith.constant 0 : i32
      %dma_start3A_646 = tpu.memref_slice %arg2[%dma_start3A_644, %dma_start3A_645] : memref<10240x128xf32, #tpu.memory_space<hbm>> -> memref<10240x128xf32, #tpu.memory_space<hbm>>
      tpu.enqueue_indirect_dma source(%dma_start3A_646 : memref<10240x128xf32, #tpu.memory_space<hbm>>) target(%arg13 : memref<64x128xf32, #tpu.memory_space<vmem>>) offsets(%dma_start3A_643 : memref<64xi32, #tpu.memory_space<vmem>>) semaphore(%arg17 : memref<!tpu.dma_semaphore, #tpu.memory_space<semaphore_mem>>)
      %scan3A_647 = arith.constant 0 : i32
      scf.yield %scan3A_647 : i32
    }
    %scan3A_171 = arith.constant 9 : i32
    %dma_wait3A_172 = arith.constant 0 : i32
    %dma_wait3A_173 = arith.constant 0 : i32
    %dma_wait3A_174 = tpu.memref_slice %arg7[%dma_wait3A_172, %dma_wait3A_173] : memref<40x64xi32, #tpu.memory_space<vmem>> -> memref<1x64xi32, #tpu.memory_space<vmem>>
    %dma_wait3A_175 = tpu.memref_squeeze %dma_wait3A_174 : memref<1x64xi32, #tpu.memory_space<vmem>> -> memref<64xi32, #tpu.memory_space<vmem>>
    %dma_wait3A_176 = arith.constant 0 : i32
    %dma_wait3A_177 = arith.constant 0 : i32
    %dma_wait3A_178 = tpu.memref_slice %arg2[%dma_wait3A_176, %dma_wait3A_177] : memref<10240x128xf32, #tpu.memory_space<hbm>> -> memref<10240x128xf32, #tpu.memory_space<hbm>>
    tpu.wait_indirect_dma semaphore(%arg14 : memref<!tpu.dma_semaphore, #tpu.memory_space<semaphore_mem>>) src(%dma_wait3A_178 : memref<10240x128xf32, #tpu.memory_space<hbm>>) dst(%arg10 : memref<64x128xf32, #tpu.memory_space<vmem>>)
    %dma_start3A_179 = arith.constant 36 : i32
    %dma_start3A_180 = arith.constant 0 : i32
    %dma_start3A_181 = tpu.memref_slice %arg8[%dma_start3A_179, %dma_start3A_180] : memref<40x64xi32, #tpu.memory_space<vmem>> -> memref<1x64xi32, #tpu.memory_space<vmem>>
    %dma_start3A_182 = tpu.memref_squeeze %dma_start3A_181 : memref<1x64xi32, #tpu.memory_space<vmem>> -> memref<64xi32, #tpu.memory_space<vmem>>
    %dma_start3A_183 = arith.constant 0 : i32
    %dma_start3A_184 = arith.constant 0 : i32
    %dma_start3A_185 = tpu.memref_slice %arg9[%dma_start3A_183, %dma_start3A_184] : memref<10240x128xf32, #tpu.memory_space<vmem_shared>> -> memref<10240x128xf32, #tpu.memory_space<vmem_shared>>
    tpu.enqueue_indirect_dma source(%arg10 : memref<64x128xf32, #tpu.memory_space<vmem>>) target(%dma_start3A_185 : memref<10240x128xf32, #tpu.memory_space<vmem_shared>>) offsets(%dma_start3A_182 : memref<64xi32, #tpu.memory_space<vmem>>) semaphore(%arg18 : memref<!tpu.dma_semaphore, #tpu.memory_space<semaphore_mem>>) {add = true}
    %dma_wait3A_186 = arith.constant 0 : i32
    %dma_wait3A_187 = arith.constant 0 : i32
    %dma_wait3A_188 = tpu.memref_slice %arg7[%dma_wait3A_186, %dma_wait3A_187] : memref<40x64xi32, #tpu.memory_space<vmem>> -> memref<1x64xi32, #tpu.memory_space<vmem>>
    %dma_wait3A_189 = tpu.memref_squeeze %dma_wait3A_188 : memref<1x64xi32, #tpu.memory_space<vmem>> -> memref<64xi32, #tpu.memory_space<vmem>>
    %dma_wait3A_190 = arith.constant 0 : i32
    %dma_wait3A_191 = arith.constant 0 : i32
    %dma_wait3A_192 = tpu.memref_slice %arg2[%dma_wait3A_190, %dma_wait3A_191] : memref<10240x128xf32, #tpu.memory_space<hbm>> -> memref<10240x128xf32, #tpu.memory_space<hbm>>
    tpu.wait_indirect_dma semaphore(%arg15 : memref<!tpu.dma_semaphore, #tpu.memory_space<semaphore_mem>>) src(%dma_wait3A_192 : memref<10240x128xf32, #tpu.memory_space<hbm>>) dst(%arg11 : memref<64x128xf32, #tpu.memory_space<vmem>>)
    %dma_start3A_193 = arith.constant 37 : i32
    %dma_start3A_194 = arith.constant 0 : i32
    %dma_start3A_195 = tpu.memref_slice %arg8[%dma_start3A_193, %dma_start3A_194] : memref<40x64xi32, #tpu.memory_space<vmem>> -> memref<1x64xi32, #tpu.memory_space<vmem>>
    %dma_start3A_196 = tpu.memref_squeeze %dma_start3A_195 : memref<1x64xi32, #tpu.memory_space<vmem>> -> memref<64xi32, #tpu.memory_space<vmem>>
    %dma_start3A_197 = arith.constant 0 : i32
    %dma_start3A_198 = arith.constant 0 : i32
    %dma_start3A_199 = tpu.memref_slice %arg9[%dma_start3A_197, %dma_start3A_198] : memref<10240x128xf32, #tpu.memory_space<vmem_shared>> -> memref<10240x128xf32, #tpu.memory_space<vmem_shared>>
    tpu.enqueue_indirect_dma source(%arg11 : memref<64x128xf32, #tpu.memory_space<vmem>>) target(%dma_start3A_199 : memref<10240x128xf32, #tpu.memory_space<vmem_shared>>) offsets(%dma_start3A_196 : memref<64xi32, #tpu.memory_space<vmem>>) semaphore(%arg19 : memref<!tpu.dma_semaphore, #tpu.memory_space<semaphore_mem>>) {add = true}
    %dma_wait3A_200 = arith.constant 0 : i32
    %dma_wait3A_201 = arith.constant 0 : i32
    %dma_wait3A_202 = tpu.memref_slice %arg7[%dma_wait3A_200, %dma_wait3A_201] : memref<40x64xi32, #tpu.memory_space<vmem>> -> memref<1x64xi32, #tpu.memory_space<vmem>>
    %dma_wait3A_203 = tpu.memref_squeeze %dma_wait3A_202 : memref<1x64xi32, #tpu.memory_space<vmem>> -> memref<64xi32, #tpu.memory_space<vmem>>
    %dma_wait3A_204 = arith.constant 0 : i32
    %dma_wait3A_205 = arith.constant 0 : i32
    %dma_wait3A_206 = tpu.memref_slice %arg2[%dma_wait3A_204, %dma_wait3A_205] : memref<10240x128xf32, #tpu.memory_space<hbm>> -> memref<10240x128xf32, #tpu.memory_space<hbm>>
    tpu.wait_indirect_dma semaphore(%arg16 : memref<!tpu.dma_semaphore, #tpu.memory_space<semaphore_mem>>) src(%dma_wait3A_206 : memref<10240x128xf32, #tpu.memory_space<hbm>>) dst(%arg12 : memref<64x128xf32, #tpu.memory_space<vmem>>)
    %dma_start3A_207 = arith.constant 38 : i32
    %dma_start3A_208 = arith.constant 0 : i32
    %dma_start3A_209 = tpu.memref_slice %arg8[%dma_start3A_207, %dma_start3A_208] : memref<40x64xi32, #tpu.memory_space<vmem>> -> memref<1x64xi32, #tpu.memory_space<vmem>>
    %dma_start3A_210 = tpu.memref_squeeze %dma_start3A_209 : memref<1x64xi32, #tpu.memory_space<vmem>> -> memref<64xi32, #tpu.memory_space<vmem>>
    %dma_start3A_211 = arith.constant 0 : i32
    %dma_start3A_212 = arith.constant 0 : i32
    %dma_start3A_213 = tpu.memref_slice %arg9[%dma_start3A_211, %dma_start3A_212] : memref<10240x128xf32, #tpu.memory_space<vmem_shared>> -> memref<10240x128xf32, #tpu.memory_space<vmem_shared>>
    tpu.enqueue_indirect_dma source(%arg12 : memref<64x128xf32, #tpu.memory_space<vmem>>) target(%dma_start3A_213 : memref<10240x128xf32, #tpu.memory_space<vmem_shared>>) offsets(%dma_start3A_210 : memref<64xi32, #tpu.memory_space<vmem>>) semaphore(%arg20 : memref<!tpu.dma_semaphore, #tpu.memory_space<semaphore_mem>>) {add = true}
    %dma_wait3A_214 = arith.constant 0 : i32
    %dma_wait3A_215 = arith.constant 0 : i32
    %dma_wait3A_216 = tpu.memref_slice %arg7[%dma_wait3A_214, %dma_wait3A_215] : memref<40x64xi32, #tpu.memory_space<vmem>> -> memref<1x64xi32, #tpu.memory_space<vmem>>
    %dma_wait3A_217 = tpu.memref_squeeze %dma_wait3A_216 : memref<1x64xi32, #tpu.memory_space<vmem>> -> memref<64xi32, #tpu.memory_space<vmem>>
    %dma_wait3A_218 = arith.constant 0 : i32
    %dma_wait3A_219 = arith.constant 0 : i32
    %dma_wait3A_220 = tpu.memref_slice %arg2[%dma_wait3A_218, %dma_wait3A_219] : memref<10240x128xf32, #tpu.memory_space<hbm>> -> memref<10240x128xf32, #tpu.memory_space<hbm>>
    tpu.wait_indirect_dma semaphore(%arg17 : memref<!tpu.dma_semaphore, #tpu.memory_space<semaphore_mem>>) src(%dma_wait3A_220 : memref<10240x128xf32, #tpu.memory_space<hbm>>) dst(%arg13 : memref<64x128xf32, #tpu.memory_space<vmem>>)
    %dma_start3A_221 = arith.constant 39 : i32
    %dma_start3A_222 = arith.constant 0 : i32
    %dma_start3A_223 = tpu.memref_slice %arg8[%dma_start3A_221, %dma_start3A_222] : memref<40x64xi32, #tpu.memory_space<vmem>> -> memref<1x64xi32, #tpu.memory_space<vmem>>
    %dma_start3A_224 = tpu.memref_squeeze %dma_start3A_223 : memref<1x64xi32, #tpu.memory_space<vmem>> -> memref<64xi32, #tpu.memory_space<vmem>>
    %dma_start3A_225 = arith.constant 0 : i32
    %dma_start3A_226 = arith.constant 0 : i32
    %dma_start3A_227 = tpu.memref_slice %arg9[%dma_start3A_225, %dma_start3A_226] : memref<10240x128xf32, #tpu.memory_space<vmem_shared>> -> memref<10240x128xf32, #tpu.memory_space<vmem_shared>>
    tpu.enqueue_indirect_dma source(%arg13 : memref<64x128xf32, #tpu.memory_space<vmem>>) target(%dma_start3A_227 : memref<10240x128xf32, #tpu.memory_space<vmem_shared>>) offsets(%dma_start3A_224 : memref<64xi32, #tpu.memory_space<vmem>>) semaphore(%arg21 : memref<!tpu.dma_semaphore, #tpu.memory_space<semaphore_mem>>) {add = true}
    %dma_wait3A_228 = arith.constant 0 : i32
    %dma_wait3A_229 = arith.constant 0 : i32
    %dma_wait3A_230 = tpu.memref_slice %arg8[%dma_wait3A_228, %dma_wait3A_229] : memref<40x64xi32, #tpu.memory_space<vmem>> -> memref<1x64xi32, #tpu.memory_space<vmem>>
    %dma_wait3A_231 = tpu.memref_squeeze %dma_wait3A_230 : memref<1x64xi32, #tpu.memory_space<vmem>> -> memref<64xi32, #tpu.memory_space<vmem>>
    %dma_wait3A_232 = arith.constant 0 : i32
    %dma_wait3A_233 = arith.constant 0 : i32
    %dma_wait3A_234 = tpu.memref_slice %arg9[%dma_wait3A_232, %dma_wait3A_233] : memref<10240x128xf32, #tpu.memory_space<vmem_shared>> -> memref<10240x128xf32, #tpu.memory_space<vmem_shared>>
    tpu.wait_indirect_dma semaphore(%arg18 : memref<!tpu.dma_semaphore, #tpu.memory_space<semaphore_mem>>) src(%arg10 : memref<64x128xf32, #tpu.memory_space<vmem>>) dst(%dma_wait3A_234 : memref<10240x128xf32, #tpu.memory_space<vmem_shared>>)
    %dma_wait3A_235 = arith.constant 0 : i32
    %dma_wait3A_236 = arith.constant 0 : i32
    %dma_wait3A_237 = tpu.memref_slice %arg8[%dma_wait3A_235, %dma_wait3A_236] : memref<40x64xi32, #tpu.memory_space<vmem>> -> memref<1x64xi32, #tpu.memory_space<vmem>>
    %dma_wait3A_238 = tpu.memref_squeeze %dma_wait3A_237 : memref<1x64xi32, #tpu.memory_space<vmem>> -> memref<64xi32, #tpu.memory_space<vmem>>
    %dma_wait3A_239 = arith.constant 0 : i32
    %dma_wait3A_240 = arith.constant 0 : i32
    %dma_wait3A_241 = tpu.memref_slice %arg9[%dma_wait3A_239, %dma_wait3A_240] : memref<10240x128xf32, #tpu.memory_space<vmem_shared>> -> memref<10240x128xf32, #tpu.memory_space<vmem_shared>>
    tpu.wait_indirect_dma semaphore(%arg19 : memref<!tpu.dma_semaphore, #tpu.memory_space<semaphore_mem>>) src(%arg11 : memref<64x128xf32, #tpu.memory_space<vmem>>) dst(%dma_wait3A_241 : memref<10240x128xf32, #tpu.memory_space<vmem_shared>>)
    %dma_wait3A_242 = arith.constant 0 : i32
    %dma_wait3A_243 = arith.constant 0 : i32
    %dma_wait3A_244 = tpu.memref_slice %arg8[%dma_wait3A_242, %dma_wait3A_243] : memref<40x64xi32, #tpu.memory_space<vmem>> -> memref<1x64xi32, #tpu.memory_space<vmem>>
    %dma_wait3A_245 = tpu.memref_squeeze %dma_wait3A_244 : memref<1x64xi32, #tpu.memory_space<vmem>> -> memref<64xi32, #tpu.memory_space<vmem>>
    %dma_wait3A_246 = arith.constant 0 : i32
    %dma_wait3A_247 = arith.constant 0 : i32
    %dma_wait3A_248 = tpu.memref_slice %arg9[%dma_wait3A_246, %dma_wait3A_247] : memref<10240x128xf32, #tpu.memory_space<vmem_shared>> -> memref<10240x128xf32, #tpu.memory_space<vmem_shared>>
    tpu.wait_indirect_dma semaphore(%arg20 : memref<!tpu.dma_semaphore, #tpu.memory_space<semaphore_mem>>) src(%arg12 : memref<64x128xf32, #tpu.memory_space<vmem>>) dst(%dma_wait3A_248 : memref<10240x128xf32, #tpu.memory_space<vmem_shared>>)
    %dma_wait3A_249 = arith.constant 0 : i32
    %dma_wait3A_250 = arith.constant 0 : i32
    %dma_wait3A_251 = tpu.memref_slice %arg8[%dma_wait3A_249, %dma_wait3A_250] : memref<40x64xi32, #tpu.memory_space<vmem>> -> memref<1x64xi32, #tpu.memory_space<vmem>>
    %dma_wait3A_252 = tpu.memref_squeeze %dma_wait3A_251 : memref<1x64xi32, #tpu.memory_space<vmem>> -> memref<64xi32, #tpu.memory_space<vmem>>
    %dma_wait3A_253 = arith.constant 0 : i32
    %dma_wait3A_254 = arith.constant 0 : i32
    %dma_wait3A_255 = tpu.memref_slice %arg9[%dma_wait3A_253, %dma_wait3A_254] : memref<10240x128xf32, #tpu.memory_space<vmem_shared>> -> memref<10240x128xf32, #tpu.memory_space<vmem_shared>>
    tpu.wait_indirect_dma semaphore(%arg21 : memref<!tpu.dma_semaphore, #tpu.memory_space<semaphore_mem>>) src(%arg13 : memref<64x128xf32, #tpu.memory_space<vmem>>) dst(%dma_wait3A_255 : memref<10240x128xf32, #tpu.memory_space<vmem_shared>>)
    %mul3A_256 = arith.constant 160 : i32
    %mul3A_257 = arith.muli %add3A, %mul3A_256 : i32
    %add3A_258 = arith.constant 80 : i32
    %add3A_259 = arith.addi %mul3A_257, %add3A_258 : i32
    "tpu.region"() ({
      %run_scoped3A = tpu.sem_alloc : memref<!tpu.dma_semaphore, #tpu.memory_space<semaphore_mem>>
      %dma_start3A_515 = arith.constant 0 : i32
      %dma_start3A_516 = tpu.memref_slice %arg3[%add3A_259, %dma_start3A_515] : memref<5120x64xi32, #tpu.memory_space<hbm>> -> memref<40x64xi32, #tpu.memory_space<hbm>>
      %dma_start3A_517 = arith.constant 0 : i32
      %dma_start3A_518 = tpu.memref_slice %arg3[%add3A_259, %dma_start3A_517] : memref<5120x64xi32, #tpu.memory_space<hbm>> -> memref<40x64xi32, #tpu.memory_space<hbm>>
      tpu.enqueue_dma source(%dma_start3A_518 : memref<40x64xi32, #tpu.memory_space<hbm>>) target(%arg7 : memref<40x64xi32, #tpu.memory_space<vmem>>) target_semaphore(%run_scoped3A : memref<!tpu.dma_semaphore, #tpu.memory_space<semaphore_mem>>)
      %dma_wait3A_519 = arith.constant 0 : i32
      %dma_wait3A_520 = tpu.memref_slice %arg3[%add3A_259, %dma_wait3A_519] : memref<5120x64xi32, #tpu.memory_space<hbm>> -> memref<40x64xi32, #tpu.memory_space<hbm>>
      %dma_wait3A_521 = arith.constant 0 : i32
      %dma_wait3A_522 = tpu.memref_slice %arg3[%add3A_259, %dma_wait3A_521] : memref<5120x64xi32, #tpu.memory_space<hbm>> -> memref<40x64xi32, #tpu.memory_space<hbm>>
      tpu.wait_dma2 semaphore(%run_scoped3A : memref<!tpu.dma_semaphore, #tpu.memory_space<semaphore_mem>>) src(%dma_wait3A_522 : memref<40x64xi32, #tpu.memory_space<hbm>>) dst(%arg7 : memref<40x64xi32, #tpu.memory_space<vmem>>)
      tpu.yield
    }) : () -> ()
    %mul3A_260 = arith.constant 160 : i32
    %mul3A_261 = arith.muli %add3A, %mul3A_260 : i32
    %add3A_262 = arith.constant 80 : i32
    %add3A_263 = arith.addi %mul3A_261, %add3A_262 : i32
    "tpu.region"() ({
      %run_scoped3A = tpu.sem_alloc : memref<!tpu.dma_semaphore, #tpu.memory_space<semaphore_mem>>
      %dma_start3A_515 = arith.constant 0 : i32
      %dma_start3A_516 = tpu.memref_slice %arg4[%add3A_263, %dma_start3A_515] : memref<5120x64xi32, #tpu.memory_space<hbm>> -> memref<40x64xi32, #tpu.memory_space<hbm>>
      %dma_start3A_517 = arith.constant 0 : i32
      %dma_start3A_518 = tpu.memref_slice %arg4[%add3A_263, %dma_start3A_517] : memref<5120x64xi32, #tpu.memory_space<hbm>> -> memref<40x64xi32, #tpu.memory_space<hbm>>
      tpu.enqueue_dma source(%dma_start3A_518 : memref<40x64xi32, #tpu.memory_space<hbm>>) target(%arg8 : memref<40x64xi32, #tpu.memory_space<vmem>>) target_semaphore(%run_scoped3A : memref<!tpu.dma_semaphore, #tpu.memory_space<semaphore_mem>>)
      %dma_wait3A_519 = arith.constant 0 : i32
      %dma_wait3A_520 = tpu.memref_slice %arg4[%add3A_263, %dma_wait3A_519] : memref<5120x64xi32, #tpu.memory_space<hbm>> -> memref<40x64xi32, #tpu.memory_space<hbm>>
      %dma_wait3A_521 = arith.constant 0 : i32
      %dma_wait3A_522 = tpu.memref_slice %arg4[%add3A_263, %dma_wait3A_521] : memref<5120x64xi32, #tpu.memory_space<hbm>> -> memref<40x64xi32, #tpu.memory_space<hbm>>
      tpu.wait_dma2 semaphore(%run_scoped3A : memref<!tpu.dma_semaphore, #tpu.memory_space<semaphore_mem>>) src(%dma_wait3A_522 : memref<40x64xi32, #tpu.memory_space<hbm>>) dst(%arg8 : memref<40x64xi32, #tpu.memory_space<vmem>>)
      tpu.yield
    }) : () -> ()
    %dma_start3A_264 = arith.constant 0 : i32
    %dma_start3A_265 = arith.constant 0 : i32
    %dma_start3A_266 = tpu.memref_slice %arg7[%dma_start3A_264, %dma_start3A_265] : memref<40x64xi32, #tpu.memory_space<vmem>> -> memref<1x64xi32, #tpu.memory_space<vmem>>
    %dma_start3A_267 = tpu.memref_squeeze %dma_start3A_266 : memref<1x64xi32, #tpu.memory_space<vmem>> -> memref<64xi32, #tpu.memory_space<vmem>>
    %dma_start3A_268 = arith.constant 0 : i32
    %dma_start3A_269 = arith.constant 0 : i32
    %dma_start3A_270 = tpu.memref_slice %arg2[%dma_start3A_268, %dma_start3A_269] : memref<10240x128xf32, #tpu.memory_space<hbm>> -> memref<10240x128xf32, #tpu.memory_space<hbm>>
    tpu.enqueue_indirect_dma source(%dma_start3A_270 : memref<10240x128xf32, #tpu.memory_space<hbm>>) target(%arg10 : memref<64x128xf32, #tpu.memory_space<vmem>>) offsets(%dma_start3A_267 : memref<64xi32, #tpu.memory_space<vmem>>) semaphore(%arg14 : memref<!tpu.dma_semaphore, #tpu.memory_space<semaphore_mem>>)
    %dma_start3A_271 = arith.constant 1 : i32
    %dma_start3A_272 = arith.constant 0 : i32
    %dma_start3A_273 = tpu.memref_slice %arg7[%dma_start3A_271, %dma_start3A_272] : memref<40x64xi32, #tpu.memory_space<vmem>> -> memref<1x64xi32, #tpu.memory_space<vmem>>
    %dma_start3A_274 = tpu.memref_squeeze %dma_start3A_273 : memref<1x64xi32, #tpu.memory_space<vmem>> -> memref<64xi32, #tpu.memory_space<vmem>>
    %dma_start3A_275 = arith.constant 0 : i32
    %dma_start3A_276 = arith.constant 0 : i32
    %dma_start3A_277 = tpu.memref_slice %arg2[%dma_start3A_275, %dma_start3A_276] : memref<10240x128xf32, #tpu.memory_space<hbm>> -> memref<10240x128xf32, #tpu.memory_space<hbm>>
    tpu.enqueue_indirect_dma source(%dma_start3A_277 : memref<10240x128xf32, #tpu.memory_space<hbm>>) target(%arg11 : memref<64x128xf32, #tpu.memory_space<vmem>>) offsets(%dma_start3A_274 : memref<64xi32, #tpu.memory_space<vmem>>) semaphore(%arg15 : memref<!tpu.dma_semaphore, #tpu.memory_space<semaphore_mem>>)
    %dma_start3A_278 = arith.constant 2 : i32
    %dma_start3A_279 = arith.constant 0 : i32
    %dma_start3A_280 = tpu.memref_slice %arg7[%dma_start3A_278, %dma_start3A_279] : memref<40x64xi32, #tpu.memory_space<vmem>> -> memref<1x64xi32, #tpu.memory_space<vmem>>
    %dma_start3A_281 = tpu.memref_squeeze %dma_start3A_280 : memref<1x64xi32, #tpu.memory_space<vmem>> -> memref<64xi32, #tpu.memory_space<vmem>>
    %dma_start3A_282 = arith.constant 0 : i32
    %dma_start3A_283 = arith.constant 0 : i32
    %dma_start3A_284 = tpu.memref_slice %arg2[%dma_start3A_282, %dma_start3A_283] : memref<10240x128xf32, #tpu.memory_space<hbm>> -> memref<10240x128xf32, #tpu.memory_space<hbm>>
    tpu.enqueue_indirect_dma source(%dma_start3A_284 : memref<10240x128xf32, #tpu.memory_space<hbm>>) target(%arg12 : memref<64x128xf32, #tpu.memory_space<vmem>>) offsets(%dma_start3A_281 : memref<64xi32, #tpu.memory_space<vmem>>) semaphore(%arg16 : memref<!tpu.dma_semaphore, #tpu.memory_space<semaphore_mem>>)
    %dma_start3A_285 = arith.constant 3 : i32
    %dma_start3A_286 = arith.constant 0 : i32
    %dma_start3A_287 = tpu.memref_slice %arg7[%dma_start3A_285, %dma_start3A_286] : memref<40x64xi32, #tpu.memory_space<vmem>> -> memref<1x64xi32, #tpu.memory_space<vmem>>
    %dma_start3A_288 = tpu.memref_squeeze %dma_start3A_287 : memref<1x64xi32, #tpu.memory_space<vmem>> -> memref<64xi32, #tpu.memory_space<vmem>>
    %dma_start3A_289 = arith.constant 0 : i32
    %dma_start3A_290 = arith.constant 0 : i32
    %dma_start3A_291 = tpu.memref_slice %arg2[%dma_start3A_289, %dma_start3A_290] : memref<10240x128xf32, #tpu.memory_space<hbm>> -> memref<10240x128xf32, #tpu.memory_space<hbm>>
    tpu.enqueue_indirect_dma source(%dma_start3A_291 : memref<10240x128xf32, #tpu.memory_space<hbm>>) target(%arg13 : memref<64x128xf32, #tpu.memory_space<vmem>>) offsets(%dma_start3A_288 : memref<64xi32, #tpu.memory_space<vmem>>) semaphore(%arg17 : memref<!tpu.dma_semaphore, #tpu.memory_space<semaphore_mem>>)
    %scan3A_292 = arith.constant 0 : i32
    %scan3A_293 = arith.constant 0 : i32
    %scan3A_294 = arith.constant 9 : i32
    %scan3A_295 = arith.addi %scan3A_293, %scan3A_294 : i32
    %scan3A_296 = arith.constant 1 : i32
    %scan3A_297 = scf.for %scan3A_515 = %scan3A_293 to %scan3A_295 step %scan3A_296 iter_args(%scan3A_516 = %scan3A_292) -> (i32)  : i32 {
      %mul3A_517 = arith.constant 4 : i32
      %mul3A_518 = arith.muli %scan3A_515, %mul3A_517 : i32
      %dma_wait3A_519 = arith.constant 0 : i32
      %dma_wait3A_520 = arith.constant 0 : i32
      %dma_wait3A_521 = tpu.memref_slice %arg7[%dma_wait3A_519, %dma_wait3A_520] : memref<40x64xi32, #tpu.memory_space<vmem>> -> memref<1x64xi32, #tpu.memory_space<vmem>>
      %dma_wait3A_522 = tpu.memref_squeeze %dma_wait3A_521 : memref<1x64xi32, #tpu.memory_space<vmem>> -> memref<64xi32, #tpu.memory_space<vmem>>
      %dma_wait3A_523 = arith.constant 0 : i32
      %dma_wait3A_524 = arith.constant 0 : i32
      %dma_wait3A_525 = tpu.memref_slice %arg2[%dma_wait3A_523, %dma_wait3A_524] : memref<10240x128xf32, #tpu.memory_space<hbm>> -> memref<10240x128xf32, #tpu.memory_space<hbm>>
      tpu.wait_indirect_dma semaphore(%arg14 : memref<!tpu.dma_semaphore, #tpu.memory_space<semaphore_mem>>) src(%dma_wait3A_525 : memref<10240x128xf32, #tpu.memory_space<hbm>>) dst(%arg10 : memref<64x128xf32, #tpu.memory_space<vmem>>)
      %add3A_526 = arith.constant 0 : i32
      %add3A_527 = arith.addi %mul3A_518, %add3A_526 : i32
      %dma_start3A_528 = arith.constant 0 : i32
      %dma_start3A_529 = tpu.memref_slice %arg8[%add3A_527, %dma_start3A_528] : memref<40x64xi32, #tpu.memory_space<vmem>> -> memref<1x64xi32, #tpu.memory_space<vmem>>
      %dma_start3A_530 = tpu.memref_squeeze %dma_start3A_529 : memref<1x64xi32, #tpu.memory_space<vmem>> -> memref<64xi32, #tpu.memory_space<vmem>>
      %dma_start3A_531 = arith.constant 0 : i32
      %dma_start3A_532 = arith.constant 0 : i32
      %dma_start3A_533 = tpu.memref_slice %arg9[%dma_start3A_531, %dma_start3A_532] : memref<10240x128xf32, #tpu.memory_space<vmem_shared>> -> memref<10240x128xf32, #tpu.memory_space<vmem_shared>>
      tpu.enqueue_indirect_dma source(%arg10 : memref<64x128xf32, #tpu.memory_space<vmem>>) target(%dma_start3A_533 : memref<10240x128xf32, #tpu.memory_space<vmem_shared>>) offsets(%dma_start3A_530 : memref<64xi32, #tpu.memory_space<vmem>>) semaphore(%arg18 : memref<!tpu.dma_semaphore, #tpu.memory_space<semaphore_mem>>) {add = true}
      %dma_wait3A_534 = arith.constant 0 : i32
      %dma_wait3A_535 = arith.constant 0 : i32
      %dma_wait3A_536 = tpu.memref_slice %arg7[%dma_wait3A_534, %dma_wait3A_535] : memref<40x64xi32, #tpu.memory_space<vmem>> -> memref<1x64xi32, #tpu.memory_space<vmem>>
      %dma_wait3A_537 = tpu.memref_squeeze %dma_wait3A_536 : memref<1x64xi32, #tpu.memory_space<vmem>> -> memref<64xi32, #tpu.memory_space<vmem>>
      %dma_wait3A_538 = arith.constant 0 : i32
      %dma_wait3A_539 = arith.constant 0 : i32
      %dma_wait3A_540 = tpu.memref_slice %arg2[%dma_wait3A_538, %dma_wait3A_539] : memref<10240x128xf32, #tpu.memory_space<hbm>> -> memref<10240x128xf32, #tpu.memory_space<hbm>>
      tpu.wait_indirect_dma semaphore(%arg15 : memref<!tpu.dma_semaphore, #tpu.memory_space<semaphore_mem>>) src(%dma_wait3A_540 : memref<10240x128xf32, #tpu.memory_space<hbm>>) dst(%arg11 : memref<64x128xf32, #tpu.memory_space<vmem>>)
      %add3A_541 = arith.constant 1 : i32
      %add3A_542 = arith.addi %mul3A_518, %add3A_541 : i32
      %dma_start3A_543 = arith.constant 0 : i32
      %dma_start3A_544 = tpu.memref_slice %arg8[%add3A_542, %dma_start3A_543] : memref<40x64xi32, #tpu.memory_space<vmem>> -> memref<1x64xi32, #tpu.memory_space<vmem>>
      %dma_start3A_545 = tpu.memref_squeeze %dma_start3A_544 : memref<1x64xi32, #tpu.memory_space<vmem>> -> memref<64xi32, #tpu.memory_space<vmem>>
      %dma_start3A_546 = arith.constant 0 : i32
      %dma_start3A_547 = arith.constant 0 : i32
      %dma_start3A_548 = tpu.memref_slice %arg9[%dma_start3A_546, %dma_start3A_547] : memref<10240x128xf32, #tpu.memory_space<vmem_shared>> -> memref<10240x128xf32, #tpu.memory_space<vmem_shared>>
      tpu.enqueue_indirect_dma source(%arg11 : memref<64x128xf32, #tpu.memory_space<vmem>>) target(%dma_start3A_548 : memref<10240x128xf32, #tpu.memory_space<vmem_shared>>) offsets(%dma_start3A_545 : memref<64xi32, #tpu.memory_space<vmem>>) semaphore(%arg19 : memref<!tpu.dma_semaphore, #tpu.memory_space<semaphore_mem>>) {add = true}
      %dma_wait3A_549 = arith.constant 0 : i32
      %dma_wait3A_550 = arith.constant 0 : i32
      %dma_wait3A_551 = tpu.memref_slice %arg7[%dma_wait3A_549, %dma_wait3A_550] : memref<40x64xi32, #tpu.memory_space<vmem>> -> memref<1x64xi32, #tpu.memory_space<vmem>>
      %dma_wait3A_552 = tpu.memref_squeeze %dma_wait3A_551 : memref<1x64xi32, #tpu.memory_space<vmem>> -> memref<64xi32, #tpu.memory_space<vmem>>
      %dma_wait3A_553 = arith.constant 0 : i32
      %dma_wait3A_554 = arith.constant 0 : i32
      %dma_wait3A_555 = tpu.memref_slice %arg2[%dma_wait3A_553, %dma_wait3A_554] : memref<10240x128xf32, #tpu.memory_space<hbm>> -> memref<10240x128xf32, #tpu.memory_space<hbm>>
      tpu.wait_indirect_dma semaphore(%arg16 : memref<!tpu.dma_semaphore, #tpu.memory_space<semaphore_mem>>) src(%dma_wait3A_555 : memref<10240x128xf32, #tpu.memory_space<hbm>>) dst(%arg12 : memref<64x128xf32, #tpu.memory_space<vmem>>)
      %add3A_556 = arith.constant 2 : i32
      %add3A_557 = arith.addi %mul3A_518, %add3A_556 : i32
      %dma_start3A_558 = arith.constant 0 : i32
      %dma_start3A_559 = tpu.memref_slice %arg8[%add3A_557, %dma_start3A_558] : memref<40x64xi32, #tpu.memory_space<vmem>> -> memref<1x64xi32, #tpu.memory_space<vmem>>
      %dma_start3A_560 = tpu.memref_squeeze %dma_start3A_559 : memref<1x64xi32, #tpu.memory_space<vmem>> -> memref<64xi32, #tpu.memory_space<vmem>>
      %dma_start3A_561 = arith.constant 0 : i32
      %dma_start3A_562 = arith.constant 0 : i32
      %dma_start3A_563 = tpu.memref_slice %arg9[%dma_start3A_561, %dma_start3A_562] : memref<10240x128xf32, #tpu.memory_space<vmem_shared>> -> memref<10240x128xf32, #tpu.memory_space<vmem_shared>>
      tpu.enqueue_indirect_dma source(%arg12 : memref<64x128xf32, #tpu.memory_space<vmem>>) target(%dma_start3A_563 : memref<10240x128xf32, #tpu.memory_space<vmem_shared>>) offsets(%dma_start3A_560 : memref<64xi32, #tpu.memory_space<vmem>>) semaphore(%arg20 : memref<!tpu.dma_semaphore, #tpu.memory_space<semaphore_mem>>) {add = true}
      %dma_wait3A_564 = arith.constant 0 : i32
      %dma_wait3A_565 = arith.constant 0 : i32
      %dma_wait3A_566 = tpu.memref_slice %arg7[%dma_wait3A_564, %dma_wait3A_565] : memref<40x64xi32, #tpu.memory_space<vmem>> -> memref<1x64xi32, #tpu.memory_space<vmem>>
      %dma_wait3A_567 = tpu.memref_squeeze %dma_wait3A_566 : memref<1x64xi32, #tpu.memory_space<vmem>> -> memref<64xi32, #tpu.memory_space<vmem>>
      %dma_wait3A_568 = arith.constant 0 : i32
      %dma_wait3A_569 = arith.constant 0 : i32
      %dma_wait3A_570 = tpu.memref_slice %arg2[%dma_wait3A_568, %dma_wait3A_569] : memref<10240x128xf32, #tpu.memory_space<hbm>> -> memref<10240x128xf32, #tpu.memory_space<hbm>>
      tpu.wait_indirect_dma semaphore(%arg17 : memref<!tpu.dma_semaphore, #tpu.memory_space<semaphore_mem>>) src(%dma_wait3A_570 : memref<10240x128xf32, #tpu.memory_space<hbm>>) dst(%arg13 : memref<64x128xf32, #tpu.memory_space<vmem>>)
      %add3A_571 = arith.constant 3 : i32
      %add3A_572 = arith.addi %mul3A_518, %add3A_571 : i32
      %dma_start3A_573 = arith.constant 0 : i32
      %dma_start3A_574 = tpu.memref_slice %arg8[%add3A_572, %dma_start3A_573] : memref<40x64xi32, #tpu.memory_space<vmem>> -> memref<1x64xi32, #tpu.memory_space<vmem>>
      %dma_start3A_575 = tpu.memref_squeeze %dma_start3A_574 : memref<1x64xi32, #tpu.memory_space<vmem>> -> memref<64xi32, #tpu.memory_space<vmem>>
      %dma_start3A_576 = arith.constant 0 : i32
      %dma_start3A_577 = arith.constant 0 : i32
      %dma_start3A_578 = tpu.memref_slice %arg9[%dma_start3A_576, %dma_start3A_577] : memref<10240x128xf32, #tpu.memory_space<vmem_shared>> -> memref<10240x128xf32, #tpu.memory_space<vmem_shared>>
      tpu.enqueue_indirect_dma source(%arg13 : memref<64x128xf32, #tpu.memory_space<vmem>>) target(%dma_start3A_578 : memref<10240x128xf32, #tpu.memory_space<vmem_shared>>) offsets(%dma_start3A_575 : memref<64xi32, #tpu.memory_space<vmem>>) semaphore(%arg21 : memref<!tpu.dma_semaphore, #tpu.memory_space<semaphore_mem>>) {add = true}
      %dma_wait3A_579 = arith.constant 0 : i32
      %dma_wait3A_580 = arith.constant 0 : i32
      %dma_wait3A_581 = tpu.memref_slice %arg8[%dma_wait3A_579, %dma_wait3A_580] : memref<40x64xi32, #tpu.memory_space<vmem>> -> memref<1x64xi32, #tpu.memory_space<vmem>>
      %dma_wait3A_582 = tpu.memref_squeeze %dma_wait3A_581 : memref<1x64xi32, #tpu.memory_space<vmem>> -> memref<64xi32, #tpu.memory_space<vmem>>
      %dma_wait3A_583 = arith.constant 0 : i32
      %dma_wait3A_584 = arith.constant 0 : i32
      %dma_wait3A_585 = tpu.memref_slice %arg9[%dma_wait3A_583, %dma_wait3A_584] : memref<10240x128xf32, #tpu.memory_space<vmem_shared>> -> memref<10240x128xf32, #tpu.memory_space<vmem_shared>>
      tpu.wait_indirect_dma semaphore(%arg18 : memref<!tpu.dma_semaphore, #tpu.memory_space<semaphore_mem>>) src(%arg10 : memref<64x128xf32, #tpu.memory_space<vmem>>) dst(%dma_wait3A_585 : memref<10240x128xf32, #tpu.memory_space<vmem_shared>>)
      %add3A_586 = arith.constant 4 : i32
      %add3A_587 = arith.addi %mul3A_518, %add3A_586 : i32
      %add3A_588 = arith.constant 0 : i32
      %add3A_589 = arith.addi %add3A_587, %add3A_588 : i32
      %dma_start3A_590 = arith.constant 0 : i32
      %dma_start3A_591 = tpu.memref_slice %arg7[%add3A_589, %dma_start3A_590] : memref<40x64xi32, #tpu.memory_space<vmem>> -> memref<1x64xi32, #tpu.memory_space<vmem>>
      %dma_start3A_592 = tpu.memref_squeeze %dma_start3A_591 : memref<1x64xi32, #tpu.memory_space<vmem>> -> memref<64xi32, #tpu.memory_space<vmem>>
      %dma_start3A_593 = arith.constant 0 : i32
      %dma_start3A_594 = arith.constant 0 : i32
      %dma_start3A_595 = tpu.memref_slice %arg2[%dma_start3A_593, %dma_start3A_594] : memref<10240x128xf32, #tpu.memory_space<hbm>> -> memref<10240x128xf32, #tpu.memory_space<hbm>>
      tpu.enqueue_indirect_dma source(%dma_start3A_595 : memref<10240x128xf32, #tpu.memory_space<hbm>>) target(%arg10 : memref<64x128xf32, #tpu.memory_space<vmem>>) offsets(%dma_start3A_592 : memref<64xi32, #tpu.memory_space<vmem>>) semaphore(%arg14 : memref<!tpu.dma_semaphore, #tpu.memory_space<semaphore_mem>>)
      %dma_wait3A_596 = arith.constant 0 : i32
      %dma_wait3A_597 = arith.constant 0 : i32
      %dma_wait3A_598 = tpu.memref_slice %arg8[%dma_wait3A_596, %dma_wait3A_597] : memref<40x64xi32, #tpu.memory_space<vmem>> -> memref<1x64xi32, #tpu.memory_space<vmem>>
      %dma_wait3A_599 = tpu.memref_squeeze %dma_wait3A_598 : memref<1x64xi32, #tpu.memory_space<vmem>> -> memref<64xi32, #tpu.memory_space<vmem>>
      %dma_wait3A_600 = arith.constant 0 : i32
      %dma_wait3A_601 = arith.constant 0 : i32
      %dma_wait3A_602 = tpu.memref_slice %arg9[%dma_wait3A_600, %dma_wait3A_601] : memref<10240x128xf32, #tpu.memory_space<vmem_shared>> -> memref<10240x128xf32, #tpu.memory_space<vmem_shared>>
      tpu.wait_indirect_dma semaphore(%arg19 : memref<!tpu.dma_semaphore, #tpu.memory_space<semaphore_mem>>) src(%arg11 : memref<64x128xf32, #tpu.memory_space<vmem>>) dst(%dma_wait3A_602 : memref<10240x128xf32, #tpu.memory_space<vmem_shared>>)
      %add3A_603 = arith.constant 4 : i32
      %add3A_604 = arith.addi %mul3A_518, %add3A_603 : i32
      %add3A_605 = arith.constant 1 : i32
      %add3A_606 = arith.addi %add3A_604, %add3A_605 : i32
      %dma_start3A_607 = arith.constant 0 : i32
      %dma_start3A_608 = tpu.memref_slice %arg7[%add3A_606, %dma_start3A_607] : memref<40x64xi32, #tpu.memory_space<vmem>> -> memref<1x64xi32, #tpu.memory_space<vmem>>
      %dma_start3A_609 = tpu.memref_squeeze %dma_start3A_608 : memref<1x64xi32, #tpu.memory_space<vmem>> -> memref<64xi32, #tpu.memory_space<vmem>>
      %dma_start3A_610 = arith.constant 0 : i32
      %dma_start3A_611 = arith.constant 0 : i32
      %dma_start3A_612 = tpu.memref_slice %arg2[%dma_start3A_610, %dma_start3A_611] : memref<10240x128xf32, #tpu.memory_space<hbm>> -> memref<10240x128xf32, #tpu.memory_space<hbm>>
      tpu.enqueue_indirect_dma source(%dma_start3A_612 : memref<10240x128xf32, #tpu.memory_space<hbm>>) target(%arg11 : memref<64x128xf32, #tpu.memory_space<vmem>>) offsets(%dma_start3A_609 : memref<64xi32, #tpu.memory_space<vmem>>) semaphore(%arg15 : memref<!tpu.dma_semaphore, #tpu.memory_space<semaphore_mem>>)
      %dma_wait3A_613 = arith.constant 0 : i32
      %dma_wait3A_614 = arith.constant 0 : i32
      %dma_wait3A_615 = tpu.memref_slice %arg8[%dma_wait3A_613, %dma_wait3A_614] : memref<40x64xi32, #tpu.memory_space<vmem>> -> memref<1x64xi32, #tpu.memory_space<vmem>>
      %dma_wait3A_616 = tpu.memref_squeeze %dma_wait3A_615 : memref<1x64xi32, #tpu.memory_space<vmem>> -> memref<64xi32, #tpu.memory_space<vmem>>
      %dma_wait3A_617 = arith.constant 0 : i32
      %dma_wait3A_618 = arith.constant 0 : i32
      %dma_wait3A_619 = tpu.memref_slice %arg9[%dma_wait3A_617, %dma_wait3A_618] : memref<10240x128xf32, #tpu.memory_space<vmem_shared>> -> memref<10240x128xf32, #tpu.memory_space<vmem_shared>>
      tpu.wait_indirect_dma semaphore(%arg20 : memref<!tpu.dma_semaphore, #tpu.memory_space<semaphore_mem>>) src(%arg12 : memref<64x128xf32, #tpu.memory_space<vmem>>) dst(%dma_wait3A_619 : memref<10240x128xf32, #tpu.memory_space<vmem_shared>>)
      %add3A_620 = arith.constant 4 : i32
      %add3A_621 = arith.addi %mul3A_518, %add3A_620 : i32
      %add3A_622 = arith.constant 2 : i32
      %add3A_623 = arith.addi %add3A_621, %add3A_622 : i32
      %dma_start3A_624 = arith.constant 0 : i32
      %dma_start3A_625 = tpu.memref_slice %arg7[%add3A_623, %dma_start3A_624] : memref<40x64xi32, #tpu.memory_space<vmem>> -> memref<1x64xi32, #tpu.memory_space<vmem>>
      %dma_start3A_626 = tpu.memref_squeeze %dma_start3A_625 : memref<1x64xi32, #tpu.memory_space<vmem>> -> memref<64xi32, #tpu.memory_space<vmem>>
      %dma_start3A_627 = arith.constant 0 : i32
      %dma_start3A_628 = arith.constant 0 : i32
      %dma_start3A_629 = tpu.memref_slice %arg2[%dma_start3A_627, %dma_start3A_628] : memref<10240x128xf32, #tpu.memory_space<hbm>> -> memref<10240x128xf32, #tpu.memory_space<hbm>>
      tpu.enqueue_indirect_dma source(%dma_start3A_629 : memref<10240x128xf32, #tpu.memory_space<hbm>>) target(%arg12 : memref<64x128xf32, #tpu.memory_space<vmem>>) offsets(%dma_start3A_626 : memref<64xi32, #tpu.memory_space<vmem>>) semaphore(%arg16 : memref<!tpu.dma_semaphore, #tpu.memory_space<semaphore_mem>>)
      %dma_wait3A_630 = arith.constant 0 : i32
      %dma_wait3A_631 = arith.constant 0 : i32
      %dma_wait3A_632 = tpu.memref_slice %arg8[%dma_wait3A_630, %dma_wait3A_631] : memref<40x64xi32, #tpu.memory_space<vmem>> -> memref<1x64xi32, #tpu.memory_space<vmem>>
      %dma_wait3A_633 = tpu.memref_squeeze %dma_wait3A_632 : memref<1x64xi32, #tpu.memory_space<vmem>> -> memref<64xi32, #tpu.memory_space<vmem>>
      %dma_wait3A_634 = arith.constant 0 : i32
      %dma_wait3A_635 = arith.constant 0 : i32
      %dma_wait3A_636 = tpu.memref_slice %arg9[%dma_wait3A_634, %dma_wait3A_635] : memref<10240x128xf32, #tpu.memory_space<vmem_shared>> -> memref<10240x128xf32, #tpu.memory_space<vmem_shared>>
      tpu.wait_indirect_dma semaphore(%arg21 : memref<!tpu.dma_semaphore, #tpu.memory_space<semaphore_mem>>) src(%arg13 : memref<64x128xf32, #tpu.memory_space<vmem>>) dst(%dma_wait3A_636 : memref<10240x128xf32, #tpu.memory_space<vmem_shared>>)
      %add3A_637 = arith.constant 4 : i32
      %add3A_638 = arith.addi %mul3A_518, %add3A_637 : i32
      %add3A_639 = arith.constant 3 : i32
      %add3A_640 = arith.addi %add3A_638, %add3A_639 : i32
      %dma_start3A_641 = arith.constant 0 : i32
      %dma_start3A_642 = tpu.memref_slice %arg7[%add3A_640, %dma_start3A_641] : memref<40x64xi32, #tpu.memory_space<vmem>> -> memref<1x64xi32, #tpu.memory_space<vmem>>
      %dma_start3A_643 = tpu.memref_squeeze %dma_start3A_642 : memref<1x64xi32, #tpu.memory_space<vmem>> -> memref<64xi32, #tpu.memory_space<vmem>>
      %dma_start3A_644 = arith.constant 0 : i32
      %dma_start3A_645 = arith.constant 0 : i32
      %dma_start3A_646 = tpu.memref_slice %arg2[%dma_start3A_644, %dma_start3A_645] : memref<10240x128xf32, #tpu.memory_space<hbm>> -> memref<10240x128xf32, #tpu.memory_space<hbm>>
      tpu.enqueue_indirect_dma source(%dma_start3A_646 : memref<10240x128xf32, #tpu.memory_space<hbm>>) target(%arg13 : memref<64x128xf32, #tpu.memory_space<vmem>>) offsets(%dma_start3A_643 : memref<64xi32, #tpu.memory_space<vmem>>) semaphore(%arg17 : memref<!tpu.dma_semaphore, #tpu.memory_space<semaphore_mem>>)
      %scan3A_647 = arith.constant 0 : i32
      scf.yield %scan3A_647 : i32
    }
    %scan3A_298 = arith.constant 9 : i32
    %dma_wait3A_299 = arith.constant 0 : i32
    %dma_wait3A_300 = arith.constant 0 : i32
    %dma_wait3A_301 = tpu.memref_slice %arg7[%dma_wait3A_299, %dma_wait3A_300] : memref<40x64xi32, #tpu.memory_space<vmem>> -> memref<1x64xi32, #tpu.memory_space<vmem>>
    %dma_wait3A_302 = tpu.memref_squeeze %dma_wait3A_301 : memref<1x64xi32, #tpu.memory_space<vmem>> -> memref<64xi32, #tpu.memory_space<vmem>>
    %dma_wait3A_303 = arith.constant 0 : i32
    %dma_wait3A_304 = arith.constant 0 : i32
    %dma_wait3A_305 = tpu.memref_slice %arg2[%dma_wait3A_303, %dma_wait3A_304] : memref<10240x128xf32, #tpu.memory_space<hbm>> -> memref<10240x128xf32, #tpu.memory_space<hbm>>
    tpu.wait_indirect_dma semaphore(%arg14 : memref<!tpu.dma_semaphore, #tpu.memory_space<semaphore_mem>>) src(%dma_wait3A_305 : memref<10240x128xf32, #tpu.memory_space<hbm>>) dst(%arg10 : memref<64x128xf32, #tpu.memory_space<vmem>>)
    %dma_start3A_306 = arith.constant 36 : i32
    %dma_start3A_307 = arith.constant 0 : i32
    %dma_start3A_308 = tpu.memref_slice %arg8[%dma_start3A_306, %dma_start3A_307] : memref<40x64xi32, #tpu.memory_space<vmem>> -> memref<1x64xi32, #tpu.memory_space<vmem>>
    %dma_start3A_309 = tpu.memref_squeeze %dma_start3A_308 : memref<1x64xi32, #tpu.memory_space<vmem>> -> memref<64xi32, #tpu.memory_space<vmem>>
    %dma_start3A_310 = arith.constant 0 : i32
    %dma_start3A_311 = arith.constant 0 : i32
    %dma_start3A_312 = tpu.memref_slice %arg9[%dma_start3A_310, %dma_start3A_311] : memref<10240x128xf32, #tpu.memory_space<vmem_shared>> -> memref<10240x128xf32, #tpu.memory_space<vmem_shared>>
    tpu.enqueue_indirect_dma source(%arg10 : memref<64x128xf32, #tpu.memory_space<vmem>>) target(%dma_start3A_312 : memref<10240x128xf32, #tpu.memory_space<vmem_shared>>) offsets(%dma_start3A_309 : memref<64xi32, #tpu.memory_space<vmem>>) semaphore(%arg18 : memref<!tpu.dma_semaphore, #tpu.memory_space<semaphore_mem>>) {add = true}
    %dma_wait3A_313 = arith.constant 0 : i32
    %dma_wait3A_314 = arith.constant 0 : i32
    %dma_wait3A_315 = tpu.memref_slice %arg7[%dma_wait3A_313, %dma_wait3A_314] : memref<40x64xi32, #tpu.memory_space<vmem>> -> memref<1x64xi32, #tpu.memory_space<vmem>>
    %dma_wait3A_316 = tpu.memref_squeeze %dma_wait3A_315 : memref<1x64xi32, #tpu.memory_space<vmem>> -> memref<64xi32, #tpu.memory_space<vmem>>
    %dma_wait3A_317 = arith.constant 0 : i32
    %dma_wait3A_318 = arith.constant 0 : i32
    %dma_wait3A_319 = tpu.memref_slice %arg2[%dma_wait3A_317, %dma_wait3A_318] : memref<10240x128xf32, #tpu.memory_space<hbm>> -> memref<10240x128xf32, #tpu.memory_space<hbm>>
    tpu.wait_indirect_dma semaphore(%arg15 : memref<!tpu.dma_semaphore, #tpu.memory_space<semaphore_mem>>) src(%dma_wait3A_319 : memref<10240x128xf32, #tpu.memory_space<hbm>>) dst(%arg11 : memref<64x128xf32, #tpu.memory_space<vmem>>)
    %dma_start3A_320 = arith.constant 37 : i32
    %dma_start3A_321 = arith.constant 0 : i32
    %dma_start3A_322 = tpu.memref_slice %arg8[%dma_start3A_320, %dma_start3A_321] : memref<40x64xi32, #tpu.memory_space<vmem>> -> memref<1x64xi32, #tpu.memory_space<vmem>>
    %dma_start3A_323 = tpu.memref_squeeze %dma_start3A_322 : memref<1x64xi32, #tpu.memory_space<vmem>> -> memref<64xi32, #tpu.memory_space<vmem>>
    %dma_start3A_324 = arith.constant 0 : i32
    %dma_start3A_325 = arith.constant 0 : i32
    %dma_start3A_326 = tpu.memref_slice %arg9[%dma_start3A_324, %dma_start3A_325] : memref<10240x128xf32, #tpu.memory_space<vmem_shared>> -> memref<10240x128xf32, #tpu.memory_space<vmem_shared>>
    tpu.enqueue_indirect_dma source(%arg11 : memref<64x128xf32, #tpu.memory_space<vmem>>) target(%dma_start3A_326 : memref<10240x128xf32, #tpu.memory_space<vmem_shared>>) offsets(%dma_start3A_323 : memref<64xi32, #tpu.memory_space<vmem>>) semaphore(%arg19 : memref<!tpu.dma_semaphore, #tpu.memory_space<semaphore_mem>>) {add = true}
    %dma_wait3A_327 = arith.constant 0 : i32
    %dma_wait3A_328 = arith.constant 0 : i32
    %dma_wait3A_329 = tpu.memref_slice %arg7[%dma_wait3A_327, %dma_wait3A_328] : memref<40x64xi32, #tpu.memory_space<vmem>> -> memref<1x64xi32, #tpu.memory_space<vmem>>
    %dma_wait3A_330 = tpu.memref_squeeze %dma_wait3A_329 : memref<1x64xi32, #tpu.memory_space<vmem>> -> memref<64xi32, #tpu.memory_space<vmem>>
    %dma_wait3A_331 = arith.constant 0 : i32
    %dma_wait3A_332 = arith.constant 0 : i32
    %dma_wait3A_333 = tpu.memref_slice %arg2[%dma_wait3A_331, %dma_wait3A_332] : memref<10240x128xf32, #tpu.memory_space<hbm>> -> memref<10240x128xf32, #tpu.memory_space<hbm>>
    tpu.wait_indirect_dma semaphore(%arg16 : memref<!tpu.dma_semaphore, #tpu.memory_space<semaphore_mem>>) src(%dma_wait3A_333 : memref<10240x128xf32, #tpu.memory_space<hbm>>) dst(%arg12 : memref<64x128xf32, #tpu.memory_space<vmem>>)
    %dma_start3A_334 = arith.constant 38 : i32
    %dma_start3A_335 = arith.constant 0 : i32
    %dma_start3A_336 = tpu.memref_slice %arg8[%dma_start3A_334, %dma_start3A_335] : memref<40x64xi32, #tpu.memory_space<vmem>> -> memref<1x64xi32, #tpu.memory_space<vmem>>
    %dma_start3A_337 = tpu.memref_squeeze %dma_start3A_336 : memref<1x64xi32, #tpu.memory_space<vmem>> -> memref<64xi32, #tpu.memory_space<vmem>>
    %dma_start3A_338 = arith.constant 0 : i32
    %dma_start3A_339 = arith.constant 0 : i32
    %dma_start3A_340 = tpu.memref_slice %arg9[%dma_start3A_338, %dma_start3A_339] : memref<10240x128xf32, #tpu.memory_space<vmem_shared>> -> memref<10240x128xf32, #tpu.memory_space<vmem_shared>>
    tpu.enqueue_indirect_dma source(%arg12 : memref<64x128xf32, #tpu.memory_space<vmem>>) target(%dma_start3A_340 : memref<10240x128xf32, #tpu.memory_space<vmem_shared>>) offsets(%dma_start3A_337 : memref<64xi32, #tpu.memory_space<vmem>>) semaphore(%arg20 : memref<!tpu.dma_semaphore, #tpu.memory_space<semaphore_mem>>) {add = true}
    %dma_wait3A_341 = arith.constant 0 : i32
    %dma_wait3A_342 = arith.constant 0 : i32
    %dma_wait3A_343 = tpu.memref_slice %arg7[%dma_wait3A_341, %dma_wait3A_342] : memref<40x64xi32, #tpu.memory_space<vmem>> -> memref<1x64xi32, #tpu.memory_space<vmem>>
    %dma_wait3A_344 = tpu.memref_squeeze %dma_wait3A_343 : memref<1x64xi32, #tpu.memory_space<vmem>> -> memref<64xi32, #tpu.memory_space<vmem>>
    %dma_wait3A_345 = arith.constant 0 : i32
    %dma_wait3A_346 = arith.constant 0 : i32
    %dma_wait3A_347 = tpu.memref_slice %arg2[%dma_wait3A_345, %dma_wait3A_346] : memref<10240x128xf32, #tpu.memory_space<hbm>> -> memref<10240x128xf32, #tpu.memory_space<hbm>>
    tpu.wait_indirect_dma semaphore(%arg17 : memref<!tpu.dma_semaphore, #tpu.memory_space<semaphore_mem>>) src(%dma_wait3A_347 : memref<10240x128xf32, #tpu.memory_space<hbm>>) dst(%arg13 : memref<64x128xf32, #tpu.memory_space<vmem>>)
    %dma_start3A_348 = arith.constant 39 : i32
    %dma_start3A_349 = arith.constant 0 : i32
    %dma_start3A_350 = tpu.memref_slice %arg8[%dma_start3A_348, %dma_start3A_349] : memref<40x64xi32, #tpu.memory_space<vmem>> -> memref<1x64xi32, #tpu.memory_space<vmem>>
    %dma_start3A_351 = tpu.memref_squeeze %dma_start3A_350 : memref<1x64xi32, #tpu.memory_space<vmem>> -> memref<64xi32, #tpu.memory_space<vmem>>
    %dma_start3A_352 = arith.constant 0 : i32
    %dma_start3A_353 = arith.constant 0 : i32
    %dma_start3A_354 = tpu.memref_slice %arg9[%dma_start3A_352, %dma_start3A_353] : memref<10240x128xf32, #tpu.memory_space<vmem_shared>> -> memref<10240x128xf32, #tpu.memory_space<vmem_shared>>
    tpu.enqueue_indirect_dma source(%arg13 : memref<64x128xf32, #tpu.memory_space<vmem>>) target(%dma_start3A_354 : memref<10240x128xf32, #tpu.memory_space<vmem_shared>>) offsets(%dma_start3A_351 : memref<64xi32, #tpu.memory_space<vmem>>) semaphore(%arg21 : memref<!tpu.dma_semaphore, #tpu.memory_space<semaphore_mem>>) {add = true}
    %dma_wait3A_355 = arith.constant 0 : i32
    %dma_wait3A_356 = arith.constant 0 : i32
    %dma_wait3A_357 = tpu.memref_slice %arg8[%dma_wait3A_355, %dma_wait3A_356] : memref<40x64xi32, #tpu.memory_space<vmem>> -> memref<1x64xi32, #tpu.memory_space<vmem>>
    %dma_wait3A_358 = tpu.memref_squeeze %dma_wait3A_357 : memref<1x64xi32, #tpu.memory_space<vmem>> -> memref<64xi32, #tpu.memory_space<vmem>>
    %dma_wait3A_359 = arith.constant 0 : i32
    %dma_wait3A_360 = arith.constant 0 : i32
    %dma_wait3A_361 = tpu.memref_slice %arg9[%dma_wait3A_359, %dma_wait3A_360] : memref<10240x128xf32, #tpu.memory_space<vmem_shared>> -> memref<10240x128xf32, #tpu.memory_space<vmem_shared>>
    tpu.wait_indirect_dma semaphore(%arg18 : memref<!tpu.dma_semaphore, #tpu.memory_space<semaphore_mem>>) src(%arg10 : memref<64x128xf32, #tpu.memory_space<vmem>>) dst(%dma_wait3A_361 : memref<10240x128xf32, #tpu.memory_space<vmem_shared>>)
    %dma_wait3A_362 = arith.constant 0 : i32
    %dma_wait3A_363 = arith.constant 0 : i32
    %dma_wait3A_364 = tpu.memref_slice %arg8[%dma_wait3A_362, %dma_wait3A_363] : memref<40x64xi32, #tpu.memory_space<vmem>> -> memref<1x64xi32, #tpu.memory_space<vmem>>
    %dma_wait3A_365 = tpu.memref_squeeze %dma_wait3A_364 : memref<1x64xi32, #tpu.memory_space<vmem>> -> memref<64xi32, #tpu.memory_space<vmem>>
    %dma_wait3A_366 = arith.constant 0 : i32
    %dma_wait3A_367 = arith.constant 0 : i32
    %dma_wait3A_368 = tpu.memref_slice %arg9[%dma_wait3A_366, %dma_wait3A_367] : memref<10240x128xf32, #tpu.memory_space<vmem_shared>> -> memref<10240x128xf32, #tpu.memory_space<vmem_shared>>
    tpu.wait_indirect_dma semaphore(%arg19 : memref<!tpu.dma_semaphore, #tpu.memory_space<semaphore_mem>>) src(%arg11 : memref<64x128xf32, #tpu.memory_space<vmem>>) dst(%dma_wait3A_368 : memref<10240x128xf32, #tpu.memory_space<vmem_shared>>)
    %dma_wait3A_369 = arith.constant 0 : i32
    %dma_wait3A_370 = arith.constant 0 : i32
    %dma_wait3A_371 = tpu.memref_slice %arg8[%dma_wait3A_369, %dma_wait3A_370] : memref<40x64xi32, #tpu.memory_space<vmem>> -> memref<1x64xi32, #tpu.memory_space<vmem>>
    %dma_wait3A_372 = tpu.memref_squeeze %dma_wait3A_371 : memref<1x64xi32, #tpu.memory_space<vmem>> -> memref<64xi32, #tpu.memory_space<vmem>>
    %dma_wait3A_373 = arith.constant 0 : i32
    %dma_wait3A_374 = arith.constant 0 : i32
    %dma_wait3A_375 = tpu.memref_slice %arg9[%dma_wait3A_373, %dma_wait3A_374] : memref<10240x128xf32, #tpu.memory_space<vmem_shared>> -> memref<10240x128xf32, #tpu.memory_space<vmem_shared>>
    tpu.wait_indirect_dma semaphore(%arg20 : memref<!tpu.dma_semaphore, #tpu.memory_space<semaphore_mem>>) src(%arg12 : memref<64x128xf32, #tpu.memory_space<vmem>>) dst(%dma_wait3A_375 : memref<10240x128xf32, #tpu.memory_space<vmem_shared>>)
    %dma_wait3A_376 = arith.constant 0 : i32
    %dma_wait3A_377 = arith.constant 0 : i32
    %dma_wait3A_378 = tpu.memref_slice %arg8[%dma_wait3A_376, %dma_wait3A_377] : memref<40x64xi32, #tpu.memory_space<vmem>> -> memref<1x64xi32, #tpu.memory_space<vmem>>
    %dma_wait3A_379 = tpu.memref_squeeze %dma_wait3A_378 : memref<1x64xi32, #tpu.memory_space<vmem>> -> memref<64xi32, #tpu.memory_space<vmem>>
    %dma_wait3A_380 = arith.constant 0 : i32
    %dma_wait3A_381 = arith.constant 0 : i32
    %dma_wait3A_382 = tpu.memref_slice %arg9[%dma_wait3A_380, %dma_wait3A_381] : memref<10240x128xf32, #tpu.memory_space<vmem_shared>> -> memref<10240x128xf32, #tpu.memory_space<vmem_shared>>
    tpu.wait_indirect_dma semaphore(%arg21 : memref<!tpu.dma_semaphore, #tpu.memory_space<semaphore_mem>>) src(%arg13 : memref<64x128xf32, #tpu.memory_space<vmem>>) dst(%dma_wait3A_382 : memref<10240x128xf32, #tpu.memory_space<vmem_shared>>)
    %mul3A_383 = arith.constant 160 : i32
    %mul3A_384 = arith.muli %add3A, %mul3A_383 : i32
    %add3A_385 = arith.constant 120 : i32
    %add3A_386 = arith.addi %mul3A_384, %add3A_385 : i32
    "tpu.region"() ({
      %run_scoped3A = tpu.sem_alloc : memref<!tpu.dma_semaphore, #tpu.memory_space<semaphore_mem>>
      %dma_start3A_515 = arith.constant 0 : i32
      %dma_start3A_516 = tpu.memref_slice %arg3[%add3A_386, %dma_start3A_515] : memref<5120x64xi32, #tpu.memory_space<hbm>> -> memref<40x64xi32, #tpu.memory_space<hbm>>
      %dma_start3A_517 = arith.constant 0 : i32
      %dma_start3A_518 = tpu.memref_slice %arg3[%add3A_386, %dma_start3A_517] : memref<5120x64xi32, #tpu.memory_space<hbm>> -> memref<40x64xi32, #tpu.memory_space<hbm>>
      tpu.enqueue_dma source(%dma_start3A_518 : memref<40x64xi32, #tpu.memory_space<hbm>>) target(%arg7 : memref<40x64xi32, #tpu.memory_space<vmem>>) target_semaphore(%run_scoped3A : memref<!tpu.dma_semaphore, #tpu.memory_space<semaphore_mem>>)
      %dma_wait3A_519 = arith.constant 0 : i32
      %dma_wait3A_520 = tpu.memref_slice %arg3[%add3A_386, %dma_wait3A_519] : memref<5120x64xi32, #tpu.memory_space<hbm>> -> memref<40x64xi32, #tpu.memory_space<hbm>>
      %dma_wait3A_521 = arith.constant 0 : i32
      %dma_wait3A_522 = tpu.memref_slice %arg3[%add3A_386, %dma_wait3A_521] : memref<5120x64xi32, #tpu.memory_space<hbm>> -> memref<40x64xi32, #tpu.memory_space<hbm>>
      tpu.wait_dma2 semaphore(%run_scoped3A : memref<!tpu.dma_semaphore, #tpu.memory_space<semaphore_mem>>) src(%dma_wait3A_522 : memref<40x64xi32, #tpu.memory_space<hbm>>) dst(%arg7 : memref<40x64xi32, #tpu.memory_space<vmem>>)
      tpu.yield
    }) : () -> ()
    %mul3A_387 = arith.constant 160 : i32
    %mul3A_388 = arith.muli %add3A, %mul3A_387 : i32
    %add3A_389 = arith.constant 120 : i32
    %add3A_390 = arith.addi %mul3A_388, %add3A_389 : i32
    "tpu.region"() ({
      %run_scoped3A = tpu.sem_alloc : memref<!tpu.dma_semaphore, #tpu.memory_space<semaphore_mem>>
      %dma_start3A_515 = arith.constant 0 : i32
      %dma_start3A_516 = tpu.memref_slice %arg4[%add3A_390, %dma_start3A_515] : memref<5120x64xi32, #tpu.memory_space<hbm>> -> memref<40x64xi32, #tpu.memory_space<hbm>>
      %dma_start3A_517 = arith.constant 0 : i32
      %dma_start3A_518 = tpu.memref_slice %arg4[%add3A_390, %dma_start3A_517] : memref<5120x64xi32, #tpu.memory_space<hbm>> -> memref<40x64xi32, #tpu.memory_space<hbm>>
      tpu.enqueue_dma source(%dma_start3A_518 : memref<40x64xi32, #tpu.memory_space<hbm>>) target(%arg8 : memref<40x64xi32, #tpu.memory_space<vmem>>) target_semaphore(%run_scoped3A : memref<!tpu.dma_semaphore, #tpu.memory_space<semaphore_mem>>)
      %dma_wait3A_519 = arith.constant 0 : i32
      %dma_wait3A_520 = tpu.memref_slice %arg4[%add3A_390, %dma_wait3A_519] : memref<5120x64xi32, #tpu.memory_space<hbm>> -> memref<40x64xi32, #tpu.memory_space<hbm>>
      %dma_wait3A_521 = arith.constant 0 : i32
      %dma_wait3A_522 = tpu.memref_slice %arg4[%add3A_390, %dma_wait3A_521] : memref<5120x64xi32, #tpu.memory_space<hbm>> -> memref<40x64xi32, #tpu.memory_space<hbm>>
      tpu.wait_dma2 semaphore(%run_scoped3A : memref<!tpu.dma_semaphore, #tpu.memory_space<semaphore_mem>>) src(%dma_wait3A_522 : memref<40x64xi32, #tpu.memory_space<hbm>>) dst(%arg8 : memref<40x64xi32, #tpu.memory_space<vmem>>)
      tpu.yield
    }) : () -> ()
    %dma_start3A_391 = arith.constant 0 : i32
    %dma_start3A_392 = arith.constant 0 : i32
    %dma_start3A_393 = tpu.memref_slice %arg7[%dma_start3A_391, %dma_start3A_392] : memref<40x64xi32, #tpu.memory_space<vmem>> -> memref<1x64xi32, #tpu.memory_space<vmem>>
    %dma_start3A_394 = tpu.memref_squeeze %dma_start3A_393 : memref<1x64xi32, #tpu.memory_space<vmem>> -> memref<64xi32, #tpu.memory_space<vmem>>
    %dma_start3A_395 = arith.constant 0 : i32
    %dma_start3A_396 = arith.constant 0 : i32
    %dma_start3A_397 = tpu.memref_slice %arg2[%dma_start3A_395, %dma_start3A_396] : memref<10240x128xf32, #tpu.memory_space<hbm>> -> memref<10240x128xf32, #tpu.memory_space<hbm>>
    tpu.enqueue_indirect_dma source(%dma_start3A_397 : memref<10240x128xf32, #tpu.memory_space<hbm>>) target(%arg10 : memref<64x128xf32, #tpu.memory_space<vmem>>) offsets(%dma_start3A_394 : memref<64xi32, #tpu.memory_space<vmem>>) semaphore(%arg14 : memref<!tpu.dma_semaphore, #tpu.memory_space<semaphore_mem>>)
    %dma_start3A_398 = arith.constant 1 : i32
    %dma_start3A_399 = arith.constant 0 : i32
    %dma_start3A_400 = tpu.memref_slice %arg7[%dma_start3A_398, %dma_start3A_399] : memref<40x64xi32, #tpu.memory_space<vmem>> -> memref<1x64xi32, #tpu.memory_space<vmem>>
    %dma_start3A_401 = tpu.memref_squeeze %dma_start3A_400 : memref<1x64xi32, #tpu.memory_space<vmem>> -> memref<64xi32, #tpu.memory_space<vmem>>
    %dma_start3A_402 = arith.constant 0 : i32
    %dma_start3A_403 = arith.constant 0 : i32
    %dma_start3A_404 = tpu.memref_slice %arg2[%dma_start3A_402, %dma_start3A_403] : memref<10240x128xf32, #tpu.memory_space<hbm>> -> memref<10240x128xf32, #tpu.memory_space<hbm>>
    tpu.enqueue_indirect_dma source(%dma_start3A_404 : memref<10240x128xf32, #tpu.memory_space<hbm>>) target(%arg11 : memref<64x128xf32, #tpu.memory_space<vmem>>) offsets(%dma_start3A_401 : memref<64xi32, #tpu.memory_space<vmem>>) semaphore(%arg15 : memref<!tpu.dma_semaphore, #tpu.memory_space<semaphore_mem>>)
    %dma_start3A_405 = arith.constant 2 : i32
    %dma_start3A_406 = arith.constant 0 : i32
    %dma_start3A_407 = tpu.memref_slice %arg7[%dma_start3A_405, %dma_start3A_406] : memref<40x64xi32, #tpu.memory_space<vmem>> -> memref<1x64xi32, #tpu.memory_space<vmem>>
    %dma_start3A_408 = tpu.memref_squeeze %dma_start3A_407 : memref<1x64xi32, #tpu.memory_space<vmem>> -> memref<64xi32, #tpu.memory_space<vmem>>
    %dma_start3A_409 = arith.constant 0 : i32
    %dma_start3A_410 = arith.constant 0 : i32
    %dma_start3A_411 = tpu.memref_slice %arg2[%dma_start3A_409, %dma_start3A_410] : memref<10240x128xf32, #tpu.memory_space<hbm>> -> memref<10240x128xf32, #tpu.memory_space<hbm>>
    tpu.enqueue_indirect_dma source(%dma_start3A_411 : memref<10240x128xf32, #tpu.memory_space<hbm>>) target(%arg12 : memref<64x128xf32, #tpu.memory_space<vmem>>) offsets(%dma_start3A_408 : memref<64xi32, #tpu.memory_space<vmem>>) semaphore(%arg16 : memref<!tpu.dma_semaphore, #tpu.memory_space<semaphore_mem>>)
    %dma_start3A_412 = arith.constant 3 : i32
    %dma_start3A_413 = arith.constant 0 : i32
    %dma_start3A_414 = tpu.memref_slice %arg7[%dma_start3A_412, %dma_start3A_413] : memref<40x64xi32, #tpu.memory_space<vmem>> -> memref<1x64xi32, #tpu.memory_space<vmem>>
    %dma_start3A_415 = tpu.memref_squeeze %dma_start3A_414 : memref<1x64xi32, #tpu.memory_space<vmem>> -> memref<64xi32, #tpu.memory_space<vmem>>
    %dma_start3A_416 = arith.constant 0 : i32
    %dma_start3A_417 = arith.constant 0 : i32
    %dma_start3A_418 = tpu.memref_slice %arg2[%dma_start3A_416, %dma_start3A_417] : memref<10240x128xf32, #tpu.memory_space<hbm>> -> memref<10240x128xf32, #tpu.memory_space<hbm>>
    tpu.enqueue_indirect_dma source(%dma_start3A_418 : memref<10240x128xf32, #tpu.memory_space<hbm>>) target(%arg13 : memref<64x128xf32, #tpu.memory_space<vmem>>) offsets(%dma_start3A_415 : memref<64xi32, #tpu.memory_space<vmem>>) semaphore(%arg17 : memref<!tpu.dma_semaphore, #tpu.memory_space<semaphore_mem>>)
    %scan3A_419 = arith.constant 0 : i32
    %scan3A_420 = arith.constant 0 : i32
    %scan3A_421 = arith.constant 9 : i32
    %scan3A_422 = arith.addi %scan3A_420, %scan3A_421 : i32
    %scan3A_423 = arith.constant 1 : i32
    %scan3A_424 = scf.for %scan3A_515 = %scan3A_420 to %scan3A_422 step %scan3A_423 iter_args(%scan3A_516 = %scan3A_419) -> (i32)  : i32 {
      %mul3A_517 = arith.constant 4 : i32
      %mul3A_518 = arith.muli %scan3A_515, %mul3A_517 : i32
      %dma_wait3A_519 = arith.constant 0 : i32
      %dma_wait3A_520 = arith.constant 0 : i32
      %dma_wait3A_521 = tpu.memref_slice %arg7[%dma_wait3A_519, %dma_wait3A_520] : memref<40x64xi32, #tpu.memory_space<vmem>> -> memref<1x64xi32, #tpu.memory_space<vmem>>
      %dma_wait3A_522 = tpu.memref_squeeze %dma_wait3A_521 : memref<1x64xi32, #tpu.memory_space<vmem>> -> memref<64xi32, #tpu.memory_space<vmem>>
      %dma_wait3A_523 = arith.constant 0 : i32
      %dma_wait3A_524 = arith.constant 0 : i32
      %dma_wait3A_525 = tpu.memref_slice %arg2[%dma_wait3A_523, %dma_wait3A_524] : memref<10240x128xf32, #tpu.memory_space<hbm>> -> memref<10240x128xf32, #tpu.memory_space<hbm>>
      tpu.wait_indirect_dma semaphore(%arg14 : memref<!tpu.dma_semaphore, #tpu.memory_space<semaphore_mem>>) src(%dma_wait3A_525 : memref<10240x128xf32, #tpu.memory_space<hbm>>) dst(%arg10 : memref<64x128xf32, #tpu.memory_space<vmem>>)
      %add3A_526 = arith.constant 0 : i32
      %add3A_527 = arith.addi %mul3A_518, %add3A_526 : i32
      %dma_start3A_528 = arith.constant 0 : i32
      %dma_start3A_529 = tpu.memref_slice %arg8[%add3A_527, %dma_start3A_528] : memref<40x64xi32, #tpu.memory_space<vmem>> -> memref<1x64xi32, #tpu.memory_space<vmem>>
      %dma_start3A_530 = tpu.memref_squeeze %dma_start3A_529 : memref<1x64xi32, #tpu.memory_space<vmem>> -> memref<64xi32, #tpu.memory_space<vmem>>
      %dma_start3A_531 = arith.constant 0 : i32
      %dma_start3A_532 = arith.constant 0 : i32
      %dma_start3A_533 = tpu.memref_slice %arg9[%dma_start3A_531, %dma_start3A_532] : memref<10240x128xf32, #tpu.memory_space<vmem_shared>> -> memref<10240x128xf32, #tpu.memory_space<vmem_shared>>
      tpu.enqueue_indirect_dma source(%arg10 : memref<64x128xf32, #tpu.memory_space<vmem>>) target(%dma_start3A_533 : memref<10240x128xf32, #tpu.memory_space<vmem_shared>>) offsets(%dma_start3A_530 : memref<64xi32, #tpu.memory_space<vmem>>) semaphore(%arg18 : memref<!tpu.dma_semaphore, #tpu.memory_space<semaphore_mem>>) {add = true}
      %dma_wait3A_534 = arith.constant 0 : i32
      %dma_wait3A_535 = arith.constant 0 : i32
      %dma_wait3A_536 = tpu.memref_slice %arg7[%dma_wait3A_534, %dma_wait3A_535] : memref<40x64xi32, #tpu.memory_space<vmem>> -> memref<1x64xi32, #tpu.memory_space<vmem>>
      %dma_wait3A_537 = tpu.memref_squeeze %dma_wait3A_536 : memref<1x64xi32, #tpu.memory_space<vmem>> -> memref<64xi32, #tpu.memory_space<vmem>>
      %dma_wait3A_538 = arith.constant 0 : i32
      %dma_wait3A_539 = arith.constant 0 : i32
      %dma_wait3A_540 = tpu.memref_slice %arg2[%dma_wait3A_538, %dma_wait3A_539] : memref<10240x128xf32, #tpu.memory_space<hbm>> -> memref<10240x128xf32, #tpu.memory_space<hbm>>
      tpu.wait_indirect_dma semaphore(%arg15 : memref<!tpu.dma_semaphore, #tpu.memory_space<semaphore_mem>>) src(%dma_wait3A_540 : memref<10240x128xf32, #tpu.memory_space<hbm>>) dst(%arg11 : memref<64x128xf32, #tpu.memory_space<vmem>>)
      %add3A_541 = arith.constant 1 : i32
      %add3A_542 = arith.addi %mul3A_518, %add3A_541 : i32
      %dma_start3A_543 = arith.constant 0 : i32
      %dma_start3A_544 = tpu.memref_slice %arg8[%add3A_542, %dma_start3A_543] : memref<40x64xi32, #tpu.memory_space<vmem>> -> memref<1x64xi32, #tpu.memory_space<vmem>>
      %dma_start3A_545 = tpu.memref_squeeze %dma_start3A_544 : memref<1x64xi32, #tpu.memory_space<vmem>> -> memref<64xi32, #tpu.memory_space<vmem>>
      %dma_start3A_546 = arith.constant 0 : i32
      %dma_start3A_547 = arith.constant 0 : i32
      %dma_start3A_548 = tpu.memref_slice %arg9[%dma_start3A_546, %dma_start3A_547] : memref<10240x128xf32, #tpu.memory_space<vmem_shared>> -> memref<10240x128xf32, #tpu.memory_space<vmem_shared>>
      tpu.enqueue_indirect_dma source(%arg11 : memref<64x128xf32, #tpu.memory_space<vmem>>) target(%dma_start3A_548 : memref<10240x128xf32, #tpu.memory_space<vmem_shared>>) offsets(%dma_start3A_545 : memref<64xi32, #tpu.memory_space<vmem>>) semaphore(%arg19 : memref<!tpu.dma_semaphore, #tpu.memory_space<semaphore_mem>>) {add = true}
      %dma_wait3A_549 = arith.constant 0 : i32
      %dma_wait3A_550 = arith.constant 0 : i32
      %dma_wait3A_551 = tpu.memref_slice %arg7[%dma_wait3A_549, %dma_wait3A_550] : memref<40x64xi32, #tpu.memory_space<vmem>> -> memref<1x64xi32, #tpu.memory_space<vmem>>
      %dma_wait3A_552 = tpu.memref_squeeze %dma_wait3A_551 : memref<1x64xi32, #tpu.memory_space<vmem>> -> memref<64xi32, #tpu.memory_space<vmem>>
      %dma_wait3A_553 = arith.constant 0 : i32
      %dma_wait3A_554 = arith.constant 0 : i32
      %dma_wait3A_555 = tpu.memref_slice %arg2[%dma_wait3A_553, %dma_wait3A_554] : memref<10240x128xf32, #tpu.memory_space<hbm>> -> memref<10240x128xf32, #tpu.memory_space<hbm>>
      tpu.wait_indirect_dma semaphore(%arg16 : memref<!tpu.dma_semaphore, #tpu.memory_space<semaphore_mem>>) src(%dma_wait3A_555 : memref<10240x128xf32, #tpu.memory_space<hbm>>) dst(%arg12 : memref<64x128xf32, #tpu.memory_space<vmem>>)
      %add3A_556 = arith.constant 2 : i32
      %add3A_557 = arith.addi %mul3A_518, %add3A_556 : i32
      %dma_start3A_558 = arith.constant 0 : i32
      %dma_start3A_559 = tpu.memref_slice %arg8[%add3A_557, %dma_start3A_558] : memref<40x64xi32, #tpu.memory_space<vmem>> -> memref<1x64xi32, #tpu.memory_space<vmem>>
      %dma_start3A_560 = tpu.memref_squeeze %dma_start3A_559 : memref<1x64xi32, #tpu.memory_space<vmem>> -> memref<64xi32, #tpu.memory_space<vmem>>
      %dma_start3A_561 = arith.constant 0 : i32
      %dma_start3A_562 = arith.constant 0 : i32
      %dma_start3A_563 = tpu.memref_slice %arg9[%dma_start3A_561, %dma_start3A_562] : memref<10240x128xf32, #tpu.memory_space<vmem_shared>> -> memref<10240x128xf32, #tpu.memory_space<vmem_shared>>
      tpu.enqueue_indirect_dma source(%arg12 : memref<64x128xf32, #tpu.memory_space<vmem>>) target(%dma_start3A_563 : memref<10240x128xf32, #tpu.memory_space<vmem_shared>>) offsets(%dma_start3A_560 : memref<64xi32, #tpu.memory_space<vmem>>) semaphore(%arg20 : memref<!tpu.dma_semaphore, #tpu.memory_space<semaphore_mem>>) {add = true}
      %dma_wait3A_564 = arith.constant 0 : i32
      %dma_wait3A_565 = arith.constant 0 : i32
      %dma_wait3A_566 = tpu.memref_slice %arg7[%dma_wait3A_564, %dma_wait3A_565] : memref<40x64xi32, #tpu.memory_space<vmem>> -> memref<1x64xi32, #tpu.memory_space<vmem>>
      %dma_wait3A_567 = tpu.memref_squeeze %dma_wait3A_566 : memref<1x64xi32, #tpu.memory_space<vmem>> -> memref<64xi32, #tpu.memory_space<vmem>>
      %dma_wait3A_568 = arith.constant 0 : i32
      %dma_wait3A_569 = arith.constant 0 : i32
      %dma_wait3A_570 = tpu.memref_slice %arg2[%dma_wait3A_568, %dma_wait3A_569] : memref<10240x128xf32, #tpu.memory_space<hbm>> -> memref<10240x128xf32, #tpu.memory_space<hbm>>
      tpu.wait_indirect_dma semaphore(%arg17 : memref<!tpu.dma_semaphore, #tpu.memory_space<semaphore_mem>>) src(%dma_wait3A_570 : memref<10240x128xf32, #tpu.memory_space<hbm>>) dst(%arg13 : memref<64x128xf32, #tpu.memory_space<vmem>>)
      %add3A_571 = arith.constant 3 : i32
      %add3A_572 = arith.addi %mul3A_518, %add3A_571 : i32
      %dma_start3A_573 = arith.constant 0 : i32
      %dma_start3A_574 = tpu.memref_slice %arg8[%add3A_572, %dma_start3A_573] : memref<40x64xi32, #tpu.memory_space<vmem>> -> memref<1x64xi32, #tpu.memory_space<vmem>>
      %dma_start3A_575 = tpu.memref_squeeze %dma_start3A_574 : memref<1x64xi32, #tpu.memory_space<vmem>> -> memref<64xi32, #tpu.memory_space<vmem>>
      %dma_start3A_576 = arith.constant 0 : i32
      %dma_start3A_577 = arith.constant 0 : i32
      %dma_start3A_578 = tpu.memref_slice %arg9[%dma_start3A_576, %dma_start3A_577] : memref<10240x128xf32, #tpu.memory_space<vmem_shared>> -> memref<10240x128xf32, #tpu.memory_space<vmem_shared>>
      tpu.enqueue_indirect_dma source(%arg13 : memref<64x128xf32, #tpu.memory_space<vmem>>) target(%dma_start3A_578 : memref<10240x128xf32, #tpu.memory_space<vmem_shared>>) offsets(%dma_start3A_575 : memref<64xi32, #tpu.memory_space<vmem>>) semaphore(%arg21 : memref<!tpu.dma_semaphore, #tpu.memory_space<semaphore_mem>>) {add = true}
      %dma_wait3A_579 = arith.constant 0 : i32
      %dma_wait3A_580 = arith.constant 0 : i32
      %dma_wait3A_581 = tpu.memref_slice %arg8[%dma_wait3A_579, %dma_wait3A_580] : memref<40x64xi32, #tpu.memory_space<vmem>> -> memref<1x64xi32, #tpu.memory_space<vmem>>
      %dma_wait3A_582 = tpu.memref_squeeze %dma_wait3A_581 : memref<1x64xi32, #tpu.memory_space<vmem>> -> memref<64xi32, #tpu.memory_space<vmem>>
      %dma_wait3A_583 = arith.constant 0 : i32
      %dma_wait3A_584 = arith.constant 0 : i32
      %dma_wait3A_585 = tpu.memref_slice %arg9[%dma_wait3A_583, %dma_wait3A_584] : memref<10240x128xf32, #tpu.memory_space<vmem_shared>> -> memref<10240x128xf32, #tpu.memory_space<vmem_shared>>
      tpu.wait_indirect_dma semaphore(%arg18 : memref<!tpu.dma_semaphore, #tpu.memory_space<semaphore_mem>>) src(%arg10 : memref<64x128xf32, #tpu.memory_space<vmem>>) dst(%dma_wait3A_585 : memref<10240x128xf32, #tpu.memory_space<vmem_shared>>)
      %add3A_586 = arith.constant 4 : i32
      %add3A_587 = arith.addi %mul3A_518, %add3A_586 : i32
      %add3A_588 = arith.constant 0 : i32
      %add3A_589 = arith.addi %add3A_587, %add3A_588 : i32
      %dma_start3A_590 = arith.constant 0 : i32
      %dma_start3A_591 = tpu.memref_slice %arg7[%add3A_589, %dma_start3A_590] : memref<40x64xi32, #tpu.memory_space<vmem>> -> memref<1x64xi32, #tpu.memory_space<vmem>>
      %dma_start3A_592 = tpu.memref_squeeze %dma_start3A_591 : memref<1x64xi32, #tpu.memory_space<vmem>> -> memref<64xi32, #tpu.memory_space<vmem>>
      %dma_start3A_593 = arith.constant 0 : i32
      %dma_start3A_594 = arith.constant 0 : i32
      %dma_start3A_595 = tpu.memref_slice %arg2[%dma_start3A_593, %dma_start3A_594] : memref<10240x128xf32, #tpu.memory_space<hbm>> -> memref<10240x128xf32, #tpu.memory_space<hbm>>
      tpu.enqueue_indirect_dma source(%dma_start3A_595 : memref<10240x128xf32, #tpu.memory_space<hbm>>) target(%arg10 : memref<64x128xf32, #tpu.memory_space<vmem>>) offsets(%dma_start3A_592 : memref<64xi32, #tpu.memory_space<vmem>>) semaphore(%arg14 : memref<!tpu.dma_semaphore, #tpu.memory_space<semaphore_mem>>)
      %dma_wait3A_596 = arith.constant 0 : i32
      %dma_wait3A_597 = arith.constant 0 : i32
      %dma_wait3A_598 = tpu.memref_slice %arg8[%dma_wait3A_596, %dma_wait3A_597] : memref<40x64xi32, #tpu.memory_space<vmem>> -> memref<1x64xi32, #tpu.memory_space<vmem>>
      %dma_wait3A_599 = tpu.memref_squeeze %dma_wait3A_598 : memref<1x64xi32, #tpu.memory_space<vmem>> -> memref<64xi32, #tpu.memory_space<vmem>>
      %dma_wait3A_600 = arith.constant 0 : i32
      %dma_wait3A_601 = arith.constant 0 : i32
      %dma_wait3A_602 = tpu.memref_slice %arg9[%dma_wait3A_600, %dma_wait3A_601] : memref<10240x128xf32, #tpu.memory_space<vmem_shared>> -> memref<10240x128xf32, #tpu.memory_space<vmem_shared>>
      tpu.wait_indirect_dma semaphore(%arg19 : memref<!tpu.dma_semaphore, #tpu.memory_space<semaphore_mem>>) src(%arg11 : memref<64x128xf32, #tpu.memory_space<vmem>>) dst(%dma_wait3A_602 : memref<10240x128xf32, #tpu.memory_space<vmem_shared>>)
      %add3A_603 = arith.constant 4 : i32
      %add3A_604 = arith.addi %mul3A_518, %add3A_603 : i32
      %add3A_605 = arith.constant 1 : i32
      %add3A_606 = arith.addi %add3A_604, %add3A_605 : i32
      %dma_start3A_607 = arith.constant 0 : i32
      %dma_start3A_608 = tpu.memref_slice %arg7[%add3A_606, %dma_start3A_607] : memref<40x64xi32, #tpu.memory_space<vmem>> -> memref<1x64xi32, #tpu.memory_space<vmem>>
      %dma_start3A_609 = tpu.memref_squeeze %dma_start3A_608 : memref<1x64xi32, #tpu.memory_space<vmem>> -> memref<64xi32, #tpu.memory_space<vmem>>
      %dma_start3A_610 = arith.constant 0 : i32
      %dma_start3A_611 = arith.constant 0 : i32
      %dma_start3A_612 = tpu.memref_slice %arg2[%dma_start3A_610, %dma_start3A_611] : memref<10240x128xf32, #tpu.memory_space<hbm>> -> memref<10240x128xf32, #tpu.memory_space<hbm>>
      tpu.enqueue_indirect_dma source(%dma_start3A_612 : memref<10240x128xf32, #tpu.memory_space<hbm>>) target(%arg11 : memref<64x128xf32, #tpu.memory_space<vmem>>) offsets(%dma_start3A_609 : memref<64xi32, #tpu.memory_space<vmem>>) semaphore(%arg15 : memref<!tpu.dma_semaphore, #tpu.memory_space<semaphore_mem>>)
      %dma_wait3A_613 = arith.constant 0 : i32
      %dma_wait3A_614 = arith.constant 0 : i32
      %dma_wait3A_615 = tpu.memref_slice %arg8[%dma_wait3A_613, %dma_wait3A_614] : memref<40x64xi32, #tpu.memory_space<vmem>> -> memref<1x64xi32, #tpu.memory_space<vmem>>
      %dma_wait3A_616 = tpu.memref_squeeze %dma_wait3A_615 : memref<1x64xi32, #tpu.memory_space<vmem>> -> memref<64xi32, #tpu.memory_space<vmem>>
      %dma_wait3A_617 = arith.constant 0 : i32
      %dma_wait3A_618 = arith.constant 0 : i32
      %dma_wait3A_619 = tpu.memref_slice %arg9[%dma_wait3A_617, %dma_wait3A_618] : memref<10240x128xf32, #tpu.memory_space<vmem_shared>> -> memref<10240x128xf32, #tpu.memory_space<vmem_shared>>
      tpu.wait_indirect_dma semaphore(%arg20 : memref<!tpu.dma_semaphore, #tpu.memory_space<semaphore_mem>>) src(%arg12 : memref<64x128xf32, #tpu.memory_space<vmem>>) dst(%dma_wait3A_619 : memref<10240x128xf32, #tpu.memory_space<vmem_shared>>)
      %add3A_620 = arith.constant 4 : i32
      %add3A_621 = arith.addi %mul3A_518, %add3A_620 : i32
      %add3A_622 = arith.constant 2 : i32
      %add3A_623 = arith.addi %add3A_621, %add3A_622 : i32
      %dma_start3A_624 = arith.constant 0 : i32
      %dma_start3A_625 = tpu.memref_slice %arg7[%add3A_623, %dma_start3A_624] : memref<40x64xi32, #tpu.memory_space<vmem>> -> memref<1x64xi32, #tpu.memory_space<vmem>>
      %dma_start3A_626 = tpu.memref_squeeze %dma_start3A_625 : memref<1x64xi32, #tpu.memory_space<vmem>> -> memref<64xi32, #tpu.memory_space<vmem>>
      %dma_start3A_627 = arith.constant 0 : i32
      %dma_start3A_628 = arith.constant 0 : i32
      %dma_start3A_629 = tpu.memref_slice %arg2[%dma_start3A_627, %dma_start3A_628] : memref<10240x128xf32, #tpu.memory_space<hbm>> -> memref<10240x128xf32, #tpu.memory_space<hbm>>
      tpu.enqueue_indirect_dma source(%dma_start3A_629 : memref<10240x128xf32, #tpu.memory_space<hbm>>) target(%arg12 : memref<64x128xf32, #tpu.memory_space<vmem>>) offsets(%dma_start3A_626 : memref<64xi32, #tpu.memory_space<vmem>>) semaphore(%arg16 : memref<!tpu.dma_semaphore, #tpu.memory_space<semaphore_mem>>)
      %dma_wait3A_630 = arith.constant 0 : i32
      %dma_wait3A_631 = arith.constant 0 : i32
      %dma_wait3A_632 = tpu.memref_slice %arg8[%dma_wait3A_630, %dma_wait3A_631] : memref<40x64xi32, #tpu.memory_space<vmem>> -> memref<1x64xi32, #tpu.memory_space<vmem>>
      %dma_wait3A_633 = tpu.memref_squeeze %dma_wait3A_632 : memref<1x64xi32, #tpu.memory_space<vmem>> -> memref<64xi32, #tpu.memory_space<vmem>>
      %dma_wait3A_634 = arith.constant 0 : i32
      %dma_wait3A_635 = arith.constant 0 : i32
      %dma_wait3A_636 = tpu.memref_slice %arg9[%dma_wait3A_634, %dma_wait3A_635] : memref<10240x128xf32, #tpu.memory_space<vmem_shared>> -> memref<10240x128xf32, #tpu.memory_space<vmem_shared>>
      tpu.wait_indirect_dma semaphore(%arg21 : memref<!tpu.dma_semaphore, #tpu.memory_space<semaphore_mem>>) src(%arg13 : memref<64x128xf32, #tpu.memory_space<vmem>>) dst(%dma_wait3A_636 : memref<10240x128xf32, #tpu.memory_space<vmem_shared>>)
      %add3A_637 = arith.constant 4 : i32
      %add3A_638 = arith.addi %mul3A_518, %add3A_637 : i32
      %add3A_639 = arith.constant 3 : i32
      %add3A_640 = arith.addi %add3A_638, %add3A_639 : i32
      %dma_start3A_641 = arith.constant 0 : i32
      %dma_start3A_642 = tpu.memref_slice %arg7[%add3A_640, %dma_start3A_641] : memref<40x64xi32, #tpu.memory_space<vmem>> -> memref<1x64xi32, #tpu.memory_space<vmem>>
      %dma_start3A_643 = tpu.memref_squeeze %dma_start3A_642 : memref<1x64xi32, #tpu.memory_space<vmem>> -> memref<64xi32, #tpu.memory_space<vmem>>
      %dma_start3A_644 = arith.constant 0 : i32
      %dma_start3A_645 = arith.constant 0 : i32
      %dma_start3A_646 = tpu.memref_slice %arg2[%dma_start3A_644, %dma_start3A_645] : memref<10240x128xf32, #tpu.memory_space<hbm>> -> memref<10240x128xf32, #tpu.memory_space<hbm>>
      tpu.enqueue_indirect_dma source(%dma_start3A_646 : memref<10240x128xf32, #tpu.memory_space<hbm>>) target(%arg13 : memref<64x128xf32, #tpu.memory_space<vmem>>) offsets(%dma_start3A_643 : memref<64xi32, #tpu.memory_space<vmem>>) semaphore(%arg17 : memref<!tpu.dma_semaphore, #tpu.memory_space<semaphore_mem>>)
      %scan3A_647 = arith.constant 0 : i32
      scf.yield %scan3A_647 : i32
    }
    %scan3A_425 = arith.constant 9 : i32
    %dma_wait3A_426 = arith.constant 0 : i32
    %dma_wait3A_427 = arith.constant 0 : i32
    %dma_wait3A_428 = tpu.memref_slice %arg7[%dma_wait3A_426, %dma_wait3A_427] : memref<40x64xi32, #tpu.memory_space<vmem>> -> memref<1x64xi32, #tpu.memory_space<vmem>>
    %dma_wait3A_429 = tpu.memref_squeeze %dma_wait3A_428 : memref<1x64xi32, #tpu.memory_space<vmem>> -> memref<64xi32, #tpu.memory_space<vmem>>
    %dma_wait3A_430 = arith.constant 0 : i32
    %dma_wait3A_431 = arith.constant 0 : i32
    %dma_wait3A_432 = tpu.memref_slice %arg2[%dma_wait3A_430, %dma_wait3A_431] : memref<10240x128xf32, #tpu.memory_space<hbm>> -> memref<10240x128xf32, #tpu.memory_space<hbm>>
    tpu.wait_indirect_dma semaphore(%arg14 : memref<!tpu.dma_semaphore, #tpu.memory_space<semaphore_mem>>) src(%dma_wait3A_432 : memref<10240x128xf32, #tpu.memory_space<hbm>>) dst(%arg10 : memref<64x128xf32, #tpu.memory_space<vmem>>)
    %dma_start3A_433 = arith.constant 36 : i32
    %dma_start3A_434 = arith.constant 0 : i32
    %dma_start3A_435 = tpu.memref_slice %arg8[%dma_start3A_433, %dma_start3A_434] : memref<40x64xi32, #tpu.memory_space<vmem>> -> memref<1x64xi32, #tpu.memory_space<vmem>>
    %dma_start3A_436 = tpu.memref_squeeze %dma_start3A_435 : memref<1x64xi32, #tpu.memory_space<vmem>> -> memref<64xi32, #tpu.memory_space<vmem>>
    %dma_start3A_437 = arith.constant 0 : i32
    %dma_start3A_438 = arith.constant 0 : i32
    %dma_start3A_439 = tpu.memref_slice %arg9[%dma_start3A_437, %dma_start3A_438] : memref<10240x128xf32, #tpu.memory_space<vmem_shared>> -> memref<10240x128xf32, #tpu.memory_space<vmem_shared>>
    tpu.enqueue_indirect_dma source(%arg10 : memref<64x128xf32, #tpu.memory_space<vmem>>) target(%dma_start3A_439 : memref<10240x128xf32, #tpu.memory_space<vmem_shared>>) offsets(%dma_start3A_436 : memref<64xi32, #tpu.memory_space<vmem>>) semaphore(%arg18 : memref<!tpu.dma_semaphore, #tpu.memory_space<semaphore_mem>>) {add = true}
    %dma_wait3A_440 = arith.constant 0 : i32
    %dma_wait3A_441 = arith.constant 0 : i32
    %dma_wait3A_442 = tpu.memref_slice %arg7[%dma_wait3A_440, %dma_wait3A_441] : memref<40x64xi32, #tpu.memory_space<vmem>> -> memref<1x64xi32, #tpu.memory_space<vmem>>
    %dma_wait3A_443 = tpu.memref_squeeze %dma_wait3A_442 : memref<1x64xi32, #tpu.memory_space<vmem>> -> memref<64xi32, #tpu.memory_space<vmem>>
    %dma_wait3A_444 = arith.constant 0 : i32
    %dma_wait3A_445 = arith.constant 0 : i32
    %dma_wait3A_446 = tpu.memref_slice %arg2[%dma_wait3A_444, %dma_wait3A_445] : memref<10240x128xf32, #tpu.memory_space<hbm>> -> memref<10240x128xf32, #tpu.memory_space<hbm>>
    tpu.wait_indirect_dma semaphore(%arg15 : memref<!tpu.dma_semaphore, #tpu.memory_space<semaphore_mem>>) src(%dma_wait3A_446 : memref<10240x128xf32, #tpu.memory_space<hbm>>) dst(%arg11 : memref<64x128xf32, #tpu.memory_space<vmem>>)
    %dma_start3A_447 = arith.constant 37 : i32
    %dma_start3A_448 = arith.constant 0 : i32
    %dma_start3A_449 = tpu.memref_slice %arg8[%dma_start3A_447, %dma_start3A_448] : memref<40x64xi32, #tpu.memory_space<vmem>> -> memref<1x64xi32, #tpu.memory_space<vmem>>
    %dma_start3A_450 = tpu.memref_squeeze %dma_start3A_449 : memref<1x64xi32, #tpu.memory_space<vmem>> -> memref<64xi32, #tpu.memory_space<vmem>>
    %dma_start3A_451 = arith.constant 0 : i32
    %dma_start3A_452 = arith.constant 0 : i32
    %dma_start3A_453 = tpu.memref_slice %arg9[%dma_start3A_451, %dma_start3A_452] : memref<10240x128xf32, #tpu.memory_space<vmem_shared>> -> memref<10240x128xf32, #tpu.memory_space<vmem_shared>>
    tpu.enqueue_indirect_dma source(%arg11 : memref<64x128xf32, #tpu.memory_space<vmem>>) target(%dma_start3A_453 : memref<10240x128xf32, #tpu.memory_space<vmem_shared>>) offsets(%dma_start3A_450 : memref<64xi32, #tpu.memory_space<vmem>>) semaphore(%arg19 : memref<!tpu.dma_semaphore, #tpu.memory_space<semaphore_mem>>) {add = true}
    %dma_wait3A_454 = arith.constant 0 : i32
    %dma_wait3A_455 = arith.constant 0 : i32
    %dma_wait3A_456 = tpu.memref_slice %arg7[%dma_wait3A_454, %dma_wait3A_455] : memref<40x64xi32, #tpu.memory_space<vmem>> -> memref<1x64xi32, #tpu.memory_space<vmem>>
    %dma_wait3A_457 = tpu.memref_squeeze %dma_wait3A_456 : memref<1x64xi32, #tpu.memory_space<vmem>> -> memref<64xi32, #tpu.memory_space<vmem>>
    %dma_wait3A_458 = arith.constant 0 : i32
    %dma_wait3A_459 = arith.constant 0 : i32
    %dma_wait3A_460 = tpu.memref_slice %arg2[%dma_wait3A_458, %dma_wait3A_459] : memref<10240x128xf32, #tpu.memory_space<hbm>> -> memref<10240x128xf32, #tpu.memory_space<hbm>>
    tpu.wait_indirect_dma semaphore(%arg16 : memref<!tpu.dma_semaphore, #tpu.memory_space<semaphore_mem>>) src(%dma_wait3A_460 : memref<10240x128xf32, #tpu.memory_space<hbm>>) dst(%arg12 : memref<64x128xf32, #tpu.memory_space<vmem>>)
    %dma_start3A_461 = arith.constant 38 : i32
    %dma_start3A_462 = arith.constant 0 : i32
    %dma_start3A_463 = tpu.memref_slice %arg8[%dma_start3A_461, %dma_start3A_462] : memref<40x64xi32, #tpu.memory_space<vmem>> -> memref<1x64xi32, #tpu.memory_space<vmem>>
    %dma_start3A_464 = tpu.memref_squeeze %dma_start3A_463 : memref<1x64xi32, #tpu.memory_space<vmem>> -> memref<64xi32, #tpu.memory_space<vmem>>
    %dma_start3A_465 = arith.constant 0 : i32
    %dma_start3A_466 = arith.constant 0 : i32
    %dma_start3A_467 = tpu.memref_slice %arg9[%dma_start3A_465, %dma_start3A_466] : memref<10240x128xf32, #tpu.memory_space<vmem_shared>> -> memref<10240x128xf32, #tpu.memory_space<vmem_shared>>
    tpu.enqueue_indirect_dma source(%arg12 : memref<64x128xf32, #tpu.memory_space<vmem>>) target(%dma_start3A_467 : memref<10240x128xf32, #tpu.memory_space<vmem_shared>>) offsets(%dma_start3A_464 : memref<64xi32, #tpu.memory_space<vmem>>) semaphore(%arg20 : memref<!tpu.dma_semaphore, #tpu.memory_space<semaphore_mem>>) {add = true}
    %dma_wait3A_468 = arith.constant 0 : i32
    %dma_wait3A_469 = arith.constant 0 : i32
    %dma_wait3A_470 = tpu.memref_slice %arg7[%dma_wait3A_468, %dma_wait3A_469] : memref<40x64xi32, #tpu.memory_space<vmem>> -> memref<1x64xi32, #tpu.memory_space<vmem>>
    %dma_wait3A_471 = tpu.memref_squeeze %dma_wait3A_470 : memref<1x64xi32, #tpu.memory_space<vmem>> -> memref<64xi32, #tpu.memory_space<vmem>>
    %dma_wait3A_472 = arith.constant 0 : i32
    %dma_wait3A_473 = arith.constant 0 : i32
    %dma_wait3A_474 = tpu.memref_slice %arg2[%dma_wait3A_472, %dma_wait3A_473] : memref<10240x128xf32, #tpu.memory_space<hbm>> -> memref<10240x128xf32, #tpu.memory_space<hbm>>
    tpu.wait_indirect_dma semaphore(%arg17 : memref<!tpu.dma_semaphore, #tpu.memory_space<semaphore_mem>>) src(%dma_wait3A_474 : memref<10240x128xf32, #tpu.memory_space<hbm>>) dst(%arg13 : memref<64x128xf32, #tpu.memory_space<vmem>>)
    %dma_start3A_475 = arith.constant 39 : i32
    %dma_start3A_476 = arith.constant 0 : i32
    %dma_start3A_477 = tpu.memref_slice %arg8[%dma_start3A_475, %dma_start3A_476] : memref<40x64xi32, #tpu.memory_space<vmem>> -> memref<1x64xi32, #tpu.memory_space<vmem>>
    %dma_start3A_478 = tpu.memref_squeeze %dma_start3A_477 : memref<1x64xi32, #tpu.memory_space<vmem>> -> memref<64xi32, #tpu.memory_space<vmem>>
    %dma_start3A_479 = arith.constant 0 : i32
    %dma_start3A_480 = arith.constant 0 : i32
    %dma_start3A_481 = tpu.memref_slice %arg9[%dma_start3A_479, %dma_start3A_480] : memref<10240x128xf32, #tpu.memory_space<vmem_shared>> -> memref<10240x128xf32, #tpu.memory_space<vmem_shared>>
    tpu.enqueue_indirect_dma source(%arg13 : memref<64x128xf32, #tpu.memory_space<vmem>>) target(%dma_start3A_481 : memref<10240x128xf32, #tpu.memory_space<vmem_shared>>) offsets(%dma_start3A_478 : memref<64xi32, #tpu.memory_space<vmem>>) semaphore(%arg21 : memref<!tpu.dma_semaphore, #tpu.memory_space<semaphore_mem>>) {add = true}
    %dma_wait3A_482 = arith.constant 0 : i32
    %dma_wait3A_483 = arith.constant 0 : i32
    %dma_wait3A_484 = tpu.memref_slice %arg8[%dma_wait3A_482, %dma_wait3A_483] : memref<40x64xi32, #tpu.memory_space<vmem>> -> memref<1x64xi32, #tpu.memory_space<vmem>>
    %dma_wait3A_485 = tpu.memref_squeeze %dma_wait3A_484 : memref<1x64xi32, #tpu.memory_space<vmem>> -> memref<64xi32, #tpu.memory_space<vmem>>
    %dma_wait3A_486 = arith.constant 0 : i32
    %dma_wait3A_487 = arith.constant 0 : i32
    %dma_wait3A_488 = tpu.memref_slice %arg9[%dma_wait3A_486, %dma_wait3A_487] : memref<10240x128xf32, #tpu.memory_space<vmem_shared>> -> memref<10240x128xf32, #tpu.memory_space<vmem_shared>>
    tpu.wait_indirect_dma semaphore(%arg18 : memref<!tpu.dma_semaphore, #tpu.memory_space<semaphore_mem>>) src(%arg10 : memref<64x128xf32, #tpu.memory_space<vmem>>) dst(%dma_wait3A_488 : memref<10240x128xf32, #tpu.memory_space<vmem_shared>>)
    %dma_wait3A_489 = arith.constant 0 : i32
    %dma_wait3A_490 = arith.constant 0 : i32
    %dma_wait3A_491 = tpu.memref_slice %arg8[%dma_wait3A_489, %dma_wait3A_490] : memref<40x64xi32, #tpu.memory_space<vmem>> -> memref<1x64xi32, #tpu.memory_space<vmem>>
    %dma_wait3A_492 = tpu.memref_squeeze %dma_wait3A_491 : memref<1x64xi32, #tpu.memory_space<vmem>> -> memref<64xi32, #tpu.memory_space<vmem>>
    %dma_wait3A_493 = arith.constant 0 : i32
    %dma_wait3A_494 = arith.constant 0 : i32
    %dma_wait3A_495 = tpu.memref_slice %arg9[%dma_wait3A_493, %dma_wait3A_494] : memref<10240x128xf32, #tpu.memory_space<vmem_shared>> -> memref<10240x128xf32, #tpu.memory_space<vmem_shared>>
    tpu.wait_indirect_dma semaphore(%arg19 : memref<!tpu.dma_semaphore, #tpu.memory_space<semaphore_mem>>) src(%arg11 : memref<64x128xf32, #tpu.memory_space<vmem>>) dst(%dma_wait3A_495 : memref<10240x128xf32, #tpu.memory_space<vmem_shared>>)
    %dma_wait3A_496 = arith.constant 0 : i32
    %dma_wait3A_497 = arith.constant 0 : i32
    %dma_wait3A_498 = tpu.memref_slice %arg8[%dma_wait3A_496, %dma_wait3A_497] : memref<40x64xi32, #tpu.memory_space<vmem>> -> memref<1x64xi32, #tpu.memory_space<vmem>>
    %dma_wait3A_499 = tpu.memref_squeeze %dma_wait3A_498 : memref<1x64xi32, #tpu.memory_space<vmem>> -> memref<64xi32, #tpu.memory_space<vmem>>
    %dma_wait3A_500 = arith.constant 0 : i32
    %dma_wait3A_501 = arith.constant 0 : i32
    %dma_wait3A_502 = tpu.memref_slice %arg9[%dma_wait3A_500, %dma_wait3A_501] : memref<10240x128xf32, #tpu.memory_space<vmem_shared>> -> memref<10240x128xf32, #tpu.memory_space<vmem_shared>>
    tpu.wait_indirect_dma semaphore(%arg20 : memref<!tpu.dma_semaphore, #tpu.memory_space<semaphore_mem>>) src(%arg12 : memref<64x128xf32, #tpu.memory_space<vmem>>) dst(%dma_wait3A_502 : memref<10240x128xf32, #tpu.memory_space<vmem_shared>>)
    %dma_wait3A_503 = arith.constant 0 : i32
    %dma_wait3A_504 = arith.constant 0 : i32
    %dma_wait3A_505 = tpu.memref_slice %arg8[%dma_wait3A_503, %dma_wait3A_504] : memref<40x64xi32, #tpu.memory_space<vmem>> -> memref<1x64xi32, #tpu.memory_space<vmem>>
    %dma_wait3A_506 = tpu.memref_squeeze %dma_wait3A_505 : memref<1x64xi32, #tpu.memory_space<vmem>> -> memref<64xi32, #tpu.memory_space<vmem>>
    %dma_wait3A_507 = arith.constant 0 : i32
    %dma_wait3A_508 = arith.constant 0 : i32
    %dma_wait3A_509 = tpu.memref_slice %arg9[%dma_wait3A_507, %dma_wait3A_508] : memref<10240x128xf32, #tpu.memory_space<vmem_shared>> -> memref<10240x128xf32, #tpu.memory_space<vmem_shared>>
    tpu.wait_indirect_dma semaphore(%arg21 : memref<!tpu.dma_semaphore, #tpu.memory_space<semaphore_mem>>) src(%arg13 : memref<64x128xf32, #tpu.memory_space<vmem>>) dst(%dma_wait3A_509 : memref<10240x128xf32, #tpu.memory_space<vmem_shared>>)
    %barrier3A_510 = arith.constant 0 : index
    tpu.barrier barrier_id(%barrier3A_510)
    %mul3A_511 = arith.constant 640 : i32
    %mul3A_512 = arith.muli %arg1, %mul3A_511 : i32
    %mul3A_513 = arith.constant 640 : i32
    %mul3A_514 = arith.muli %arg1, %mul3A_513 : i32
    "tpu.region"() ({
      %run_scoped3A = tpu.sem_alloc : memref<!tpu.dma_semaphore, #tpu.memory_space<semaphore_mem>>
      %dma_start3A_515 = arith.constant 0 : i32
      %dma_start3A_516 = tpu.memref_slice %arg6[%arg0, %mul3A_514, %dma_start3A_515] : memref<2x10240x128xf32, #tpu.memory_space<hbm>> -> memref<1x640x128xf32, #tpu.memory_space<hbm>>
      %dma_start3A_517 = tpu.memref_squeeze %dma_start3A_516 : memref<1x640x128xf32, #tpu.memory_space<hbm>> -> memref<640x128xf32, #tpu.memory_space<hbm>>
      %dma_start3A_518 = arith.constant 0 : i32
      %dma_start3A_519 = tpu.memref_slice %arg9[%mul3A_512, %dma_start3A_518] : memref<10240x128xf32, #tpu.memory_space<vmem_shared>> -> memref<640x128xf32, #tpu.memory_space<vmem_shared>>
      tpu.enqueue_dma source(%dma_start3A_519 : memref<640x128xf32, #tpu.memory_space<vmem_shared>>) target(%dma_start3A_517 : memref<640x128xf32, #tpu.memory_space<hbm>>) target_semaphore(%run_scoped3A : memref<!tpu.dma_semaphore, #tpu.memory_space<semaphore_mem>>)
      %dma_wait3A_520 = arith.constant 0 : i32
      %dma_wait3A_521 = tpu.memref_slice %arg6[%arg0, %mul3A_514, %dma_wait3A_520] : memref<2x10240x128xf32, #tpu.memory_space<hbm>> -> memref<1x640x128xf32, #tpu.memory_space<hbm>>
      %dma_wait3A_522 = tpu.memref_squeeze %dma_wait3A_521 : memref<1x640x128xf32, #tpu.memory_space<hbm>> -> memref<640x128xf32, #tpu.memory_space<hbm>>
      %dma_wait3A_523 = arith.constant 0 : i32
      %dma_wait3A_524 = tpu.memref_slice %arg9[%mul3A_512, %dma_wait3A_523] : memref<10240x128xf32, #tpu.memory_space<vmem_shared>> -> memref<640x128xf32, #tpu.memory_space<vmem_shared>>
      tpu.wait_dma2 semaphore(%run_scoped3A : memref<!tpu.dma_semaphore, #tpu.memory_space<semaphore_mem>>) src(%dma_wait3A_524 : memref<640x128xf32, #tpu.memory_space<vmem_shared>>) dst(%dma_wait3A_522 : memref<640x128xf32, #tpu.memory_space<hbm>>)
      tpu.yield
    }) : () -> ()
    return
  }
}

module attributes {stable_mosaic.version = 14 : i64} {
  func.func @_tcmm_body(%arg0: i32, %arg1: memref<1280x128xf32, #tpu.memory_space<vmem>>, %arg2: memref<128x128xf32, #tpu.memory_space<vmem>>, %arg3: memref<1280x128xf32, #tpu.memory_space<vmem>>) attributes {dimension_semantics = [#tpu.dimension_semantics<arbitrary>], iteration_bounds = array<i64: 8>, scalar_prefetch = 0 : i64, scratch_operands = 0 : i64, tpu.core_type = #tpu.core_type<tc>, window_params = [{transform_indices = @transform_0, window_bounds = array<i64: 1280, 128>}, {pipeline_mode = #tpu.pipeline_mode<synchronous>, transform_indices = @transform_1, window_bounds = array<i64: 128, 128>}, {transform_indices = @transform_2, window_bounds = array<i64: 1280, 128>}]} {
    %get3A = arith.constant 0 : index
    %get3A_0 = arith.constant 0 : index
    %get3A_1 = vector.load %arg1[%get3A, %get3A_0] : memref<1280x128xf32, #tpu.memory_space<vmem>>, vector<1280x128xf32>
    %get3A_2 = arith.constant 0 : index
    %get3A_3 = arith.constant 0 : index
    %get3A_4 = vector.load %arg2[%get3A_2, %get3A_3] : memref<128x128xf32, #tpu.memory_space<vmem>>, vector<128x128xf32>
    %dot_general3A = arith.constant dense<0.000000e+00> : vector<1280x128xf32>
    %dot_general3A_5 = tpu.matmul %get3A_1, %get3A_4, %dot_general3A {dimension_numbers = #tpu.dot_dimension_numbers<[1], [0], [0], [1], [0, 0, 1, 1], [], []>, transpose_lhs_hint = false} : vector<1280x128xf32>, vector<128x128xf32>, vector<1280x128xf32> -> vector<1280x128xf32>
    %swap3A = arith.constant 0 : index
    %swap3A_6 = arith.constant 0 : index
    %swap3A_7 = vector.load %arg3[%swap3A, %swap3A_6] : memref<1280x128xf32, #tpu.memory_space<vmem>>, vector<1280x128xf32>
    tpu.vector_store %arg3[%swap3A, %swap3A_6], %dot_general3A_5 {strides = array<i32>} : memref<1280x128xf32, #tpu.memory_space<vmem>>, vector<1280x128xf32>,
    return
  }
  func.func @transform_0(%arg0: i32) -> (i32, i32) {
    %c0_i32 = arith.constant 0 : i32
    %c0_i32_0 = arith.constant 0 : i32
    return %arg0, %c0_i32 : i32, i32
  }
  func.func @transform_1(%arg0: i32) -> (i32, i32) {
    %c0_i32 = arith.constant 0 : i32
    %c0_i32_0 = arith.constant 0 : i32
    %c0_i32_1 = arith.constant 0 : i32
    return %c0_i32, %c0_i32_0 : i32, i32
  }
  func.func @transform_2(%arg0: i32) -> (i32, i32) {
    %c0_i32 = arith.constant 0 : i32
    %c0_i32_0 = arith.constant 0 : i32
    return %arg0, %c0_i32 : i32, i32
  }
}

module attributes {stable_mosaic.version = 14 : i64} {
  func.func @_tcscale_body(%arg0: i32, %arg1: memref<1280x128xf32, #tpu.memory_space<vmem>>, %arg2: memref<1280x128xf32, #tpu.memory_space<vmem>>, %arg3: memref<1280x128xf32, #tpu.memory_space<vmem>>) attributes {dimension_semantics = [#tpu.dimension_semantics<arbitrary>], iteration_bounds = array<i64: 8>, scalar_prefetch = 0 : i64, scratch_operands = 0 : i64, tpu.core_type = #tpu.core_type<tc>, window_params = [{transform_indices = @transform_0, window_bounds = array<i64: 1280, 128>}, {transform_indices = @transform_1, window_bounds = array<i64: 1280, 128>}, {transform_indices = @transform_2, window_bounds = array<i64: 1280, 128>}]} {
    %get3A = arith.constant 0 : index
    %get3A_0 = arith.constant 0 : index
    %get3A_1 = vector.load %arg1[%get3A, %get3A_0] : memref<1280x128xf32, #tpu.memory_space<vmem>>, vector<1280x128xf32>
    %get3A_2 = arith.constant 0 : index
    %get3A_3 = arith.constant 0 : index
    %get3A_4 = vector.load %arg2[%get3A_2, %get3A_3] : memref<1280x128xf32, #tpu.memory_space<vmem>>, vector<1280x128xf32>
    %mul3A = arith.mulf %get3A_1, %get3A_4 : vector<1280x128xf32>
    %swap3A = arith.constant 0 : index
    %swap3A_5 = arith.constant 0 : index
    %swap3A_6 = vector.load %arg3[%swap3A, %swap3A_5] : memref<1280x128xf32, #tpu.memory_space<vmem>>, vector<1280x128xf32>
    tpu.vector_store %arg3[%swap3A, %swap3A_5], %mul3A {strides = array<i32>} : memref<1280x128xf32, #tpu.memory_space<vmem>>, vector<1280x128xf32>,
    return
  }
  func.func @transform_0(%arg0: i32) -> (i32, i32) {
    %c0_i32 = arith.constant 0 : i32
    %c0_i32_0 = arith.constant 0 : i32
    return %arg0, %c0_i32 : i32, i32
  }
  func.func @transform_1(%arg0: i32) -> (i32, i32) {
    %c0_i32 = arith.constant 0 : i32
    %c0_i32_0 = arith.constant 0 : i32
    return %arg0, %c0_i32 : i32, i32
  }
  func.func @transform_2(%arg0: i32) -> (i32, i32) {
    %c0_i32 = arith.constant 0 : i32
    %c0_i32_0 = arith.constant 0 : i32
    return %arg0, %c0_i32 : i32, i32
  }
}

module attributes {stable_mosaic.version = 14 : i64} {
  func.func @_tc2_body(%arg0: i32, %arg1: memref<2x1280x128xf32, #tpu.memory_space<vmem>>, %arg2: memref<1280x128xf32, #tpu.memory_space<vmem>>, %arg3: memref<1280x128xf32, #tpu.memory_space<vmem>>, %arg4: memref<1280x128xf32, #tpu.memory_space<vmem>>) attributes {dimension_semantics = [#tpu.dimension_semantics<arbitrary>], iteration_bounds = array<i64: 8>, scalar_prefetch = 0 : i64, scratch_operands = 0 : i64, tpu.core_type = #tpu.core_type<tc>, window_params = [{transform_indices = @transform_0, window_bounds = array<i64: 2, 1280, 128>}, {transform_indices = @transform_1, window_bounds = array<i64: 1280, 128>}, {transform_indices = @transform_2, window_bounds = array<i64: 1280, 128>}, {transform_indices = @transform_3, window_bounds = array<i64: 1280, 128>}]} {
    %get3A = arith.constant 0 : index
    %get3A_0 = arith.constant 0 : index
    %get3A_1 = vector.load %arg2[%get3A, %get3A_0] : memref<1280x128xf32, #tpu.memory_space<vmem>>, vector<1280x128xf32>
    %get3A_2 = arith.constant 0 : index
    %get3A_3 = arith.constant 0 : index
    %get3A_4 = arith.constant 0 : index
    %get3A_5 = vector.load %arg1[%get3A_2, %get3A_3, %get3A_4] : memref<2x1280x128xf32, #tpu.memory_space<vmem>>, vector<1x1280x128xf32>
    %get3A_6 = vector.shape_cast %get3A_5 : vector<1x1280x128xf32> to vector<1280x128xf32>
    %get3A_7 = arith.constant 1 : index
    %get3A_8 = arith.constant 0 : index
    %get3A_9 = arith.constant 0 : index
    %get3A_10 = vector.load %arg1[%get3A_7, %get3A_8, %get3A_9] : memref<2x1280x128xf32, #tpu.memory_space<vmem>>, vector<1x1280x128xf32>
    %get3A_11 = vector.shape_cast %get3A_10 : vector<1x1280x128xf32> to vector<1280x128xf32>
    %add3A = arith.addf %get3A_6, %get3A_11 : vector<1280x128xf32>
    %mul3A = arith.mulf %add3A, %get3A_1 : vector<1280x128xf32>
    %swap3A = arith.constant 0 : index
    %swap3A_12 = arith.constant 0 : index
    %swap3A_13 = vector.load %arg3[%swap3A, %swap3A_12] : memref<1280x128xf32, #tpu.memory_space<vmem>>, vector<1280x128xf32>
    tpu.vector_store %arg3[%swap3A, %swap3A_12], %mul3A {strides = array<i32>} : memref<1280x128xf32, #tpu.memory_space<vmem>>, vector<1280x128xf32>,
    %mul3A_14 = arith.mulf %mul3A, %get3A_1 : vector<1280x128xf32>
    %swap3A_15 = arith.constant 0 : index
    %swap3A_16 = arith.constant 0 : index
    %swap3A_17 = vector.load %arg4[%swap3A_15, %swap3A_16] : memref<1280x128xf32, #tpu.memory_space<vmem>>, vector<1280x128xf32>
    tpu.vector_store %arg4[%swap3A_15, %swap3A_16], %mul3A_14 {strides = array<i32>} : memref<1280x128xf32, #tpu.memory_space<vmem>>, vector<1280x128xf32>,
    return
  }
  func.func @transform_0(%arg0: i32) -> (i32, i32, i32) {
    %c0_i32 = arith.constant 0 : i32
    %c0_i32_0 = arith.constant 0 : i32
    %c0_i32_1 = arith.constant 0 : i32
    return %c0_i32, %arg0, %c0_i32_0 : i32, i32, i32
  }
  func.func @transform_1(%arg0: i32) -> (i32, i32) {
    %c0_i32 = arith.constant 0 : i32
    %c0_i32_0 = arith.constant 0 : i32
    return %arg0, %c0_i32 : i32, i32
  }
  func.func @transform_2(%arg0: i32) -> (i32, i32) {
    %c0_i32 = arith.constant 0 : i32
    %c0_i32_0 = arith.constant 0 : i32
    return %arg0, %c0_i32 : i32, i32
  }
  func.func @transform_3(%arg0: i32) -> (i32, i32) {
    %c0_i32 = arith.constant 0 : i32
    %c0_i32_0 = arith.constant 0 : i32
    return %arg0, %c0_i32 : i32, i32
  }
}

module attributes {stable_mosaic.version = 14 : i64} {
  func.func @_tc3_body(%arg0: i32, %arg1: memref<2x1000x128xf32, #tpu.memory_space<vmem>>, %arg2: memref<1000x128xf32, #tpu.memory_space<vmem>>, %arg3: memref<1000x128xf32, #tpu.memory_space<vmem>>, %arg4: memref<2xf32, #tpu.memory_space<smem>>, %arg5: memref<1000x128xf32, #tpu.memory_space<vmem>>) attributes {dimension_semantics = [#tpu.dimension_semantics<arbitrary>], iteration_bounds = array<i64: 10>, scalar_prefetch = 0 : i64, scratch_operands = 0 : i64, tpu.core_type = #tpu.core_type<tc>, window_params = [{transform_indices = @transform_0, window_bounds = array<i64: 2, 1000, 128>}, {transform_indices = @transform_1, window_bounds = array<i64: 1000, 128>}, {transform_indices = @transform_2, window_bounds = array<i64: 1000, 128>}, {transform_indices = @transform_3, window_bounds = array<i64: 2>}, {transform_indices = @transform_4, window_bounds = array<i64: 1000, 128>}]} {
    %get3A = arith.constant 0 : index
    %get3A_0 = arith.constant 0 : index
    %get3A_1 = arith.constant 0 : index
    %get3A_2 = vector.load %arg1[%get3A, %get3A_0, %get3A_1] : memref<2x1000x128xf32, #tpu.memory_space<vmem>>, vector<1x1000x128xf32>
    %get3A_3 = vector.shape_cast %get3A_2 : vector<1x1000x128xf32> to vector<1000x128xf32>
    %get3A_4 = arith.constant 1 : index
    %get3A_5 = arith.constant 0 : index
    %get3A_6 = arith.constant 0 : index
    %get3A_7 = vector.load %arg1[%get3A_4, %get3A_5, %get3A_6] : memref<2x1000x128xf32, #tpu.memory_space<vmem>>, vector<1x1000x128xf32>
    %get3A_8 = vector.shape_cast %get3A_7 : vector<1x1000x128xf32> to vector<1000x128xf32>
    %add3A = arith.addf %get3A_3, %get3A_8 : vector<1000x128xf32>
    %get3A_9 = arith.constant 0 : index
    %get3A_10 = arith.constant 0 : index
    %get3A_11 = vector.load %arg3[%get3A_9, %get3A_10] : memref<1000x128xf32, #tpu.memory_space<vmem>>, vector<1000x128xf32>
    %mul3A = arith.mulf %add3A, %get3A_11 : vector<1000x128xf32>
    %get3A_12 = arith.constant 0 : index
    %get3A_13 = memref.load %arg4[%get3A_12] : memref<2xf32, #tpu.memory_space<smem>>
    %get3A_14 = arith.constant 0 : index
    %get3A_15 = arith.constant 0 : index
    %get3A_16 = vector.load %arg2[%get3A_14, %get3A_15] : memref<1000x128xf32, #tpu.memory_space<vmem>>, vector<1000x128xf32>
    %mul3A_17 = vector.broadcast %get3A_13 : f32 to vector<1000x128xf32>
    %mul3A_18 = arith.mulf %mul3A_17, %get3A_16 : vector<1000x128xf32>
    %get3A_19 = arith.constant 1 : index
    %get3A_20 = memref.load %arg4[%get3A_19] : memref<2xf32, #tpu.memory_space<smem>>
    %mul3A_21 = vector.broadcast %get3A_20 : f32 to vector<1000x128xf32>
    %mul3A_22 = arith.mulf %mul3A_21, %mul3A : vector<1000x128xf32>
    %add3A_23 = arith.addf %mul3A_18, %mul3A_22 : vector<1000x128xf32>
    %swap3A = arith.constant 0 : index
    %swap3A_24 = arith.constant 0 : index
    %swap3A_25 = vector.load %arg5[%swap3A, %swap3A_24] : memref<1000x128xf32, #tpu.memory_space<vmem>>, vector<1000x128xf32>
    tpu.vector_store %arg5[%swap3A, %swap3A_24], %add3A_23 {strides = array<i32>} : memref<1000x128xf32, #tpu.memory_space<vmem>>, vector<1000x128xf32>,
    return
  }
  func.func @transform_0(%arg0: i32) -> (i32, i32, i32) {
    %c0_i32 = arith.constant 0 : i32
    %c0_i32_0 = arith.constant 0 : i32
    %c0_i32_1 = arith.constant 0 : i32
    return %c0_i32, %arg0, %c0_i32_0 : i32, i32, i32
  }
  func.func @transform_1(%arg0: i32) -> (i32, i32) {
    %c0_i32 = arith.constant 0 : i32
    %c0_i32_0 = arith.constant 0 : i32
    return %arg0, %c0_i32 : i32, i32
  }
  func.func @transform_2(%arg0: i32) -> (i32, i32) {
    %c0_i32 = arith.constant 0 : i32
    %c0_i32_0 = arith.constant 0 : i32
    return %arg0, %c0_i32 : i32, i32
  }
  func.func @transform_3(%arg0: i32) -> i32 {
    %c0_i32 = arith.constant 0 : i32
    %c0_i32_0 = arith.constant 0 : i32
    return %c0_i32 : i32
  }
  func.func @transform_4(%arg0: i32) -> (i32, i32) {
    %c0_i32 = arith.constant 0 : i32
    %c0_i32_0 = arith.constant 0 : i32
    return %arg0, %c0_i32 : i32, i32
  }
}

</mosaic_0001>

<sc_bundles>
// kernel: kernel.12.cloned.1.call-start
scs
__scs_entry_jumppad:
0x0: {  	(pc) =	sbr.rel $0x88, $3  }
0x1: {  	(tag) =	ssettag $0x0;
	lr =	simm.s32 $0x1  }
0x2: {  	[smem:$0x3F9D] =	sst lr;
	_ =	strace $0xD0000000  }
0x3: {  	_ = 	snop  }
0x4: {  	_ = 	snop  }
0x5: {  	_ = 	snop  }
0x6: {  	_ = 	snop  }
0x7: {  	_ = 	snop  }
__scs_overlays_trampoline_lowered:
0x8: {  	[smem:$0x3FAC] =	sst s0  }
0x9: {  	[smem:$0x3FAD] =	sst s1  }
0xa: {  	[smem:$0x3FAE] =	sst s2  }
0xb: {  	[smem:$0x3FAF] =	sst s3  }
0xc: {  	[smem:$0x3FB0] =	sst s4  }
0xd: {  	[smem:$0x3FB1] =	sst s5  }
0xe: {  	[smem:$0x3FB2] =	sst s6  }
0xf: {  	[smem:$0x3FB3] =	sst s7  }
0x10: {  	[smem:$0x3FB4] =	sst s8  }
0x11: {  	[smem:$0x3FB5] =	sst s9;
	s0 =	simm.s32 @!p0 $0x0  }
0x12: {  	s1 =	sld [smem:$0x3F9B];
	s0 =	simm.s32 @p0 $0x1  }
0x13: {  	[smem:$0x3FB6] =	sst s0;
	s0 =	simm.s32 @!p1 $0x0  }
0x14: {  	s2 =	sld [smem:$0x3F9A];
	s0 =	simm.s32 @p1 $0x1  }
0x15: {  	[smem:$0x3FB7] =	sst s0;
	s0 =	simm.s32 @!p2 $0x0  }
0x16: {  	s3 =	sld [smem:$0x3FDB];
	s0 =	simm.s32 @p2 $0x1  }
0x17: {  	s4 =	simm.s32 $0x1BF5;
	[smem:$0x3FB9] =	sst s0  }
0x18: {  	s0 =	sld [smem:$0x3F9C];
	_ =	swait.ge [sflag:s4], $0x0  }
0x19: {  	s7 =	sld [smem:$0x3F9D]  }
0x1a: {  	s8 =	sadd.s32 $0xFFFFE003, lr  }
0x1b: {  	s9 =	sadd.s32 $0xFFFFFEF7, lr;
	s5 =	simm.s32 $0xFFFFFFFF;
	p2 =	slt.u32 s8, $0xFFFFF086  }
0x1c: {  	p1 =	slt.u32 s9, $0xF7A;
	s5 =	simm.s32 @!p2 $0x0  }
0x1d: {  	s5 =	simm.s32 @p1 $0x1;
	p0 =	seq.s32 s7, s2  }
0x1e: {  	s7 =	smul.u32 @!p0 $0xF7A, s2;
	p2 =	seq.s32 @!p0 s5, $0x0  }
0x1f: {  	s9 =	smul.u32 $0xF7A, s1;
	s8 =	simm.s32 @!p0 $0x1BF5;
	p2 =	por !p2, p0  }
0x20: {  	[sflag:s8] =	ssyncset.s32 @!p0 $0xFFFFF086;
	s6 =	sadd.s32 @!p0 s3, s7;
	s7 =	simm.s32 @!p0 $0x108  }
0x21: {  	s3 =	sadd.s32 s3, s9;
	s6 =	sadd.s32 @!p0 $0x88, s6;
	s7 =	simm.s32 @p2 $0x1082  }
0x22: {  	[simem:s7], [sflag:s8] =	dma.local @!p0 [hbm:s6], $0xF7A  }
0x23: {  	s9 =	sor.u32 $0xD0000000, s2;
	s6 =	simm.s32 $0x108;
	_ =	swait.ge @!p0 [sflag:s8], $0x0  }
0x24: {  	s3 =	sadd.s32 $0x88, s3;
	s6 =	simm.s32 @!p1 $0x1082;
	[sflag:s4] =	ssyncset.s32 $0xFFFFF086  }
0x25: {  	[simem:s6], [sflag:s4] =	dma.local [hbm:s3], $0xF7A  }
0x26: {  	[smem:$0x3F9D] =	sst s1;
	(tag) =	ssettag s2;
	_ =	strace s9  }
0x27: {  	s1 =	sld [smem:$0x3FAD]  }
0x28: {  	s2 =	sld [smem:$0x3FAE]  }
0x29: {  	s4 =	sld [smem:$0x3FB0]  }
0x2a: {  	p0 =	seq.s32 s5, $0x0;
	s5 =	sld [smem:$0x3FB1]  }
0x2b: {  	s6 =	sld [smem:$0x3FB2]  }
0x2c: {  	s7 =	sld [smem:$0x3FB3]  }
0x2d: {  	s3 =	simm.s32 $0x108;
	s8 =	sld [smem:$0x3FB4]  }
0x2e: {  	s3 =	simm.s32 @!p0 $0x1082;
	s9 =	sld [smem:$0x3FB5]  }
0x2f: {  	lr =	sadd.s32 s0, s3;
	s0 =	sld [smem:$0x3FAC]  }
0x30: {  	s3 =	sld [smem:$0x3FAF]  }
0x31: {  	[smem:$0x3FB8] =	sst s10  }
0x32: {  	s10 =	sld [smem:$0x3FB6];
	_ =	sdelay $0x3  }
0x33: {  	p0 =	seq.s32 s10, $0x1;
	s10 =	sld [smem:$0x3FB8];
	_ =	sdelay $0x3  }
0x34: {  	[smem:$0x3FB8] =	sst s10  }
0x35: {  	s10 =	sld [smem:$0x3FB7];
	_ =	sdelay $0x3  }
0x36: {  	p1 =	seq.s32 s10, $0x1;
	s10 =	sld [smem:$0x3FB8];
	_ =	sdelay $0x3  }
0x37: {  	[smem:$0x3FB8] =	sst s10  }
0x38: {  	s10 =	sld [smem:$0x3FB9]  }
0x39: {  	_ = 	snop;
	(pc) =	sbr.ind lr, $3  }
0x3a: {  	_ = 	snop  }
0x3b: {  	_ = 	snop  }
0x3c: {  	p2 =	seq.s32 s10, $0x1;
	s10 =	sld [smem:$0x3FB8]  }
0x3d: {  	_ =	shalt  }
0x3e: {  	_ =	shalt  }
0x3f: {  	_ =	shalt  }
0x40: {  	_ =	shalt  }
0x41: {  	_ =	shalt  }
0x42: {  	_ =	shalt  }
0x43: {  	_ =	shalt  }
0x44: {  	_ =	shalt  }
0x45: {  	_ =	shalt  }
0x46: {  	_ =	shalt  }
0x47: {  	_ =	shalt  }
0x48: {  	_ =	shalt  }
0x49: {  	_ =	shalt  }
0x4a: {  	_ =	shalt  }
0x4b: {  	_ =	shalt  }
0x4c: {  	_ =	shalt  }
0x4d: {  	_ =	shalt  }
0x4e: {  	_ =	shalt  }
0x4f: {  	_ =	shalt  }
0x50: {  	_ =	shalt  }
0x51: {  	_ =	shalt  }
0x52: {  	_ =	shalt  }
0x53: {  	_ =	shalt  }
0x54: {  	_ =	shalt  }
0x55: {  	_ =	shalt  }
0x56: {  	_ =	shalt  }
0x57: {  	_ =	shalt  }
0x58: {  	_ =	shalt  }
0x59: {  	_ =	shalt  }
0x5a: {  	_ =	shalt  }
0x5b: {  	_ =	shalt  }
0x5c: {  	_ =	shalt  }
0x5d: {  	_ =	shalt  }
0x5e: {  	_ =	shalt  }
0x5f: {  	_ =	shalt  }
0x60: {  	_ =	shalt  }
0x61: {  	_ =	shalt  }
0x62: {  	_ =	shalt  }
0x63: {  	_ =	shalt  }
0x64: {  	_ =	shalt  }
0x65: {  	_ =	shalt  }
0x66: {  	_ =	shalt  }
0x67: {  	_ =	shalt  }
0x68: {  	_ =	shalt  }
0x69: {  	_ =	shalt  }
0x6a: {  	_ =	shalt  }
0x6b: {  	_ =	shalt  }
0x6c: {  	_ =	shalt  }
0x6d: {  	_ =	shalt  }
0x6e: {  	_ =	shalt  }
0x6f: {  	_ =	shalt  }
0x70: {  	_ =	shalt  }
0x71: {  	_ =	shalt  }
0x72: {  	_ =	shalt  }
0x73: {  	_ =	shalt  }
0x74: {  	_ =	shalt  }
0x75: {  	_ =	shalt  }
0x76: {  	_ =	shalt  }
0x77: {  	_ =	shalt  }
0x78: {  	_ =	shalt  }
0x79: {  	_ =	shalt  }
0x7a: {  	_ =	shalt  }
0x7b: {  	_ =	shalt  }
0x7c: {  	_ =	shalt  }
0x7d: {  	_ =	shalt  }
0x7e: {  	_ =	shalt  }
0x7f: {  	_ =	shalt  }
0x80: {  	_ =	shalt  }
0x81: {  	_ =	shalt  }
0x82: {  	_ =	shalt  }
0x83: {  	_ =	shalt  }
0x84: {  	_ =	shalt  }
0x85: {  	_ =	shalt  }
0x86: {  	_ =	shalt  }
0x87: {  	_ =	shalt  }
.Lfunc_end0:
.L_simem_size_0:
called_computation.1_lowered:
.L_overlay_start_0:
0x88: {  	s2 =	sld [smem:$0x3FD9]  }
0x89: {  	s3 =	sld [smem:$0x3FFE];
	_ =	sdelay $0x1  }
0x8a: {  	s1 =	srdreg.scid  }
0x8b: {  	s0 =	sand.u32 $0x1, s1  }
0x8c: {  	s17 =	sshll.u32 s0, $0xA;
	s2 =	sadd.s32 s3, s2  }
0x8d: {  	s2 =	sadd.s32 s2, s17  }
0x8e: {  	[smem:$0x3FC4] =	sst s2  }
0x8f: {  	_ = 	snop  }
0x90: {  	s2 =	sld [smem:$0x3FD0];
	(tm) =	ssettm $0x1  }
0x91: {  	s18 =	sld [smem:$0x3FFB];
	_ =	sdelay $0x3  }
0x92: {  	_ =	strace s18  }
0x93: {  	s3 =	sld [smem:$0x3FFC];
	_ =	sdelay $0x3  }
0x94: {  	_ =	strace s3  }
0x95: {  	s3 =	sld [smem:$0x3FFD];
	_ =	sdelay $0x3  }
0x96: {  	_ =	strace s3  }
0x97: {  	_ =	strace $0x8FFFFFFF  }
0x98: {  	s19 =	sld [smem:$0x3FDB];
	_ =	sdelay $0x1  }
0x99: {  	s4 =	simm.s32 $_scs_section_size  }
0x9a: {  	s5 =	simm.s32 $_size__tile_overlayer_lowered;
	s6 =	simm.s32 $_tile_overlayer_lowered  }
0x9b: {  	s22 =	simm.s32 $0x1BFF;
	s21 =	sshll.u32 s6, $0x1;
	s3 =	sadd.s32 s4, s19  }
0x9c: {  	s7 =	simm.s32 $0x0;
	s20 =	sshll.u32 s5, $0x1;
	s5 =	sadd.s32 s21, s3  }
0x9d: {  	[timem:s7], [sflag:s22] =	dma.local [hbm:s5], s20  }
0x9e: {  	_ =	swait.ge [sflag:s22], s20  }
0x9f: {  	s4 =	ssub.s32 $0x0, s20;
	[sflag:s22] =	ssyncset.done $0x0  }
0xa0: {  	[sflag:s22] =	ssyncadd.s32 s4;
	_ =	sdelay $0x1  }
0xa1: {  	s23 =	simm.s32 $0x1B8B  }
0xa2: {  	_ =	swait.ge [sflag:s23], $0x1  }
0xa3: {  	[sflag:s23] =	ssyncset.done $0x0  }
0xa4: {  	s25 =	simm.s32 $0x1B8E;
	s24 =	sld [smem:$0x3FFE];
	[sflag:s23] =	ssyncadd.s32 $0xFFFFFFFF  }
0xa5: {  	s26 =	simm.s32 $execute0_lowered;
	[smem:$0x3FD2] =	sst s25  }
0xa6: {  	s5 =	sshll.u32 s26, $0x1;
	_ =	strace $0x80000049;
	[dreg:$0x1] =	wrdreg $0xFFFFFFFF  }
0xa7: {  	s28 =	simm.s32 $_size_execute0_lowered;
	s3 =	sadd.s32 s3, s5;
	[dreg:$0x0] =	wrdreg $0x0  }
0xa8: {  	s5 =	sshll.u32 s28, $0x1;
	[dreg:$0x2] =	wrdreg s3  }
0xa9: {  	[dreg:$0x3] =	wrdreg s5  }
0xaa: {  	[dreg:$0x4] =	wrdreg $0xC0  }
0xab: {  	_ =	task [dreg:s7], $0x5FFFF  }
0xac: {  	[dreg:$0x1] =	wrdreg $0xFFFFFFFF  }
0xad: {  	[dreg:$0x0] =	wrdreg $0x60  }
0xae: {  	[dreg:$0x2] =	wrdreg s24  }
0xaf: {  	[dreg:$0x3] =	wrdreg s2  }
0xb0: {  	[dreg:$0x4] =	wrdreg $0x28000  }
0xb1: {  	[dreg:$0x5] =	wrdreg $0x9  }
0xb2: {  	_ =	task.clear_ibuf [dreg:s7], $0x6FFFF;
	_ =	strace $0x90000049  }
0xb3: {  	s29 =	simm.s32 $0x9;
	_ =	strace $0x8000004B  }
0xb4: {  	_ =	swait.ge [sflag:s29], $0x1  }
0xb5: {  	[sflag:s29] =	ssyncadd.s32 $0xFFFFFFFF  }
0xb6: {  	_ =	strace $0x9000004B  }
0xb7: {  	_ =	sfence  }
0xb8: {  	s30 =	sld [smem:$0x0];
	_ =	sdelay $0x2  }
0xb9: {  	s31 =	sshll.u32 s1, $0xD;
	s1 =	sshrl.u32 s1, $0x2  }
0xba: {  	s3 =	sand.u32 $0x4000, s31;
	s1 =	sadd.s32 s1, s30  }
0xbb: {  	s0 =	sor.u32 s3, s0;
	s1 =	sshll.u32 s1, $0x11  }
0xbc: {  	s0 =	sor.u32 s1, s0  }
0xbd: {  	s0 =	sadd.s32 $0x8F2B, s0  }
0xbe: {  	[sflag:s0] =	ssyncadd.remote.s32 $0x1  }
0xbf: {  	_ =	sfence.sel $0xFFFF  }
0xc0: {  	[dreg:$0x0] =	wrdreg $0xFFFFFFFF;
	(pc) =	sbr.abs _section_cstart, $3  }
0xc1: {  	[dreg:$0x1] =	wrdreg $0xFFFFFFFF  }
0xc2: {  	_ =	task.clear_ibuf [dreg:s7], $0x2FFFF;
	_ =	strace $0x9FFFFFFF  }
0xc3: {  	(tm) =	ssettm $0x7FFFFFFF  }
tec
execute0_lowered:
.L_overlay_start_1:
0x0: {  	(tag) =	ssettag $0x1  }
0x1: {  	s0 =	rddreg [dreg:$0x0]  }
0x2: {  	s1 =	rddreg [dreg:$0x1]  }
0x3: {  	s2 =	rddreg [dreg:$0x2];
	s13 =	stileid.u32;
	s3 =	simm.s32 $0x0  }
0x4: {  	s4 =	srdreg.scid;
	s28 =	simm.s32 $0x1C800;
	s29 =	simm.s32 $0x1  }
0x5: {  	s30 =	simm.s32 $0x2;
	s31 =	simm.s32 $0x3;
	s5 =	smul.u32 $0x14000, s13  }
0x6: {  	[smem:$0x7FF] =	sst s3;
	s6 =	sand.u32 $0x1, s4;
	s4 =	sadd.s32 $0x29400, s0  }
0x7: {  	s9 =	sadd.s32 $0x79400, s0;
	s10 =	smul.u32 $0x50000, s13;
	s17 =	sshll.u32 s13, $0x6  }
0x8: {  	s8 =	smul.u32 $0x140000, s6;
	s15 =	sshll.u32 s6, $0x4;
	s6 =	ssub.s32 $0x2, s6  }
0x9: {  	_ =	strace $0x8000004A;
	s7 =	sshrl.u32 s5, $0x3;
	s11 =	sshrl.u32 s6, $0x1  }
0xa: {  	s10 =	sshrl.u32 s10, $0x2;
	s7 =	sadd.s32 s7, s0;
	s5 =	sadd.s32 s5, s8  }
0xb: {  	s8 =	sor.u32 s13, s15;
	s16 =	ssub.s32 s6, s11;
	s10 =	sadd.s32 s10, s2  }
0xc: {  	s6 =	sor.u32 $0x1C09, s17;
	s11 =	simm.s32 $0x2700;
	s12 =	smul.u32 $0x5000, s8  }
0xd: {  	s13 =	simm.s32 $0x0;
	s5 =	sshrl.u32 s5, $0x3;
	s8 =	smul.u32 $0xA00, s8  }
0xe: {  	s7 =	sadd.s32 $0x1400, s7;
	s26 =	smax.u32 s16, $0x1;
	s17 =	sshrl.u32 s10, $0x3  }
0xf: {  	s10 =	simm.s32 $0x2680;
	s0 =	sadd.s32 s5, s0;
	[dreg:$0x4] =	wrdreg s7  }
0x10: {  	[dreg:$0xe] =	wrdreg s26;
	s26 =	simm.s32 $0x180;
	s5 =	simm.s32 $0x6  }
0x11: {  	s18 =	sshrl.u32 s12, $0x3;
	s20 =	sadd.s32 s9, s8;
	s8 =	sadd.s32 s1, s8  }
0x12: {  	s0 =	sadd.s32 $0x8D400, s0;
	s12 =	simm.s32 $0x2780;
	[dreg:$0x5] =	wrdreg s20  }
0x13: {  	s19 =	sadd.s32 $0x280, s18;
	[dreg:$0x6] =	wrdreg s8;
	s22 =	sadd.s32 $0x500, s18  }
0x14: {  	s23 =	sadd.s32 $0x780, s18;
	[dreg:$0xd] =	wrdreg s0;
	s18 =	simm.s32 $0x9  }
0x15: {  	s20 =	simm.s32 $0x40;
	s0 =	simm.s32 $0x4;
	s21 =	sadd.s32 s9, s19  }
0x16: {  	s8 =	simm.s32 $0x8;
	s7 =	sadd.s32 s1, s19;
	[dreg:$0x7] =	wrdreg s21  }
0x17: {  	s24 =	sadd.s32 s9, s22;
	s25 =	sadd.s32 s9, s23;
	[dreg:$0x8] =	wrdreg s7  }
0x18: {  	s19 =	simm.s32 $0x1400;
	s9 =	simm.s32 $0x2600;
	[dreg:$0x9] =	wrdreg s24  }
0x19: {  	s7 =	sadd.s32 s1, s22;
	[dreg:$0xb] =	wrdreg s25;
	s1 =	sadd.s32 s1, s23  }
0x1a: {  	s21 =	simm.s32 $0x16800;
	s22 =	simm.s32 $0x80;
	s23 =	simm.s32 $0x18800  }
0x1b: {  	s24 =	simm.s32 $0x100;
	s25 =	simm.s32 $0x1A800;
	[dreg:$0xa] =	wrdreg s7  }
0x1c: {  	[dreg:$0xc] =	wrdreg s1;
	s1 =	simm.s32 $0x5;
	s7 =	simm.s32 $0x7  }
.LBB2_1:
0x1d: {  	s14 =	rddreg [dreg:$0x4]  }
0x1e: {  	[spmem:s17], [sflag:s6] =	dma.local [hbm:s14], $0x2800  }
0x1f: {  	_ =	swait.ge [sflag:s18], $0x2800  }
0x20: {  	[sflag:s18] =	ssyncset.done $0x0  }
0x21: {  	[sflag:s18] =	ssyncadd.s32 $0xFFFFD800  }
0x22: {  	[bflag:$0x0] =	sbarrier.arrive $0xFFFF  }
0x23: {  	s16 =	rddreg [dreg:$0x5]  }
0x24: {  	[tilespmem:s3], [sflag:$0x9] =	stream.linear.gather [hbm4b:s16+s3], $0x1400, $0x38;
	[tilespmem:$0x1E800] =	vst v63  }
0x25: {  	_ =	swait.ge [sflag:s18], $0x1400  }
0x26: {  	[sflag:s18] =	ssyncset.done $0x0  }
0x27: {  	s15 =	rddreg [dreg:$0x6];
	[sflag:s18] =	ssyncadd.s32 $0xFFFFEC00  }
0x28: {  	[tilespmem:s19], [sflag:$0x9] =	stream.linear.gather [hbm4b:s15+s3], $0x1400, $0x38;
	[tilespmem:$0x1E800] =	vst v63  }
0x29: {  	_ =	swait.ge [sflag:s18], $0x1400  }
0x2a: {  	[sflag:s18] =	ssyncset.done $0x0  }
0x2b: {  	[sflag:s18] =	ssyncadd.s32 $0xFFFFEC00  }
0x2c: {  	[tilespmem:s21], [sflag:$0x1] =	stream.indirect.gather [hbm4b:s4+s20], $0x80, s3, s20, $0xb8;
	[tilespmem:$0x1E800] =	vst v63  }
0x2d: {  	_ = 	snop  }
0x2e: {  	[tilespmem:s23], [sflag:$0x2] =	stream.indirect.gather [hbm4b:s4+s20], $0x80, s22, s20, $0xb8;
	[tilespmem:$0x1E800] =	vst v63  }
0x2f: {  	_ = 	snop  }
0x30: {  	[tilespmem:s25], [sflag:$0x3] =	stream.indirect.gather [hbm4b:s4+s20], $0x80, s24, s20, $0xb8;
	[tilespmem:$0x1E800] =	vst v63  }
0x31: {  	_ = 	snop  }
0x32: {  	[tilespmem:s28], [sflag:$0x4] =	stream.indirect.gather [hbm4b:s4+s20], $0x80, s26, s20, $0xb8;
	[tilespmem:$0x1E800] =	vst v63  }
0x33: {  	_ =	swait.ge [sflag:s29], $0x2000  }
0x34: {  	[sflag:s29] =	ssyncset.done $0x0  }
0x35: {  	s16 =	simm.s32 $0x1400;
	[sflag:s29] =	ssyncadd.s32 $0xFFFFE000  }
0x36: {  	[spmem:s2] =	stream.indirect.scatter.add.f32 [tilespmem:s21], [sflag:$0x5], $0x80, s16, s20, $0xb8;
	[tilespmem:$0x1E800] =	vst v63  }
0x37: {  	_ =	swait.ge [sflag:s30], $0x2000  }
0x38: {  	[sflag:s30] =	ssyncset.done $0x0  }
0x39: {  	s15 =	simm.s32 $0x1480;
	[sflag:s30] =	ssyncadd.s32 $0xFFFFE000  }
0x3a: {  	[spmem:s2] =	stream.indirect.scatter.add.f32 [tilespmem:s23], [sflag:$0x6], $0x80, s15, s20, $0xb8;
	[tilespmem:$0x1E800] =	vst v63  }
0x3b: {  	_ =	swait.ge [sflag:s31], $0x2000  }
0x3c: {  	[sflag:s31] =	ssyncset.done $0x0  }
0x3d: {  	s16 =	simm.s32 $0x1500;
	[sflag:s31] =	ssyncadd.s32 $0xFFFFE000  }
0x3e: {  	[spmem:s2] =	stream.indirect.scatter.add.f32 [tilespmem:s25], [sflag:$0x7], $0x80, s16, s20, $0xb8;
	[tilespmem:$0x1E800] =	vst v63  }
0x3f: {  	_ =	swait.ge [sflag:s0], $0x2000  }
0x40: {  	[sflag:s0] =	ssyncset.done $0x0  }
0x41: {  	s15 =	simm.s32 $0x1580;
	[sflag:s0] =	ssyncadd.s32 $0xFFFFE000  }
0x42: {  	[spmem:s2] =	stream.indirect.scatter.add.f32 [tilespmem:s28], [sflag:$0x8], $0x80, s15, s20, $0xb8;
	[tilespmem:$0x1E800] =	vst v63  }
0x43: {  	_ =	swait.ge [sflag:s1], $0x2000  }
0x44: {  	[sflag:s1] =	ssyncset.done $0x0  }
0x45: {  	s16 =	simm.s32 $0x200;
	[sflag:s1] =	ssyncadd.s32 $0xFFFFE000  }
0x46: {  	[tilespmem:s21], [sflag:$0x1] =	stream.indirect.gather [hbm4b:s4+s20], $0x80, s16, s20, $0xb8;
	[tilespmem:$0x1E800] =	vst v63  }
0x47: {  	_ =	swait.ge [sflag:s5], $0x2000  }
0x48: {  	[sflag:s5] =	ssyncset.done $0x0  }
0x49: {  	s15 =	simm.s32 $0x280;
	[sflag:s5] =	ssyncadd.s32 $0xFFFFE000  }
0x4a: {  	[tilespmem:s23], [sflag:$0x2] =	stream.indirect.gather [hbm4b:s4+s20], $0x80, s15, s20, $0xb8;
	[tilespmem:$0x1E800] =	vst v63  }
0x4b: {  	_ =	swait.ge [sflag:s7], $0x2000  }
0x4c: {  	[sflag:s7] =	ssyncset.done $0x0  }
0x4d: {  	s16 =	simm.s32 $0x300;
	[sflag:s7] =	ssyncadd.s32 $0xFFFFE000  }
0x4e: {  	[tilespmem:s25], [sflag:$0x3] =	stream.indirect.gather [hbm4b:s4+s20], $0x80, s16, s20, $0xb8;
	[tilespmem:$0x1E800] =	vst v63  }
0x4f: {  	_ =	swait.ge [sflag:s8], $0x2000  }
0x50: {  	[sflag:s8] =	ssyncset.done $0x0  }
0x51: {  	s14 =	simm.s32 $0x800;
	s15 =	simm.s32 $0x380;
	[sflag:s8] =	ssyncadd.s32 $0xFFFFE000  }
.LBB2_2:
0x52: {  	[tilespmem:s28], [sflag:$0x4] =	stream.indirect.gather [hbm4b:s4+s20], $0x80, s15, s20, $0xb8;
	[tilespmem:$0x1E800] =	vst v63  }
0x53: {  	s15 =	smov.u32 s14  }
0x54: {  	p0 =	sne.s32 s14, $0x4000;
	s14 =	sadd.s32 $0x800, s14;
	_ =	swait.ge [sflag:s29], $0x2000  }
0x55: {  	s15 =	sshra.s32 s15, $0x2;
	[sflag:s29] =	ssyncset.done $0x0  }
0x56: {  	s16 =	sadd.s32 $0x1400, s15;
	[sflag:s29] =	ssyncadd.s32 $0xFFFFE000  }
0x57: {  	[spmem:s2] =	stream.indirect.scatter.add.f32 [tilespmem:s21], [sflag:$0x5], $0x80, s16, s20, $0xb8;
	[tilespmem:$0x1E800] =	vst v63  }
0x58: {  	_ =	swait.ge [sflag:s30], $0x2000  }
0x59: {  	[sflag:s30] =	ssyncset.done $0x0  }
0x5a: {  	s16 =	sadd.s32 $0x1480, s15;
	[sflag:s30] =	ssyncadd.s32 $0xFFFFE000  }
0x5b: {  	[spmem:s2] =	stream.indirect.scatter.add.f32 [tilespmem:s23], [sflag:$0x6], $0x80, s16, s20, $0xb8;
	[tilespmem:$0x1E800] =	vst v63  }
0x5c: {  	_ =	swait.ge [sflag:s31], $0x2000  }
0x5d: {  	[sflag:s31] =	ssyncset.done $0x0  }
0x5e: {  	s16 =	sadd.s32 $0x1500, s15;
	[sflag:s31] =	ssyncadd.s32 $0xFFFFE000  }
0x5f: {  	[spmem:s2] =	stream.indirect.scatter.add.f32 [tilespmem:s25], [sflag:$0x7], $0x80, s16, s20, $0xb8;
	[tilespmem:$0x1E800] =	vst v63  }
0x60: {  	_ =	swait.ge [sflag:s0], $0x2000  }
0x61: {  	[sflag:s0] =	ssyncset.done $0x0  }
0x62: {  	s16 =	sadd.s32 $0x1580, s15;
	[sflag:s0] =	ssyncadd.s32 $0xFFFFE000  }
0x63: {  	[spmem:s2] =	stream.indirect.scatter.add.f32 [tilespmem:s28], [sflag:$0x8], $0x80, s16, s20, $0xb8;
	[tilespmem:$0x1E800] =	vst v63  }
0x64: {  	_ =	swait.ge [sflag:s1], $0x2000  }
0x65: {  	[sflag:s1] =	ssyncset.done $0x0  }
0x66: {  	s16 =	sadd.s32 $0x200, s15;
	[sflag:s1] =	ssyncadd.s32 $0xFFFFE000  }
0x67: {  	[tilespmem:s21], [sflag:$0x1] =	stream.indirect.gather [hbm4b:s4+s20], $0x80, s16, s20, $0xb8;
	[tilespmem:$0x1E800] =	vst v63  }
0x68: {  	_ =	swait.ge [sflag:s5], $0x2000  }
0x69: {  	[sflag:s5] =	ssyncset.done $0x0  }
0x6a: {  	s16 =	sadd.s32 $0x280, s15;
	[sflag:s5] =	ssyncadd.s32 $0xFFFFE000  }
0x6b: {  	[tilespmem:s23], [sflag:$0x2] =	stream.indirect.gather [hbm4b:s4+s20], $0x80, s16, s20, $0xb8;
	[tilespmem:$0x1E800] =	vst v63  }
0x6c: {  	_ =	swait.ge [sflag:s7], $0x2000  }
0x6d: {  	[sflag:s7] =	ssyncset.done $0x0  }
.Ltmp0:
0x6e: {  	s16 =	sadd.s32 $0x300, s15;
	[sflag:s7] =	ssyncadd.s32 $0xFFFFE000;
	(pc) =	sbr.rel @p0 .LBB2_2-.Ltmp0, $4  }
0x6f: {  	[tilespmem:s25], [sflag:$0x3] =	stream.indirect.gather [hbm4b:s4+s20], $0x80, s16, s20, $0xb8;
	[tilespmem:$0x1E800] =	vst v63  }
0x70: {  	_ =	swait.ge [sflag:s8], $0x2000  }
0x71: {  	[sflag:s8] =	ssyncset.done $0x0  }
0x72: {  	s15 =	sadd.s32 $0x380, s15;
	[sflag:s8] =	ssyncadd.s32 $0xFFFFE000  }
0x73: {  	[tilespmem:s28], [sflag:$0x4] =	stream.indirect.gather [hbm4b:s4+s20], $0x80, s15, s20, $0xb8;
	[tilespmem:$0x1E800] =	vst v63  }
0x74: {  	_ =	swait.ge [sflag:s29], $0x2000  }
0x75: {  	[sflag:s29] =	ssyncset.done $0x0  }
0x76: {  	[sflag:s29] =	ssyncadd.s32 $0xFFFFE000  }
0x77: {  	[spmem:s2] =	stream.indirect.scatter.add.f32 [tilespmem:s21], [sflag:$0x5], $0x80, s9, s20, $0xb8;
	[tilespmem:$0x1E800] =	vst v63  }
0x78: {  	_ =	swait.ge [sflag:s30], $0x2000  }
0x79: {  	[sflag:s30] =	ssyncset.done $0x0  }
0x7a: {  	[sflag:s30] =	ssyncadd.s32 $0xFFFFE000  }
0x7b: {  	[spmem:s2] =	stream.indirect.scatter.add.f32 [tilespmem:s23], [sflag:$0x6], $0x80, s10, s20, $0xb8;
	[tilespmem:$0x1E800] =	vst v63  }
0x7c: {  	_ =	swait.ge [sflag:s31], $0x2000  }
0x7d: {  	[sflag:s31] =	ssyncset.done $0x0  }
0x7e: {  	[sflag:s31] =	ssyncadd.s32 $0xFFFFE000  }
0x7f: {  	[spmem:s2] =	stream.indirect.scatter.add.f32 [tilespmem:s25], [sflag:$0x7], $0x80, s11, s20, $0xb8;
	[tilespmem:$0x1E800] =	vst v63  }
0x80: {  	_ =	swait.ge [sflag:s0], $0x2000  }
0x81: {  	[sflag:s0] =	ssyncset.done $0x0  }
0x82: {  	[sflag:s0] =	ssyncadd.s32 $0xFFFFE000  }
0x83: {  	[spmem:s2] =	stream.indirect.scatter.add.f32 [tilespmem:s28], [sflag:$0x8], $0x80, s12, s20, $0xb8;
	[tilespmem:$0x1E800] =	vst v63  }
0x84: {  	_ =	swait.ge [sflag:s1], $0x2000  }
0x85: {  	[sflag:s1] =	ssyncset.done $0x0  }
0x86: {  	[sflag:s1] =	ssyncadd.s32 $0xFFFFE000  }
0x87: {  	_ =	swait.ge [sflag:s5], $0x2000  }
0x88: {  	[sflag:s5] =	ssyncset.done $0x0  }
0x89: {  	[sflag:s5] =	ssyncadd.s32 $0xFFFFE000  }
0x8a: {  	_ =	swait.ge [sflag:s7], $0x2000  }
0x8b: {  	[sflag:s7] =	ssyncset.done $0x0  }
0x8c: {  	[sflag:s7] =	ssyncadd.s32 $0xFFFFE000  }
0x8d: {  	_ =	swait.ge [sflag:s8], $0x2000  }
0x8e: {  	[sflag:s8] =	ssyncset.done $0x0  }
0x8f: {  	s14 =	simm.s32 $0x0;
	s16 =	rddreg [dreg:$0x7];
	[sflag:s8] =	ssyncadd.s32 $0xFFFFE000  }
0x90: {  	[tilespmem:s14], [sflag:$0x9] =	stream.linear.gather [hbm4b:s16+s14], $0x1400, $0x38;
	[tilespmem:$0x1E800] =	vst v63  }
0x91: {  	_ =	swait.ge [sflag:s18], $0x1400  }
0x92: {  	[sflag:s18] =	ssyncset.done $0x0  }
0x93: {  	s16 =	rddreg [dreg:$0x8];
	[sflag:s18] =	ssyncadd.s32 $0xFFFFEC00  }
0x94: {  	[tilespmem:s19], [sflag:$0x9] =	stream.linear.gather [hbm4b:s16+s14], $0x1400, $0x38;
	[tilespmem:$0x1E800] =	vst v63  }
0x95: {  	_ =	swait.ge [sflag:s18], $0x1400  }
0x96: {  	[sflag:s18] =	ssyncset.done $0x0  }
0x97: {  	[sflag:s18] =	ssyncadd.s32 $0xFFFFEC00  }
0x98: {  	[tilespmem:s21], [sflag:$0x1] =	stream.indirect.gather [hbm4b:s4+s20], $0x80, s14, s20, $0xb8;
	[tilespmem:$0x1E800] =	vst v63  }
0x99: {  	_ = 	snop  }
0x9a: {  	[tilespmem:s23], [sflag:$0x2] =	stream.indirect.gather [hbm4b:s4+s20], $0x80, s22, s20, $0xb8;
	[tilespmem:$0x1E800] =	vst v63  }
0x9b: {  	_ = 	snop  }
0x9c: {  	[tilespmem:s25], [sflag:$0x3] =	stream.indirect.gather [hbm4b:s4+s20], $0x80, s24, s20, $0xb8;
	[tilespmem:$0x1E800] =	vst v63  }
0x9d: {  	_ = 	snop  }
0x9e: {  	[tilespmem:s28], [sflag:$0x4] =	stream.indirect.gather [hbm4b:s4+s20], $0x80, s26, s20, $0xb8;
	[tilespmem:$0x1E800] =	vst v63  }
0x9f: {  	_ =	swait.ge [sflag:s29], $0x2000  }
0xa0: {  	[sflag:s29] =	ssyncset.done $0x0  }
0xa1: {  	s16 =	simm.s32 $0x1400;
	[sflag:s29] =	ssyncadd.s32 $0xFFFFE000  }
0xa2: {  	[spmem:s2] =	stream.indirect.scatter.add.f32 [tilespmem:s21], [sflag:$0x5], $0x80, s16, s20, $0xb8;
	[tilespmem:$0x1E800] =	vst v63  }
0xa3: {  	_ =	swait.ge [sflag:s30], $0x2000  }
0xa4: {  	[sflag:s30] =	ssyncset.done $0x0  }
0xa5: {  	s15 =	simm.s32 $0x1480;
	[sflag:s30] =	ssyncadd.s32 $0xFFFFE000  }
0xa6: {  	[spmem:s2] =	stream.indirect.scatter.add.f32 [tilespmem:s23], [sflag:$0x6], $0x80, s15, s20, $0xb8;
	[tilespmem:$0x1E800] =	vst v63  }
0xa7: {  	_ =	swait.ge [sflag:s31], $0x2000  }
0xa8: {  	[sflag:s31] =	ssyncset.done $0x0  }
0xa9: {  	s16 =	simm.s32 $0x1500;
	[sflag:s31] =	ssyncadd.s32 $0xFFFFE000  }
0xaa: {  	[spmem:s2] =	stream.indirect.scatter.add.f32 [tilespmem:s25], [sflag:$0x7], $0x80, s16, s20, $0xb8;
	[tilespmem:$0x1E800] =	vst v63  }
0xab: {  	_ =	swait.ge [sflag:s0], $0x2000  }
0xac: {  	[sflag:s0] =	ssyncset.done $0x0  }
0xad: {  	s15 =	simm.s32 $0x1580;
	[sflag:s0] =	ssyncadd.s32 $0xFFFFE000  }
0xae: {  	[spmem:s2] =	stream.indirect.scatter.add.f32 [tilespmem:s28], [sflag:$0x8], $0x80, s15, s20, $0xb8;
	[tilespmem:$0x1E800] =	vst v63  }
0xaf: {  	_ =	swait.ge [sflag:s1], $0x2000  }
0xb0: {  	[sflag:s1] =	ssyncset.done $0x0  }
0xb1: {  	s16 =	simm.s32 $0x200;
	[sflag:s1] =	ssyncadd.s32 $0xFFFFE000  }
0xb2: {  	[tilespmem:s21], [sflag:$0x1] =	stream.indirect.gather [hbm4b:s4+s20], $0x80, s16, s20, $0xb8;
	[tilespmem:$0x1E800] =	vst v63  }
0xb3: {  	_ =	swait.ge [sflag:s5], $0x2000  }
0xb4: {  	[sflag:s5] =	ssyncset.done $0x0  }
0xb5: {  	s15 =	simm.s32 $0x280;
	[sflag:s5] =	ssyncadd.s32 $0xFFFFE000  }
0xb6: {  	[tilespmem:s23], [sflag:$0x2] =	stream.indirect.gather [hbm4b:s4+s20], $0x80, s15, s20, $0xb8;
	[tilespmem:$0x1E800] =	vst v63  }
0xb7: {  	_ =	swait.ge [sflag:s7], $0x2000  }
0xb8: {  	[sflag:s7] =	ssyncset.done $0x0  }
0xb9: {  	s16 =	simm.s32 $0x300;
	[sflag:s7] =	ssyncadd.s32 $0xFFFFE000  }
0xba: {  	[tilespmem:s25], [sflag:$0x3] =	stream.indirect.gather [hbm4b:s4+s20], $0x80, s16, s20, $0xb8;
	[tilespmem:$0x1E800] =	vst v63  }
0xbb: {  	_ =	swait.ge [sflag:s8], $0x2000  }
0xbc: {  	[sflag:s8] =	ssyncset.done $0x0  }
0xbd: {  	s14 =	simm.s32 $0x800;
	s15 =	simm.s32 $0x380;
	[sflag:s8] =	ssyncadd.s32 $0xFFFFE000  }
.LBB2_4:
0xbe: {  	[tilespmem:s28], [sflag:$0x4] =	stream.indirect.gather [hbm4b:s4+s20], $0x80, s15, s20, $0xb8;
	[tilespmem:$0x1E800] =	vst v63  }
0xbf: {  	s15 =	smov.u32 s14  }
0xc0: {  	p0 =	sne.s32 s14, $0x4000;
	s14 =	sadd.s32 $0x800, s14;
	_ =	swait.ge [sflag:s29], $0x2000  }
0xc1: {  	s15 =	sshra.s32 s15, $0x2;
	[sflag:s29] =	ssyncset.done $0x0  }
0xc2: {  	s16 =	sadd.s32 $0x1400, s15;
	[sflag:s29] =	ssyncadd.s32 $0xFFFFE000  }
0xc3: {  	[spmem:s2] =	stream.indirect.scatter.add.f32 [tilespmem:s21], [sflag:$0x5], $0x80, s16, s20, $0xb8;
	[tilespmem:$0x1E800] =	vst v63  }
0xc4: {  	_ =	swait.ge [sflag:s30], $0x2000  }
0xc5: {  	[sflag:s30] =	ssyncset.done $0x0  }
0xc6: {  	s16 =	sadd.s32 $0x1480, s15;
	[sflag:s30] =	ssyncadd.s32 $0xFFFFE000  }
0xc7: {  	[spmem:s2] =	stream.indirect.scatter.add.f32 [tilespmem:s23], [sflag:$0x6], $0x80, s16, s20, $0xb8;
	[tilespmem:$0x1E800] =	vst v63  }
0xc8: {  	_ =	swait.ge [sflag:s31], $0x2000  }
0xc9: {  	[sflag:s31] =	ssyncset.done $0x0  }
0xca: {  	s16 =	sadd.s32 $0x1500, s15;
	[sflag:s31] =	ssyncadd.s32 $0xFFFFE000  }
0xcb: {  	[spmem:s2] =	stream.indirect.scatter.add.f32 [tilespmem:s25], [sflag:$0x7], $0x80, s16, s20, $0xb8;
	[tilespmem:$0x1E800] =	vst v63  }
0xcc: {  	_ =	swait.ge [sflag:s0], $0x2000  }
0xcd: {  	[sflag:s0] =	ssyncset.done $0x0  }
0xce: {  	s16 =	sadd.s32 $0x1580, s15;
	[sflag:s0] =	ssyncadd.s32 $0xFFFFE000  }
0xcf: {  	[spmem:s2] =	stream.indirect.scatter.add.f32 [tilespmem:s28], [sflag:$0x8], $0x80, s16, s20, $0xb8;
	[tilespmem:$0x1E800] =	vst v63  }
0xd0: {  	_ =	swait.ge [sflag:s1], $0x2000  }
0xd1: {  	[sflag:s1] =	ssyncset.done $0x0  }
0xd2: {  	s16 =	sadd.s32 $0x200, s15;
	[sflag:s1] =	ssyncadd.s32 $0xFFFFE000  }
0xd3: {  	[tilespmem:s21], [sflag:$0x1] =	stream.indirect.gather [hbm4b:s4+s20], $0x80, s16, s20, $0xb8;
	[tilespmem:$0x1E800] =	vst v63  }
0xd4: {  	_ =	swait.ge [sflag:s5], $0x2000  }
0xd5: {  	[sflag:s5] =	ssyncset.done $0x0  }
0xd6: {  	s16 =	sadd.s32 $0x280, s15;
	[sflag:s5] =	ssyncadd.s32 $0xFFFFE000  }
0xd7: {  	[tilespmem:s23], [sflag:$0x2] =	stream.indirect.gather [hbm4b:s4+s20], $0x80, s16, s20, $0xb8;
	[tilespmem:$0x1E800] =	vst v63  }
0xd8: {  	_ =	swait.ge [sflag:s7], $0x2000  }
0xd9: {  	[sflag:s7] =	ssyncset.done $0x0  }
.Ltmp1:
0xda: {  	s16 =	sadd.s32 $0x300, s15;
	[sflag:s7] =	ssyncadd.s32 $0xFFFFE000;
	(pc) =	sbr.rel @p0 .LBB2_4-.Ltmp1, $4  }
0xdb: {  	[tilespmem:s25], [sflag:$0x3] =	stream.indirect.gather [hbm4b:s4+s20], $0x80, s16, s20, $0xb8;
	[tilespmem:$0x1E800] =	vst v63  }
0xdc: {  	_ =	swait.ge [sflag:s8], $0x2000  }
0xdd: {  	[sflag:s8] =	ssyncset.done $0x0  }
0xde: {  	s15 =	sadd.s32 $0x380, s15;
	[sflag:s8] =	ssyncadd.s32 $0xFFFFE000  }
0xdf: {  	[tilespmem:s28], [sflag:$0x4] =	stream.indirect.gather [hbm4b:s4+s20], $0x80, s15, s20, $0xb8;
	[tilespmem:$0x1E800] =	vst v63  }
0xe0: {  	_ =	swait.ge [sflag:s29], $0x2000  }
0xe1: {  	[sflag:s29] =	ssyncset.done $0x0  }
0xe2: {  	[sflag:s29] =	ssyncadd.s32 $0xFFFFE000  }
0xe3: {  	[spmem:s2] =	stream.indirect.scatter.add.f32 [tilespmem:s21], [sflag:$0x5], $0x80, s9, s20, $0xb8;
	[tilespmem:$0x1E800] =	vst v63  }
0xe4: {  	_ =	swait.ge [sflag:s30], $0x2000  }
0xe5: {  	[sflag:s30] =	ssyncset.done $0x0  }
0xe6: {  	[sflag:s30] =	ssyncadd.s32 $0xFFFFE000  }
0xe7: {  	[spmem:s2] =	stream.indirect.scatter.add.f32 [tilespmem:s23], [sflag:$0x6], $0x80, s10, s20, $0xb8;
	[tilespmem:$0x1E800] =	vst v63  }
0xe8: {  	_ =	swait.ge [sflag:s31], $0x2000  }
0xe9: {  	[sflag:s31] =	ssyncset.done $0x0  }
0xea: {  	[sflag:s31] =	ssyncadd.s32 $0xFFFFE000  }
0xeb: {  	[spmem:s2] =	stream.indirect.scatter.add.f32 [tilespmem:s25], [sflag:$0x7], $0x80, s11, s20, $0xb8;
	[tilespmem:$0x1E800] =	vst v63  }
0xec: {  	_ =	swait.ge [sflag:s0], $0x2000  }
0xed: {  	[sflag:s0] =	ssyncset.done $0x0  }
0xee: {  	[sflag:s0] =	ssyncadd.s32 $0xFFFFE000  }
0xef: {  	[spmem:s2] =	stream.indirect.scatter.add.f32 [tilespmem:s28], [sflag:$0x8], $0x80, s12, s20, $0xb8;
	[tilespmem:$0x1E800] =	vst v63  }
0xf0: {  	_ =	swait.ge [sflag:s1], $0x2000  }
0xf1: {  	[sflag:s1] =	ssyncset.done $0x0  }
0xf2: {  	[sflag:s1] =	ssyncadd.s32 $0xFFFFE000  }
0xf3: {  	_ =	swait.ge [sflag:s5], $0x2000  }
0xf4: {  	[sflag:s5] =	ssyncset.done $0x0  }
0xf5: {  	[sflag:s5] =	ssyncadd.s32 $0xFFFFE000  }
0xf6: {  	_ =	swait.ge [sflag:s7], $0x2000  }
0xf7: {  	[sflag:s7] =	ssyncset.done $0x0  }
0xf8: {  	[sflag:s7] =	ssyncadd.s32 $0xFFFFE000  }
0xf9: {  	_ =	swait.ge [sflag:s8], $0x2000  }
0xfa: {  	[sflag:s8] =	ssyncset.done $0x0  }
0xfb: {  	s14 =	simm.s32 $0x0;
	s16 =	rddreg [dreg:$0x9];
	[sflag:s8] =	ssyncadd.s32 $0xFFFFE000  }
0xfc: {  	[tilespmem:s14], [sflag:$0x9] =	stream.linear.gather [hbm4b:s16+s14], $0x1400, $0x38;
	[tilespmem:$0x1E800] =	vst v63  }
0xfd: {  	_ =	swait.ge [sflag:s18], $0x1400  }
0xfe: {  	[sflag:s18] =	ssyncset.done $0x0  }
0xff: {  	s16 =	rddreg [dreg:$0xa];
	[sflag:s18] =	ssyncadd.s32 $0xFFFFEC00  }
0x100: {  	[tilespmem:s19], [sflag:$0x9] =	stream.linear.gather [hbm4b:s16+s14], $0x1400, $0x38;
	[tilespmem:$0x1E800] =	vst v63  }
0x101: {  	_ =	swait.ge [sflag:s18], $0x1400  }
0x102: {  	[sflag:s18] =	ssyncset.done $0x0  }
0x103: {  	[sflag:s18] =	ssyncadd.s32 $0xFFFFEC00  }
0x104: {  	[tilespmem:s21], [sflag:$0x1] =	stream.indirect.gather [hbm4b:s4+s20], $0x80, s14, s20, $0xb8;
	[tilespmem:$0x1E800] =	vst v63  }
0x105: {  	_ = 	snop  }
0x106: {  	[tilespmem:s23], [sflag:$0x2] =	stream.indirect.gather [hbm4b:s4+s20], $0x80, s22, s20, $0xb8;
	[tilespmem:$0x1E800] =	vst v63  }
0x107: {  	_ = 	snop  }
0x108: {  	[tilespmem:s25], [sflag:$0x3] =	stream.indirect.gather [hbm4b:s4+s20], $0x80, s24, s20, $0xb8;
	[tilespmem:$0x1E800] =	vst v63  }
0x109: {  	_ = 	snop  }
0x10a: {  	[tilespmem:s28], [sflag:$0x4] =	stream.indirect.gather [hbm4b:s4+s20], $0x80, s26, s20, $0xb8;
	[tilespmem:$0x1E800] =	vst v63  }
0x10b: {  	_ =	swait.ge [sflag:s29], $0x2000  }
0x10c: {  	[sflag:s29] =	ssyncset.done $0x0  }
0x10d: {  	s16 =	simm.s32 $0x1400;
	[sflag:s29] =	ssyncadd.s32 $0xFFFFE000  }
0x10e: {  	[spmem:s2] =	stream.indirect.scatter.add.f32 [tilespmem:s21], [sflag:$0x5], $0x80, s16, s20, $0xb8;
	[tilespmem:$0x1E800] =	vst v63  }
0x10f: {  	_ =	swait.ge [sflag:s30], $0x2000  }
0x110: {  	[sflag:s30] =	ssyncset.done $0x0  }
0x111: {  	s15 =	simm.s32 $0x1480;
	[sflag:s30] =	ssyncadd.s32 $0xFFFFE000  }
0x112: {  	[spmem:s2] =	stream.indirect.scatter.add.f32 [tilespmem:s23], [sflag:$0x6], $0x80, s15, s20, $0xb8;
	[tilespmem:$0x1E800] =	vst v63  }
0x113: {  	_ =	swait.ge [sflag:s31], $0x2000  }
0x114: {  	[sflag:s31] =	ssyncset.done $0x0  }
0x115: {  	s16 =	simm.s32 $0x1500;
	[sflag:s31] =	ssyncadd.s32 $0xFFFFE000  }
0x116: {  	[spmem:s2] =	stream.indirect.scatter.add.f32 [tilespmem:s25], [sflag:$0x7], $0x80, s16, s20, $0xb8;
	[tilespmem:$0x1E800] =	vst v63  }
0x117: {  	_ =	swait.ge [sflag:s0], $0x2000  }
0x118: {  	[sflag:s0] =	ssyncset.done $0x0  }
0x119: {  	s15 =	simm.s32 $0x1580;
	[sflag:s0] =	ssyncadd.s32 $0xFFFFE000  }
0x11a: {  	[spmem:s2] =	stream.indirect.scatter.add.f32 [tilespmem:s28], [sflag:$0x8], $0x80, s15, s20, $0xb8;
	[tilespmem:$0x1E800] =	vst v63  }
0x11b: {  	_ =	swait.ge [sflag:s1], $0x2000  }
0x11c: {  	[sflag:s1] =	ssyncset.done $0x0  }
0x11d: {  	s16 =	simm.s32 $0x200;
	[sflag:s1] =	ssyncadd.s32 $0xFFFFE000  }
0x11e: {  	[tilespmem:s21], [sflag:$0x1] =	stream.indirect.gather [hbm4b:s4+s20], $0x80, s16, s20, $0xb8;
	[tilespmem:$0x1E800] =	vst v63  }
0x11f: {  	_ =	swait.ge [sflag:s5], $0x2000  }
0x120: {  	[sflag:s5] =	ssyncset.done $0x0  }
0x121: {  	s15 =	simm.s32 $0x280;
	[sflag:s5] =	ssyncadd.s32 $0xFFFFE000  }
0x122: {  	[tilespmem:s23], [sflag:$0x2] =	stream.indirect.gather [hbm4b:s4+s20], $0x80, s15, s20, $0xb8;
	[tilespmem:$0x1E800] =	vst v63  }
0x123: {  	_ =	swait.ge [sflag:s7], $0x2000  }
0x124: {  	[sflag:s7] =	ssyncset.done $0x0  }
0x125: {  	s16 =	simm.s32 $0x300;
	[sflag:s7] =	ssyncadd.s32 $0xFFFFE000  }
0x126: {  	[tilespmem:s25], [sflag:$0x3] =	stream.indirect.gather [hbm4b:s4+s20], $0x80, s16, s20, $0xb8;
	[tilespmem:$0x1E800] =	vst v63  }
0x127: {  	_ =	swait.ge [sflag:s8], $0x2000  }
0x128: {  	[sflag:s8] =	ssyncset.done $0x0  }
0x129: {  	s14 =	simm.s32 $0x800;
	s15 =	simm.s32 $0x380;
	[sflag:s8] =	ssyncadd.s32 $0xFFFFE000  }
.LBB2_6:
0x12a: {  	[tilespmem:s28], [sflag:$0x4] =	stream.indirect.gather [hbm4b:s4+s20], $0x80, s15, s20, $0xb8;
	[tilespmem:$0x1E800] =	vst v63  }
0x12b: {  	s15 =	smov.u32 s14  }
0x12c: {  	p0 =	sne.s32 s14, $0x4000;
	s14 =	sadd.s32 $0x800, s14;
	_ =	swait.ge [sflag:s29], $0x2000  }
0x12d: {  	s15 =	sshra.s32 s15, $0x2;
	[sflag:s29] =	ssyncset.done $0x0  }
0x12e: {  	s16 =	sadd.s32 $0x1400, s15;
	[sflag:s29] =	ssyncadd.s32 $0xFFFFE000  }
0x12f: {  	[spmem:s2] =	stream.indirect.scatter.add.f32 [tilespmem:s21], [sflag:$0x5], $0x80, s16, s20, $0xb8;
	[tilespmem:$0x1E800] =	vst v63  }
0x130: {  	_ =	swait.ge [sflag:s30], $0x2000  }
0x131: {  	[sflag:s30] =	ssyncset.done $0x0  }
0x132: {  	s16 =	sadd.s32 $0x1480, s15;
	[sflag:s30] =	ssyncadd.s32 $0xFFFFE000  }
0x133: {  	[spmem:s2] =	stream.indirect.scatter.add.f32 [tilespmem:s23], [sflag:$0x6], $0x80, s16, s20, $0xb8;
	[tilespmem:$0x1E800] =	vst v63  }
0x134: {  	_ =	swait.ge [sflag:s31], $0x2000  }
0x135: {  	[sflag:s31] =	ssyncset.done $0x0  }
0x136: {  	s16 =	sadd.s32 $0x1500, s15;
	[sflag:s31] =	ssyncadd.s32 $0xFFFFE000  }
0x137: {  	[spmem:s2] =	stream.indirect.scatter.add.f32 [tilespmem:s25], [sflag:$0x7], $0x80, s16, s20, $0xb8;
	[tilespmem:$0x1E800] =	vst v63  }
0x138: {  	_ =	swait.ge [sflag:s0], $0x2000  }
0x139: {  	[sflag:s0] =	ssyncset.done $0x0  }
0x13a: {  	s16 =	sadd.s32 $0x1580, s15;
	[sflag:s0] =	ssyncadd.s32 $0xFFFFE000  }
0x13b: {  	[spmem:s2] =	stream.indirect.scatter.add.f32 [tilespmem:s28], [sflag:$0x8], $0x80, s16, s20, $0xb8;
	[tilespmem:$0x1E800] =	vst v63  }
0x13c: {  	_ =	swait.ge [sflag:s1], $0x2000  }
0x13d: {  	[sflag:s1] =	ssyncset.done $0x0  }
0x13e: {  	s16 =	sadd.s32 $0x200, s15;
	[sflag:s1] =	ssyncadd.s32 $0xFFFFE000  }
0x13f: {  	[tilespmem:s21], [sflag:$0x1] =	stream.indirect.gather [hbm4b:s4+s20], $0x80, s16, s20, $0xb8;
	[tilespmem:$0x1E800] =	vst v63  }
0x140: {  	_ =	swait.ge [sflag:s5], $0x2000  }
0x141: {  	[sflag:s5] =	ssyncset.done $0x0  }
0x142: {  	s16 =	sadd.s32 $0x280, s15;
	[sflag:s5] =	ssyncadd.s32 $0xFFFFE000  }
0x143: {  	[tilespmem:s23], [sflag:$0x2] =	stream.indirect.gather [hbm4b:s4+s20], $0x80, s16, s20, $0xb8;
	[tilespmem:$0x1E800] =	vst v63  }
0x144: {  	_ =	swait.ge [sflag:s7], $0x2000  }
0x145: {  	[sflag:s7] =	ssyncset.done $0x0  }
.Ltmp2:
0x146: {  	s16 =	sadd.s32 $0x300, s15;
	[sflag:s7] =	ssyncadd.s32 $0xFFFFE000;
	(pc) =	sbr.rel @p0 .LBB2_6-.Ltmp2, $4  }
0x147: {  	[tilespmem:s25], [sflag:$0x3] =	stream.indirect.gather [hbm4b:s4+s20], $0x80, s16, s20, $0xb8;
	[tilespmem:$0x1E800] =	vst v63  }
0x148: {  	_ =	swait.ge [sflag:s8], $0x2000  }
0x149: {  	[sflag:s8] =	ssyncset.done $0x0  }
0x14a: {  	s15 =	sadd.s32 $0x380, s15;
	[sflag:s8] =	ssyncadd.s32 $0xFFFFE000  }
0x14b: {  	[tilespmem:s28], [sflag:$0x4] =	stream.indirect.gather [hbm4b:s4+s20], $0x80, s15, s20, $0xb8;
	[tilespmem:$0x1E800] =	vst v63  }
0x14c: {  	_ =	swait.ge [sflag:s29], $0x2000  }
0x14d: {  	[sflag:s29] =	ssyncset.done $0x0  }
0x14e: {  	[sflag:s29] =	ssyncadd.s32 $0xFFFFE000  }
0x14f: {  	[spmem:s2] =	stream.indirect.scatter.add.f32 [tilespmem:s21], [sflag:$0x5], $0x80, s9, s20, $0xb8;
	[tilespmem:$0x1E800] =	vst v63  }
0x150: {  	_ =	swait.ge [sflag:s30], $0x2000  }
0x151: {  	[sflag:s30] =	ssyncset.done $0x0  }
0x152: {  	[sflag:s30] =	ssyncadd.s32 $0xFFFFE000  }
0x153: {  	[spmem:s2] =	stream.indirect.scatter.add.f32 [tilespmem:s23], [sflag:$0x6], $0x80, s10, s20, $0xb8;
	[tilespmem:$0x1E800] =	vst v63  }
0x154: {  	_ =	swait.ge [sflag:s31], $0x2000  }
0x155: {  	[sflag:s31] =	ssyncset.done $0x0  }
0x156: {  	[sflag:s31] =	ssyncadd.s32 $0xFFFFE000  }
0x157: {  	[spmem:s2] =	stream.indirect.scatter.add.f32 [tilespmem:s25], [sflag:$0x7], $0x80, s11, s20, $0xb8;
	[tilespmem:$0x1E800] =	vst v63  }
0x158: {  	_ =	swait.ge [sflag:s0], $0x2000  }
0x159: {  	[sflag:s0] =	ssyncset.done $0x0  }
0x15a: {  	[sflag:s0] =	ssyncadd.s32 $0xFFFFE000  }
0x15b: {  	[spmem:s2] =	stream.indirect.scatter.add.f32 [tilespmem:s28], [sflag:$0x8], $0x80, s12, s20, $0xb8;
	[tilespmem:$0x1E800] =	vst v63  }
0x15c: {  	_ =	swait.ge [sflag:s1], $0x2000  }
0x15d: {  	[sflag:s1] =	ssyncset.done $0x0  }
0x15e: {  	[sflag:s1] =	ssyncadd.s32 $0xFFFFE000  }
0x15f: {  	_ =	swait.ge [sflag:s5], $0x2000  }
0x160: {  	[sflag:s5] =	ssyncset.done $0x0  }
0x161: {  	[sflag:s5] =	ssyncadd.s32 $0xFFFFE000  }
0x162: {  	_ =	swait.ge [sflag:s7], $0x2000  }
0x163: {  	[sflag:s7] =	ssyncset.done $0x0  }
0x164: {  	[sflag:s7] =	ssyncadd.s32 $0xFFFFE000  }
0x165: {  	_ =	swait.ge [sflag:s8], $0x2000  }
0x166: {  	[sflag:s8] =	ssyncset.done $0x0  }
0x167: {  	s14 =	simm.s32 $0x0;
	s16 =	rddreg [dreg:$0xb];
	[sflag:s8] =	ssyncadd.s32 $0xFFFFE000  }
0x168: {  	[tilespmem:s14], [sflag:$0x9] =	stream.linear.gather [hbm4b:s16+s14], $0x1400, $0x38;
	[tilespmem:$0x1E800] =	vst v63  }
0x169: {  	_ =	swait.ge [sflag:s18], $0x1400  }
0x16a: {  	[sflag:s18] =	ssyncset.done $0x0  }
0x16b: {  	s16 =	rddreg [dreg:$0xc];
	[sflag:s18] =	ssyncadd.s32 $0xFFFFEC00  }
0x16c: {  	[tilespmem:s19], [sflag:$0x9] =	stream.linear.gather [hbm4b:s16+s14], $0x1400, $0x38;
	[tilespmem:$0x1E800] =	vst v63  }
0x16d: {  	_ =	swait.ge [sflag:s18], $0x1400  }
0x16e: {  	[sflag:s18] =	ssyncset.done $0x0  }
0x16f: {  	[sflag:s18] =	ssyncadd.s32 $0xFFFFEC00  }
0x170: {  	[tilespmem:s21], [sflag:$0x1] =	stream.indirect.gather [hbm4b:s4+s20], $0x80, s14, s20, $0xb8;
	[tilespmem:$0x1E800] =	vst v63  }
0x171: {  	_ = 	snop  }
0x172: {  	[tilespmem:s23], [sflag:$0x2] =	stream.indirect.gather [hbm4b:s4+s20], $0x80, s22, s20, $0xb8;
	[tilespmem:$0x1E800] =	vst v63  }
0x173: {  	_ = 	snop  }
0x174: {  	[tilespmem:s25], [sflag:$0x3] =	stream.indirect.gather [hbm4b:s4+s20], $0x80, s24, s20, $0xb8;
	[tilespmem:$0x1E800] =	vst v63  }
0x175: {  	_ = 	snop  }
0x176: {  	[tilespmem:s28], [sflag:$0x4] =	stream.indirect.gather [hbm4b:s4+s20], $0x80, s26, s20, $0xb8;
	[tilespmem:$0x1E800] =	vst v63  }
0x177: {  	_ =	swait.ge [sflag:s29], $0x2000  }
0x178: {  	[sflag:s29] =	ssyncset.done $0x0  }
0x179: {  	s16 =	simm.s32 $0x1400;
	[sflag:s29] =	ssyncadd.s32 $0xFFFFE000  }
0x17a: {  	[spmem:s2] =	stream.indirect.scatter.add.f32 [tilespmem:s21], [sflag:$0x5], $0x80, s16, s20, $0xb8;
	[tilespmem:$0x1E800] =	vst v63  }
0x17b: {  	_ =	swait.ge [sflag:s30], $0x2000  }
0x17c: {  	[sflag:s30] =	ssyncset.done $0x0  }
0x17d: {  	s15 =	simm.s32 $0x1480;
	[sflag:s30] =	ssyncadd.s32 $0xFFFFE000  }
0x17e: {  	[spmem:s2] =	stream.indirect.scatter.add.f32 [tilespmem:s23], [sflag:$0x6], $0x80, s15, s20, $0xb8;
	[tilespmem:$0x1E800] =	vst v63  }
0x17f: {  	_ =	swait.ge [sflag:s31], $0x2000  }
0x180: {  	[sflag:s31] =	ssyncset.done $0x0  }
0x181: {  	s16 =	simm.s32 $0x1500;
	[sflag:s31] =	ssyncadd.s32 $0xFFFFE000  }
0x182: {  	[spmem:s2] =	stream.indirect.scatter.add.f32 [tilespmem:s25], [sflag:$0x7], $0x80, s16, s20, $0xb8;
	[tilespmem:$0x1E800] =	vst v63  }
0x183: {  	_ =	swait.ge [sflag:s0], $0x2000  }
0x184: {  	[sflag:s0] =	ssyncset.done $0x0  }
0x185: {  	s15 =	simm.s32 $0x1580;
	[sflag:s0] =	ssyncadd.s32 $0xFFFFE000  }
0x186: {  	[spmem:s2] =	stream.indirect.scatter.add.f32 [tilespmem:s28], [sflag:$0x8], $0x80, s15, s20, $0xb8;
	[tilespmem:$0x1E800] =	vst v63  }
0x187: {  	_ =	swait.ge [sflag:s1], $0x2000  }
0x188: {  	[sflag:s1] =	ssyncset.done $0x0  }
0x189: {  	s16 =	simm.s32 $0x200;
	[sflag:s1] =	ssyncadd.s32 $0xFFFFE000  }
0x18a: {  	[tilespmem:s21], [sflag:$0x1] =	stream.indirect.gather [hbm4b:s4+s20], $0x80, s16, s20, $0xb8;
	[tilespmem:$0x1E800] =	vst v63  }
0x18b: {  	_ =	swait.ge [sflag:s5], $0x2000  }
0x18c: {  	[sflag:s5] =	ssyncset.done $0x0  }
0x18d: {  	s15 =	simm.s32 $0x280;
	[sflag:s5] =	ssyncadd.s32 $0xFFFFE000  }
0x18e: {  	[tilespmem:s23], [sflag:$0x2] =	stream.indirect.gather [hbm4b:s4+s20], $0x80, s15, s20, $0xb8;
	[tilespmem:$0x1E800] =	vst v63  }
0x18f: {  	_ =	swait.ge [sflag:s7], $0x2000  }
0x190: {  	[sflag:s7] =	ssyncset.done $0x0  }
0x191: {  	s16 =	simm.s32 $0x300;
	[sflag:s7] =	ssyncadd.s32 $0xFFFFE000  }
0x192: {  	[tilespmem:s25], [sflag:$0x3] =	stream.indirect.gather [hbm4b:s4+s20], $0x80, s16, s20, $0xb8;
	[tilespmem:$0x1E800] =	vst v63  }
0x193: {  	_ =	swait.ge [sflag:s8], $0x2000  }
0x194: {  	[sflag:s8] =	ssyncset.done $0x0  }
0x195: {  	s14 =	simm.s32 $0x800;
	s15 =	simm.s32 $0x380;
	[sflag:s8] =	ssyncadd.s32 $0xFFFFE000  }
.LBB2_8:
0x196: {  	[tilespmem:s28], [sflag:$0x4] =	stream.indirect.gather [hbm4b:s4+s20], $0x80, s15, s20, $0xb8;
	[tilespmem:$0x1E800] =	vst v63  }
0x197: {  	s15 =	smov.u32 s14  }
0x198: {  	p0 =	sne.s32 s14, $0x4000;
	s14 =	sadd.s32 $0x800, s14;
	_ =	swait.ge [sflag:s29], $0x2000  }
0x199: {  	s15 =	sshra.s32 s15, $0x2;
	[sflag:s29] =	ssyncset.done $0x0  }
0x19a: {  	s16 =	sadd.s32 $0x1400, s15;
	[sflag:s29] =	ssyncadd.s32 $0xFFFFE000  }
0x19b: {  	[spmem:s2] =	stream.indirect.scatter.add.f32 [tilespmem:s21], [sflag:$0x5], $0x80, s16, s20, $0xb8;
	[tilespmem:$0x1E800] =	vst v63  }
0x19c: {  	_ =	swait.ge [sflag:s30], $0x2000  }
0x19d: {  	[sflag:s30] =	ssyncset.done $0x0  }
0x19e: {  	s16 =	sadd.s32 $0x1480, s15;
	[sflag:s30] =	ssyncadd.s32 $0xFFFFE000  }
0x19f: {  	[spmem:s2] =	stream.indirect.scatter.add.f32 [tilespmem:s23], [sflag:$0x6], $0x80, s16, s20, $0xb8;
	[tilespmem:$0x1E800] =	vst v63  }
0x1a0: {  	_ =	swait.ge [sflag:s31], $0x2000  }
0x1a1: {  	[sflag:s31] =	ssyncset.done $0x0  }
0x1a2: {  	s16 =	sadd.s32 $0x1500, s15;
	[sflag:s31] =	ssyncadd.s32 $0xFFFFE000  }
0x1a3: {  	[spmem:s2] =	stream.indirect.scatter.add.f32 [tilespmem:s25], [sflag:$0x7], $0x80, s16, s20, $0xb8;
	[tilespmem:$0x1E800] =	vst v63  }
0x1a4: {  	_ =	swait.ge [sflag:s0], $0x2000  }
0x1a5: {  	[sflag:s0] =	ssyncset.done $0x0  }
0x1a6: {  	s16 =	sadd.s32 $0x1580, s15;
	[sflag:s0] =	ssyncadd.s32 $0xFFFFE000  }
0x1a7: {  	[spmem:s2] =	stream.indirect.scatter.add.f32 [tilespmem:s28], [sflag:$0x8], $0x80, s16, s20, $0xb8;
	[tilespmem:$0x1E800] =	vst v63  }
0x1a8: {  	_ =	swait.ge [sflag:s1], $0x2000  }
0x1a9: {  	[sflag:s1] =	ssyncset.done $0x0  }
0x1aa: {  	s16 =	sadd.s32 $0x200, s15;
	[sflag:s1] =	ssyncadd.s32 $0xFFFFE000  }
0x1ab: {  	[tilespmem:s21], [sflag:$0x1] =	stream.indirect.gather [hbm4b:s4+s20], $0x80, s16, s20, $0xb8;
	[tilespmem:$0x1E800] =	vst v63  }
0x1ac: {  	_ =	swait.ge [sflag:s5], $0x2000  }
0x1ad: {  	[sflag:s5] =	ssyncset.done $0x0  }
0x1ae: {  	s16 =	sadd.s32 $0x280, s15;
	[sflag:s5] =	ssyncadd.s32 $0xFFFFE000  }
0x1af: {  	[tilespmem:s23], [sflag:$0x2] =	stream.indirect.gather [hbm4b:s4+s20], $0x80, s16, s20, $0xb8;
	[tilespmem:$0x1E800] =	vst v63  }
0x1b0: {  	_ =	swait.ge [sflag:s7], $0x2000  }
0x1b1: {  	[sflag:s7] =	ssyncset.done $0x0  }
.Ltmp3:
0x1b2: {  	s16 =	sadd.s32 $0x300, s15;
	[sflag:s7] =	ssyncadd.s32 $0xFFFFE000;
	(pc) =	sbr.rel @p0 .LBB2_8-.Ltmp3, $4  }
0x1b3: {  	[tilespmem:s25], [sflag:$0x3] =	stream.indirect.gather [hbm4b:s4+s20], $0x80, s16, s20, $0xb8;
	[tilespmem:$0x1E800] =	vst v63  }
0x1b4: {  	_ =	swait.ge [sflag:s8], $0x2000  }
0x1b5: {  	[sflag:s8] =	ssyncset.done $0x0  }
0x1b6: {  	s15 =	sadd.s32 $0x380, s15;
	[sflag:s8] =	ssyncadd.s32 $0xFFFFE000  }
0x1b7: {  	[tilespmem:s28], [sflag:$0x4] =	stream.indirect.gather [hbm4b:s4+s20], $0x80, s15, s20, $0xb8;
	[tilespmem:$0x1E800] =	vst v63  }
0x1b8: {  	_ =	swait.ge [sflag:s29], $0x2000  }
0x1b9: {  	[sflag:s29] =	ssyncset.done $0x0  }
0x1ba: {  	[sflag:s29] =	ssyncadd.s32 $0xFFFFE000  }
0x1bb: {  	[spmem:s2] =	stream.indirect.scatter.add.f32 [tilespmem:s21], [sflag:$0x5], $0x80, s9, s20, $0xb8;
	[tilespmem:$0x1E800] =	vst v63  }
0x1bc: {  	_ =	swait.ge [sflag:s30], $0x2000  }
0x1bd: {  	[sflag:s30] =	ssyncset.done $0x0  }
0x1be: {  	[sflag:s30] =	ssyncadd.s32 $0xFFFFE000  }
0x1bf: {  	[spmem:s2] =	stream.indirect.scatter.add.f32 [tilespmem:s23], [sflag:$0x6], $0x80, s10, s20, $0xb8;
	[tilespmem:$0x1E800] =	vst v63  }
0x1c0: {  	_ =	swait.ge [sflag:s31], $0x2000  }
0x1c1: {  	[sflag:s31] =	ssyncset.done $0x0  }
0x1c2: {  	[sflag:s31] =	ssyncadd.s32 $0xFFFFE000  }
0x1c3: {  	[spmem:s2] =	stream.indirect.scatter.add.f32 [tilespmem:s25], [sflag:$0x7], $0x80, s11, s20, $0xb8;
	[tilespmem:$0x1E800] =	vst v63  }
0x1c4: {  	_ =	swait.ge [sflag:s0], $0x2000  }
0x1c5: {  	[sflag:s0] =	ssyncset.done $0x0  }
0x1c6: {  	[sflag:s0] =	ssyncadd.s32 $0xFFFFE000  }
0x1c7: {  	[spmem:s2] =	stream.indirect.scatter.add.f32 [tilespmem:s28], [sflag:$0x8], $0x80, s12, s20, $0xb8;
	[tilespmem:$0x1E800] =	vst v63  }
0x1c8: {  	_ =	swait.ge [sflag:s1], $0x2000  }
0x1c9: {  	[sflag:s1] =	ssyncset.done $0x0  }
0x1ca: {  	[sflag:s1] =	ssyncadd.s32 $0xFFFFE000  }
0x1cb: {  	_ =	swait.ge [sflag:s5], $0x2000  }
0x1cc: {  	[sflag:s5] =	ssyncset.done $0x0  }
0x1cd: {  	[sflag:s5] =	ssyncadd.s32 $0xFFFFE000  }
0x1ce: {  	_ =	swait.ge [sflag:s7], $0x2000  }
0x1cf: {  	[sflag:s7] =	ssyncset.done $0x0  }
0x1d0: {  	[sflag:s7] =	ssyncadd.s32 $0xFFFFE000  }
0x1d1: {  	_ =	swait.ge [sflag:s8], $0x2000  }
0x1d2: {  	[sflag:s8] =	ssyncset.done $0x0  }
0x1d3: {  	[sflag:s8] =	ssyncadd.s32 $0xFFFFE000  }
0x1d4: {  	[bflag:$0x0] =	sbarrier.arrive $0xFFFF  }
0x1d5: {  	s14 =	rddreg [dreg:$0xd]  }
0x1d6: {  	[hbm:s14], [sflag:s6] =	dma.local [spmem:s17], $0x2800  }
0x1d7: {  	_ =	swait.ge [sflag:s18], $0x2800  }
0x1d8: {  	s13 =	sadd.s32 $0x1, s13;
	s16 =	rddreg [dreg:$0xe]  }
0x1d9: {  	p0 =	sne.s32 s13, s16  }
.Ltmp4:
0x1da: {  	_ = 	snop;
	(pc) =	sbr.rel @p0 .LBB2_1-.Ltmp4, $3  }
0x1db: {  	_ =	sdelay $0x1  }
0x1dc: {  	[sflag:s18] =	ssyncset.done $0x0  }
0x1dd: {  	[sflag:s18] =	ssyncadd.s32 $0xFFFFD800  }
0x1de: {  	_ =	sfence.sel $0x180000  }
0x1df: {  	[bflag:$0x0] =	sbarrier.arrive $0xFFFF  }
0x1e0: {  	_ =	strace $0x9000004A  }
0x1e1: {  	s0 =	stileid.u32;
	[bflag:$0x2] =	sbarrier.arrive $0xFFFF  }
0x1e2: {  	p0 =	sne.s32 s0, $0x0;
	s0 =	rddreg [dreg:$0x3]  }
0x1e3: {  	s0 =	sadd.s32 @!p0 $0x100000, s0  }
0x1e4: {  	[sflag:s0] =	ssyncadd.tile.s32 @!p0 $0x1;
	_ =	shalt  }
.Lfunc_end2:
_tile_overlayer_lowered:
.L_overlay_start_2:
0x1e5: {  	(tag) =	ssettag $0x2  }
0x1e6: {  	s0 =	rddreg [dreg:$0x0];
	s2 =	stileid.u32  }
0x1e7: {  	s1 =	rddreg [dreg:$0x1];
	p0 =	sne.s32 s2, $0x0  }
0x1e8: {  	s3 =	rddreg [dreg:$0x2];
	[bflag:$0x3] =	sbarrier.arrive $0xFFFF;
	s2 =	simm.s32 @!p0 $0x1C09  }
0x1e9: {  	[timem:s3], [sflag:s2] =	dma.local @!p0 [hbm:s0], s1  }
0x1ea: {  	s0 =	simm.s32 @!p0 $0x9  }
0x1eb: {  	_ =	swait.ge @!p0 [sflag:s0], s1  }
0x1ec: {  	s1 =	ssub.s32 @!p0 $0x0, s1;
	[sflag:s0] =	ssyncset.done @!p0 $0x0  }
0x1ed: {  	[sflag:s0] =	ssyncadd.s32 @!p0 s1  }
0x1ee: {  	[bflag:$0x3] =	sbarrier.arrive $0xFFFF  }
0x1ef: {  	_ =	shalt  }

// kernel: kernel.15.cloned.1.call-start
scs
__scs_entry_jumppad:
0x0: {  	(pc) =	sbr.rel $0x88, $3  }
0x1: {  	(tag) =	ssettag $0x0;
	lr =	simm.s32 $0x1  }
0x2: {  	[smem:$0x3F9D] =	sst lr;
	_ =	strace $0xD0000000  }
0x3: {  	_ = 	snop  }
0x4: {  	_ = 	snop  }
0x5: {  	_ = 	snop  }
0x6: {  	_ = 	snop  }
0x7: {  	_ = 	snop  }
__scs_overlays_trampoline_lowered:
0x8: {  	[smem:$0x3FAC] =	sst s0  }
0x9: {  	[smem:$0x3FAD] =	sst s1  }
0xa: {  	[smem:$0x3FAE] =	sst s2  }
0xb: {  	[smem:$0x3FAF] =	sst s3  }
0xc: {  	[smem:$0x3FB0] =	sst s4  }
0xd: {  	[smem:$0x3FB1] =	sst s5  }
0xe: {  	[smem:$0x3FB2] =	sst s6  }
0xf: {  	[smem:$0x3FB3] =	sst s7  }
0x10: {  	[smem:$0x3FB4] =	sst s8  }
0x11: {  	[smem:$0x3FB5] =	sst s9;
	s0 =	simm.s32 @!p0 $0x0  }
0x12: {  	s1 =	sld [smem:$0x3F9B];
	s0 =	simm.s32 @p0 $0x1  }
0x13: {  	[smem:$0x3FB6] =	sst s0;
	s0 =	simm.s32 @!p1 $0x0  }
0x14: {  	s2 =	sld [smem:$0x3F9A];
	s0 =	simm.s32 @p1 $0x1  }
0x15: {  	[smem:$0x3FB7] =	sst s0;
	s0 =	simm.s32 @!p2 $0x0  }
0x16: {  	s3 =	sld [smem:$0x3FDB];
	s0 =	simm.s32 @p2 $0x1  }
0x17: {  	s4 =	simm.s32 $0x1BF5;
	[smem:$0x3FB9] =	sst s0  }
0x18: {  	s0 =	sld [smem:$0x3F9C];
	_ =	swait.ge [sflag:s4], $0x0  }
0x19: {  	s7 =	sld [smem:$0x3F9D]  }
0x1a: {  	s8 =	sadd.s32 $0xFFFFE003, lr  }
0x1b: {  	s9 =	sadd.s32 $0xFFFFFEF7, lr;
	s5 =	simm.s32 $0xFFFFFFFF;
	p2 =	slt.u32 s8, $0xFFFFF086  }
0x1c: {  	p1 =	slt.u32 s9, $0xF7A;
	s5 =	simm.s32 @!p2 $0x0  }
0x1d: {  	s5 =	simm.s32 @p1 $0x1;
	p0 =	seq.s32 s7, s2  }
0x1e: {  	s7 =	smul.u32 @!p0 $0xF7A, s2;
	p2 =	seq.s32 @!p0 s5, $0x0  }
0x1f: {  	s9 =	smul.u32 $0xF7A, s1;
	s8 =	simm.s32 @!p0 $0x1BF5;
	p2 =	por !p2, p0  }
0x20: {  	[sflag:s8] =	ssyncset.s32 @!p0 $0xFFFFF086;
	s6 =	sadd.s32 @!p0 s3, s7;
	s7 =	simm.s32 @!p0 $0x108  }
0x21: {  	s3 =	sadd.s32 s3, s9;
	s6 =	sadd.s32 @!p0 $0x88, s6;
	s7 =	simm.s32 @p2 $0x1082  }
0x22: {  	[simem:s7], [sflag:s8] =	dma.local @!p0 [hbm:s6], $0xF7A  }
0x23: {  	s9 =	sor.u32 $0xD0000000, s2;
	s6 =	simm.s32 $0x108;
	_ =	swait.ge @!p0 [sflag:s8], $0x0  }
0x24: {  	s3 =	sadd.s32 $0x88, s3;
	s6 =	simm.s32 @!p1 $0x1082;
	[sflag:s4] =	ssyncset.s32 $0xFFFFF086  }
0x25: {  	[simem:s6], [sflag:s4] =	dma.local [hbm:s3], $0xF7A  }
0x26: {  	[smem:$0x3F9D] =	sst s1;
	(tag) =	ssettag s2;
	_ =	strace s9  }
0x27: {  	s1 =	sld [smem:$0x3FAD]  }
0x28: {  	s2 =	sld [smem:$0x3FAE]  }
0x29: {  	s4 =	sld [smem:$0x3FB0]  }
0x2a: {  	p0 =	seq.s32 s5, $0x0;
	s5 =	sld [smem:$0x3FB1]  }
0x2b: {  	s6 =	sld [smem:$0x3FB2]  }
0x2c: {  	s7 =	sld [smem:$0x3FB3]  }
0x2d: {  	s3 =	simm.s32 $0x108;
	s8 =	sld [smem:$0x3FB4]  }
0x2e: {  	s3 =	simm.s32 @!p0 $0x1082;
	s9 =	sld [smem:$0x3FB5]  }
0x2f: {  	lr =	sadd.s32 s0, s3;
	s0 =	sld [smem:$0x3FAC]  }
0x30: {  	s3 =	sld [smem:$0x3FAF]  }
0x31: {  	[smem:$0x3FB8] =	sst s10  }
0x32: {  	s10 =	sld [smem:$0x3FB6];
	_ =	sdelay $0x3  }
0x33: {  	p0 =	seq.s32 s10, $0x1;
	s10 =	sld [smem:$0x3FB8];
	_ =	sdelay $0x3  }
0x34: {  	[smem:$0x3FB8] =	sst s10  }
0x35: {  	s10 =	sld [smem:$0x3FB7];
	_ =	sdelay $0x3  }
0x36: {  	p1 =	seq.s32 s10, $0x1;
	s10 =	sld [smem:$0x3FB8];
	_ =	sdelay $0x3  }
0x37: {  	[smem:$0x3FB8] =	sst s10  }
0x38: {  	s10 =	sld [smem:$0x3FB9]  }
0x39: {  	_ = 	snop;
	(pc) =	sbr.ind lr, $3  }
0x3a: {  	_ = 	snop  }
0x3b: {  	_ = 	snop  }
0x3c: {  	p2 =	seq.s32 s10, $0x1;
	s10 =	sld [smem:$0x3FB8]  }
0x3d: {  	_ =	shalt  }
0x3e: {  	_ =	shalt  }
0x3f: {  	_ =	shalt  }
0x40: {  	_ =	shalt  }
0x41: {  	_ =	shalt  }
0x42: {  	_ =	shalt  }
0x43: {  	_ =	shalt  }
0x44: {  	_ =	shalt  }
0x45: {  	_ =	shalt  }
0x46: {  	_ =	shalt  }
0x47: {  	_ =	shalt  }
0x48: {  	_ =	shalt  }
0x49: {  	_ =	shalt  }
0x4a: {  	_ =	shalt  }
0x4b: {  	_ =	shalt  }
0x4c: {  	_ =	shalt  }
0x4d: {  	_ =	shalt  }
0x4e: {  	_ =	shalt  }
0x4f: {  	_ =	shalt  }
0x50: {  	_ =	shalt  }
0x51: {  	_ =	shalt  }
0x52: {  	_ =	shalt  }
0x53: {  	_ =	shalt  }
0x54: {  	_ =	shalt  }
0x55: {  	_ =	shalt  }
0x56: {  	_ =	shalt  }
0x57: {  	_ =	shalt  }
0x58: {  	_ =	shalt  }
0x59: {  	_ =	shalt  }
0x5a: {  	_ =	shalt  }
0x5b: {  	_ =	shalt  }
0x5c: {  	_ =	shalt  }
0x5d: {  	_ =	shalt  }
0x5e: {  	_ =	shalt  }
0x5f: {  	_ =	shalt  }
0x60: {  	_ =	shalt  }
0x61: {  	_ =	shalt  }
0x62: {  	_ =	shalt  }
0x63: {  	_ =	shalt  }
0x64: {  	_ =	shalt  }
0x65: {  	_ =	shalt  }
0x66: {  	_ =	shalt  }
0x67: {  	_ =	shalt  }
0x68: {  	_ =	shalt  }
0x69: {  	_ =	shalt  }
0x6a: {  	_ =	shalt  }
0x6b: {  	_ =	shalt  }
0x6c: {  	_ =	shalt  }
0x6d: {  	_ =	shalt  }
0x6e: {  	_ =	shalt  }
0x6f: {  	_ =	shalt  }
0x70: {  	_ =	shalt  }
0x71: {  	_ =	shalt  }
0x72: {  	_ =	shalt  }
0x73: {  	_ =	shalt  }
0x74: {  	_ =	shalt  }
0x75: {  	_ =	shalt  }
0x76: {  	_ =	shalt  }
0x77: {  	_ =	shalt  }
0x78: {  	_ =	shalt  }
0x79: {  	_ =	shalt  }
0x7a: {  	_ =	shalt  }
0x7b: {  	_ =	shalt  }
0x7c: {  	_ =	shalt  }
0x7d: {  	_ =	shalt  }
0x7e: {  	_ =	shalt  }
0x7f: {  	_ =	shalt  }
0x80: {  	_ =	shalt  }
0x81: {  	_ =	shalt  }
0x82: {  	_ =	shalt  }
0x83: {  	_ =	shalt  }
0x84: {  	_ =	shalt  }
0x85: {  	_ =	shalt  }
0x86: {  	_ =	shalt  }
0x87: {  	_ =	shalt  }
.Lfunc_end0:
.L_simem_size_0:
called_computation.2_lowered:
.L_overlay_start_0:
0x88: {  	s2 =	sld [smem:$0x3FD9]  }
0x89: {  	s3 =	sld [smem:$0x3FFE];
	_ =	sdelay $0x1  }
0x8a: {  	s1 =	srdreg.scid  }
0x8b: {  	s0 =	sand.u32 $0x1, s1  }
0x8c: {  	s17 =	sshll.u32 s0, $0xA;
	s2 =	sadd.s32 s3, s2  }
0x8d: {  	s2 =	sadd.s32 s2, s17  }
0x8e: {  	[smem:$0x3FC4] =	sst s2  }
0x8f: {  	_ = 	snop  }
0x90: {  	s2 =	sld [smem:$0x3FD0];
	(tm) =	ssettm $0x1  }
0x91: {  	s18 =	sld [smem:$0x3FFB];
	_ =	sdelay $0x3  }
0x92: {  	_ =	strace s18  }
0x93: {  	s3 =	sld [smem:$0x3FFC];
	_ =	sdelay $0x3  }
0x94: {  	_ =	strace s3  }
0x95: {  	s3 =	sld [smem:$0x3FFD];
	_ =	sdelay $0x3  }
0x96: {  	_ =	strace s3  }
0x97: {  	_ =	strace $0x8FFFFFFF  }
0x98: {  	s19 =	sld [smem:$0x3FDB];
	_ =	sdelay $0x1  }
0x99: {  	s4 =	simm.s32 $_scs_section_size  }
0x9a: {  	s5 =	simm.s32 $_size__tile_overlayer_lowered;
	s6 =	simm.s32 $_tile_overlayer_lowered  }
0x9b: {  	s22 =	simm.s32 $0x1BFF;
	s21 =	sshll.u32 s6, $0x1;
	s3 =	sadd.s32 s4, s19  }
0x9c: {  	s7 =	simm.s32 $0x0;
	s20 =	sshll.u32 s5, $0x1;
	s5 =	sadd.s32 s21, s3  }
0x9d: {  	[timem:s7], [sflag:s22] =	dma.local [hbm:s5], s20  }
0x9e: {  	_ =	swait.ge [sflag:s22], s20  }
0x9f: {  	s4 =	ssub.s32 $0x0, s20;
	[sflag:s22] =	ssyncset.done $0x0  }
0xa0: {  	[sflag:s22] =	ssyncadd.s32 s4;
	_ =	sdelay $0x1  }
0xa1: {  	s23 =	simm.s32 $0x1B8B  }
0xa2: {  	_ =	swait.ge [sflag:s23], $0x1  }
0xa3: {  	[sflag:s23] =	ssyncset.done $0x0  }
0xa4: {  	s25 =	simm.s32 $0x1B8E;
	s24 =	sld [smem:$0x3FFE];
	[sflag:s23] =	ssyncadd.s32 $0xFFFFFFFF  }
0xa5: {  	s26 =	simm.s32 $execute0_lowered;
	[smem:$0x3FD2] =	sst s25  }
0xa6: {  	s5 =	sshll.u32 s26, $0x1;
	_ =	strace $0x8000004C;
	[dreg:$0x1] =	wrdreg $0xFFFFFFFF  }
0xa7: {  	s28 =	simm.s32 $_size_execute0_lowered;
	s3 =	sadd.s32 s3, s5;
	[dreg:$0x0] =	wrdreg $0x0  }
0xa8: {  	s5 =	sshll.u32 s28, $0x1;
	[dreg:$0x2] =	wrdreg s3  }
0xa9: {  	[dreg:$0x3] =	wrdreg s5  }
0xaa: {  	[dreg:$0x4] =	wrdreg $0xC0  }
0xab: {  	_ =	task [dreg:s7], $0x5FFFF  }
0xac: {  	[dreg:$0x1] =	wrdreg $0xFFFFFFFF  }
0xad: {  	[dreg:$0x0] =	wrdreg $0x60  }
0xae: {  	[dreg:$0x2] =	wrdreg s24  }
0xaf: {  	[dreg:$0x3] =	wrdreg s2  }
0xb0: {  	[dreg:$0x4] =	wrdreg $0x28000  }
0xb1: {  	[dreg:$0x5] =	wrdreg $0x9  }
0xb2: {  	_ =	task.clear_ibuf [dreg:s7], $0x6FFFF;
	_ =	strace $0x9000004C  }
0xb3: {  	s29 =	simm.s32 $0x9;
	_ =	strace $0x8000004E  }
0xb4: {  	_ =	swait.ge [sflag:s29], $0x1  }
0xb5: {  	[sflag:s29] =	ssyncadd.s32 $0xFFFFFFFF  }
0xb6: {  	_ =	strace $0x9000004E  }
0xb7: {  	_ =	sfence  }
0xb8: {  	s30 =	sld [smem:$0x0];
	_ =	sdelay $0x2  }
0xb9: {  	s31 =	sshll.u32 s1, $0xD;
	s1 =	sshrl.u32 s1, $0x2  }
0xba: {  	s3 =	sand.u32 $0x4000, s31;
	s1 =	sadd.s32 s1, s30  }
0xbb: {  	s0 =	sor.u32 s3, s0;
	s1 =	sshll.u32 s1, $0x11  }
0xbc: {  	s0 =	sor.u32 s1, s0  }
0xbd: {  	s0 =	sadd.s32 $0x8F2B, s0  }
0xbe: {  	[sflag:s0] =	ssyncadd.remote.s32 $0x1  }
0xbf: {  	_ =	sfence.sel $0xFFFF  }
0xc0: {  	[dreg:$0x0] =	wrdreg $0xFFFFFFFF;
	(pc) =	sbr.abs _section_cstart, $3  }
0xc1: {  	[dreg:$0x1] =	wrdreg $0xFFFFFFFF  }
0xc2: {  	_ =	task.clear_ibuf [dreg:s7], $0x2FFFF;
	_ =	strace $0x9FFFFFFF  }
0xc3: {  	(tm) =	ssettm $0x7FFFFFFF  }
tec
execute0_lowered:
.L_overlay_start_1:
0x0: {  	(tag) =	ssettag $0x1  }
0x1: {  	s0 =	rddreg [dreg:$0x0]  }
0x2: {  	s1 =	rddreg [dreg:$0x1]  }
0x3: {  	s2 =	rddreg [dreg:$0x2];
	s13 =	stileid.u32;
	s3 =	simm.s32 $0x0  }
0x4: {  	s4 =	srdreg.scid;
	s28 =	simm.s32 $0x1C800;
	s29 =	simm.s32 $0x1  }
0x5: {  	s30 =	simm.s32 $0x2;
	s31 =	simm.s32 $0x3;
	s5 =	smul.u32 $0x14000, s13  }
0x6: {  	[smem:$0x7FF] =	sst s3;
	s6 =	sand.u32 $0x1, s4;
	s4 =	sadd.s32 $0x29400, s0  }
0x7: {  	s9 =	sadd.s32 $0x79400, s0;
	s10 =	smul.u32 $0x50000, s13;
	s17 =	sshll.u32 s13, $0x6  }
0x8: {  	s8 =	smul.u32 $0x140000, s6;
	s15 =	sshll.u32 s6, $0x4;
	s6 =	ssub.s32 $0x2, s6  }
0x9: {  	_ =	strace $0x8000004D;
	s7 =	sshrl.u32 s5, $0x3;
	s11 =	sshrl.u32 s6, $0x1  }
0xa: {  	s10 =	sshrl.u32 s10, $0x2;
	s7 =	sadd.s32 s7, s0;
	s5 =	sadd.s32 s5, s8  }
0xb: {  	s8 =	sor.u32 s13, s15;
	s16 =	ssub.s32 s6, s11;
	s10 =	sadd.s32 s10, s2  }
0xc: {  	s6 =	sor.u32 $0x1C09, s17;
	s11 =	simm.s32 $0x2700;
	s12 =	smul.u32 $0x5000, s8  }
0xd: {  	s13 =	simm.s32 $0x0;
	s5 =	sshrl.u32 s5, $0x3;
	s8 =	smul.u32 $0xA00, s8  }
0xe: {  	s7 =	sadd.s32 $0x1400, s7;
	s26 =	smax.u32 s16, $0x1;
	s17 =	sshrl.u32 s10, $0x3  }
0xf: {  	s10 =	simm.s32 $0x2680;
	s0 =	sadd.s32 s5, s0;
	[dreg:$0x4] =	wrdreg s7  }
0x10: {  	[dreg:$0xe] =	wrdreg s26;
	s26 =	simm.s32 $0x180;
	s5 =	simm.s32 $0x6  }
0x11: {  	s18 =	sshrl.u32 s12, $0x3;
	s20 =	sadd.s32 s9, s8;
	s8 =	sadd.s32 s1, s8  }
0x12: {  	s0 =	sadd.s32 $0x8D400, s0;
	s12 =	simm.s32 $0x2780;
	[dreg:$0x5] =	wrdreg s20  }
0x13: {  	s19 =	sadd.s32 $0x280, s18;
	[dreg:$0x6] =	wrdreg s8;
	s22 =	sadd.s32 $0x500, s18  }
0x14: {  	s23 =	sadd.s32 $0x780, s18;
	[dreg:$0xd] =	wrdreg s0;
	s18 =	simm.s32 $0x9  }
0x15: {  	s20 =	simm.s32 $0x40;
	s0 =	simm.s32 $0x4;
	s21 =	sadd.s32 s9, s19  }
0x16: {  	s8 =	simm.s32 $0x8;
	s7 =	sadd.s32 s1, s19;
	[dreg:$0x7] =	wrdreg s21  }
0x17: {  	s24 =	sadd.s32 s9, s22;
	s25 =	sadd.s32 s9, s23;
	[dreg:$0x8] =	wrdreg s7  }
0x18: {  	s19 =	simm.s32 $0x1400;
	s9 =	simm.s32 $0x2600;
	[dreg:$0x9] =	wrdreg s24  }
0x19: {  	s7 =	sadd.s32 s1, s22;
	[dreg:$0xb] =	wrdreg s25;
	s1 =	sadd.s32 s1, s23  }
0x1a: {  	s21 =	simm.s32 $0x16800;
	s22 =	simm.s32 $0x80;
	s23 =	simm.s32 $0x18800  }
0x1b: {  	s24 =	simm.s32 $0x100;
	s25 =	simm.s32 $0x1A800;
	[dreg:$0xa] =	wrdreg s7  }
0x1c: {  	[dreg:$0xc] =	wrdreg s1;
	s1 =	simm.s32 $0x5;
	s7 =	simm.s32 $0x7  }
.LBB2_1:
0x1d: {  	s14 =	rddreg [dreg:$0x4]  }
0x1e: {  	[spmem:s17], [sflag:s6] =	dma.local [hbm:s14], $0x2800  }
0x1f: {  	_ =	swait.ge [sflag:s18], $0x2800  }
0x20: {  	[sflag:s18] =	ssyncset.done $0x0  }
0x21: {  	[sflag:s18] =	ssyncadd.s32 $0xFFFFD800  }
0x22: {  	[bflag:$0x0] =	sbarrier.arrive $0xFFFF  }
0x23: {  	s16 =	rddreg [dreg:$0x5]  }
0x24: {  	[tilespmem:s3], [sflag:$0x9] =	stream.linear.gather [hbm4b:s16+s3], $0x1400, $0x38;
	[tilespmem:$0x1E800] =	vst v63  }
0x25: {  	_ =	swait.ge [sflag:s18], $0x1400  }
0x26: {  	[sflag:s18] =	ssyncset.done $0x0  }
0x27: {  	s15 =	rddreg [dreg:$0x6];
	[sflag:s18] =	ssyncadd.s32 $0xFFFFEC00  }
0x28: {  	[tilespmem:s19], [sflag:$0x9] =	stream.linear.gather [hbm4b:s15+s3], $0x1400, $0x38;
	[tilespmem:$0x1E800] =	vst v63  }
0x29: {  	_ =	swait.ge [sflag:s18], $0x1400  }
0x2a: {  	[sflag:s18] =	ssyncset.done $0x0  }
0x2b: {  	[sflag:s18] =	ssyncadd.s32 $0xFFFFEC00  }
0x2c: {  	[tilespmem:s21], [sflag:$0x1] =	stream.indirect.gather [hbm4b:s4+s20], $0x80, s3, s20, $0xb8;
	[tilespmem:$0x1E800] =	vst v63  }
0x2d: {  	_ = 	snop  }
0x2e: {  	[tilespmem:s23], [sflag:$0x2] =	stream.indirect.gather [hbm4b:s4+s20], $0x80, s22, s20, $0xb8;
	[tilespmem:$0x1E800] =	vst v63  }
0x2f: {  	_ = 	snop  }
0x30: {  	[tilespmem:s25], [sflag:$0x3] =	stream.indirect.gather [hbm4b:s4+s20], $0x80, s24, s20, $0xb8;
	[tilespmem:$0x1E800] =	vst v63  }
0x31: {  	_ = 	snop  }
0x32: {  	[tilespmem:s28], [sflag:$0x4] =	stream.indirect.gather [hbm4b:s4+s20], $0x80, s26, s20, $0xb8;
	[tilespmem:$0x1E800] =	vst v63  }
0x33: {  	_ =	swait.ge [sflag:s29], $0x2000  }
0x34: {  	[sflag:s29] =	ssyncset.done $0x0  }
0x35: {  	s16 =	simm.s32 $0x1400;
	[sflag:s29] =	ssyncadd.s32 $0xFFFFE000  }
0x36: {  	[spmem:s2] =	stream.indirect.scatter.add.f32 [tilespmem:s21], [sflag:$0x5], $0x80, s16, s20, $0xb8;
	[tilespmem:$0x1E800] =	vst v63  }
0x37: {  	_ =	swait.ge [sflag:s30], $0x2000  }
0x38: {  	[sflag:s30] =	ssyncset.done $0x0  }
0x39: {  	s15 =	simm.s32 $0x1480;
	[sflag:s30] =	ssyncadd.s32 $0xFFFFE000  }
0x3a: {  	[spmem:s2] =	stream.indirect.scatter.add.f32 [tilespmem:s23], [sflag:$0x6], $0x80, s15, s20, $0xb8;
	[tilespmem:$0x1E800] =	vst v63  }
0x3b: {  	_ =	swait.ge [sflag:s31], $0x2000  }
0x3c: {  	[sflag:s31] =	ssyncset.done $0x0  }
0x3d: {  	s16 =	simm.s32 $0x1500;
	[sflag:s31] =	ssyncadd.s32 $0xFFFFE000  }
0x3e: {  	[spmem:s2] =	stream.indirect.scatter.add.f32 [tilespmem:s25], [sflag:$0x7], $0x80, s16, s20, $0xb8;
	[tilespmem:$0x1E800] =	vst v63  }
0x3f: {  	_ =	swait.ge [sflag:s0], $0x2000  }
0x40: {  	[sflag:s0] =	ssyncset.done $0x0  }
0x41: {  	s15 =	simm.s32 $0x1580;
	[sflag:s0] =	ssyncadd.s32 $0xFFFFE000  }
0x42: {  	[spmem:s2] =	stream.indirect.scatter.add.f32 [tilespmem:s28], [sflag:$0x8], $0x80, s15, s20, $0xb8;
	[tilespmem:$0x1E800] =	vst v63  }
0x43: {  	_ =	swait.ge [sflag:s1], $0x2000  }
0x44: {  	[sflag:s1] =	ssyncset.done $0x0  }
0x45: {  	s16 =	simm.s32 $0x200;
	[sflag:s1] =	ssyncadd.s32 $0xFFFFE000  }
0x46: {  	[tilespmem:s21], [sflag:$0x1] =	stream.indirect.gather [hbm4b:s4+s20], $0x80, s16, s20, $0xb8;
	[tilespmem:$0x1E800] =	vst v63  }
0x47: {  	_ =	swait.ge [sflag:s5], $0x2000  }
0x48: {  	[sflag:s5] =	ssyncset.done $0x0  }
0x49: {  	s15 =	simm.s32 $0x280;
	[sflag:s5] =	ssyncadd.s32 $0xFFFFE000  }
0x4a: {  	[tilespmem:s23], [sflag:$0x2] =	stream.indirect.gather [hbm4b:s4+s20], $0x80, s15, s20, $0xb8;
	[tilespmem:$0x1E800] =	vst v63  }
0x4b: {  	_ =	swait.ge [sflag:s7], $0x2000  }
0x4c: {  	[sflag:s7] =	ssyncset.done $0x0  }
0x4d: {  	s16 =	simm.s32 $0x300;
	[sflag:s7] =	ssyncadd.s32 $0xFFFFE000  }
0x4e: {  	[tilespmem:s25], [sflag:$0x3] =	stream.indirect.gather [hbm4b:s4+s20], $0x80, s16, s20, $0xb8;
	[tilespmem:$0x1E800] =	vst v63  }
0x4f: {  	_ =	swait.ge [sflag:s8], $0x2000  }
0x50: {  	[sflag:s8] =	ssyncset.done $0x0  }
0x51: {  	s14 =	simm.s32 $0x800;
	s15 =	simm.s32 $0x380;
	[sflag:s8] =	ssyncadd.s32 $0xFFFFE000  }
.LBB2_2:
0x52: {  	[tilespmem:s28], [sflag:$0x4] =	stream.indirect.gather [hbm4b:s4+s20], $0x80, s15, s20, $0xb8;
	[tilespmem:$0x1E800] =	vst v63  }
0x53: {  	s15 =	smov.u32 s14  }
0x54: {  	p0 =	sne.s32 s14, $0x4000;
	s14 =	sadd.s32 $0x800, s14;
	_ =	swait.ge [sflag:s29], $0x2000  }
0x55: {  	s15 =	sshra.s32 s15, $0x2;
	[sflag:s29] =	ssyncset.done $0x0  }
0x56: {  	s16 =	sadd.s32 $0x1400, s15;
	[sflag:s29] =	ssyncadd.s32 $0xFFFFE000  }
0x57: {  	[spmem:s2] =	stream.indirect.scatter.add.f32 [tilespmem:s21], [sflag:$0x5], $0x80, s16, s20, $0xb8;
	[tilespmem:$0x1E800] =	vst v63  }
0x58: {  	_ =	swait.ge [sflag:s30], $0x2000  }
0x59: {  	[sflag:s30] =	ssyncset.done $0x0  }
0x5a: {  	s16 =	sadd.s32 $0x1480, s15;
	[sflag:s30] =	ssyncadd.s32 $0xFFFFE000  }
0x5b: {  	[spmem:s2] =	stream.indirect.scatter.add.f32 [tilespmem:s23], [sflag:$0x6], $0x80, s16, s20, $0xb8;
	[tilespmem:$0x1E800] =	vst v63  }
0x5c: {  	_ =	swait.ge [sflag:s31], $0x2000  }
0x5d: {  	[sflag:s31] =	ssyncset.done $0x0  }
0x5e: {  	s16 =	sadd.s32 $0x1500, s15;
	[sflag:s31] =	ssyncadd.s32 $0xFFFFE000  }
0x5f: {  	[spmem:s2] =	stream.indirect.scatter.add.f32 [tilespmem:s25], [sflag:$0x7], $0x80, s16, s20, $0xb8;
	[tilespmem:$0x1E800] =	vst v63  }
0x60: {  	_ =	swait.ge [sflag:s0], $0x2000  }
0x61: {  	[sflag:s0] =	ssyncset.done $0x0  }
0x62: {  	s16 =	sadd.s32 $0x1580, s15;
	[sflag:s0] =	ssyncadd.s32 $0xFFFFE000  }
0x63: {  	[spmem:s2] =	stream.indirect.scatter.add.f32 [tilespmem:s28], [sflag:$0x8], $0x80, s16, s20, $0xb8;
	[tilespmem:$0x1E800] =	vst v63  }
0x64: {  	_ =	swait.ge [sflag:s1], $0x2000  }
0x65: {  	[sflag:s1] =	ssyncset.done $0x0  }
0x66: {  	s16 =	sadd.s32 $0x200, s15;
	[sflag:s1] =	ssyncadd.s32 $0xFFFFE000  }
0x67: {  	[tilespmem:s21], [sflag:$0x1] =	stream.indirect.gather [hbm4b:s4+s20], $0x80, s16, s20, $0xb8;
	[tilespmem:$0x1E800] =	vst v63  }
0x68: {  	_ =	swait.ge [sflag:s5], $0x2000  }
0x69: {  	[sflag:s5] =	ssyncset.done $0x0  }
0x6a: {  	s16 =	sadd.s32 $0x280, s15;
	[sflag:s5] =	ssyncadd.s32 $0xFFFFE000  }
0x6b: {  	[tilespmem:s23], [sflag:$0x2] =	stream.indirect.gather [hbm4b:s4+s20], $0x80, s16, s20, $0xb8;
	[tilespmem:$0x1E800] =	vst v63  }
0x6c: {  	_ =	swait.ge [sflag:s7], $0x2000  }
0x6d: {  	[sflag:s7] =	ssyncset.done $0x0  }
.Ltmp0:
0x6e: {  	s16 =	sadd.s32 $0x300, s15;
	[sflag:s7] =	ssyncadd.s32 $0xFFFFE000;
	(pc) =	sbr.rel @p0 .LBB2_2-.Ltmp0, $4  }
0x6f: {  	[tilespmem:s25], [sflag:$0x3] =	stream.indirect.gather [hbm4b:s4+s20], $0x80, s16, s20, $0xb8;
	[tilespmem:$0x1E800] =	vst v63  }
0x70: {  	_ =	swait.ge [sflag:s8], $0x2000  }
0x71: {  	[sflag:s8] =	ssyncset.done $0x0  }
0x72: {  	s15 =	sadd.s32 $0x380, s15;
	[sflag:s8] =	ssyncadd.s32 $0xFFFFE000  }
0x73: {  	[tilespmem:s28], [sflag:$0x4] =	stream.indirect.gather [hbm4b:s4+s20], $0x80, s15, s20, $0xb8;
	[tilespmem:$0x1E800] =	vst v63  }
0x74: {  	_ =	swait.ge [sflag:s29], $0x2000  }
0x75: {  	[sflag:s29] =	ssyncset.done $0x0  }
0x76: {  	[sflag:s29] =	ssyncadd.s32 $0xFFFFE000  }
0x77: {  	[spmem:s2] =	stream.indirect.scatter.add.f32 [tilespmem:s21], [sflag:$0x5], $0x80, s9, s20, $0xb8;
	[tilespmem:$0x1E800] =	vst v63  }
0x78: {  	_ =	swait.ge [sflag:s30], $0x2000  }
0x79: {  	[sflag:s30] =	ssyncset.done $0x0  }
0x7a: {  	[sflag:s30] =	ssyncadd.s32 $0xFFFFE000  }
0x7b: {  	[spmem:s2] =	stream.indirect.scatter.add.f32 [tilespmem:s23], [sflag:$0x6], $0x80, s10, s20, $0xb8;
	[tilespmem:$0x1E800] =	vst v63  }
0x7c: {  	_ =	swait.ge [sflag:s31], $0x2000  }
0x7d: {  	[sflag:s31] =	ssyncset.done $0x0  }
0x7e: {  	[sflag:s31] =	ssyncadd.s32 $0xFFFFE000  }
0x7f: {  	[spmem:s2] =	stream.indirect.scatter.add.f32 [tilespmem:s25], [sflag:$0x7], $0x80, s11, s20, $0xb8;
	[tilespmem:$0x1E800] =	vst v63  }
0x80: {  	_ =	swait.ge [sflag:s0], $0x2000  }
0x81: {  	[sflag:s0] =	ssyncset.done $0x0  }
0x82: {  	[sflag:s0] =	ssyncadd.s32 $0xFFFFE000  }
0x83: {  	[spmem:s2] =	stream.indirect.scatter.add.f32 [tilespmem:s28], [sflag:$0x8], $0x80, s12, s20, $0xb8;
	[tilespmem:$0x1E800] =	vst v63  }
0x84: {  	_ =	swait.ge [sflag:s1], $0x2000  }
0x85: {  	[sflag:s1] =	ssyncset.done $0x0  }
0x86: {  	[sflag:s1] =	ssyncadd.s32 $0xFFFFE000  }
0x87: {  	_ =	swait.ge [sflag:s5], $0x2000  }
0x88: {  	[sflag:s5] =	ssyncset.done $0x0  }
0x89: {  	[sflag:s5] =	ssyncadd.s32 $0xFFFFE000  }
0x8a: {  	_ =	swait.ge [sflag:s7], $0x2000  }
0x8b: {  	[sflag:s7] =	ssyncset.done $0x0  }
0x8c: {  	[sflag:s7] =	ssyncadd.s32 $0xFFFFE000  }
0x8d: {  	_ =	swait.ge [sflag:s8], $0x2000  }
0x8e: {  	[sflag:s8] =	ssyncset.done $0x0  }
0x8f: {  	s14 =	simm.s32 $0x0;
	s16 =	rddreg [dreg:$0x7];
	[sflag:s8] =	ssyncadd.s32 $0xFFFFE000  }
0x90: {  	[tilespmem:s14], [sflag:$0x9] =	stream.linear.gather [hbm4b:s16+s14], $0x1400, $0x38;
	[tilespmem:$0x1E800] =	vst v63  }
0x91: {  	_ =	swait.ge [sflag:s18], $0x1400  }
0x92: {  	[sflag:s18] =	ssyncset.done $0x0  }
0x93: {  	s16 =	rddreg [dreg:$0x8];
	[sflag:s18] =	ssyncadd.s32 $0xFFFFEC00  }
0x94: {  	[tilespmem:s19], [sflag:$0x9] =	stream.linear.gather [hbm4b:s16+s14], $0x1400, $0x38;
	[tilespmem:$0x1E800] =	vst v63  }
0x95: {  	_ =	swait.ge [sflag:s18], $0x1400  }
0x96: {  	[sflag:s18] =	ssyncset.done $0x0  }
0x97: {  	[sflag:s18] =	ssyncadd.s32 $0xFFFFEC00  }
0x98: {  	[tilespmem:s21], [sflag:$0x1] =	stream.indirect.gather [hbm4b:s4+s20], $0x80, s14, s20, $0xb8;
	[tilespmem:$0x1E800] =	vst v63  }
0x99: {  	_ = 	snop  }
0x9a: {  	[tilespmem:s23], [sflag:$0x2] =	stream.indirect.gather [hbm4b:s4+s20], $0x80, s22, s20, $0xb8;
	[tilespmem:$0x1E800] =	vst v63  }
0x9b: {  	_ = 	snop  }
0x9c: {  	[tilespmem:s25], [sflag:$0x3] =	stream.indirect.gather [hbm4b:s4+s20], $0x80, s24, s20, $0xb8;
	[tilespmem:$0x1E800] =	vst v63  }
0x9d: {  	_ = 	snop  }
0x9e: {  	[tilespmem:s28], [sflag:$0x4] =	stream.indirect.gather [hbm4b:s4+s20], $0x80, s26, s20, $0xb8;
	[tilespmem:$0x1E800] =	vst v63  }
0x9f: {  	_ =	swait.ge [sflag:s29], $0x2000  }
0xa0: {  	[sflag:s29] =	ssyncset.done $0x0  }
0xa1: {  	s16 =	simm.s32 $0x1400;
	[sflag:s29] =	ssyncadd.s32 $0xFFFFE000  }
0xa2: {  	[spmem:s2] =	stream.indirect.scatter.add.f32 [tilespmem:s21], [sflag:$0x5], $0x80, s16, s20, $0xb8;
	[tilespmem:$0x1E800] =	vst v63  }
0xa3: {  	_ =	swait.ge [sflag:s30], $0x2000  }
0xa4: {  	[sflag:s30] =	ssyncset.done $0x0  }
0xa5: {  	s15 =	simm.s32 $0x1480;
	[sflag:s30] =	ssyncadd.s32 $0xFFFFE000  }
0xa6: {  	[spmem:s2] =	stream.indirect.scatter.add.f32 [tilespmem:s23], [sflag:$0x6], $0x80, s15, s20, $0xb8;
	[tilespmem:$0x1E800] =	vst v63  }
0xa7: {  	_ =	swait.ge [sflag:s31], $0x2000  }
0xa8: {  	[sflag:s31] =	ssyncset.done $0x0  }
0xa9: {  	s16 =	simm.s32 $0x1500;
	[sflag:s31] =	ssyncadd.s32 $0xFFFFE000  }
0xaa: {  	[spmem:s2] =	stream.indirect.scatter.add.f32 [tilespmem:s25], [sflag:$0x7], $0x80, s16, s20, $0xb8;
	[tilespmem:$0x1E800] =	vst v63  }
0xab: {  	_ =	swait.ge [sflag:s0], $0x2000  }
0xac: {  	[sflag:s0] =	ssyncset.done $0x0  }
0xad: {  	s15 =	simm.s32 $0x1580;
	[sflag:s0] =	ssyncadd.s32 $0xFFFFE000  }
0xae: {  	[spmem:s2] =	stream.indirect.scatter.add.f32 [tilespmem:s28], [sflag:$0x8], $0x80, s15, s20, $0xb8;
	[tilespmem:$0x1E800] =	vst v63  }
0xaf: {  	_ =	swait.ge [sflag:s1], $0x2000  }
0xb0: {  	[sflag:s1] =	ssyncset.done $0x0  }
0xb1: {  	s16 =	simm.s32 $0x200;
	[sflag:s1] =	ssyncadd.s32 $0xFFFFE000  }
0xb2: {  	[tilespmem:s21], [sflag:$0x1] =	stream.indirect.gather [hbm4b:s4+s20], $0x80, s16, s20, $0xb8;
	[tilespmem:$0x1E800] =	vst v63  }
0xb3: {  	_ =	swait.ge [sflag:s5], $0x2000  }
0xb4: {  	[sflag:s5] =	ssyncset.done $0x0  }
0xb5: {  	s15 =	simm.s32 $0x280;
	[sflag:s5] =	ssyncadd.s32 $0xFFFFE000  }
0xb6: {  	[tilespmem:s23], [sflag:$0x2] =	stream.indirect.gather [hbm4b:s4+s20], $0x80, s15, s20, $0xb8;
	[tilespmem:$0x1E800] =	vst v63  }
0xb7: {  	_ =	swait.ge [sflag:s7], $0x2000  }
0xb8: {  	[sflag:s7] =	ssyncset.done $0x0  }
0xb9: {  	s16 =	simm.s32 $0x300;
	[sflag:s7] =	ssyncadd.s32 $0xFFFFE000  }
0xba: {  	[tilespmem:s25], [sflag:$0x3] =	stream.indirect.gather [hbm4b:s4+s20], $0x80, s16, s20, $0xb8;
	[tilespmem:$0x1E800] =	vst v63  }
0xbb: {  	_ =	swait.ge [sflag:s8], $0x2000  }
0xbc: {  	[sflag:s8] =	ssyncset.done $0x0  }
0xbd: {  	s14 =	simm.s32 $0x800;
	s15 =	simm.s32 $0x380;
	[sflag:s8] =	ssyncadd.s32 $0xFFFFE000  }
.LBB2_4:
0xbe: {  	[tilespmem:s28], [sflag:$0x4] =	stream.indirect.gather [hbm4b:s4+s20], $0x80, s15, s20, $0xb8;
	[tilespmem:$0x1E800] =	vst v63  }
0xbf: {  	s15 =	smov.u32 s14  }
0xc0: {  	p0 =	sne.s32 s14, $0x4000;
	s14 =	sadd.s32 $0x800, s14;
	_ =	swait.ge [sflag:s29], $0x2000  }
0xc1: {  	s15 =	sshra.s32 s15, $0x2;
	[sflag:s29] =	ssyncset.done $0x0  }
0xc2: {  	s16 =	sadd.s32 $0x1400, s15;
	[sflag:s29] =	ssyncadd.s32 $0xFFFFE000  }
0xc3: {  	[spmem:s2] =	stream.indirect.scatter.add.f32 [tilespmem:s21], [sflag:$0x5], $0x80, s16, s20, $0xb8;
	[tilespmem:$0x1E800] =	vst v63  }
0xc4: {  	_ =	swait.ge [sflag:s30], $0x2000  }
0xc5: {  	[sflag:s30] =	ssyncset.done $0x0  }
0xc6: {  	s16 =	sadd.s32 $0x1480, s15;
	[sflag:s30] =	ssyncadd.s32 $0xFFFFE000  }
0xc7: {  	[spmem:s2] =	stream.indirect.scatter.add.f32 [tilespmem:s23], [sflag:$0x6], $0x80, s16, s20, $0xb8;
	[tilespmem:$0x1E800] =	vst v63  }
0xc8: {  	_ =	swait.ge [sflag:s31], $0x2000  }
0xc9: {  	[sflag:s31] =	ssyncset.done $0x0  }
0xca: {  	s16 =	sadd.s32 $0x1500, s15;
	[sflag:s31] =	ssyncadd.s32 $0xFFFFE000  }
0xcb: {  	[spmem:s2] =	stream.indirect.scatter.add.f32 [tilespmem:s25], [sflag:$0x7], $0x80, s16, s20, $0xb8;
	[tilespmem:$0x1E800] =	vst v63  }
0xcc: {  	_ =	swait.ge [sflag:s0], $0x2000  }
0xcd: {  	[sflag:s0] =	ssyncset.done $0x0  }
0xce: {  	s16 =	sadd.s32 $0x1580, s15;
	[sflag:s0] =	ssyncadd.s32 $0xFFFFE000  }
0xcf: {  	[spmem:s2] =	stream.indirect.scatter.add.f32 [tilespmem:s28], [sflag:$0x8], $0x80, s16, s20, $0xb8;
	[tilespmem:$0x1E800] =	vst v63  }
0xd0: {  	_ =	swait.ge [sflag:s1], $0x2000  }
0xd1: {  	[sflag:s1] =	ssyncset.done $0x0  }
0xd2: {  	s16 =	sadd.s32 $0x200, s15;
	[sflag:s1] =	ssyncadd.s32 $0xFFFFE000  }
0xd3: {  	[tilespmem:s21], [sflag:$0x1] =	stream.indirect.gather [hbm4b:s4+s20], $0x80, s16, s20, $0xb8;
	[tilespmem:$0x1E800] =	vst v63  }
0xd4: {  	_ =	swait.ge [sflag:s5], $0x2000  }
0xd5: {  	[sflag:s5] =	ssyncset.done $0x0  }
0xd6: {  	s16 =	sadd.s32 $0x280, s15;
	[sflag:s5] =	ssyncadd.s32 $0xFFFFE000  }
0xd7: {  	[tilespmem:s23], [sflag:$0x2] =	stream.indirect.gather [hbm4b:s4+s20], $0x80, s16, s20, $0xb8;
	[tilespmem:$0x1E800] =	vst v63  }
0xd8: {  	_ =	swait.ge [sflag:s7], $0x2000  }
0xd9: {  	[sflag:s7] =	ssyncset.done $0x0  }
.Ltmp1:
0xda: {  	s16 =	sadd.s32 $0x300, s15;
	[sflag:s7] =	ssyncadd.s32 $0xFFFFE000;
	(pc) =	sbr.rel @p0 .LBB2_4-.Ltmp1, $4  }
0xdb: {  	[tilespmem:s25], [sflag:$0x3] =	stream.indirect.gather [hbm4b:s4+s20], $0x80, s16, s20, $0xb8;
	[tilespmem:$0x1E800] =	vst v63  }
0xdc: {  	_ =	swait.ge [sflag:s8], $0x2000  }
0xdd: {  	[sflag:s8] =	ssyncset.done $0x0  }
0xde: {  	s15 =	sadd.s32 $0x380, s15;
	[sflag:s8] =	ssyncadd.s32 $0xFFFFE000  }
0xdf: {  	[tilespmem:s28], [sflag:$0x4] =	stream.indirect.gather [hbm4b:s4+s20], $0x80, s15, s20, $0xb8;
	[tilespmem:$0x1E800] =	vst v63  }
0xe0: {  	_ =	swait.ge [sflag:s29], $0x2000  }
0xe1: {  	[sflag:s29] =	ssyncset.done $0x0  }
0xe2: {  	[sflag:s29] =	ssyncadd.s32 $0xFFFFE000  }
0xe3: {  	[spmem:s2] =	stream.indirect.scatter.add.f32 [tilespmem:s21], [sflag:$0x5], $0x80, s9, s20, $0xb8;
	[tilespmem:$0x1E800] =	vst v63  }
0xe4: {  	_ =	swait.ge [sflag:s30], $0x2000  }
0xe5: {  	[sflag:s30] =	ssyncset.done $0x0  }
0xe6: {  	[sflag:s30] =	ssyncadd.s32 $0xFFFFE000  }
0xe7: {  	[spmem:s2] =	stream.indirect.scatter.add.f32 [tilespmem:s23], [sflag:$0x6], $0x80, s10, s20, $0xb8;
	[tilespmem:$0x1E800] =	vst v63  }
0xe8: {  	_ =	swait.ge [sflag:s31], $0x2000  }
0xe9: {  	[sflag:s31] =	ssyncset.done $0x0  }
0xea: {  	[sflag:s31] =	ssyncadd.s32 $0xFFFFE000  }
0xeb: {  	[spmem:s2] =	stream.indirect.scatter.add.f32 [tilespmem:s25], [sflag:$0x7], $0x80, s11, s20, $0xb8;
	[tilespmem:$0x1E800] =	vst v63  }
0xec: {  	_ =	swait.ge [sflag:s0], $0x2000  }
0xed: {  	[sflag:s0] =	ssyncset.done $0x0  }
0xee: {  	[sflag:s0] =	ssyncadd.s32 $0xFFFFE000  }
0xef: {  	[spmem:s2] =	stream.indirect.scatter.add.f32 [tilespmem:s28], [sflag:$0x8], $0x80, s12, s20, $0xb8;
	[tilespmem:$0x1E800] =	vst v63  }
0xf0: {  	_ =	swait.ge [sflag:s1], $0x2000  }
0xf1: {  	[sflag:s1] =	ssyncset.done $0x0  }
0xf2: {  	[sflag:s1] =	ssyncadd.s32 $0xFFFFE000  }
0xf3: {  	_ =	swait.ge [sflag:s5], $0x2000  }
0xf4: {  	[sflag:s5] =	ssyncset.done $0x0  }
0xf5: {  	[sflag:s5] =	ssyncadd.s32 $0xFFFFE000  }
0xf6: {  	_ =	swait.ge [sflag:s7], $0x2000  }
0xf7: {  	[sflag:s7] =	ssyncset.done $0x0  }
0xf8: {  	[sflag:s7] =	ssyncadd.s32 $0xFFFFE000  }
0xf9: {  	_ =	swait.ge [sflag:s8], $0x2000  }
0xfa: {  	[sflag:s8] =	ssyncset.done $0x0  }
0xfb: {  	s14 =	simm.s32 $0x0;
	s16 =	rddreg [dreg:$0x9];
	[sflag:s8] =	ssyncadd.s32 $0xFFFFE000  }
0xfc: {  	[tilespmem:s14], [sflag:$0x9] =	stream.linear.gather [hbm4b:s16+s14], $0x1400, $0x38;
	[tilespmem:$0x1E800] =	vst v63  }
0xfd: {  	_ =	swait.ge [sflag:s18], $0x1400  }
0xfe: {  	[sflag:s18] =	ssyncset.done $0x0  }
0xff: {  	s16 =	rddreg [dreg:$0xa];
	[sflag:s18] =	ssyncadd.s32 $0xFFFFEC00  }
0x100: {  	[tilespmem:s19], [sflag:$0x9] =	stream.linear.gather [hbm4b:s16+s14], $0x1400, $0x38;
	[tilespmem:$0x1E800] =	vst v63  }
0x101: {  	_ =	swait.ge [sflag:s18], $0x1400  }
0x102: {  	[sflag:s18] =	ssyncset.done $0x0  }
0x103: {  	[sflag:s18] =	ssyncadd.s32 $0xFFFFEC00  }
0x104: {  	[tilespmem:s21], [sflag:$0x1] =	stream.indirect.gather [hbm4b:s4+s20], $0x80, s14, s20, $0xb8;
	[tilespmem:$0x1E800] =	vst v63  }
0x105: {  	_ = 	snop  }
0x106: {  	[tilespmem:s23], [sflag:$0x2] =	stream.indirect.gather [hbm4b:s4+s20], $0x80, s22, s20, $0xb8;
	[tilespmem:$0x1E800] =	vst v63  }
0x107: {  	_ = 	snop  }
0x108: {  	[tilespmem:s25], [sflag:$0x3] =	stream.indirect.gather [hbm4b:s4+s20], $0x80, s24, s20, $0xb8;
	[tilespmem:$0x1E800] =	vst v63  }
0x109: {  	_ = 	snop  }
0x10a: {  	[tilespmem:s28], [sflag:$0x4] =	stream.indirect.gather [hbm4b:s4+s20], $0x80, s26, s20, $0xb8;
	[tilespmem:$0x1E800] =	vst v63  }
0x10b: {  	_ =	swait.ge [sflag:s29], $0x2000  }
0x10c: {  	[sflag:s29] =	ssyncset.done $0x0  }
0x10d: {  	s16 =	simm.s32 $0x1400;
	[sflag:s29] =	ssyncadd.s32 $0xFFFFE000  }
0x10e: {  	[spmem:s2] =	stream.indirect.scatter.add.f32 [tilespmem:s21], [sflag:$0x5], $0x80, s16, s20, $0xb8;
	[tilespmem:$0x1E800] =	vst v63  }
0x10f: {  	_ =	swait.ge [sflag:s30], $0x2000  }
0x110: {  	[sflag:s30] =	ssyncset.done $0x0  }
0x111: {  	s15 =	simm.s32 $0x1480;
	[sflag:s30] =	ssyncadd.s32 $0xFFFFE000  }
0x112: {  	[spmem:s2] =	stream.indirect.scatter.add.f32 [tilespmem:s23], [sflag:$0x6], $0x80, s15, s20, $0xb8;
	[tilespmem:$0x1E800] =	vst v63  }
0x113: {  	_ =	swait.ge [sflag:s31], $0x2000  }
0x114: {  	[sflag:s31] =	ssyncset.done $0x0  }
0x115: {  	s16 =	simm.s32 $0x1500;
	[sflag:s31] =	ssyncadd.s32 $0xFFFFE000  }
0x116: {  	[spmem:s2] =	stream.indirect.scatter.add.f32 [tilespmem:s25], [sflag:$0x7], $0x80, s16, s20, $0xb8;
	[tilespmem:$0x1E800] =	vst v63  }
0x117: {  	_ =	swait.ge [sflag:s0], $0x2000  }
0x118: {  	[sflag:s0] =	ssyncset.done $0x0  }
0x119: {  	s15 =	simm.s32 $0x1580;
	[sflag:s0] =	ssyncadd.s32 $0xFFFFE000  }
0x11a: {  	[spmem:s2] =	stream.indirect.scatter.add.f32 [tilespmem:s28], [sflag:$0x8], $0x80, s15, s20, $0xb8;
	[tilespmem:$0x1E800] =	vst v63  }
0x11b: {  	_ =	swait.ge [sflag:s1], $0x2000  }
0x11c: {  	[sflag:s1] =	ssyncset.done $0x0  }
0x11d: {  	s16 =	simm.s32 $0x200;
	[sflag:s1] =	ssyncadd.s32 $0xFFFFE000  }
0x11e: {  	[tilespmem:s21], [sflag:$0x1] =	stream.indirect.gather [hbm4b:s4+s20], $0x80, s16, s20, $0xb8;
	[tilespmem:$0x1E800] =	vst v63  }
0x11f: {  	_ =	swait.ge [sflag:s5], $0x2000  }
0x120: {  	[sflag:s5] =	ssyncset.done $0x0  }
0x121: {  	s15 =	simm.s32 $0x280;
	[sflag:s5] =	ssyncadd.s32 $0xFFFFE000  }
0x122: {  	[tilespmem:s23], [sflag:$0x2] =	stream.indirect.gather [hbm4b:s4+s20], $0x80, s15, s20, $0xb8;
	[tilespmem:$0x1E800] =	vst v63  }
0x123: {  	_ =	swait.ge [sflag:s7], $0x2000  }
0x124: {  	[sflag:s7] =	ssyncset.done $0x0  }
0x125: {  	s16 =	simm.s32 $0x300;
	[sflag:s7] =	ssyncadd.s32 $0xFFFFE000  }
0x126: {  	[tilespmem:s25], [sflag:$0x3] =	stream.indirect.gather [hbm4b:s4+s20], $0x80, s16, s20, $0xb8;
	[tilespmem:$0x1E800] =	vst v63  }
0x127: {  	_ =	swait.ge [sflag:s8], $0x2000  }
0x128: {  	[sflag:s8] =	ssyncset.done $0x0  }
0x129: {  	s14 =	simm.s32 $0x800;
	s15 =	simm.s32 $0x380;
	[sflag:s8] =	ssyncadd.s32 $0xFFFFE000  }
.LBB2_6:
0x12a: {  	[tilespmem:s28], [sflag:$0x4] =	stream.indirect.gather [hbm4b:s4+s20], $0x80, s15, s20, $0xb8;
	[tilespmem:$0x1E800] =	vst v63  }
0x12b: {  	s15 =	smov.u32 s14  }
0x12c: {  	p0 =	sne.s32 s14, $0x4000;
	s14 =	sadd.s32 $0x800, s14;
	_ =	swait.ge [sflag:s29], $0x2000  }
0x12d: {  	s15 =	sshra.s32 s15, $0x2;
	[sflag:s29] =	ssyncset.done $0x0  }
0x12e: {  	s16 =	sadd.s32 $0x1400, s15;
	[sflag:s29] =	ssyncadd.s32 $0xFFFFE000  }
0x12f: {  	[spmem:s2] =	stream.indirect.scatter.add.f32 [tilespmem:s21], [sflag:$0x5], $0x80, s16, s20, $0xb8;
	[tilespmem:$0x1E800] =	vst v63  }
0x130: {  	_ =	swait.ge [sflag:s30], $0x2000  }
0x131: {  	[sflag:s30] =	ssyncset.done $0x0  }
0x132: {  	s16 =	sadd.s32 $0x1480, s15;
	[sflag:s30] =	ssyncadd.s32 $0xFFFFE000  }
0x133: {  	[spmem:s2] =	stream.indirect.scatter.add.f32 [tilespmem:s23], [sflag:$0x6], $0x80, s16, s20, $0xb8;
	[tilespmem:$0x1E800] =	vst v63  }
0x134: {  	_ =	swait.ge [sflag:s31], $0x2000  }
0x135: {  	[sflag:s31] =	ssyncset.done $0x0  }
0x136: {  	s16 =	sadd.s32 $0x1500, s15;
	[sflag:s31] =	ssyncadd.s32 $0xFFFFE000  }
0x137: {  	[spmem:s2] =	stream.indirect.scatter.add.f32 [tilespmem:s25], [sflag:$0x7], $0x80, s16, s20, $0xb8;
	[tilespmem:$0x1E800] =	vst v63  }
0x138: {  	_ =	swait.ge [sflag:s0], $0x2000  }
0x139: {  	[sflag:s0] =	ssyncset.done $0x0  }
0x13a: {  	s16 =	sadd.s32 $0x1580, s15;
	[sflag:s0] =	ssyncadd.s32 $0xFFFFE000  }
0x13b: {  	[spmem:s2] =	stream.indirect.scatter.add.f32 [tilespmem:s28], [sflag:$0x8], $0x80, s16, s20, $0xb8;
	[tilespmem:$0x1E800] =	vst v63  }
0x13c: {  	_ =	swait.ge [sflag:s1], $0x2000  }
0x13d: {  	[sflag:s1] =	ssyncset.done $0x0  }
0x13e: {  	s16 =	sadd.s32 $0x200, s15;
	[sflag:s1] =	ssyncadd.s32 $0xFFFFE000  }
0x13f: {  	[tilespmem:s21], [sflag:$0x1] =	stream.indirect.gather [hbm4b:s4+s20], $0x80, s16, s20, $0xb8;
	[tilespmem:$0x1E800] =	vst v63  }
0x140: {  	_ =	swait.ge [sflag:s5], $0x2000  }
0x141: {  	[sflag:s5] =	ssyncset.done $0x0  }
0x142: {  	s16 =	sadd.s32 $0x280, s15;
	[sflag:s5] =	ssyncadd.s32 $0xFFFFE000  }
0x143: {  	[tilespmem:s23], [sflag:$0x2] =	stream.indirect.gather [hbm4b:s4+s20], $0x80, s16, s20, $0xb8;
	[tilespmem:$0x1E800] =	vst v63  }
0x144: {  	_ =	swait.ge [sflag:s7], $0x2000  }
0x145: {  	[sflag:s7] =	ssyncset.done $0x0  }
.Ltmp2:
0x146: {  	s16 =	sadd.s32 $0x300, s15;
	[sflag:s7] =	ssyncadd.s32 $0xFFFFE000;
	(pc) =	sbr.rel @p0 .LBB2_6-.Ltmp2, $4  }
0x147: {  	[tilespmem:s25], [sflag:$0x3] =	stream.indirect.gather [hbm4b:s4+s20], $0x80, s16, s20, $0xb8;
	[tilespmem:$0x1E800] =	vst v63  }
0x148: {  	_ =	swait.ge [sflag:s8], $0x2000  }
0x149: {  	[sflag:s8] =	ssyncset.done $0x0  }
0x14a: {  	s15 =	sadd.s32 $0x380, s15;
	[sflag:s8] =	ssyncadd.s32 $0xFFFFE000  }
0x14b: {  	[tilespmem:s28], [sflag:$0x4] =	stream.indirect.gather [hbm4b:s4+s20], $0x80, s15, s20, $0xb8;
	[tilespmem:$0x1E800] =	vst v63  }
0x14c: {  	_ =	swait.ge [sflag:s29], $0x2000  }
0x14d: {  	[sflag:s29] =	ssyncset.done $0x0  }
0x14e: {  	[sflag:s29] =	ssyncadd.s32 $0xFFFFE000  }
0x14f: {  	[spmem:s2] =	stream.indirect.scatter.add.f32 [tilespmem:s21], [sflag:$0x5], $0x80, s9, s20, $0xb8;
	[tilespmem:$0x1E800] =	vst v63  }
0x150: {  	_ =	swait.ge [sflag:s30], $0x2000  }
0x151: {  	[sflag:s30] =	ssyncset.done $0x0  }
0x152: {  	[sflag:s30] =	ssyncadd.s32 $0xFFFFE000  }
0x153: {  	[spmem:s2] =	stream.indirect.scatter.add.f32 [tilespmem:s23], [sflag:$0x6], $0x80, s10, s20, $0xb8;
	[tilespmem:$0x1E800] =	vst v63  }
0x154: {  	_ =	swait.ge [sflag:s31], $0x2000  }
0x155: {  	[sflag:s31] =	ssyncset.done $0x0  }
0x156: {  	[sflag:s31] =	ssyncadd.s32 $0xFFFFE000  }
0x157: {  	[spmem:s2] =	stream.indirect.scatter.add.f32 [tilespmem:s25], [sflag:$0x7], $0x80, s11, s20, $0xb8;
	[tilespmem:$0x1E800] =	vst v63  }
0x158: {  	_ =	swait.ge [sflag:s0], $0x2000  }
0x159: {  	[sflag:s0] =	ssyncset.done $0x0  }
0x15a: {  	[sflag:s0] =	ssyncadd.s32 $0xFFFFE000  }
0x15b: {  	[spmem:s2] =	stream.indirect.scatter.add.f32 [tilespmem:s28], [sflag:$0x8], $0x80, s12, s20, $0xb8;
	[tilespmem:$0x1E800] =	vst v63  }
0x15c: {  	_ =	swait.ge [sflag:s1], $0x2000  }
0x15d: {  	[sflag:s1] =	ssyncset.done $0x0  }
0x15e: {  	[sflag:s1] =	ssyncadd.s32 $0xFFFFE000  }
0x15f: {  	_ =	swait.ge [sflag:s5], $0x2000  }
0x160: {  	[sflag:s5] =	ssyncset.done $0x0  }
0x161: {  	[sflag:s5] =	ssyncadd.s32 $0xFFFFE000  }
0x162: {  	_ =	swait.ge [sflag:s7], $0x2000  }
0x163: {  	[sflag:s7] =	ssyncset.done $0x0  }
0x164: {  	[sflag:s7] =	ssyncadd.s32 $0xFFFFE000  }
0x165: {  	_ =	swait.ge [sflag:s8], $0x2000  }
0x166: {  	[sflag:s8] =	ssyncset.done $0x0  }
0x167: {  	s14 =	simm.s32 $0x0;
	s16 =	rddreg [dreg:$0xb];
	[sflag:s8] =	ssyncadd.s32 $0xFFFFE000  }
0x168: {  	[tilespmem:s14], [sflag:$0x9] =	stream.linear.gather [hbm4b:s16+s14], $0x1400, $0x38;
	[tilespmem:$0x1E800] =	vst v63  }
0x169: {  	_ =	swait.ge [sflag:s18], $0x1400  }
0x16a: {  	[sflag:s18] =	ssyncset.done $0x0  }
0x16b: {  	s16 =	rddreg [dreg:$0xc];
	[sflag:s18] =	ssyncadd.s32 $0xFFFFEC00  }
0x16c: {  	[tilespmem:s19], [sflag:$0x9] =	stream.linear.gather [hbm4b:s16+s14], $0x1400, $0x38;
	[tilespmem:$0x1E800] =	vst v63  }
0x16d: {  	_ =	swait.ge [sflag:s18], $0x1400  }
0x16e: {  	[sflag:s18] =	ssyncset.done $0x0  }
0x16f: {  	[sflag:s18] =	ssyncadd.s32 $0xFFFFEC00  }
0x170: {  	[tilespmem:s21], [sflag:$0x1] =	stream.indirect.gather [hbm4b:s4+s20], $0x80, s14, s20, $0xb8;
	[tilespmem:$0x1E800] =	vst v63  }
0x171: {  	_ = 	snop  }
0x172: {  	[tilespmem:s23], [sflag:$0x2] =	stream.indirect.gather [hbm4b:s4+s20], $0x80, s22, s20, $0xb8;
	[tilespmem:$0x1E800] =	vst v63  }
0x173: {  	_ = 	snop  }
0x174: {  	[tilespmem:s25], [sflag:$0x3] =	stream.indirect.gather [hbm4b:s4+s20], $0x80, s24, s20, $0xb8;
	[tilespmem:$0x1E800] =	vst v63  }
0x175: {  	_ = 	snop  }
0x176: {  	[tilespmem:s28], [sflag:$0x4] =	stream.indirect.gather [hbm4b:s4+s20], $0x80, s26, s20, $0xb8;
	[tilespmem:$0x1E800] =	vst v63  }
0x177: {  	_ =	swait.ge [sflag:s29], $0x2000  }
0x178: {  	[sflag:s29] =	ssyncset.done $0x0  }
0x179: {  	s16 =	simm.s32 $0x1400;
	[sflag:s29] =	ssyncadd.s32 $0xFFFFE000  }
0x17a: {  	[spmem:s2] =	stream.indirect.scatter.add.f32 [tilespmem:s21], [sflag:$0x5], $0x80, s16, s20, $0xb8;
	[tilespmem:$0x1E800] =	vst v63  }
0x17b: {  	_ =	swait.ge [sflag:s30], $0x2000  }
0x17c: {  	[sflag:s30] =	ssyncset.done $0x0  }
0x17d: {  	s15 =	simm.s32 $0x1480;
	[sflag:s30] =	ssyncadd.s32 $0xFFFFE000  }
0x17e: {  	[spmem:s2] =	stream.indirect.scatter.add.f32 [tilespmem:s23], [sflag:$0x6], $0x80, s15, s20, $0xb8;
	[tilespmem:$0x1E800] =	vst v63  }
0x17f: {  	_ =	swait.ge [sflag:s31], $0x2000  }
0x180: {  	[sflag:s31] =	ssyncset.done $0x0  }
0x181: {  	s16 =	simm.s32 $0x1500;
	[sflag:s31] =	ssyncadd.s32 $0xFFFFE000  }
0x182: {  	[spmem:s2] =	stream.indirect.scatter.add.f32 [tilespmem:s25], [sflag:$0x7], $0x80, s16, s20, $0xb8;
	[tilespmem:$0x1E800] =	vst v63  }
0x183: {  	_ =	swait.ge [sflag:s0], $0x2000  }
0x184: {  	[sflag:s0] =	ssyncset.done $0x0  }
0x185: {  	s15 =	simm.s32 $0x1580;
	[sflag:s0] =	ssyncadd.s32 $0xFFFFE000  }
0x186: {  	[spmem:s2] =	stream.indirect.scatter.add.f32 [tilespmem:s28], [sflag:$0x8], $0x80, s15, s20, $0xb8;
	[tilespmem:$0x1E800] =	vst v63  }
0x187: {  	_ =	swait.ge [sflag:s1], $0x2000  }
0x188: {  	[sflag:s1] =	ssyncset.done $0x0  }
0x189: {  	s16 =	simm.s32 $0x200;
	[sflag:s1] =	ssyncadd.s32 $0xFFFFE000  }
0x18a: {  	[tilespmem:s21], [sflag:$0x1] =	stream.indirect.gather [hbm4b:s4+s20], $0x80, s16, s20, $0xb8;
	[tilespmem:$0x1E800] =	vst v63  }
0x18b: {  	_ =	swait.ge [sflag:s5], $0x2000  }
0x18c: {  	[sflag:s5] =	ssyncset.done $0x0  }
0x18d: {  	s15 =	simm.s32 $0x280;
	[sflag:s5] =	ssyncadd.s32 $0xFFFFE000  }
0x18e: {  	[tilespmem:s23], [sflag:$0x2] =	stream.indirect.gather [hbm4b:s4+s20], $0x80, s15, s20, $0xb8;
	[tilespmem:$0x1E800] =	vst v63  }
0x18f: {  	_ =	swait.ge [sflag:s7], $0x2000  }
0x190: {  	[sflag:s7] =	ssyncset.done $0x0  }
0x191: {  	s16 =	simm.s32 $0x300;
	[sflag:s7] =	ssyncadd.s32 $0xFFFFE000  }
0x192: {  	[tilespmem:s25], [sflag:$0x3] =	stream.indirect.gather [hbm4b:s4+s20], $0x80, s16, s20, $0xb8;
	[tilespmem:$0x1E800] =	vst v63  }
0x193: {  	_ =	swait.ge [sflag:s8], $0x2000  }
0x194: {  	[sflag:s8] =	ssyncset.done $0x0  }
0x195: {  	s14 =	simm.s32 $0x800;
	s15 =	simm.s32 $0x380;
	[sflag:s8] =	ssyncadd.s32 $0xFFFFE000  }
.LBB2_8:
0x196: {  	[tilespmem:s28], [sflag:$0x4] =	stream.indirect.gather [hbm4b:s4+s20], $0x80, s15, s20, $0xb8;
	[tilespmem:$0x1E800] =	vst v63  }
0x197: {  	s15 =	smov.u32 s14  }
0x198: {  	p0 =	sne.s32 s14, $0x4000;
	s14 =	sadd.s32 $0x800, s14;
	_ =	swait.ge [sflag:s29], $0x2000  }
0x199: {  	s15 =	sshra.s32 s15, $0x2;
	[sflag:s29] =	ssyncset.done $0x0  }
0x19a: {  	s16 =	sadd.s32 $0x1400, s15;
	[sflag:s29] =	ssyncadd.s32 $0xFFFFE000  }
0x19b: {  	[spmem:s2] =	stream.indirect.scatter.add.f32 [tilespmem:s21], [sflag:$0x5], $0x80, s16, s20, $0xb8;
	[tilespmem:$0x1E800] =	vst v63  }
0x19c: {  	_ =	swait.ge [sflag:s30], $0x2000  }
0x19d: {  	[sflag:s30] =	ssyncset.done $0x0  }
0x19e: {  	s16 =	sadd.s32 $0x1480, s15;
	[sflag:s30] =	ssyncadd.s32 $0xFFFFE000  }
0x19f: {  	[spmem:s2] =	stream.indirect.scatter.add.f32 [tilespmem:s23], [sflag:$0x6], $0x80, s16, s20, $0xb8;
	[tilespmem:$0x1E800] =	vst v63  }
0x1a0: {  	_ =	swait.ge [sflag:s31], $0x2000  }
0x1a1: {  	[sflag:s31] =	ssyncset.done $0x0  }
0x1a2: {  	s16 =	sadd.s32 $0x1500, s15;
	[sflag:s31] =	ssyncadd.s32 $0xFFFFE000  }
0x1a3: {  	[spmem:s2] =	stream.indirect.scatter.add.f32 [tilespmem:s25], [sflag:$0x7], $0x80, s16, s20, $0xb8;
	[tilespmem:$0x1E800] =	vst v63  }
0x1a4: {  	_ =	swait.ge [sflag:s0], $0x2000  }
0x1a5: {  	[sflag:s0] =	ssyncset.done $0x0  }
0x1a6: {  	s16 =	sadd.s32 $0x1580, s15;
	[sflag:s0] =	ssyncadd.s32 $0xFFFFE000  }
0x1a7: {  	[spmem:s2] =	stream.indirect.scatter.add.f32 [tilespmem:s28], [sflag:$0x8], $0x80, s16, s20, $0xb8;
	[tilespmem:$0x1E800] =	vst v63  }
0x1a8: {  	_ =	swait.ge [sflag:s1], $0x2000  }
0x1a9: {  	[sflag:s1] =	ssyncset.done $0x0  }
0x1aa: {  	s16 =	sadd.s32 $0x200, s15;
	[sflag:s1] =	ssyncadd.s32 $0xFFFFE000  }
0x1ab: {  	[tilespmem:s21], [sflag:$0x1] =	stream.indirect.gather [hbm4b:s4+s20], $0x80, s16, s20, $0xb8;
	[tilespmem:$0x1E800] =	vst v63  }
0x1ac: {  	_ =	swait.ge [sflag:s5], $0x2000  }
0x1ad: {  	[sflag:s5] =	ssyncset.done $0x0  }
0x1ae: {  	s16 =	sadd.s32 $0x280, s15;
	[sflag:s5] =	ssyncadd.s32 $0xFFFFE000  }
0x1af: {  	[tilespmem:s23], [sflag:$0x2] =	stream.indirect.gather [hbm4b:s4+s20], $0x80, s16, s20, $0xb8;
	[tilespmem:$0x1E800] =	vst v63  }
0x1b0: {  	_ =	swait.ge [sflag:s7], $0x2000  }
0x1b1: {  	[sflag:s7] =	ssyncset.done $0x0  }
.Ltmp3:
0x1b2: {  	s16 =	sadd.s32 $0x300, s15;
	[sflag:s7] =	ssyncadd.s32 $0xFFFFE000;
	(pc) =	sbr.rel @p0 .LBB2_8-.Ltmp3, $4  }
0x1b3: {  	[tilespmem:s25], [sflag:$0x3] =	stream.indirect.gather [hbm4b:s4+s20], $0x80, s16, s20, $0xb8;
	[tilespmem:$0x1E800] =	vst v63  }
0x1b4: {  	_ =	swait.ge [sflag:s8], $0x2000  }
0x1b5: {  	[sflag:s8] =	ssyncset.done $0x0  }
0x1b6: {  	s15 =	sadd.s32 $0x380, s15;
	[sflag:s8] =	ssyncadd.s32 $0xFFFFE000  }
0x1b7: {  	[tilespmem:s28], [sflag:$0x4] =	stream.indirect.gather [hbm4b:s4+s20], $0x80, s15, s20, $0xb8;
	[tilespmem:$0x1E800] =	vst v63  }
0x1b8: {  	_ =	swait.ge [sflag:s29], $0x2000  }
0x1b9: {  	[sflag:s29] =	ssyncset.done $0x0  }
0x1ba: {  	[sflag:s29] =	ssyncadd.s32 $0xFFFFE000  }
0x1bb: {  	[spmem:s2] =	stream.indirect.scatter.add.f32 [tilespmem:s21], [sflag:$0x5], $0x80, s9, s20, $0xb8;
	[tilespmem:$0x1E800] =	vst v63  }
0x1bc: {  	_ =	swait.ge [sflag:s30], $0x2000  }
0x1bd: {  	[sflag:s30] =	ssyncset.done $0x0  }
0x1be: {  	[sflag:s30] =	ssyncadd.s32 $0xFFFFE000  }
0x1bf: {  	[spmem:s2] =	stream.indirect.scatter.add.f32 [tilespmem:s23], [sflag:$0x6], $0x80, s10, s20, $0xb8;
	[tilespmem:$0x1E800] =	vst v63  }
0x1c0: {  	_ =	swait.ge [sflag:s31], $0x2000  }
0x1c1: {  	[sflag:s31] =	ssyncset.done $0x0  }
0x1c2: {  	[sflag:s31] =	ssyncadd.s32 $0xFFFFE000  }
0x1c3: {  	[spmem:s2] =	stream.indirect.scatter.add.f32 [tilespmem:s25], [sflag:$0x7], $0x80, s11, s20, $0xb8;
	[tilespmem:$0x1E800] =	vst v63  }
0x1c4: {  	_ =	swait.ge [sflag:s0], $0x2000  }
0x1c5: {  	[sflag:s0] =	ssyncset.done $0x0  }
0x1c6: {  	[sflag:s0] =	ssyncadd.s32 $0xFFFFE000  }
0x1c7: {  	[spmem:s2] =	stream.indirect.scatter.add.f32 [tilespmem:s28], [sflag:$0x8], $0x80, s12, s20, $0xb8;
	[tilespmem:$0x1E800] =	vst v63  }
0x1c8: {  	_ =	swait.ge [sflag:s1], $0x2000  }
0x1c9: {  	[sflag:s1] =	ssyncset.done $0x0  }
0x1ca: {  	[sflag:s1] =	ssyncadd.s32 $0xFFFFE000  }
0x1cb: {  	_ =	swait.ge [sflag:s5], $0x2000  }
0x1cc: {  	[sflag:s5] =	ssyncset.done $0x0  }
0x1cd: {  	[sflag:s5] =	ssyncadd.s32 $0xFFFFE000  }
0x1ce: {  	_ =	swait.ge [sflag:s7], $0x2000  }
0x1cf: {  	[sflag:s7] =	ssyncset.done $0x0  }
0x1d0: {  	[sflag:s7] =	ssyncadd.s32 $0xFFFFE000  }
0x1d1: {  	_ =	swait.ge [sflag:s8], $0x2000  }
0x1d2: {  	[sflag:s8] =	ssyncset.done $0x0  }
0x1d3: {  	[sflag:s8] =	ssyncadd.s32 $0xFFFFE000  }
0x1d4: {  	[bflag:$0x0] =	sbarrier.arrive $0xFFFF  }
0x1d5: {  	s14 =	rddreg [dreg:$0xd]  }
0x1d6: {  	[hbm:s14], [sflag:s6] =	dma.local [spmem:s17], $0x2800  }
0x1d7: {  	_ =	swait.ge [sflag:s18], $0x2800  }
0x1d8: {  	s13 =	sadd.s32 $0x1, s13;
	s16 =	rddreg [dreg:$0xe]  }
0x1d9: {  	p0 =	sne.s32 s13, s16  }
.Ltmp4:
0x1da: {  	_ = 	snop;
	(pc) =	sbr.rel @p0 .LBB2_1-.Ltmp4, $3  }
0x1db: {  	_ =	sdelay $0x1  }
0x1dc: {  	[sflag:s18] =	ssyncset.done $0x0  }
0x1dd: {  	[sflag:s18] =	ssyncadd.s32 $0xFFFFD800  }
0x1de: {  	_ =	sfence.sel $0x180000  }
0x1df: {  	[bflag:$0x0] =	sbarrier.arrive $0xFFFF  }
0x1e0: {  	_ =	strace $0x9000004D  }
0x1e1: {  	s0 =	stileid.u32;
	[bflag:$0x2] =	sbarrier.arrive $0xFFFF  }
0x1e2: {  	p0 =	sne.s32 s0, $0x0;
	s0 =	rddreg [dreg:$0x3]  }
0x1e3: {  	s0 =	sadd.s32 @!p0 $0x100000, s0  }
0x1e4: {  	[sflag:s0] =	ssyncadd.tile.s32 @!p0 $0x1;
	_ =	shalt  }
.Lfunc_end2:
_tile_overlayer_lowered:
.L_overlay_start_2:
0x1e5: {  	(tag) =	ssettag $0x2  }
0x1e6: {  	s0 =	rddreg [dreg:$0x0];
	s2 =	stileid.u32  }
0x1e7: {  	s1 =	rddreg [dreg:$0x1];
	p0 =	sne.s32 s2, $0x0  }
0x1e8: {  	s3 =	rddreg [dreg:$0x2];
	[bflag:$0x3] =	sbarrier.arrive $0xFFFF;
	s2 =	simm.s32 @!p0 $0x1C09  }
0x1e9: {  	[timem:s3], [sflag:s2] =	dma.local @!p0 [hbm:s0], s1  }
0x1ea: {  	s0 =	simm.s32 @!p0 $0x9  }
0x1eb: {  	_ =	swait.ge @!p0 [sflag:s0], s1  }
0x1ec: {  	s1 =	ssub.s32 @!p0 $0x0, s1;
	[sflag:s0] =	ssyncset.done @!p0 $0x0  }
0x1ed: {  	[sflag:s0] =	ssyncadd.s32 @!p0 s1  }
0x1ee: {  	[bflag:$0x3] =	sbarrier.arrive $0xFFFF  }
0x1ef: {  	_ =	shalt  }

// kernel: kernel.9.cloned.1.call-start
scs
__scs_entry_jumppad:
0x0: {  	(pc) =	sbr.rel $0x88, $3  }
0x1: {  	(tag) =	ssettag $0x0;
	lr =	simm.s32 $0x1  }
0x2: {  	[smem:$0x3F9D] =	sst lr;
	_ =	strace $0xD0000000  }
0x3: {  	_ = 	snop  }
0x4: {  	_ = 	snop  }
0x5: {  	_ = 	snop  }
0x6: {  	_ = 	snop  }
0x7: {  	_ = 	snop  }
__scs_overlays_trampoline_lowered:
0x8: {  	[smem:$0x3FAC] =	sst s0  }
0x9: {  	[smem:$0x3FAD] =	sst s1  }
0xa: {  	[smem:$0x3FAE] =	sst s2  }
0xb: {  	[smem:$0x3FAF] =	sst s3  }
0xc: {  	[smem:$0x3FB0] =	sst s4  }
0xd: {  	[smem:$0x3FB1] =	sst s5  }
0xe: {  	[smem:$0x3FB2] =	sst s6  }
0xf: {  	[smem:$0x3FB3] =	sst s7  }
0x10: {  	[smem:$0x3FB4] =	sst s8  }
0x11: {  	[smem:$0x3FB5] =	sst s9;
	s0 =	simm.s32 @!p0 $0x0  }
0x12: {  	s1 =	sld [smem:$0x3F9B];
	s0 =	simm.s32 @p0 $0x1  }
0x13: {  	[smem:$0x3FB6] =	sst s0;
	s0 =	simm.s32 @!p1 $0x0  }
0x14: {  	s2 =	sld [smem:$0x3F9A];
	s0 =	simm.s32 @p1 $0x1  }
0x15: {  	[smem:$0x3FB7] =	sst s0;
	s0 =	simm.s32 @!p2 $0x0  }
0x16: {  	s3 =	sld [smem:$0x3FDB];
	s0 =	simm.s32 @p2 $0x1  }
0x17: {  	s4 =	simm.s32 $0x1BF5;
	[smem:$0x3FB9] =	sst s0  }
0x18: {  	s0 =	sld [smem:$0x3F9C];
	_ =	swait.ge [sflag:s4], $0x0  }
0x19: {  	s7 =	sld [smem:$0x3F9D]  }
0x1a: {  	s8 =	sadd.s32 $0xFFFFE003, lr  }
0x1b: {  	s9 =	sadd.s32 $0xFFFFFEF7, lr;
	s5 =	simm.s32 $0xFFFFFFFF;
	p2 =	slt.u32 s8, $0xFFFFF086  }
0x1c: {  	p1 =	slt.u32 s9, $0xF7A;
	s5 =	simm.s32 @!p2 $0x0  }
0x1d: {  	s5 =	simm.s32 @p1 $0x1;
	p0 =	seq.s32 s7, s2  }
0x1e: {  	s7 =	smul.u32 @!p0 $0xF7A, s2;
	p2 =	seq.s32 @!p0 s5, $0x0  }
0x1f: {  	s9 =	smul.u32 $0xF7A, s1;
	s8 =	simm.s32 @!p0 $0x1BF5;
	p2 =	por !p2, p0  }
0x20: {  	[sflag:s8] =	ssyncset.s32 @!p0 $0xFFFFF086;
	s6 =	sadd.s32 @!p0 s3, s7;
	s7 =	simm.s32 @!p0 $0x108  }
0x21: {  	s3 =	sadd.s32 s3, s9;
	s6 =	sadd.s32 @!p0 $0x88, s6;
	s7 =	simm.s32 @p2 $0x1082  }
0x22: {  	[simem:s7], [sflag:s8] =	dma.local @!p0 [hbm:s6], $0xF7A  }
0x23: {  	s9 =	sor.u32 $0xD0000000, s2;
	s6 =	simm.s32 $0x108;
	_ =	swait.ge @!p0 [sflag:s8], $0x0  }
0x24: {  	s3 =	sadd.s32 $0x88, s3;
	s6 =	simm.s32 @!p1 $0x1082;
	[sflag:s4] =	ssyncset.s32 $0xFFFFF086  }
0x25: {  	[simem:s6], [sflag:s4] =	dma.local [hbm:s3], $0xF7A  }
0x26: {  	[smem:$0x3F9D] =	sst s1;
	(tag) =	ssettag s2;
	_ =	strace s9  }
0x27: {  	s1 =	sld [smem:$0x3FAD]  }
0x28: {  	s2 =	sld [smem:$0x3FAE]  }
0x29: {  	s4 =	sld [smem:$0x3FB0]  }
0x2a: {  	p0 =	seq.s32 s5, $0x0;
	s5 =	sld [smem:$0x3FB1]  }
0x2b: {  	s6 =	sld [smem:$0x3FB2]  }
0x2c: {  	s7 =	sld [smem:$0x3FB3]  }
0x2d: {  	s3 =	simm.s32 $0x108;
	s8 =	sld [smem:$0x3FB4]  }
0x2e: {  	s3 =	simm.s32 @!p0 $0x1082;
	s9 =	sld [smem:$0x3FB5]  }
0x2f: {  	lr =	sadd.s32 s0, s3;
	s0 =	sld [smem:$0x3FAC]  }
0x30: {  	s3 =	sld [smem:$0x3FAF]  }
0x31: {  	[smem:$0x3FB8] =	sst s10  }
0x32: {  	s10 =	sld [smem:$0x3FB6];
	_ =	sdelay $0x3  }
0x33: {  	p0 =	seq.s32 s10, $0x1;
	s10 =	sld [smem:$0x3FB8];
	_ =	sdelay $0x3  }
0x34: {  	[smem:$0x3FB8] =	sst s10  }
0x35: {  	s10 =	sld [smem:$0x3FB7];
	_ =	sdelay $0x3  }
0x36: {  	p1 =	seq.s32 s10, $0x1;
	s10 =	sld [smem:$0x3FB8];
	_ =	sdelay $0x3  }
0x37: {  	[smem:$0x3FB8] =	sst s10  }
0x38: {  	s10 =	sld [smem:$0x3FB9]  }
0x39: {  	_ = 	snop;
	(pc) =	sbr.ind lr, $3  }
0x3a: {  	_ = 	snop  }
0x3b: {  	_ = 	snop  }
0x3c: {  	p2 =	seq.s32 s10, $0x1;
	s10 =	sld [smem:$0x3FB8]  }
0x3d: {  	_ =	shalt  }
0x3e: {  	_ =	shalt  }
0x3f: {  	_ =	shalt  }
0x40: {  	_ =	shalt  }
0x41: {  	_ =	shalt  }
0x42: {  	_ =	shalt  }
0x43: {  	_ =	shalt  }
0x44: {  	_ =	shalt  }
0x45: {  	_ =	shalt  }
0x46: {  	_ =	shalt  }
0x47: {  	_ =	shalt  }
0x48: {  	_ =	shalt  }
0x49: {  	_ =	shalt  }
0x4a: {  	_ =	shalt  }
0x4b: {  	_ =	shalt  }
0x4c: {  	_ =	shalt  }
0x4d: {  	_ =	shalt  }
0x4e: {  	_ =	shalt  }
0x4f: {  	_ =	shalt  }
0x50: {  	_ =	shalt  }
0x51: {  	_ =	shalt  }
0x52: {  	_ =	shalt  }
0x53: {  	_ =	shalt  }
0x54: {  	_ =	shalt  }
0x55: {  	_ =	shalt  }
0x56: {  	_ =	shalt  }
0x57: {  	_ =	shalt  }
0x58: {  	_ =	shalt  }
0x59: {  	_ =	shalt  }
0x5a: {  	_ =	shalt  }
0x5b: {  	_ =	shalt  }
0x5c: {  	_ =	shalt  }
0x5d: {  	_ =	shalt  }
0x5e: {  	_ =	shalt  }
0x5f: {  	_ =	shalt  }
0x60: {  	_ =	shalt  }
0x61: {  	_ =	shalt  }
0x62: {  	_ =	shalt  }
0x63: {  	_ =	shalt  }
0x64: {  	_ =	shalt  }
0x65: {  	_ =	shalt  }
0x66: {  	_ =	shalt  }
0x67: {  	_ =	shalt  }
0x68: {  	_ =	shalt  }
0x69: {  	_ =	shalt  }
0x6a: {  	_ =	shalt  }
0x6b: {  	_ =	shalt  }
0x6c: {  	_ =	shalt  }
0x6d: {  	_ =	shalt  }
0x6e: {  	_ =	shalt  }
0x6f: {  	_ =	shalt  }
0x70: {  	_ =	shalt  }
0x71: {  	_ =	shalt  }
0x72: {  	_ =	shalt  }
0x73: {  	_ =	shalt  }
0x74: {  	_ =	shalt  }
0x75: {  	_ =	shalt  }
0x76: {  	_ =	shalt  }
0x77: {  	_ =	shalt  }
0x78: {  	_ =	shalt  }
0x79: {  	_ =	shalt  }
0x7a: {  	_ =	shalt  }
0x7b: {  	_ =	shalt  }
0x7c: {  	_ =	shalt  }
0x7d: {  	_ =	shalt  }
0x7e: {  	_ =	shalt  }
0x7f: {  	_ =	shalt  }
0x80: {  	_ =	shalt  }
0x81: {  	_ =	shalt  }
0x82: {  	_ =	shalt  }
0x83: {  	_ =	shalt  }
0x84: {  	_ =	shalt  }
0x85: {  	_ =	shalt  }
0x86: {  	_ =	shalt  }
0x87: {  	_ =	shalt  }
.Lfunc_end0:
.L_simem_size_0:
called_computation_lowered:
.L_overlay_start_0:
0x88: {  	s2 =	sld [smem:$0x3FD9]  }
0x89: {  	s3 =	sld [smem:$0x3FFE];
	_ =	sdelay $0x1  }
0x8a: {  	s1 =	srdreg.scid  }
0x8b: {  	s0 =	sand.u32 $0x1, s1  }
0x8c: {  	s17 =	sshll.u32 s0, $0xA;
	s2 =	sadd.s32 s3, s2  }
0x8d: {  	s2 =	sadd.s32 s2, s17  }
0x8e: {  	[smem:$0x3FC4] =	sst s2  }
0x8f: {  	_ = 	snop  }
0x90: {  	s2 =	sld [smem:$0x3FD0];
	(tm) =	ssettm $0x1  }
0x91: {  	s18 =	sld [smem:$0x3FFB];
	_ =	sdelay $0x3  }
0x92: {  	_ =	strace s18  }
0x93: {  	s3 =	sld [smem:$0x3FFC];
	_ =	sdelay $0x3  }
0x94: {  	_ =	strace s3  }
0x95: {  	s3 =	sld [smem:$0x3FFD];
	_ =	sdelay $0x3  }
0x96: {  	_ =	strace s3  }
0x97: {  	_ =	strace $0x8FFFFFFF  }
0x98: {  	s19 =	sld [smem:$0x3FDB];
	_ =	sdelay $0x1  }
0x99: {  	s4 =	simm.s32 $_scs_section_size  }
0x9a: {  	s5 =	simm.s32 $_size__tile_overlayer_lowered;
	s6 =	simm.s32 $_tile_overlayer_lowered  }
0x9b: {  	s22 =	simm.s32 $0x1BFF;
	s21 =	sshll.u32 s6, $0x1;
	s3 =	sadd.s32 s4, s19  }
0x9c: {  	s7 =	simm.s32 $0x0;
	s20 =	sshll.u32 s5, $0x1;
	s5 =	sadd.s32 s21, s3  }
0x9d: {  	[timem:s7], [sflag:s22] =	dma.local [hbm:s5], s20  }
0x9e: {  	_ =	swait.ge [sflag:s22], s20  }
0x9f: {  	s4 =	ssub.s32 $0x0, s20;
	[sflag:s22] =	ssyncset.done $0x0  }
0xa0: {  	[sflag:s22] =	ssyncadd.s32 s4;
	_ =	sdelay $0x1  }
0xa1: {  	s23 =	simm.s32 $0x1B8B  }
0xa2: {  	_ =	swait.ge [sflag:s23], $0x1  }
0xa3: {  	[sflag:s23] =	ssyncset.done $0x0  }
0xa4: {  	s25 =	simm.s32 $0x1B8E;
	s24 =	sld [smem:$0x3FFE];
	[sflag:s23] =	ssyncadd.s32 $0xFFFFFFFF  }
0xa5: {  	s26 =	simm.s32 $execute0_lowered;
	[smem:$0x3FD2] =	sst s25  }
0xa6: {  	s5 =	sshll.u32 s26, $0x1;
	_ =	strace $0x80000046;
	[dreg:$0x1] =	wrdreg $0xFFFFFFFF  }
0xa7: {  	s28 =	simm.s32 $_size_execute0_lowered;
	s3 =	sadd.s32 s3, s5;
	[dreg:$0x0] =	wrdreg $0x0  }
0xa8: {  	s5 =	sshll.u32 s28, $0x1;
	[dreg:$0x2] =	wrdreg s3  }
0xa9: {  	[dreg:$0x3] =	wrdreg s5  }
0xaa: {  	[dreg:$0x4] =	wrdreg $0xC0  }
0xab: {  	_ =	task [dreg:s7], $0x5FFFF  }
0xac: {  	[dreg:$0x1] =	wrdreg $0xFFFFFFFF  }
0xad: {  	[dreg:$0x0] =	wrdreg $0x60  }
0xae: {  	[dreg:$0x2] =	wrdreg s2  }
0xaf: {  	[dreg:$0x3] =	wrdreg s24  }
0xb0: {  	[dreg:$0x4] =	wrdreg $0x70000  }
0xb1: {  	[dreg:$0x5] =	wrdreg $0x9  }
0xb2: {  	_ =	task.clear_ibuf [dreg:s7], $0x6FFFF;
	_ =	strace $0x90000046  }
0xb3: {  	s29 =	simm.s32 $0x9;
	_ =	strace $0x80000048  }
0xb4: {  	_ =	swait.ge [sflag:s29], $0x1  }
0xb5: {  	[sflag:s29] =	ssyncadd.s32 $0xFFFFFFFF  }
0xb6: {  	_ =	strace $0x90000048  }
0xb7: {  	_ =	sfence  }
0xb8: {  	s30 =	sld [smem:$0x0];
	_ =	sdelay $0x2  }
0xb9: {  	s31 =	sshll.u32 s1, $0xD;
	s1 =	sshrl.u32 s1, $0x2  }
0xba: {  	s3 =	sand.u32 $0x4000, s31;
	s1 =	sadd.s32 s1, s30  }
0xbb: {  	s0 =	sor.u32 s3, s0;
	s1 =	sshll.u32 s1, $0x11  }
0xbc: {  	s0 =	sor.u32 s1, s0  }
0xbd: {  	s0 =	sadd.s32 $0x8F2B, s0  }
0xbe: {  	[sflag:s0] =	ssyncadd.remote.s32 $0x1  }
0xbf: {  	_ =	sfence.sel $0xFFFF  }
0xc0: {  	[dreg:$0x0] =	wrdreg $0xFFFFFFFF;
	(pc) =	sbr.abs _section_cstart, $3  }
0xc1: {  	[dreg:$0x1] =	wrdreg $0xFFFFFFFF  }
0xc2: {  	_ =	task.clear_ibuf [dreg:s7], $0x2FFFF;
	_ =	strace $0x9FFFFFFF  }
0xc3: {  	(tm) =	ssettm $0x7FFFFFFF  }
tec
execute0_lowered:
.L_overlay_start_1:
0x0: {  	(tag) =	ssettag $0x1  }
0x1: {  	s6 =	rddreg [dreg:$0x0];
	s0 =	stileid.u32  }
0x2: {  	s1 =	srdreg.scid;
	s4 =	rddreg [dreg:$0x1]  }
0x3: {  	s2 =	rddreg [dreg:$0x2];
	s3 =	simm.s32 $0x0;
	s12 =	simm.s32 $0x5000  }
0x4: {  	s5 =	smul.u32 $0x14000, s0;
	s7 =	sand.u32 $0x1, s1;
	s1 =	rddreg [dreg:$0x3]  }
0x5: {  	s13 =	simm.s32 $0x1;
	[smem:$0x7FF] =	sst s3;
	s10 =	smul.u32 $0x50000, s0  }
0x6: {  	s31 =	sshll.u32 s0, $0x6;
	s8 =	smul.u32 $0x140000, s7;
	_ =	strace $0x80000047  }
0x7: {  	s26 =	ssub.s32 $0x2, s7;
	s7 =	sshll.u32 s7, $0x4;
	s9 =	sshrl.u32 s5, $0x3  }
0x8: {  	s28 =	sshrl.u32 s26, $0x1;
	s29 =	sor.u32 s0, s7;
	s30 =	sshrl.u32 s10, $0x2  }
0x9: {  	s5 =	sadd.s32 s5, s8;
	s25 =	sadd.s32 s9, s4;
	s9 =	ssub.s32 s26, s28  }
0xa: {  	s7 =	smul.u32 $0xA00, s29;
	s10 =	sadd.s32 s30, s2;
	s5 =	sshrl.u32 s5, $0x3  }
0xb: {  	s8 =	smax.u32 s9, $0x1;
	s9 =	sshrl.u32 s10, $0x3;
	s10 =	simm.s32 $0x2  }
0xc: {  	s11 =	sadd.s32 s5, s4;
	s4 =	sadd.s32 $0x1400, s25;
	s5 =	sor.u32 $0x1C02, s31  }
0xd: {  	v0 =	vimm.f32 $1.000000000e+00;
	s6 =	sadd.s32 s6, s7;
	s7 =	sadd.s32 $0x29400, s11;
	s11 =	simm.s32 $0x40  }
.LBB2_1:
0xe: {  	s14 =	simm.s32 $0x0;
	s15 =	simm.s32 $0x200  }
.LBB2_2:
0xf: {  	p0 =	sne.s32 s15, $0x7E00;
	[tilespmem:s14+$0x5070] =	vst v0  }
0x10: {  	[tilespmem:s14+$0x5000] =	vst v0  }
0x11: {  	[tilespmem:s14+$0x5010] =	vst v0  }
.Ltmp0:
0x12: {  	[tilespmem:s14+$0x5020] =	vst v0;
	(pc) =	sbr.rel @p0 .LBB2_2-.Ltmp0, $4  }
0x13: {  	[tilespmem:s14+$0x5030] =	vst v0  }
0x14: {  	[tilespmem:s14+$0x5040] =	vst v0  }
0x15: {  	[tilespmem:s14+$0x5050] =	vst v0  }
0x16: {  	[tilespmem:s14+$0x5060] =	vst v0;
	s14 =	sshra.s32 s15, $0x2;
	s15 =	sadd.s32 $0x200, s15  }
0x17: {  	[tilespmem:s14+$0x5070] =	vst v0  }
0x18: {  	[tilespmem:s14+$0x5000] =	vst v0  }
0x19: {  	[tilespmem:s14+$0x5010] =	vst v0  }
0x1a: {  	[tilespmem:s14+$0x5020] =	vst v0  }
0x1b: {  	[tilespmem:s14+$0x5030] =	vst v0  }
0x1c: {  	[tilespmem:s14+$0x5040] =	vst v0  }
0x1d: {  	[tilespmem:s14+$0x5050] =	vst v0  }
0x1e: {  	[tilespmem:s14+$0x5060] =	vst v0  }
0x1f: {  	[spmem:s9], [sflag:s5] =	dma.local [hbm:s4], $0x2800  }
0x20: {  	_ =	swait.ge [sflag:s10], $0x2800  }
0x21: {  	[sflag:s10] =	ssyncset.done $0x0  }
0x22: {  	[sflag:s10] =	ssyncadd.s32 $0xFFFFD800  }
0x23: {  	s26 =	simm.s32 $0x0;
	[bflag:$0x0] =	sbarrier.arrive $0xFFFF  }
0x24: {  	[tilespmem:s26], [sflag:$0x2] =	stream.linear.gather [hbm4b:s6+s26], $0x5000, $0x38;
	[tilespmem:$0x1B000] =	vst v63  }
0x25: {  	_ =	swait.ge [sflag:s10], $0x5000  }
0x26: {  	[sflag:s10] =	ssyncset.done $0x0  }
0x27: {  	s28 =	simm.s32 $0x0;
	[sflag:s10] =	ssyncadd.s32 $0xFFFFB000  }
0x28: {  	[spmem:s2] =	stream.indirect.scatter.add.f32 [tilespmem:s12], [sflag:$0x1], $0x80, s28, s11, $0xb8;
	[tilespmem:$0x1B000] =	vst v63  }
0x29: {  	s29 =	simm.s32 $0x80  }
0x2a: {  	[spmem:s2] =	stream.indirect.scatter.add.f32 [tilespmem:s12], [sflag:$0x1], $0x80, s29, s11, $0xb8;
	[tilespmem:$0x1B000] =	vst v63  }
0x2b: {  	s30 =	simm.s32 $0x100  }
0x2c: {  	[spmem:s2] =	stream.indirect.scatter.add.f32 [tilespmem:s12], [sflag:$0x1], $0x80, s30, s11, $0xb8;
	[tilespmem:$0x1B000] =	vst v63  }
0x2d: {  	s31 =	simm.s32 $0x180  }
0x2e: {  	[spmem:s2] =	stream.indirect.scatter.add.f32 [tilespmem:s12], [sflag:$0x1], $0x80, s31, s11, $0xb8;
	[tilespmem:$0x1B000] =	vst v63  }
0x2f: {  	_ =	swait.ge [sflag:s13], $0x2000  }
0x30: {  	[sflag:s13] =	ssyncset.done $0x0  }
0x31: {  	[sflag:s13] =	ssyncadd.s32 $0xFFFFE000  }
0x32: {  	_ =	swait.ge [sflag:s13], $0x2000  }
0x33: {  	[sflag:s13] =	ssyncset.done $0x0  }
0x34: {  	[sflag:s13] =	ssyncadd.s32 $0xFFFFE000  }
0x35: {  	_ =	swait.ge [sflag:s13], $0x2000  }
0x36: {  	[sflag:s13] =	ssyncset.done $0x0  }
0x37: {  	[sflag:s13] =	ssyncadd.s32 $0xFFFFE000  }
0x38: {  	_ =	swait.ge [sflag:s13], $0x2000  }
0x39: {  	s14 =	simm.s32 $0x800;
	s15 =	simm.s32 $0x1000;
	[sflag:s13] =	ssyncset.done $0x0  }
.LBB2_4:
0x3a: {  	s16 =	sshra.s32 s14, $0x2  }
0x3b: {  	[sflag:s13] =	ssyncadd.s32 $0xFFFFE000;
	s14 =	smov.u32 s15;
	s17 =	sadd.s32 $0x800, s15  }
0x3c: {  	[spmem:s2] =	stream.indirect.scatter.add.f32 [tilespmem:s12], [sflag:$0x1], $0x80, s16, s11, $0xb8;
	[tilespmem:$0x1B000] =	vst v63  }
0x3d: {  	p0 =	sne.s32 s15, $0x13800;
	s15 =	sadd.s32 $0x80, s16  }
0x3e: {  	[spmem:s2] =	stream.indirect.scatter.add.f32 [tilespmem:s12], [sflag:$0x1], $0x80, s15, s11, $0xb8;
	[tilespmem:$0x1B000] =	vst v63  }
0x3f: {  	s15 =	sadd.s32 $0x100, s16  }
0x40: {  	[spmem:s2] =	stream.indirect.scatter.add.f32 [tilespmem:s12], [sflag:$0x1], $0x80, s15, s11, $0xb8;
	[tilespmem:$0x1B000] =	vst v63  }
0x41: {  	s15 =	sadd.s32 $0x180, s16  }
0x42: {  	[spmem:s2] =	stream.indirect.scatter.add.f32 [tilespmem:s12], [sflag:$0x1], $0x80, s15, s11, $0xb8;
	[tilespmem:$0x1B000] =	vst v63  }
0x43: {  	_ =	swait.ge [sflag:s13], $0x2000  }
0x44: {  	[sflag:s13] =	ssyncset.done $0x0  }
0x45: {  	[sflag:s13] =	ssyncadd.s32 $0xFFFFE000  }
0x46: {  	_ =	swait.ge [sflag:s13], $0x2000  }
0x47: {  	[sflag:s13] =	ssyncset.done $0x0  }
0x48: {  	[sflag:s13] =	ssyncadd.s32 $0xFFFFE000  }
.Ltmp1:
0x49: {  	_ =	swait.ge [sflag:s13], $0x2000;
	(pc) =	sbr.rel @p0 .LBB2_4-.Ltmp1, $4  }
0x4a: {  	[sflag:s13] =	ssyncset.done $0x0  }
0x4b: {  	[sflag:s13] =	ssyncadd.s32 $0xFFFFE000  }
0x4c: {  	_ =	swait.ge [sflag:s13], $0x2000  }
0x4d: {  	s15 =	smov.u32 s17;
	[sflag:s13] =	ssyncset.done $0x0  }
0x4e: {  	s14 =	sshra.s32 s14, $0x2;
	[sflag:s13] =	ssyncadd.s32 $0xFFFFE000  }
0x4f: {  	[spmem:s2] =	stream.indirect.scatter.add.f32 [tilespmem:s12], [sflag:$0x1], $0x80, s14, s11, $0xb8;
	[tilespmem:$0x1B000] =	vst v63  }
0x50: {  	s15 =	sadd.s32 $0x80, s14  }
0x51: {  	[spmem:s2] =	stream.indirect.scatter.add.f32 [tilespmem:s12], [sflag:$0x1], $0x80, s15, s11, $0xb8;
	[tilespmem:$0x1B000] =	vst v63  }
0x52: {  	s31 =	sadd.s32 $0x100, s14  }
0x53: {  	[spmem:s2] =	stream.indirect.scatter.add.f32 [tilespmem:s12], [sflag:$0x1], $0x80, s31, s11, $0xb8;
	[tilespmem:$0x1B000] =	vst v63  }
0x54: {  	s14 =	sadd.s32 $0x180, s14  }
0x55: {  	[spmem:s2] =	stream.indirect.scatter.add.f32 [tilespmem:s12], [sflag:$0x1], $0x80, s14, s11, $0xb8;
	[tilespmem:$0x1B000] =	vst v63  }
0x56: {  	_ =	swait.ge [sflag:s13], $0x2000  }
0x57: {  	[sflag:s13] =	ssyncset.done $0x0  }
0x58: {  	[sflag:s13] =	ssyncadd.s32 $0xFFFFE000  }
0x59: {  	_ =	swait.ge [sflag:s13], $0x2000  }
0x5a: {  	[sflag:s13] =	ssyncset.done $0x0  }
0x5b: {  	[sflag:s13] =	ssyncadd.s32 $0xFFFFE000  }
0x5c: {  	_ =	swait.ge [sflag:s13], $0x2000  }
0x5d: {  	[sflag:s13] =	ssyncset.done $0x0  }
0x5e: {  	[sflag:s13] =	ssyncadd.s32 $0xFFFFE000  }
0x5f: {  	_ =	swait.ge [sflag:s13], $0x2000  }
0x60: {  	s3 =	sadd.s32 $0x1, s3;
	[sflag:s13] =	ssyncset.done $0x0  }
0x61: {  	p0 =	sne.s32 s3, s8;
	[sflag:s13] =	ssyncadd.s32 $0xFFFFE000  }
.Ltmp2:
0x62: {  	[bflag:$0x0] =	sbarrier.arrive $0xFFFF;
	(pc) =	sbr.rel @p0 .LBB2_1-.Ltmp2, $4  }
0x63: {  	[hbm:s7], [sflag:s5] =	dma.local [spmem:s9], $0x2800  }
0x64: {  	_ =	swait.ge [sflag:s10], $0x2800  }
0x65: {  	[sflag:s10] =	ssyncset.done $0x0  }
0x66: {  	[sflag:s10] =	ssyncadd.s32 $0xFFFFD800  }
0x67: {  	_ =	sfence.sel $0x180000  }
0x68: {  	[bflag:$0x0] =	sbarrier.arrive $0xFFFF  }
0x69: {  	p0 =	sne.s32 s0, $0x0;
	_ =	strace $0x90000047  }
0x6a: {  	s0 =	sadd.s32 @!p0 $0x100000, s1;
	[bflag:$0x2] =	sbarrier.arrive $0xFFFF  }
0x6b: {  	[sflag:s0] =	ssyncadd.tile.s32 @!p0 $0x1;
	_ =	shalt  }
.Lfunc_end2:
_tile_overlayer_lowered:
.L_overlay_start_2:
0x6c: {  	(tag) =	ssettag $0x2  }
0x6d: {  	s0 =	rddreg [dreg:$0x0];
	s2 =	stileid.u32  }
0x6e: {  	s1 =	rddreg [dreg:$0x1];
	p0 =	sne.s32 s2, $0x0  }
0x6f: {  	s3 =	rddreg [dreg:$0x2];
	[bflag:$0x3] =	sbarrier.arrive $0xFFFF;
	s2 =	simm.s32 @!p0 $0x1C02  }
0x70: {  	[timem:s3], [sflag:s2] =	dma.local @!p0 [hbm:s0], s1  }
0x71: {  	s0 =	simm.s32 @!p0 $0x2  }
0x72: {  	_ =	swait.ge @!p0 [sflag:s0], s1  }
0x73: {  	s1 =	ssub.s32 @!p0 $0x0, s1;
	[sflag:s0] =	ssyncset.done @!p0 $0x0  }
0x74: {  	[sflag:s0] =	ssyncadd.s32 @!p0 s1  }
0x75: {  	[bflag:$0x3] =	sbarrier.arrive $0xFFFF  }
0x76: {  	_ =	shalt  }

</sc_bundles>
